<compile_context>
chip_gen: v7x
topology: tpu7x:2x2x1
jax: 0.10.2.dev20260603
libtpu: 0.0.44.dev20260713+nightly
codegen_flags: <defaults>
</compile_context>

<pallas_src>
import functools

import jax
import jax.numpy as jnp
from jax import lax
from jax.experimental import pallas as pl
from jax.experimental.pallas import tpu as pltpu
from jax.experimental.pallas import tpu_sc as plsc

NPAD = 10240
T = 20
D = 128
DEG = 16
TOPK = 8
CORE_EVERY = 100
BLK = 512
RBLK = 256
IBLK = 2000
NITEM_BLOCKS = 50


def _dot(a, b):
    return jnp.dot(a, b, preferred_element_type=jnp.float32)


NC = 2
NS = 16
NW = NC * NS

_MESH = dict(core_axis_name="c", subcore_axis_name="s")


def _chunks(sub):
    out, o = [], 0
    while o < sub:
        ch = min(128, sub - o)
        out.append((o, ch))
        o += ch
    return out


def _sc_gather(table, idx, sub, u01):
    total = idx.shape[0]
    u0, u1 = u01
    assert NS * (u0 + u1) * sub == total and u0 % 2 == 0 and u1 % 2 == 0
    ck = _chunks(sub)

    @functools.partial(
        pl.kernel, mesh=plsc.VectorSubcoreMesh(**_MESH),
        out_type=jax.ShapeDtypeStruct((total, D), jnp.float32),
        scratch_types=[pltpu.VMEM((sub,), jnp.int32),
                       pltpu.VMEM((sub,), jnp.int32),
                       pltpu.VMEM((sub, D), jnp.float32),
                       pltpu.VMEM((sub, D), jnp.float32),
                       pltpu.SemaphoreType.DMA,
                       pltpu.SemaphoreType.DMA,
                       pltpu.SemaphoreType.DMA])
    def k(table_hbm, idx_hbm, out_hbm, idx0, idx1, rows0, rows1,
          semg, semo0, semo1):
        wid = lax.axis_index("s") * NC + lax.axis_index("c")
        nsub = (u0 + u1) // 2
        base = wid * nsub * sub
        idxb = (idx0, idx1)
        rowsb = (rows0, rows1)
        semo = (semo0, semo1)

        def body(kk, carry):
            hs = [[], []]
            for b in (0, 1):
                off = base + (2 * kk + b) * sub
                @pl.when(kk > 0)
                def _wait():
                    pltpu.make_async_copy(out_hbm.at[pl.ds(0, sub)],
                                          rowsb[b], semo[b]).wait()
                pltpu.sync_copy(idx_hbm.at[pl.ds(off, sub)], idxb[b])
                for (o, ch) in ck:
                    hs[b].append(pltpu.async_copy(
                        table_hbm.at[idxb[b].at[pl.ds(o, ch)]],
                        rowsb[b].at[pl.ds(o, ch)], semg))
            for b in (0, 1):
                off = base + (2 * kk + b) * sub
                for h in hs[b]:
                    h.wait()
                pltpu.async_copy(rowsb[b], out_hbm.at[pl.ds(off, sub)], semo[b])
            return carry

        lax.fori_loop(0, nsub // 2, body, 0)
        for b in (0, 1):
            pltpu.make_async_copy(out_hbm.at[pl.ds(0, sub)], rowsb[b],
                                  semo[b]).wait()

    return k(table, idx)


def _sc_gather_edges(ur, buf, nid, idx_perm, idx_row):
    total = idx_perm.shape[0]
    sub = 160
    u0, u1 = 42, 22
    assert NS * (u0 + u1) * sub == total
    ck = _chunks(sub)

    @functools.partial(
        pl.kernel, mesh=plsc.VectorSubcoreMesh(**_MESH),
        out_type=(jax.ShapeDtypeStruct((total, D), jnp.float32),
                  jax.ShapeDtypeStruct((total, D), jnp.float32),
                  jax.ShapeDtypeStruct((total,), jnp.int32)),
        scratch_types=[pltpu.VMEM((sub,), jnp.int32),
                       pltpu.VMEM((sub,), jnp.int32),
                       pltpu.VMEM((sub,), jnp.int32),
                       pltpu.VMEM((sub,), jnp.int32),
                       pltpu.VMEM((sub, D), jnp.float32),
                       pltpu.VMEM((sub, D), jnp.float32),
                       pltpu.VMEM((sub, D), jnp.float32),
                       pltpu.VMEM((sub, D), jnp.float32),
                       pltpu.VMEM((sub,), jnp.int32),
                       pltpu.VMEM((sub,), jnp.int32),
                       pltpu.SemaphoreType.DMA,
                       pltpu.SemaphoreType.DMA,
                       pltpu.SemaphoreType.DMA])
    def k(ur_hbm, buf_hbm, nid_hbm, idxp_hbm, idxr_hbm,
          srg_hbm, bg_hbm, sid_hbm,
          idxp0, idxp1, idxr0, idxr1, ra0, ra1, rb0, rb1, rs0, rs1,
          semg, semo0, semo1):
        wid = lax.axis_index("s") * NC + lax.axis_index("c")
        nsub = (u0 + u1) // 2
        base = wid * nsub * sub
        idxp = (idxp0, idxp1)
        idxr = (idxr0, idxr1)
        ra = (ra0, ra1)
        rb = (rb0, rb1)
        rs = (rs0, rs1)
        semo = (semo0, semo1)

        def body(kk, carry):
            hs = [[], []]
            for b in (0, 1):
                off = base + (2 * kk + b) * sub

                @pl.when(kk > 0)
                def _wait():
                    pltpu.make_async_copy(srg_hbm.at[pl.ds(0, sub)],
                                          ra[b], semo[b]).wait()
                    pltpu.make_async_copy(bg_hbm.at[pl.ds(0, sub)],
                                          rb[b], semo[b]).wait()
                    pltpu.make_async_copy(sid_hbm.at[pl.ds(0, sub)],
                                          rs[b], semo[b]).wait()
                pltpu.sync_copy(idxp_hbm.at[pl.ds(off, sub)], idxp[b])
                pltpu.sync_copy(idxr_hbm.at[pl.ds(off, sub)], idxr[b])
                for (o, ch) in ck:
                    ip = idxp[b].at[pl.ds(o, ch)]
                    ir = idxr[b].at[pl.ds(o, ch)]
                    hs[b].append(pltpu.async_copy(ur_hbm.at[ip],
                                                  ra[b].at[pl.ds(o, ch)], semg))
                    hs[b].append(pltpu.async_copy(buf_hbm.at[ip],
                                                  rb[b].at[pl.ds(o, ch)], semg))
                    hs[b].append(pltpu.async_copy(nid_hbm.at[ir],
                                                  rs[b].at[pl.ds(o, ch)], semg))
            for b in (0, 1):
                off = base + (2 * kk + b) * sub
                for h in hs[b]:
                    h.wait()
                pltpu.async_copy(ra[b], srg_hbm.at[pl.ds(off, sub)], semo[b])
                pltpu.async_copy(rb[b], bg_hbm.at[pl.ds(off, sub)], semo[b])
                pltpu.async_copy(rs[b], sid_hbm.at[pl.ds(off, sub)], semo[b])
            return carry

        lax.fori_loop(0, nsub // 2, body, 0)
        for b in (0, 1):
            pltpu.make_async_copy(srg_hbm.at[pl.ds(0, sub)], ra[b],
                                  semo[b]).wait()
            pltpu.make_async_copy(bg_hbm.at[pl.ds(0, sub)], rb[b],
                                  semo[b]).wait()
            pltpu.make_async_copy(sid_hbm.at[pl.ds(0, sub)], rs[b],
                                  semo[b]).wait()

    return k(ur, buf, nid, idx_perm, idx_row)


def _lstm_body(x_ref, len_ref, wih_ref, whh_ref, bih_ref, bhh_ref, out_ref):
    x = x_ref[...]
    wih = wih_ref[...]
    whh = whh_ref[...]
    bih = bih_ref[...]
    bhh = bhh_ref[...]
    ln = len_ref[...]
    bsz = x.shape[0]
    h = jnp.zeros((bsz, D), jnp.float32)
    c = jnp.zeros((bsz, D), jnp.float32)
    ho = jnp.zeros((bsz, D), jnp.float32)
    for t in range(T):
        xt = x[:, D * t:D * (t + 1)]
        g = (_dot(xt, wih) + bih + _dot(h, whh)) + bhh
        i = jax.nn.sigmoid(g[:, :D])
        f = jax.nn.sigmoid(g[:, D:2 * D])
        gg = jnp.tanh(g[:, 2 * D:3 * D])
        o = jax.nn.sigmoid(g[:, 3 * D:])
        c = f * c + i * gg
        h = o * jnp.tanh(c)
        ho = jnp.where(ln == (t + 1), h, ho)
    out_ref[...] = ho


def _lstm(xg, len2, wih_t, whh_t, bih, bhh):
    return pl.pallas_call(
        _lstm_body,
        grid=(NPAD // BLK,),
        in_specs=[
            pl.BlockSpec((BLK, T * D), lambda i: (i, 0)),
            pl.BlockSpec((BLK, 1), lambda i: (i, 0)),
            pl.BlockSpec((D, 4 * D), lambda i: (0, 0)),
            pl.BlockSpec((D, 4 * D), lambda i: (0, 0)),
            pl.BlockSpec((1, 4 * D), lambda i: (0, 0)),
            pl.BlockSpec((1, 4 * D), lambda i: (0, 0)),
        ],
        out_specs=pl.BlockSpec((BLK, D), lambda i: (i, 0)),
        out_shape=jax.ShapeDtypeStruct((NPAD, D), jnp.float32),
    )(xg, len2, wih_t, whh_t, bih, bhh)


def _fuse_body(ur_ref, ug_ref, core_ref, w1t_ref, buf_ref):
    ur = ur_ref[...]
    feat = jnp.concatenate([ug_ref[...], ur], axis=1)
    fr = jnp.maximum(_dot(feat, w1t_ref[...]), 0.0)
    buf_ref[...] = jnp.where(core_ref[...] == 1, ur, fr)


def _fuse(ur, ug, core2, w1t):
    row = lambda w: pl.BlockSpec((BLK, w), lambda i: (i, 0))
    return pl.pallas_call(
        _fuse_body,
        grid=(NPAD // BLK,),
        in_specs=[row(D), row(D), row(1),
                  pl.BlockSpec((2 * D, D), lambda i: (0, 0))],
        out_specs=row(D),
        out_shape=jax.ShapeDtypeStruct((NPAD, D), jnp.float32),
    )(ur, ug, core2, w1t)


def _r1_body(srg_ref, bg_ref, sid_ref, ur_ref, buf_ref, init_ref, kr_ref,
             mw1t_ref, mb1_ref, mw2_ref, agg_ref, ps_ref, sel_ref):
    bsz = ur_ref.shape[0]
    ur = ur_ref[...]
    mw1t = mw1t_ref[...]
    mb1 = mb1_ref[...]
    lane = lax.broadcasted_iota(jnp.int32, (bsz, DEG), 1)
    s = jnp.zeros((bsz, DEG), jnp.float32)
    w2row = mw2_ref[...].astype(jnp.bfloat16).astype(jnp.float32)
    for j in range(DEG):
        sr = srg_ref[j]
        feat = jnp.concatenate([sr, sr - ur], axis=1)
        hid = jnp.maximum(_dot(feat, mw1t) + mb1, 0.0)
        hb = hid.astype(jnp.bfloat16).astype(jnp.float32)
        sj = jnp.sum(hb * w2row, axis=1, keepdims=True)
        s = s + jnp.where(lane == j, sj, 0.0)
    lane8 = lax.broadcasted_iota(jnp.int32, (bsz, TOPK), 1)
    work = s
    mask = jnp.zeros((bsz, DEG), jnp.float32)
    selv = jnp.zeros((bsz, TOPK), jnp.int32)
    sid = sid_ref[...]
    for k in range(TOPK):
        m = jnp.max(work, axis=1, keepdims=True)
        am = jnp.min(jnp.where(work == m, lane, DEG), axis=1, keepdims=True)
        oh = lane == am
        mask = mask + jnp.where(oh, 1.0, 0.0)
        selk = jnp.sum(jnp.where(oh, sid, 0), axis=1, keepdims=True)
        selv = selv + jnp.where(lane8 == k, selk, 0)
        work = jnp.where(oh, -3e38, work)
    sel_ref[...] = selv
    kr = kr_ref[0, 0]
    ps = (1.0 - kr) * jax.nn.sigmoid(s - (1.0 - mask) * 1e11) \
        + kr * init_ref[...]
    ps_ref[...] = ps
    coeff = jnp.sum(ps, axis=1, keepdims=True) + 1.0
    fr = jnp.zeros((bsz, D), jnp.float32)
    for j in range(DEG):
        fr = fr + bg_ref[j] * ps[:, j:j + 1]
    agg_ref[...] = (fr + buf_ref[...]) / coeff


def _round1(srg, bg, sid, ur, buf, initm, kr2, mw1t, mb1r, mw2r):
    edge3 = pl.BlockSpec((DEG, RBLK, D), lambda i: (0, i, 0))
    row = lambda w: pl.BlockSpec((RBLK, w), lambda i: (i, 0))
    one = lambda a, b: pl.BlockSpec((a, b), lambda i: (0, 0))
    return pl.pallas_call(
        _r1_body,
        grid=(NPAD // RBLK,),
        in_specs=[edge3, edge3, row(DEG), row(D), row(D), row(DEG),
                  one(1, 1), one(2 * D, D), one(1, D), one(1, D)],
        out_specs=[row(D), row(DEG), row(TOPK)],
        out_shape=[jax.ShapeDtypeStruct((NPAD, D), jnp.float32),
                   jax.ShapeDtypeStruct((NPAD, DEG), jnp.float32),
                   jax.ShapeDtypeStruct((NPAD, TOPK), jnp.int32)],
    )(srg, bg, sid, ur, buf, initm, kr2, mw1t, mb1r, mw2r)


def _r2_body(ag_ref, agg1_ref, ps_ref, out_ref):
    bsz = agg1_ref.shape[0]
    ps = ps_ref[...]
    coeff = jnp.sum(ps, axis=1, keepdims=True) + 1.0
    fr = jnp.zeros((bsz, D), jnp.float32)
    for j in range(DEG):
        fr = fr + ag_ref[j] * ps[:, j:j + 1]
    out_ref[...] = (fr + agg1_ref[...]) / coeff


def _round2(ag, agg1, ps):
    edge3 = pl.BlockSpec((DEG, RBLK, D), lambda i: (0, i, 0))
    row = lambda w: pl.BlockSpec((RBLK, w), lambda i: (i, 0))
    return pl.pallas_call(
        _r2_body,
        grid=(NPAD // RBLK,),
        in_specs=[edge3, row(D), row(DEG)],
        out_specs=row(D),
        out_shape=jax.ShapeDtypeStruct((NPAD, D), jnp.float32),
    )(ag, agg1, ps)


def _sm1_body(ra_ref, rb_ref, ie_ref, bm_ref, bs_ref):
    rep = ra_ref[...] + rb_ref[...]
    logits = lax.dot_general(ie_ref[...], rep, (((1,), (1,)), ((), ())),
                             preferred_element_type=jnp.float32)
    m = jnp.max(logits, axis=0, keepdims=True)
    bm_ref[...] = m[None]
    bs_ref[...] = jnp.sum(jnp.exp(logits - m), axis=0, keepdims=True)[None]


def _sm2_body(ra_ref, rb_ref, ie_ref, bm_ref, bs_ref, out_ref):
    rep = ra_ref[...] + rb_ref[...]
    logits = lax.dot_general(ie_ref[...], rep, (((1,), (1,)), ((), ())),
                             preferred_element_type=jnp.float32)
    bm = bm_ref[...]
    m = jnp.max(bm, axis=0, keepdims=True)
    ssum = jnp.sum(bs_ref[...] * jnp.exp(bm - m), axis=0, keepdims=True)
    out_ref[...] = jnp.exp(logits - m) / ssum


def _softmax_scores(ra, rb, item_emb):
    rrow = pl.BlockSpec((D, D), lambda i: (0, 0))
    iblk = pl.BlockSpec((IBLK, D), lambda i: (i, 0))
    col = pl.BlockSpec((1, 1, D), lambda i: (i, 0, 0))
    stat = pl.BlockSpec((NITEM_BLOCKS, D), lambda i: (0, 0))
    bm, bs = pl.pallas_call(
        _sm1_body,
        grid=(NITEM_BLOCKS,),
        in_specs=[rrow, rrow, iblk],
        out_specs=[col, col],
        out_shape=[jax.ShapeDtypeStruct((NITEM_BLOCKS, 1, D), jnp.float32)] * 2,
    )(ra, rb, item_emb)
    bm = bm.reshape(NITEM_BLOCKS, D)
    bs = bs.reshape(NITEM_BLOCKS, D)
    return pl.pallas_call(
        _sm2_body,
        grid=(NITEM_BLOCKS,),
        in_specs=[rrow, rrow, iblk, stat, stat],
        out_specs=pl.BlockSpec((IBLK, D), lambda i: (i, 0)),
        out_shape=jax.ShapeDtypeStruct((IBLK * NITEM_BLOCKS, D), jnp.float32),
    )(ra, rb, item_emb, bm, bs)


def kernel(session, length, is_core, node_id, edge_index, initial_score,
           keep_rate, item_emb, user_emb, lw_ih, lw_hh, lb_ih, lb_hh,
           mw1, mb1, mw2, W1_w, W2_w, fc_w0, fc_w1):
    n = session.shape[0]
    pad = NPAD - n
    src = edge_index[0]

    sess_p = jnp.pad(session, ((0, pad), (0, 0)))
    len_p = jnp.pad(length, (0, pad), constant_values=1)
    len2 = len_p.reshape(NPAD, 1).astype(jnp.int32)
    nid_p = jnp.pad(node_id, (0, pad))
    core2 = jnp.pad(is_core, (0, pad)).reshape(NPAD, 1).astype(jnp.int32)
    srcm_p = jnp.pad(src.reshape(n, DEG), ((0, pad), (0, 0)))
    init_p = jnp.pad(initial_score.reshape(n, DEG), ((0, pad), (0, 0)))

    sess_flat = sess_p.reshape(-1).astype(jnp.int32)
    nid_p = nid_p.astype(jnp.int32)
    xg = _sc_gather(item_emb, sess_flat, 320, (32, 8)).reshape(NPAD, T * D)
    ug = _sc_gather(user_emb, nid_p, 160, (2, 2))

    ur = _lstm(xg, len2, lw_ih.T, lw_hh.T, lb_ih.reshape(1, 4 * D),
               lb_hh.reshape(1, 4 * D))

    buf = _fuse(ur, ug, core2, W1_w.T)

    idx_perm = srcm_p.T.reshape(-1).astype(jnp.int32)
    idx_row = srcm_p.reshape(-1).astype(jnp.int32)
    srg_f, bg_f, sid_f = _sc_gather_edges(ur, buf, nid_p, idx_perm, idx_row)
    srg = srg_f.reshape(DEG, NPAD, D)
    bg = bg_f.reshape(DEG, NPAD, D)
    sid = sid_f.reshape(NPAD, DEG)

    kr2 = jnp.asarray(keep_rate, jnp.float32).reshape(1, 1)
    agg1, ps, selp = _round1(srg, bg, sid, ur, buf, init_p, kr2,
                             mw1.T, mb1.reshape(1, D), mw2)

    ag = _sc_gather(agg1, idx_perm, 320, (24, 8)).reshape(DEG, NPAD, D)
    agg2 = _round2(ag, agg1, ps)

    recent = ur[0:n:CORE_EVERY]
    social = agg2[0:n:CORE_EVERY]
    ncore = n // CORE_EVERY
    rpad = ((0, D - ncore), (0, 0))
    ra = jnp.pad(recent, rpad)
    rb = jnp.pad(social, rpad)
    scorep = _softmax_scores(ra, rb, item_emb)

    score = scorep[:, :ncore].T
    sel = selp[0:n:CORE_EVERY]
    core_user = node_id[0:n:CORE_EVERY]
    return score, sel, core_user

# --- scband reference (transcript-rebuilt; emitter-appended) ---
"""Pipeline reference for scband-prototype-20753281975111 (READ-ONLY COPY).

The authoritative reference and input builder live on the scoring server;
editing this copy changes nothing except your own understanding.
"""

import jax, jax.numpy as jnp
import numpy as np

N = 10000
T = 20
DEG = 16
E = N * DEG
D = 128
USER_NUM = 100000
ITEM_NUM = 100000
K = 8
CORE_EVERY = 100


def setup_inputs(seed: int = 0) -> dict:
    key = jax.random.key(seed)
    ks = jax.random.split(key, 24)
    session = jax.random.randint(ks[0], (N, T), 0, ITEM_NUM)
    length = jax.random.randint(ks[1], (N,), 1, T + 1)
    is_core = (jnp.arange(N) % CORE_EVERY == 0).astype(jnp.int32)
    node_id = jax.random.randint(ks[2], (N,), 0, USER_NUM)
    src = jax.random.randint(ks[3], (E,), 0, N)
    dst = jnp.repeat(jnp.arange(N), DEG)
    edge_index = jnp.stack([src, dst])
    initial_score = jax.random.uniform(ks[4], (E,), dtype=jnp.float32)
    keep_rate = jnp.float32(0.5)
    s = 1.0 / np.sqrt(D)
    s2 = 1.0 / np.sqrt(2 * D)
    item_emb = jax.random.normal(ks[5], (ITEM_NUM, D), dtype=jnp.float32)
    user_emb = jax.random.normal(ks[6], (USER_NUM, D), dtype=jnp.float32)
    lw_ih = jax.random.uniform(ks[7], (4 * D, D), minval=-s, maxval=s)
    lw_hh = jax.random.uniform(ks[8], (4 * D, D), minval=-s, maxval=s)
    lb_ih = jax.random.uniform(ks[9], (4 * D,), minval=-s, maxval=s)
    lb_hh = jax.random.uniform(ks[10], (4 * D,), minval=-s, maxval=s)
    mw1 = jax.random.uniform(ks[11], (D, 2 * D), minval=-s2, maxval=s2)
    mb1 = jax.random.uniform(ks[12], (D,), minval=-s2, maxval=s2)
    mw2 = jax.random.uniform(ks[13], (1, D), minval=-s, maxval=s)
    W1_w = jax.random.uniform(ks[14], (D, 2 * D), minval=-s2, maxval=s2)
    W2_w = jax.random.uniform(ks[15], (D, 2 * D), minval=-s2, maxval=s2)
    fc_w0 = jax.random.uniform(ks[16], (D, D), minval=-s, maxval=s)
    fc_w1 = jax.random.uniform(ks[17], (D, D), minval=-s, maxval=s)
    return {'session': session, 'length': length, 'is_core': is_core,
            'node_id': node_id, 'edge_index': edge_index,
            'initial_score': initial_score, 'keep_rate': keep_rate,
            'item_emb': item_emb, 'user_emb': user_emb,
            'lw_ih': lw_ih, 'lw_hh': lw_hh, 'lb_ih': lb_ih, 'lb_hh': lb_hh,
            'mw1': mw1, 'mb1': mb1, 'mw2': mw2,
            'W1_w': W1_w, 'W2_w': W2_w, 'fc_w0': fc_w0, 'fc_w1': fc_w1}


def _forward(session, length, is_core, node_id, edge_index, initial_score,
             keep_rate, item_emb, user_emb, lw_ih, lw_hh, lb_ih, lb_hh,
             mw1, mb1, mw2, W1_w, W2_w, fc_w0, fc_w1):
    src = edge_index[0]
    dst = edge_index[1]
    n = session.shape[0]
    deg = src.shape[0] // n
    # LSTM over item sessions; packed-sequence semantics == hidden at t=len-1
    x = jnp.transpose(item_emb[session], (1, 0, 2))  # [T, N, D]
    d = x.shape[-1]

    def step(carry, xt):
        h, c = carry
        g = xt @ lw_ih.T + lb_ih + h @ lw_hh.T + lb_hh
        i, f, gg, o = jnp.split(g, 4, axis=-1)
        i = jax.nn.sigmoid(i)
        f = jax.nn.sigmoid(f)
        gg = jnp.tanh(gg)
        o = jax.nn.sigmoid(o)
        c = f * c + i * gg
        h = o * jnp.tanh(c)
        return (h, c), h

    h0 = jnp.zeros((n, d), x.dtype)
    _, hs = jax.lax.scan(step, (h0, h0), x)
    user_rep = hs[length - 1, jnp.arange(n)]
    # EDGE_INFERENCE: mlp(cat(src, src - dst)) per edge
    sr = user_rep[src]
    dr = user_rep[dst]
    feat = jnp.concatenate([sr, sr - dr], axis=-1)
    interact = (jax.nn.relu(feat @ mw1.T + mb1) @ mw2.T)[:, 0]
    # friend (non-core) long/short-term fusion, written in place
    n_core = is_core.shape[0] // CORE_EVERY
    fidx = jnp.nonzero(1 - is_core, size=is_core.shape[0] - n_core)[0]
    flong = user_emb[node_id[fidx]]
    fshort = user_rep[fidx]
    frep = jax.nn.relu(jnp.concatenate([flong, fshort], axis=-1) @ W1_w.T)
    user_rep = user_rep.at[fidx].set(frep)
    buffer = user_rep
    # regular graph: edges grouped by dst, deg incoming edges per node (DGL mailbox)
    score_m = interact.reshape(n, deg)
    init_m = initial_score.reshape(n, deg)
    src_m = src.reshape(n, deg)
    src_id_m = node_id[src_m]
    selected = None
    for fc_w in (fc_w0, fc_w1):
        src_info = buffer[src_m]  # [N, deg, D] gather = mailbox['source_information']
        _, topi = jax.lax.top_k(score_m, K)
        selected = jnp.take_along_axis(src_id_m, topi, axis=1)
        mask = jnp.zeros_like(score_m).at[jnp.arange(n)[:, None], topi].set(1.0)
        pseudo = jax.nn.sigmoid(score_m - (1.0 - mask) * 1e11)
        pseudo = (1.0 - keep_rate) * pseudo + keep_rate * init_m
        coeff = pseudo.sum(axis=-1) + 1.0
        friends = (src_info * pseudo[..., None]).sum(axis=-2)
        agg = (friends + buffer) / coeff[:, None]
        _h = jax.nn.relu(agg @ fc_w.T)  # computed but unused in the original module
        buffer = agg
    cidx = jnp.nonzero(is_core, size=n_core)[0]
    sel = selected[cidx]
    core_user = node_id[cidx]
    social = buffer[cidx]
    recent = user_rep[cidx]
    rep = recent + social
    score = jax.nn.softmax(rep @ item_emb.T, axis=-1)
    return score, sel, core_user


def reference(session, length, is_core, node_id, edge_index, initial_score,
              keep_rate, item_emb, user_emb, lw_ih, lw_hh, lb_ih, lb_hh,
              mw1, mb1, mw2, W1_w, W2_w, fc_w0, fc_w1):
    return _forward(session, length, is_core, node_id, edge_index,
                    initial_score, keep_rate, item_emb, user_emb,
                    lw_ih, lw_hh, lb_ih, lb_hh, mw1, mb1, mw2,
                    W1_w, W2_w, fc_w0, fc_w1)

if __name__ == "__main__":
    import jax
    _d = setup_inputs()
    print(jax.jit(kernel)(*tuple(_d.values())))

</pallas_src>

<mosaic_0001>
#map = affine_map<(d0, d1) -> (0, 0)>
#map1 = affine_map<(d0, d1) -> (0)>
module attributes {stable_mosaic.version = 14 : i64} {
  func.func @k(%arg0: i32, %arg1: i32, %arg2: memref<10240x128xf32, #tpu.memory_space<hbm>>, %arg3: memref<163840xi32, #tpu.memory_space<hbm>>, %arg4: memref<163840x128xf32, #tpu.memory_space<hbm>>, %arg5: memref<320xi32, #tpu.memory_space<vmem>>, %arg6: memref<320xi32, #tpu.memory_space<vmem>>, %arg7: memref<320x128xf32, #tpu.memory_space<vmem>>, %arg8: memref<320x128xf32, #tpu.memory_space<vmem>>, %arg9: memref<!tpu.dma_semaphore, #tpu.memory_space<semaphore_mem>>, %arg10: memref<!tpu.dma_semaphore, #tpu.memory_space<semaphore_mem>>, %arg11: memref<!tpu.dma_semaphore, #tpu.memory_space<semaphore_mem>>) attributes {dimension_semantics = [#tpu.dimension_semantics<core_parallel>, #tpu.dimension_semantics<subcore_parallel>], iteration_bounds = array<i64: 2, 16>, scalar_prefetch = 0 : i64, scratch_operands = 7 : i64, tpu.core_type = #tpu.core_type<sc_vector_subcore>, window_params = [{transform_indices = #map}, {transform_indices = #map1}, {transform_indices = #map}]} {
    %mul3A = arith.constant 2 : i32
    %mul3A_0 = arith.muli %arg1, %mul3A : i32
    %add3A = arith.addi %mul3A_0, %arg0 : i32
    %mul3A_1 = arith.constant 16 : i32
    %mul3A_2 = arith.muli %add3A, %mul3A_1 : i32
    %mul3A_3 = arith.constant 320 : i32
    %mul3A_4 = arith.muli %mul3A_2, %mul3A_3 : i32
    %scan3A = arith.constant 0 : i32
    %scan3A_5 = arith.constant 0 : i32
    %scan3A_6 = arith.constant 8 : i32
    %scan3A_7 = arith.addi %scan3A_5, %scan3A_6 : i32
    %scan3A_8 = arith.constant 1 : i32
    scf.for %scan3A_21 = %scan3A_5 to %scan3A_7 step %scan3A_8  : i32 {
      %mul3A_22 = arith.constant 2 : i32
      %mul3A_23 = arith.muli %mul3A_22, %scan3A_21 : i32
      %add3A_24 = arith.constant 0 : i32
      %add3A_25 = arith.addi %mul3A_23, %add3A_24 : i32
      %mul3A_26 = arith.constant 320 : i32
      %mul3A_27 = arith.muli %add3A_25, %mul3A_26 : i32
      %add3A_28 = arith.addi %mul3A_4, %mul3A_27 : i32
      %gt3A = arith.constant 0 : i32
      %gt3A_29 = arith.cmpi sgt, %scan3A_21, %gt3A : i32
      %convert_element_type3A = arith.extui %gt3A_29 : i1 to i32
      %cond3A = arith.constant 0 : i32
      %cond3A_30 = arith.cmpi ne, %convert_element_type3A, %cond3A : i32
      scf.if %cond3A_30 {
        %dma_wait3A_160 = arith.constant 0 : i32
        %dma_wait3A_161 = arith.constant 0 : i32
        %dma_wait3A_162 = tpu.memref_slice %arg4[%dma_wait3A_160, %dma_wait3A_161] : memref<163840x128xf32, #tpu.memory_space<hbm>> -> memref<320x128xf32, #tpu.memory_space<hbm>>
        %dma_wait3A_163 = arith.constant 0 : i32
        %dma_wait3A_164 = arith.constant 0 : i32
        %dma_wait3A_165 = tpu.memref_slice %arg4[%dma_wait3A_163, %dma_wait3A_164] : memref<163840x128xf32, #tpu.memory_space<hbm>> -> memref<320x128xf32, #tpu.memory_space<hbm>>
        tpu.wait_dma2 semaphore(%arg10 : memref<!tpu.dma_semaphore, #tpu.memory_space<semaphore_mem>>) src(%dma_wait3A_165 : memref<320x128xf32, #tpu.memory_space<hbm>>) dst(%arg7 : memref<320x128xf32, #tpu.memory_space<vmem>>)
      } else {
      }
      "tpu.region"() ({
        %run_scoped3A = tpu.sem_alloc : memref<!tpu.dma_semaphore, #tpu.memory_space<semaphore_mem>>
        %dma_start3A_160 = tpu.memref_slice %arg3[%add3A_28] : memref<163840xi32, #tpu.memory_space<hbm>> -> memref<320xi32, #tpu.memory_space<hbm>>
        %dma_start3A_161 = tpu.memref_slice %arg3[%add3A_28] : memref<163840xi32, #tpu.memory_space<hbm>> -> memref<320xi32, #tpu.memory_space<hbm>>
        tpu.enqueue_dma source(%dma_start3A_161 : memref<320xi32, #tpu.memory_space<hbm>>) target(%arg5 : memref<320xi32, #tpu.memory_space<vmem>>) target_semaphore(%run_scoped3A : memref<!tpu.dma_semaphore, #tpu.memory_space<semaphore_mem>>)
        %dma_wait3A_162 = tpu.memref_slice %arg3[%add3A_28] : memref<163840xi32, #tpu.memory_space<hbm>> -> memref<320xi32, #tpu.memory_space<hbm>>
        %dma_wait3A_163 = tpu.memref_slice %arg3[%add3A_28] : memref<163840xi32, #tpu.memory_space<hbm>> -> memref<320xi32, #tpu.memory_space<hbm>>
        tpu.wait_dma2 semaphore(%run_scoped3A : memref<!tpu.dma_semaphore, #tpu.memory_space<semaphore_mem>>) src(%dma_wait3A_163 : memref<320xi32, #tpu.memory_space<hbm>>) dst(%arg5 : memref<320xi32, #tpu.memory_space<vmem>>)
        tpu.yield
      }) : () -> ()
      %dma_start3A = arith.constant 0 : i32
      %dma_start3A_31 = arith.constant 0 : i32
      %dma_start3A_32 = tpu.memref_slice %arg7[%dma_start3A, %dma_start3A_31] : memref<320x128xf32, #tpu.memory_space<vmem>> -> memref<128x128xf32, #tpu.memory_space<vmem>>
      %dma_start3A_33 = arith.constant 0 : i32
      %dma_start3A_34 = tpu.memref_slice %arg5[%dma_start3A_33] : memref<320xi32, #tpu.memory_space<vmem>> -> memref<128xi32, #tpu.memory_space<vmem>>
      %dma_start3A_35 = arith.constant 0 : i32
      %dma_start3A_36 = arith.constant 0 : i32
      %dma_start3A_37 = tpu.memref_slice %arg2[%dma_start3A_35, %dma_start3A_36] : memref<10240x128xf32, #tpu.memory_space<hbm>> -> memref<10240x128xf32, #tpu.memory_space<hbm>>
      tpu.enqueue_indirect_dma source(%dma_start3A_37 : memref<10240x128xf32, #tpu.memory_space<hbm>>) target(%dma_start3A_32 : memref<128x128xf32, #tpu.memory_space<vmem>>) offsets(%dma_start3A_34 : memref<128xi32, #tpu.memory_space<vmem>>) semaphore(%arg9 : memref<!tpu.dma_semaphore, #tpu.memory_space<semaphore_mem>>)
      %dma_start3A_38 = arith.constant 128 : i32
      %dma_start3A_39 = arith.constant 0 : i32
      %dma_start3A_40 = tpu.memref_slice %arg7[%dma_start3A_38, %dma_start3A_39] : memref<320x128xf32, #tpu.memory_space<vmem>> -> memref<128x128xf32, #tpu.memory_space<vmem>>
      %dma_start3A_41 = arith.constant 128 : i32
      %dma_start3A_42 = tpu.memref_slice %arg5[%dma_start3A_41] : memref<320xi32, #tpu.memory_space<vmem>> -> memref<128xi32, #tpu.memory_space<vmem>>
      %dma_start3A_43 = arith.constant 0 : i32
      %dma_start3A_44 = arith.constant 0 : i32
      %dma_start3A_45 = tpu.memref_slice %arg2[%dma_start3A_43, %dma_start3A_44] : memref<10240x128xf32, #tpu.memory_space<hbm>> -> memref<10240x128xf32, #tpu.memory_space<hbm>>
      tpu.enqueue_indirect_dma source(%dma_start3A_45 : memref<10240x128xf32, #tpu.memory_space<hbm>>) target(%dma_start3A_40 : memref<128x128xf32, #tpu.memory_space<vmem>>) offsets(%dma_start3A_42 : memref<128xi32, #tpu.memory_space<vmem>>) semaphore(%arg9 : memref<!tpu.dma_semaphore, #tpu.memory_space<semaphore_mem>>)
      %dma_start3A_46 = arith.constant 256 : i32
      %dma_start3A_47 = arith.constant 0 : i32
      %dma_start3A_48 = tpu.memref_slice %arg7[%dma_start3A_46, %dma_start3A_47] : memref<320x128xf32, #tpu.memory_space<vmem>> -> memref<64x128xf32, #tpu.memory_space<vmem>>
      %dma_start3A_49 = arith.constant 256 : i32
      %dma_start3A_50 = tpu.memref_slice %arg5[%dma_start3A_49] : memref<320xi32, #tpu.memory_space<vmem>> -> memref<64xi32, #tpu.memory_space<vmem>>
      %dma_start3A_51 = arith.constant 0 : i32
      %dma_start3A_52 = arith.constant 0 : i32
      %dma_start3A_53 = tpu.memref_slice %arg2[%dma_start3A_51, %dma_start3A_52] : memref<10240x128xf32, #tpu.memory_space<hbm>> -> memref<10240x128xf32, #tpu.memory_space<hbm>>
      tpu.enqueue_indirect_dma source(%dma_start3A_53 : memref<10240x128xf32, #tpu.memory_space<hbm>>) target(%dma_start3A_48 : memref<64x128xf32, #tpu.memory_space<vmem>>) offsets(%dma_start3A_50 : memref<64xi32, #tpu.memory_space<vmem>>) semaphore(%arg9 : memref<!tpu.dma_semaphore, #tpu.memory_space<semaphore_mem>>)
      %mul3A_54 = arith.constant 2 : i32
      %mul3A_55 = arith.muli %mul3A_54, %scan3A_21 : i32
      %add3A_56 = arith.constant 1 : i32
      %add3A_57 = arith.addi %mul3A_55, %add3A_56 : i32
      %mul3A_58 = arith.constant 320 : i32
      %mul3A_59 = arith.muli %add3A_57, %mul3A_58 : i32
      %add3A_60 = arith.addi %mul3A_4, %mul3A_59 : i32
      %gt3A_61 = arith.constant 0 : i32
      %gt3A_62 = arith.cmpi sgt, %scan3A_21, %gt3A_61 : i32
      %convert_element_type3A_63 = arith.extui %gt3A_62 : i1 to i32
      %cond3A_64 = arith.constant 0 : i32
      %cond3A_65 = arith.cmpi ne, %convert_element_type3A_63, %cond3A_64 : i32
      scf.if %cond3A_65 {
        %dma_wait3A_160 = arith.constant 0 : i32
        %dma_wait3A_161 = arith.constant 0 : i32
        %dma_wait3A_162 = tpu.memref_slice %arg4[%dma_wait3A_160, %dma_wait3A_161] : memref<163840x128xf32, #tpu.memory_space<hbm>> -> memref<320x128xf32, #tpu.memory_space<hbm>>
        %dma_wait3A_163 = arith.constant 0 : i32
        %dma_wait3A_164 = arith.constant 0 : i32
        %dma_wait3A_165 = tpu.memref_slice %arg4[%dma_wait3A_163, %dma_wait3A_164] : memref<163840x128xf32, #tpu.memory_space<hbm>> -> memref<320x128xf32, #tpu.memory_space<hbm>>
        tpu.wait_dma2 semaphore(%arg11 : memref<!tpu.dma_semaphore, #tpu.memory_space<semaphore_mem>>) src(%dma_wait3A_165 : memref<320x128xf32, #tpu.memory_space<hbm>>) dst(%arg8 : memref<320x128xf32, #tpu.memory_space<vmem>>)
      } else {
      }
      "tpu.region"() ({
        %run_scoped3A = tpu.sem_alloc : memref<!tpu.dma_semaphore, #tpu.memory_space<semaphore_mem>>
        %dma_start3A_160 = tpu.memref_slice %arg3[%add3A_60] : memref<163840xi32, #tpu.memory_space<hbm>> -> memref<320xi32, #tpu.memory_space<hbm>>
        %dma_start3A_161 = tpu.memref_slice %arg3[%add3A_60] : memref<163840xi32, #tpu.memory_space<hbm>> -> memref<320xi32, #tpu.memory_space<hbm>>
        tpu.enqueue_dma source(%dma_start3A_161 : memref<320xi32, #tpu.memory_space<hbm>>) target(%arg6 : memref<320xi32, #tpu.memory_space<vmem>>) target_semaphore(%run_scoped3A : memref<!tpu.dma_semaphore, #tpu.memory_space<semaphore_mem>>)
        %dma_wait3A_162 = tpu.memref_slice %arg3[%add3A_60] : memref<163840xi32, #tpu.memory_space<hbm>> -> memref<320xi32, #tpu.memory_space<hbm>>
        %dma_wait3A_163 = tpu.memref_slice %arg3[%add3A_60] : memref<163840xi32, #tpu.memory_space<hbm>> -> memref<320xi32, #tpu.memory_space<hbm>>
        tpu.wait_dma2 semaphore(%run_scoped3A : memref<!tpu.dma_semaphore, #tpu.memory_space<semaphore_mem>>) src(%dma_wait3A_163 : memref<320xi32, #tpu.memory_space<hbm>>) dst(%arg6 : memref<320xi32, #tpu.memory_space<vmem>>)
        tpu.yield
      }) : () -> ()
      %dma_start3A_66 = arith.constant 0 : i32
      %dma_start3A_67 = arith.constant 0 : i32
      %dma_start3A_68 = tpu.memref_slice %arg8[%dma_start3A_66, %dma_start3A_67] : memref<320x128xf32, #tpu.memory_space<vmem>> -> memref<128x128xf32, #tpu.memory_space<vmem>>
      %dma_start3A_69 = arith.constant 0 : i32
      %dma_start3A_70 = tpu.memref_slice %arg6[%dma_start3A_69] : memref<320xi32, #tpu.memory_space<vmem>> -> memref<128xi32, #tpu.memory_space<vmem>>
      %dma_start3A_71 = arith.constant 0 : i32
      %dma_start3A_72 = arith.constant 0 : i32
      %dma_start3A_73 = tpu.memref_slice %arg2[%dma_start3A_71, %dma_start3A_72] : memref<10240x128xf32, #tpu.memory_space<hbm>> -> memref<10240x128xf32, #tpu.memory_space<hbm>>
      tpu.enqueue_indirect_dma source(%dma_start3A_73 : memref<10240x128xf32, #tpu.memory_space<hbm>>) target(%dma_start3A_68 : memref<128x128xf32, #tpu.memory_space<vmem>>) offsets(%dma_start3A_70 : memref<128xi32, #tpu.memory_space<vmem>>) semaphore(%arg9 : memref<!tpu.dma_semaphore, #tpu.memory_space<semaphore_mem>>)
      %dma_start3A_74 = arith.constant 128 : i32
      %dma_start3A_75 = arith.constant 0 : i32
      %dma_start3A_76 = tpu.memref_slice %arg8[%dma_start3A_74, %dma_start3A_75] : memref<320x128xf32, #tpu.memory_space<vmem>> -> memref<128x128xf32, #tpu.memory_space<vmem>>
      %dma_start3A_77 = arith.constant 128 : i32
      %dma_start3A_78 = tpu.memref_slice %arg6[%dma_start3A_77] : memref<320xi32, #tpu.memory_space<vmem>> -> memref<128xi32, #tpu.memory_space<vmem>>
      %dma_start3A_79 = arith.constant 0 : i32
      %dma_start3A_80 = arith.constant 0 : i32
      %dma_start3A_81 = tpu.memref_slice %arg2[%dma_start3A_79, %dma_start3A_80] : memref<10240x128xf32, #tpu.memory_space<hbm>> -> memref<10240x128xf32, #tpu.memory_space<hbm>>
      tpu.enqueue_indirect_dma source(%dma_start3A_81 : memref<10240x128xf32, #tpu.memory_space<hbm>>) target(%dma_start3A_76 : memref<128x128xf32, #tpu.memory_space<vmem>>) offsets(%dma_start3A_78 : memref<128xi32, #tpu.memory_space<vmem>>) semaphore(%arg9 : memref<!tpu.dma_semaphore, #tpu.memory_space<semaphore_mem>>)
      %dma_start3A_82 = arith.constant 256 : i32
      %dma_start3A_83 = arith.constant 0 : i32
      %dma_start3A_84 = tpu.memref_slice %arg8[%dma_start3A_82, %dma_start3A_83] : memref<320x128xf32, #tpu.memory_space<vmem>> -> memref<64x128xf32, #tpu.memory_space<vmem>>
      %dma_start3A_85 = arith.constant 256 : i32
      %dma_start3A_86 = tpu.memref_slice %arg6[%dma_start3A_85] : memref<320xi32, #tpu.memory_space<vmem>> -> memref<64xi32, #tpu.memory_space<vmem>>
      %dma_start3A_87 = arith.constant 0 : i32
      %dma_start3A_88 = arith.constant 0 : i32
      %dma_start3A_89 = tpu.memref_slice %arg2[%dma_start3A_87, %dma_start3A_88] : memref<10240x128xf32, #tpu.memory_space<hbm>> -> memref<10240x128xf32, #tpu.memory_space<hbm>>
      tpu.enqueue_indirect_dma source(%dma_start3A_89 : memref<10240x128xf32, #tpu.memory_space<hbm>>) target(%dma_start3A_84 : memref<64x128xf32, #tpu.memory_space<vmem>>) offsets(%dma_start3A_86 : memref<64xi32, #tpu.memory_space<vmem>>) semaphore(%arg9 : memref<!tpu.dma_semaphore, #tpu.memory_space<semaphore_mem>>)
      %mul3A_90 = arith.constant 2 : i32
      %mul3A_91 = arith.muli %mul3A_90, %scan3A_21 : i32
      %add3A_92 = arith.constant 0 : i32
      %add3A_93 = arith.addi %mul3A_91, %add3A_92 : i32
      %mul3A_94 = arith.constant 320 : i32
      %mul3A_95 = arith.muli %add3A_93, %mul3A_94 : i32
      %add3A_96 = arith.addi %mul3A_4, %mul3A_95 : i32
      %dma_wait3A_97 = arith.constant 0 : i32
      %dma_wait3A_98 = arith.constant 0 : i32
      %dma_wait3A_99 = tpu.memref_slice %arg7[%dma_wait3A_97, %dma_wait3A_98] : memref<320x128xf32, #tpu.memory_space<vmem>> -> memref<128x128xf32, #tpu.memory_space<vmem>>
      %dma_wait3A_100 = arith.constant 0 : i32
      %dma_wait3A_101 = tpu.memref_slice %arg5[%dma_wait3A_100] : memref<320xi32, #tpu.memory_space<vmem>> -> memref<128xi32, #tpu.memory_space<vmem>>
      %dma_wait3A_102 = arith.constant 0 : i32
      %dma_wait3A_103 = arith.constant 0 : i32
      %dma_wait3A_104 = tpu.memref_slice %arg2[%dma_wait3A_102, %dma_wait3A_103] : memref<10240x128xf32, #tpu.memory_space<hbm>> -> memref<10240x128xf32, #tpu.memory_space<hbm>>
      tpu.wait_indirect_dma semaphore(%arg9 : memref<!tpu.dma_semaphore, #tpu.memory_space<semaphore_mem>>) src(%dma_wait3A_104 : memref<10240x128xf32, #tpu.memory_space<hbm>>) dst(%dma_wait3A_99 : memref<128x128xf32, #tpu.memory_space<vmem>>)
      %dma_wait3A_105 = arith.constant 128 : i32
      %dma_wait3A_106 = arith.constant 0 : i32
      %dma_wait3A_107 = tpu.memref_slice %arg7[%dma_wait3A_105, %dma_wait3A_106] : memref<320x128xf32, #tpu.memory_space<vmem>> -> memref<128x128xf32, #tpu.memory_space<vmem>>
      %dma_wait3A_108 = arith.constant 128 : i32
      %dma_wait3A_109 = tpu.memref_slice %arg5[%dma_wait3A_108] : memref<320xi32, #tpu.memory_space<vmem>> -> memref<128xi32, #tpu.memory_space<vmem>>
      %dma_wait3A_110 = arith.constant 0 : i32
      %dma_wait3A_111 = arith.constant 0 : i32
      %dma_wait3A_112 = tpu.memref_slice %arg2[%dma_wait3A_110, %dma_wait3A_111] : memref<10240x128xf32, #tpu.memory_space<hbm>> -> memref<10240x128xf32, #tpu.memory_space<hbm>>
      tpu.wait_indirect_dma semaphore(%arg9 : memref<!tpu.dma_semaphore, #tpu.memory_space<semaphore_mem>>) src(%dma_wait3A_112 : memref<10240x128xf32, #tpu.memory_space<hbm>>) dst(%dma_wait3A_107 : memref<128x128xf32, #tpu.memory_space<vmem>>)
      %dma_wait3A_113 = arith.constant 256 : i32
      %dma_wait3A_114 = arith.constant 0 : i32
      %dma_wait3A_115 = tpu.memref_slice %arg7[%dma_wait3A_113, %dma_wait3A_114] : memref<320x128xf32, #tpu.memory_space<vmem>> -> memref<64x128xf32, #tpu.memory_space<vmem>>
      %dma_wait3A_116 = arith.constant 256 : i32
      %dma_wait3A_117 = tpu.memref_slice %arg5[%dma_wait3A_116] : memref<320xi32, #tpu.memory_space<vmem>> -> memref<64xi32, #tpu.memory_space<vmem>>
      %dma_wait3A_118 = arith.constant 0 : i32
      %dma_wait3A_119 = arith.constant 0 : i32
      %dma_wait3A_120 = tpu.memref_slice %arg2[%dma_wait3A_118, %dma_wait3A_119] : memref<10240x128xf32, #tpu.memory_space<hbm>> -> memref<10240x128xf32, #tpu.memory_space<hbm>>
      tpu.wait_indirect_dma semaphore(%arg9 : memref<!tpu.dma_semaphore, #tpu.memory_space<semaphore_mem>>) src(%dma_wait3A_120 : memref<10240x128xf32, #tpu.memory_space<hbm>>) dst(%dma_wait3A_115 : memref<64x128xf32, #tpu.memory_space<vmem>>)
      %dma_start3A_121 = arith.constant 0 : i32
      %dma_start3A_122 = tpu.memref_slice %arg4[%add3A_96, %dma_start3A_121] : memref<163840x128xf32, #tpu.memory_space<hbm>> -> memref<320x128xf32, #tpu.memory_space<hbm>>
      %dma_start3A_123 = arith.constant 0 : i32
      %dma_start3A_124 = tpu.memref_slice %arg4[%add3A_96, %dma_start3A_123] : memref<163840x128xf32, #tpu.memory_space<hbm>> -> memref<320x128xf32, #tpu.memory_space<hbm>>
      tpu.enqueue_dma source(%arg7 : memref<320x128xf32, #tpu.memory_space<vmem>>) target(%dma_start3A_124 : memref<320x128xf32, #tpu.memory_space<hbm>>) target_semaphore(%arg10 : memref<!tpu.dma_semaphore, #tpu.memory_space<semaphore_mem>>)
      %mul3A_125 = arith.constant 2 : i32
      %mul3A_126 = arith.muli %mul3A_125, %scan3A_21 : i32
      %add3A_127 = arith.constant 1 : i32
      %add3A_128 = arith.addi %mul3A_126, %add3A_127 : i32
      %mul3A_129 = arith.constant 320 : i32
      %mul3A_130 = arith.muli %add3A_128, %mul3A_129 : i32
      %add3A_131 = arith.addi %mul3A_4, %mul3A_130 : i32
      %dma_wait3A_132 = arith.constant 0 : i32
      %dma_wait3A_133 = arith.constant 0 : i32
      %dma_wait3A_134 = tpu.memref_slice %arg8[%dma_wait3A_132, %dma_wait3A_133] : memref<320x128xf32, #tpu.memory_space<vmem>> -> memref<128x128xf32, #tpu.memory_space<vmem>>
      %dma_wait3A_135 = arith.constant 0 : i32
      %dma_wait3A_136 = tpu.memref_slice %arg6[%dma_wait3A_135] : memref<320xi32, #tpu.memory_space<vmem>> -> memref<128xi32, #tpu.memory_space<vmem>>
      %dma_wait3A_137 = arith.constant 0 : i32
      %dma_wait3A_138 = arith.constant 0 : i32
      %dma_wait3A_139 = tpu.memref_slice %arg2[%dma_wait3A_137, %dma_wait3A_138] : memref<10240x128xf32, #tpu.memory_space<hbm>> -> memref<10240x128xf32, #tpu.memory_space<hbm>>
      tpu.wait_indirect_dma semaphore(%arg9 : memref<!tpu.dma_semaphore, #tpu.memory_space<semaphore_mem>>) src(%dma_wait3A_139 : memref<10240x128xf32, #tpu.memory_space<hbm>>) dst(%dma_wait3A_134 : memref<128x128xf32, #tpu.memory_space<vmem>>)
      %dma_wait3A_140 = arith.constant 128 : i32
      %dma_wait3A_141 = arith.constant 0 : i32
      %dma_wait3A_142 = tpu.memref_slice %arg8[%dma_wait3A_140, %dma_wait3A_141] : memref<320x128xf32, #tpu.memory_space<vmem>> -> memref<128x128xf32, #tpu.memory_space<vmem>>
      %dma_wait3A_143 = arith.constant 128 : i32
      %dma_wait3A_144 = tpu.memref_slice %arg6[%dma_wait3A_143] : memref<320xi32, #tpu.memory_space<vmem>> -> memref<128xi32, #tpu.memory_space<vmem>>
      %dma_wait3A_145 = arith.constant 0 : i32
      %dma_wait3A_146 = arith.constant 0 : i32
      %dma_wait3A_147 = tpu.memref_slice %arg2[%dma_wait3A_145, %dma_wait3A_146] : memref<10240x128xf32, #tpu.memory_space<hbm>> -> memref<10240x128xf32, #tpu.memory_space<hbm>>
      tpu.wait_indirect_dma semaphore(%arg9 : memref<!tpu.dma_semaphore, #tpu.memory_space<semaphore_mem>>) src(%dma_wait3A_147 : memref<10240x128xf32, #tpu.memory_space<hbm>>) dst(%dma_wait3A_142 : memref<128x128xf32, #tpu.memory_space<vmem>>)
      %dma_wait3A_148 = arith.constant 256 : i32
      %dma_wait3A_149 = arith.constant 0 : i32
      %dma_wait3A_150 = tpu.memref_slice %arg8[%dma_wait3A_148, %dma_wait3A_149] : memref<320x128xf32, #tpu.memory_space<vmem>> -> memref<64x128xf32, #tpu.memory_space<vmem>>
      %dma_wait3A_151 = arith.constant 256 : i32
      %dma_wait3A_152 = tpu.memref_slice %arg6[%dma_wait3A_151] : memref<320xi32, #tpu.memory_space<vmem>> -> memref<64xi32, #tpu.memory_space<vmem>>
      %dma_wait3A_153 = arith.constant 0 : i32
      %dma_wait3A_154 = arith.constant 0 : i32
      %dma_wait3A_155 = tpu.memref_slice %arg2[%dma_wait3A_153, %dma_wait3A_154] : memref<10240x128xf32, #tpu.memory_space<hbm>> -> memref<10240x128xf32, #tpu.memory_space<hbm>>
      tpu.wait_indirect_dma semaphore(%arg9 : memref<!tpu.dma_semaphore, #tpu.memory_space<semaphore_mem>>) src(%dma_wait3A_155 : memref<10240x128xf32, #tpu.memory_space<hbm>>) dst(%dma_wait3A_150 : memref<64x128xf32, #tpu.memory_space<vmem>>)
      %dma_start3A_156 = arith.constant 0 : i32
      %dma_start3A_157 = tpu.memref_slice %arg4[%add3A_131, %dma_start3A_156] : memref<163840x128xf32, #tpu.memory_space<hbm>> -> memref<320x128xf32, #tpu.memory_space<hbm>>
      %dma_start3A_158 = arith.constant 0 : i32
      %dma_start3A_159 = tpu.memref_slice %arg4[%add3A_131, %dma_start3A_158] : memref<163840x128xf32, #tpu.memory_space<hbm>> -> memref<320x128xf32, #tpu.memory_space<hbm>>
      tpu.enqueue_dma source(%arg8 : memref<320x128xf32, #tpu.memory_space<vmem>>) target(%dma_start3A_159 : memref<320x128xf32, #tpu.memory_space<hbm>>) target_semaphore(%arg11 : memref<!tpu.dma_semaphore, #tpu.memory_space<semaphore_mem>>)
    }
    %scan3A_9 = arith.constant 8 : i32
    %dma_wait3A = arith.constant 0 : i32
    %dma_wait3A_10 = arith.constant 0 : i32
    %dma_wait3A_11 = tpu.memref_slice %arg4[%dma_wait3A, %dma_wait3A_10] : memref<163840x128xf32, #tpu.memory_space<hbm>> -> memref<320x128xf32, #tpu.memory_space<hbm>>
    %dma_wait3A_12 = arith.constant 0 : i32
    %dma_wait3A_13 = arith.constant 0 : i32
    %dma_wait3A_14 = tpu.memref_slice %arg4[%dma_wait3A_12, %dma_wait3A_13] : memref<163840x128xf32, #tpu.memory_space<hbm>> -> memref<320x128xf32, #tpu.memory_space<hbm>>
    tpu.wait_dma2 semaphore(%arg10 : memref<!tpu.dma_semaphore, #tpu.memory_space<semaphore_mem>>) src(%dma_wait3A_14 : memref<320x128xf32, #tpu.memory_space<hbm>>) dst(%arg7 : memref<320x128xf32, #tpu.memory_space<vmem>>)
    %dma_wait3A_15 = arith.constant 0 : i32
    %dma_wait3A_16 = arith.constant 0 : i32
    %dma_wait3A_17 = tpu.memref_slice %arg4[%dma_wait3A_15, %dma_wait3A_16] : memref<163840x128xf32, #tpu.memory_space<hbm>> -> memref<320x128xf32, #tpu.memory_space<hbm>>
    %dma_wait3A_18 = arith.constant 0 : i32
    %dma_wait3A_19 = arith.constant 0 : i32
    %dma_wait3A_20 = tpu.memref_slice %arg4[%dma_wait3A_18, %dma_wait3A_19] : memref<163840x128xf32, #tpu.memory_space<hbm>> -> memref<320x128xf32, #tpu.memory_space<hbm>>
    tpu.wait_dma2 semaphore(%arg11 : memref<!tpu.dma_semaphore, #tpu.memory_space<semaphore_mem>>) src(%dma_wait3A_20 : memref<320x128xf32, #tpu.memory_space<hbm>>) dst(%arg8 : memref<320x128xf32, #tpu.memory_space<vmem>>)
    return
  }
}

#map = affine_map<(d0, d1) -> (0, 0)>
#map1 = affine_map<(d0, d1) -> (0)>
module attributes {stable_mosaic.version = 14 : i64} {
  func.func @k(%arg0: i32, %arg1: i32, %arg2: memref<10240x128xf32, #tpu.memory_space<hbm>>, %arg3: memref<10240x128xf32, #tpu.memory_space<hbm>>, %arg4: memref<10240xi32, #tpu.memory_space<hbm>>, %arg5: memref<163840xi32, #tpu.memory_space<hbm>>, %arg6: memref<163840xi32, #tpu.memory_space<hbm>>, %arg7: memref<163840x128xf32, #tpu.memory_space<hbm>>, %arg8: memref<163840x128xf32, #tpu.memory_space<hbm>>, %arg9: memref<163840xi32, #tpu.memory_space<hbm>>, %arg10: memref<160xi32, #tpu.memory_space<vmem>>, %arg11: memref<160xi32, #tpu.memory_space<vmem>>, %arg12: memref<160xi32, #tpu.memory_space<vmem>>, %arg13: memref<160xi32, #tpu.memory_space<vmem>>, %arg14: memref<160x128xf32, #tpu.memory_space<vmem>>, %arg15: memref<160x128xf32, #tpu.memory_space<vmem>>, %arg16: memref<160x128xf32, #tpu.memory_space<vmem>>, %arg17: memref<160x128xf32, #tpu.memory_space<vmem>>, %arg18: memref<160xi32, #tpu.memory_space<vmem>>, %arg19: memref<160xi32, #tpu.memory_space<vmem>>, %arg20: memref<!tpu.dma_semaphore, #tpu.memory_space<semaphore_mem>>, %arg21: memref<!tpu.dma_semaphore, #tpu.memory_space<semaphore_mem>>, %arg22: memref<!tpu.dma_semaphore, #tpu.memory_space<semaphore_mem>>) attributes {dimension_semantics = [#tpu.dimension_semantics<core_parallel>, #tpu.dimension_semantics<subcore_parallel>], iteration_bounds = array<i64: 2, 16>, scalar_prefetch = 0 : i64, scratch_operands = 13 : i64, tpu.core_type = #tpu.core_type<sc_vector_subcore>, window_params = [{transform_indices = #map}, {transform_indices = #map}, {transform_indices = #map1}, {transform_indices = #map1}, {transform_indices = #map1}, {transform_indices = #map}, {transform_indices = #map}, {transform_indices = #map1}]} {
    %mul3A = arith.constant 2 : i32
    %mul3A_0 = arith.muli %arg1, %mul3A : i32
    %add3A = arith.addi %mul3A_0, %arg0 : i32
    %mul3A_1 = arith.constant 32 : i32
    %mul3A_2 = arith.muli %add3A, %mul3A_1 : i32
    %mul3A_3 = arith.constant 160 : i32
    %mul3A_4 = arith.muli %mul3A_2, %mul3A_3 : i32
    %scan3A = arith.constant 0 : i32
    %scan3A_5 = arith.constant 0 : i32
    %scan3A_6 = arith.constant 16 : i32
    %scan3A_7 = arith.addi %scan3A_5, %scan3A_6 : i32
    %scan3A_8 = arith.constant 1 : i32
    scf.for %scan3A_41 = %scan3A_5 to %scan3A_7 step %scan3A_8  : i32 {
      %mul3A_42 = arith.constant 2 : i32
      %mul3A_43 = arith.muli %mul3A_42, %scan3A_41 : i32
      %add3A_44 = arith.constant 0 : i32
      %add3A_45 = arith.addi %mul3A_43, %add3A_44 : i32
      %mul3A_46 = arith.constant 160 : i32
      %mul3A_47 = arith.muli %add3A_45, %mul3A_46 : i32
      %add3A_48 = arith.addi %mul3A_4, %mul3A_47 : i32
      %gt3A = arith.constant 0 : i32
      %gt3A_49 = arith.cmpi sgt, %scan3A_41, %gt3A : i32
      %convert_element_type3A = arith.extui %gt3A_49 : i1 to i32
      %cond3A = arith.constant 0 : i32
      %cond3A_50 = arith.cmpi ne, %convert_element_type3A, %cond3A : i32
      scf.if %cond3A_50 {
        %dma_wait3A_272 = arith.constant 0 : i32
        %dma_wait3A_273 = arith.constant 0 : i32
        %dma_wait3A_274 = tpu.memref_slice %arg7[%dma_wait3A_272, %dma_wait3A_273] : memref<163840x128xf32, #tpu.memory_space<hbm>> -> memref<160x128xf32, #tpu.memory_space<hbm>>
        %dma_wait3A_275 = arith.constant 0 : i32
        %dma_wait3A_276 = arith.constant 0 : i32
        %dma_wait3A_277 = tpu.memref_slice %arg7[%dma_wait3A_275, %dma_wait3A_276] : memref<163840x128xf32, #tpu.memory_space<hbm>> -> memref<160x128xf32, #tpu.memory_space<hbm>>
        tpu.wait_dma2 semaphore(%arg21 : memref<!tpu.dma_semaphore, #tpu.memory_space<semaphore_mem>>) src(%dma_wait3A_277 : memref<160x128xf32, #tpu.memory_space<hbm>>) dst(%arg14 : memref<160x128xf32, #tpu.memory_space<vmem>>)
        %dma_wait3A_278 = arith.constant 0 : i32
        %dma_wait3A_279 = arith.constant 0 : i32
        %dma_wait3A_280 = tpu.memref_slice %arg8[%dma_wait3A_278, %dma_wait3A_279] : memref<163840x128xf32, #tpu.memory_space<hbm>> -> memref<160x128xf32, #tpu.memory_space<hbm>>
        %dma_wait3A_281 = arith.constant 0 : i32
        %dma_wait3A_282 = arith.constant 0 : i32
        %dma_wait3A_283 = tpu.memref_slice %arg8[%dma_wait3A_281, %dma_wait3A_282] : memref<163840x128xf32, #tpu.memory_space<hbm>> -> memref<160x128xf32, #tpu.memory_space<hbm>>
        tpu.wait_dma2 semaphore(%arg21 : memref<!tpu.dma_semaphore, #tpu.memory_space<semaphore_mem>>) src(%dma_wait3A_283 : memref<160x128xf32, #tpu.memory_space<hbm>>) dst(%arg16 : memref<160x128xf32, #tpu.memory_space<vmem>>)
        %dma_wait3A_284 = arith.constant 0 : i32
        %dma_wait3A_285 = tpu.memref_slice %arg9[%dma_wait3A_284] : memref<163840xi32, #tpu.memory_space<hbm>> -> memref<160xi32, #tpu.memory_space<hbm>>
        %dma_wait3A_286 = arith.constant 0 : i32
        %dma_wait3A_287 = tpu.memref_slice %arg9[%dma_wait3A_286] : memref<163840xi32, #tpu.memory_space<hbm>> -> memref<160xi32, #tpu.memory_space<hbm>>
        tpu.wait_dma2 semaphore(%arg21 : memref<!tpu.dma_semaphore, #tpu.memory_space<semaphore_mem>>) src(%dma_wait3A_287 : memref<160xi32, #tpu.memory_space<hbm>>) dst(%arg18 : memref<160xi32, #tpu.memory_space<vmem>>)
      } else {
      }
      "tpu.region"() ({
        %run_scoped3A = tpu.sem_alloc : memref<!tpu.dma_semaphore, #tpu.memory_space<semaphore_mem>>
        %dma_start3A_272 = tpu.memref_slice %arg5[%add3A_48] : memref<163840xi32, #tpu.memory_space<hbm>> -> memref<160xi32, #tpu.memory_space<hbm>>
        %dma_start3A_273 = tpu.memref_slice %arg5[%add3A_48] : memref<163840xi32, #tpu.memory_space<hbm>> -> memref<160xi32, #tpu.memory_space<hbm>>
        tpu.enqueue_dma source(%dma_start3A_273 : memref<160xi32, #tpu.memory_space<hbm>>) target(%arg10 : memref<160xi32, #tpu.memory_space<vmem>>) target_semaphore(%run_scoped3A : memref<!tpu.dma_semaphore, #tpu.memory_space<semaphore_mem>>)
        %dma_wait3A_274 = tpu.memref_slice %arg5[%add3A_48] : memref<163840xi32, #tpu.memory_space<hbm>> -> memref<160xi32, #tpu.memory_space<hbm>>
        %dma_wait3A_275 = tpu.memref_slice %arg5[%add3A_48] : memref<163840xi32, #tpu.memory_space<hbm>> -> memref<160xi32, #tpu.memory_space<hbm>>
        tpu.wait_dma2 semaphore(%run_scoped3A : memref<!tpu.dma_semaphore, #tpu.memory_space<semaphore_mem>>) src(%dma_wait3A_275 : memref<160xi32, #tpu.memory_space<hbm>>) dst(%arg10 : memref<160xi32, #tpu.memory_space<vmem>>)
        tpu.yield
      }) : () -> ()
      "tpu.region"() ({
        %run_scoped3A = tpu.sem_alloc : memref<!tpu.dma_semaphore, #tpu.memory_space<semaphore_mem>>
        %dma_start3A_272 = tpu.memref_slice %arg6[%add3A_48] : memref<163840xi32, #tpu.memory_space<hbm>> -> memref<160xi32, #tpu.memory_space<hbm>>
        %dma_start3A_273 = tpu.memref_slice %arg6[%add3A_48] : memref<163840xi32, #tpu.memory_space<hbm>> -> memref<160xi32, #tpu.memory_space<hbm>>
        tpu.enqueue_dma source(%dma_start3A_273 : memref<160xi32, #tpu.memory_space<hbm>>) target(%arg12 : memref<160xi32, #tpu.memory_space<vmem>>) target_semaphore(%run_scoped3A : memref<!tpu.dma_semaphore, #tpu.memory_space<semaphore_mem>>)
        %dma_wait3A_274 = tpu.memref_slice %arg6[%add3A_48] : memref<163840xi32, #tpu.memory_space<hbm>> -> memref<160xi32, #tpu.memory_space<hbm>>
        %dma_wait3A_275 = tpu.memref_slice %arg6[%add3A_48] : memref<163840xi32, #tpu.memory_space<hbm>> -> memref<160xi32, #tpu.memory_space<hbm>>
        tpu.wait_dma2 semaphore(%run_scoped3A : memref<!tpu.dma_semaphore, #tpu.memory_space<semaphore_mem>>) src(%dma_wait3A_275 : memref<160xi32, #tpu.memory_space<hbm>>) dst(%arg12 : memref<160xi32, #tpu.memory_space<vmem>>)
        tpu.yield
      }) : () -> ()
      %dma_start3A = arith.constant 0 : i32
      %dma_start3A_51 = arith.constant 0 : i32
      %dma_start3A_52 = tpu.memref_slice %arg14[%dma_start3A, %dma_start3A_51] : memref<160x128xf32, #tpu.memory_space<vmem>> -> memref<128x128xf32, #tpu.memory_space<vmem>>
      %dma_start3A_53 = arith.constant 0 : i32
      %dma_start3A_54 = tpu.memref_slice %arg10[%dma_start3A_53] : memref<160xi32, #tpu.memory_space<vmem>> -> memref<128xi32, #tpu.memory_space<vmem>>
      %dma_start3A_55 = arith.constant 0 : i32
      %dma_start3A_56 = arith.constant 0 : i32
      %dma_start3A_57 = tpu.memref_slice %arg2[%dma_start3A_55, %dma_start3A_56] : memref<10240x128xf32, #tpu.memory_space<hbm>> -> memref<10240x128xf32, #tpu.memory_space<hbm>>
      tpu.enqueue_indirect_dma source(%dma_start3A_57 : memref<10240x128xf32, #tpu.memory_space<hbm>>) target(%dma_start3A_52 : memref<128x128xf32, #tpu.memory_space<vmem>>) offsets(%dma_start3A_54 : memref<128xi32, #tpu.memory_space<vmem>>) semaphore(%arg20 : memref<!tpu.dma_semaphore, #tpu.memory_space<semaphore_mem>>)
      %dma_start3A_58 = arith.constant 0 : i32
      %dma_start3A_59 = arith.constant 0 : i32
      %dma_start3A_60 = tpu.memref_slice %arg16[%dma_start3A_58, %dma_start3A_59] : memref<160x128xf32, #tpu.memory_space<vmem>> -> memref<128x128xf32, #tpu.memory_space<vmem>>
      %dma_start3A_61 = arith.constant 0 : i32
      %dma_start3A_62 = tpu.memref_slice %arg10[%dma_start3A_61] : memref<160xi32, #tpu.memory_space<vmem>> -> memref<128xi32, #tpu.memory_space<vmem>>
      %dma_start3A_63 = arith.constant 0 : i32
      %dma_start3A_64 = arith.constant 0 : i32
      %dma_start3A_65 = tpu.memref_slice %arg3[%dma_start3A_63, %dma_start3A_64] : memref<10240x128xf32, #tpu.memory_space<hbm>> -> memref<10240x128xf32, #tpu.memory_space<hbm>>
      tpu.enqueue_indirect_dma source(%dma_start3A_65 : memref<10240x128xf32, #tpu.memory_space<hbm>>) target(%dma_start3A_60 : memref<128x128xf32, #tpu.memory_space<vmem>>) offsets(%dma_start3A_62 : memref<128xi32, #tpu.memory_space<vmem>>) semaphore(%arg20 : memref<!tpu.dma_semaphore, #tpu.memory_space<semaphore_mem>>)
      %dma_start3A_66 = arith.constant 0 : i32
      %dma_start3A_67 = tpu.memref_slice %arg18[%dma_start3A_66] : memref<160xi32, #tpu.memory_space<vmem>> -> memref<128xi32, #tpu.memory_space<vmem>>
      %dma_start3A_68 = arith.constant 0 : i32
      %dma_start3A_69 = tpu.memref_slice %arg12[%dma_start3A_68] : memref<160xi32, #tpu.memory_space<vmem>> -> memref<128xi32, #tpu.memory_space<vmem>>
      %dma_start3A_70 = arith.constant 0 : i32
      %dma_start3A_71 = tpu.memref_slice %arg4[%dma_start3A_70] : memref<10240xi32, #tpu.memory_space<hbm>> -> memref<10240xi32, #tpu.memory_space<hbm>>
      tpu.enqueue_indirect_dma source(%dma_start3A_71 : memref<10240xi32, #tpu.memory_space<hbm>>) target(%dma_start3A_67 : memref<128xi32, #tpu.memory_space<vmem>>) offsets(%dma_start3A_69 : memref<128xi32, #tpu.memory_space<vmem>>) semaphore(%arg20 : memref<!tpu.dma_semaphore, #tpu.memory_space<semaphore_mem>>)
      %dma_start3A_72 = arith.constant 128 : i32
      %dma_start3A_73 = arith.constant 0 : i32
      %dma_start3A_74 = tpu.memref_slice %arg14[%dma_start3A_72, %dma_start3A_73] : memref<160x128xf32, #tpu.memory_space<vmem>> -> memref<32x128xf32, #tpu.memory_space<vmem>>
      %dma_start3A_75 = arith.constant 128 : i32
      %dma_start3A_76 = tpu.memref_slice %arg10[%dma_start3A_75] : memref<160xi32, #tpu.memory_space<vmem>> -> memref<32xi32, #tpu.memory_space<vmem>>
      %dma_start3A_77 = arith.constant 0 : i32
      %dma_start3A_78 = arith.constant 0 : i32
      %dma_start3A_79 = tpu.memref_slice %arg2[%dma_start3A_77, %dma_start3A_78] : memref<10240x128xf32, #tpu.memory_space<hbm>> -> memref<10240x128xf32, #tpu.memory_space<hbm>>
      tpu.enqueue_indirect_dma source(%dma_start3A_79 : memref<10240x128xf32, #tpu.memory_space<hbm>>) target(%dma_start3A_74 : memref<32x128xf32, #tpu.memory_space<vmem>>) offsets(%dma_start3A_76 : memref<32xi32, #tpu.memory_space<vmem>>) semaphore(%arg20 : memref<!tpu.dma_semaphore, #tpu.memory_space<semaphore_mem>>)
      %dma_start3A_80 = arith.constant 128 : i32
      %dma_start3A_81 = arith.constant 0 : i32
      %dma_start3A_82 = tpu.memref_slice %arg16[%dma_start3A_80, %dma_start3A_81] : memref<160x128xf32, #tpu.memory_space<vmem>> -> memref<32x128xf32, #tpu.memory_space<vmem>>
      %dma_start3A_83 = arith.constant 128 : i32
      %dma_start3A_84 = tpu.memref_slice %arg10[%dma_start3A_83] : memref<160xi32, #tpu.memory_space<vmem>> -> memref<32xi32, #tpu.memory_space<vmem>>
      %dma_start3A_85 = arith.constant 0 : i32
      %dma_start3A_86 = arith.constant 0 : i32
      %dma_start3A_87 = tpu.memref_slice %arg3[%dma_start3A_85, %dma_start3A_86] : memref<10240x128xf32, #tpu.memory_space<hbm>> -> memref<10240x128xf32, #tpu.memory_space<hbm>>
      tpu.enqueue_indirect_dma source(%dma_start3A_87 : memref<10240x128xf32, #tpu.memory_space<hbm>>) target(%dma_start3A_82 : memref<32x128xf32, #tpu.memory_space<vmem>>) offsets(%dma_start3A_84 : memref<32xi32, #tpu.memory_space<vmem>>) semaphore(%arg20 : memref<!tpu.dma_semaphore, #tpu.memory_space<semaphore_mem>>)
      %dma_start3A_88 = arith.constant 128 : i32
      %dma_start3A_89 = tpu.memref_slice %arg18[%dma_start3A_88] : memref<160xi32, #tpu.memory_space<vmem>> -> memref<32xi32, #tpu.memory_space<vmem>>
      %dma_start3A_90 = arith.constant 128 : i32
      %dma_start3A_91 = tpu.memref_slice %arg12[%dma_start3A_90] : memref<160xi32, #tpu.memory_space<vmem>> -> memref<32xi32, #tpu.memory_space<vmem>>
      %dma_start3A_92 = arith.constant 0 : i32
      %dma_start3A_93 = tpu.memref_slice %arg4[%dma_start3A_92] : memref<10240xi32, #tpu.memory_space<hbm>> -> memref<10240xi32, #tpu.memory_space<hbm>>
      tpu.enqueue_indirect_dma source(%dma_start3A_93 : memref<10240xi32, #tpu.memory_space<hbm>>) target(%dma_start3A_89 : memref<32xi32, #tpu.memory_space<vmem>>) offsets(%dma_start3A_91 : memref<32xi32, #tpu.memory_space<vmem>>) semaphore(%arg20 : memref<!tpu.dma_semaphore, #tpu.memory_space<semaphore_mem>>)
      %mul3A_94 = arith.constant 2 : i32
      %mul3A_95 = arith.muli %mul3A_94, %scan3A_41 : i32
      %add3A_96 = arith.constant 1 : i32
      %add3A_97 = arith.addi %mul3A_95, %add3A_96 : i32
      %mul3A_98 = arith.constant 160 : i32
      %mul3A_99 = arith.muli %add3A_97, %mul3A_98 : i32
      %add3A_100 = arith.addi %mul3A_4, %mul3A_99 : i32
      %gt3A_101 = arith.constant 0 : i32
      %gt3A_102 = arith.cmpi sgt, %scan3A_41, %gt3A_101 : i32
      %convert_element_type3A_103 = arith.extui %gt3A_102 : i1 to i32
      %cond3A_104 = arith.constant 0 : i32
      %cond3A_105 = arith.cmpi ne, %convert_element_type3A_103, %cond3A_104 : i32
      scf.if %cond3A_105 {
        %dma_wait3A_272 = arith.constant 0 : i32
        %dma_wait3A_273 = arith.constant 0 : i32
        %dma_wait3A_274 = tpu.memref_slice %arg7[%dma_wait3A_272, %dma_wait3A_273] : memref<163840x128xf32, #tpu.memory_space<hbm>> -> memref<160x128xf32, #tpu.memory_space<hbm>>
        %dma_wait3A_275 = arith.constant 0 : i32
        %dma_wait3A_276 = arith.constant 0 : i32
        %dma_wait3A_277 = tpu.memref_slice %arg7[%dma_wait3A_275, %dma_wait3A_276] : memref<163840x128xf32, #tpu.memory_space<hbm>> -> memref<160x128xf32, #tpu.memory_space<hbm>>
        tpu.wait_dma2 semaphore(%arg22 : memref<!tpu.dma_semaphore, #tpu.memory_space<semaphore_mem>>) src(%dma_wait3A_277 : memref<160x128xf32, #tpu.memory_space<hbm>>) dst(%arg15 : memref<160x128xf32, #tpu.memory_space<vmem>>)
        %dma_wait3A_278 = arith.constant 0 : i32
        %dma_wait3A_279 = arith.constant 0 : i32
        %dma_wait3A_280 = tpu.memref_slice %arg8[%dma_wait3A_278, %dma_wait3A_279] : memref<163840x128xf32, #tpu.memory_space<hbm>> -> memref<160x128xf32, #tpu.memory_space<hbm>>
        %dma_wait3A_281 = arith.constant 0 : i32
        %dma_wait3A_282 = arith.constant 0 : i32
        %dma_wait3A_283 = tpu.memref_slice %arg8[%dma_wait3A_281, %dma_wait3A_282] : memref<163840x128xf32, #tpu.memory_space<hbm>> -> memref<160x128xf32, #tpu.memory_space<hbm>>
        tpu.wait_dma2 semaphore(%arg22 : memref<!tpu.dma_semaphore, #tpu.memory_space<semaphore_mem>>) src(%dma_wait3A_283 : memref<160x128xf32, #tpu.memory_space<hbm>>) dst(%arg17 : memref<160x128xf32, #tpu.memory_space<vmem>>)
        %dma_wait3A_284 = arith.constant 0 : i32
        %dma_wait3A_285 = tpu.memref_slice %arg9[%dma_wait3A_284] : memref<163840xi32, #tpu.memory_space<hbm>> -> memref<160xi32, #tpu.memory_space<hbm>>
        %dma_wait3A_286 = arith.constant 0 : i32
        %dma_wait3A_287 = tpu.memref_slice %arg9[%dma_wait3A_286] : memref<163840xi32, #tpu.memory_space<hbm>> -> memref<160xi32, #tpu.memory_space<hbm>>
        tpu.wait_dma2 semaphore(%arg22 : memref<!tpu.dma_semaphore, #tpu.memory_space<semaphore_mem>>) src(%dma_wait3A_287 : memref<160xi32, #tpu.memory_space<hbm>>) dst(%arg19 : memref<160xi32, #tpu.memory_space<vmem>>)
      } else {
      }
      "tpu.region"() ({
        %run_scoped3A = tpu.sem_alloc : memref<!tpu.dma_semaphore, #tpu.memory_space<semaphore_mem>>
        %dma_start3A_272 = tpu.memref_slice %arg5[%add3A_100] : memref<163840xi32, #tpu.memory_space<hbm>> -> memref<160xi32, #tpu.memory_space<hbm>>
        %dma_start3A_273 = tpu.memref_slice %arg5[%add3A_100] : memref<163840xi32, #tpu.memory_space<hbm>> -> memref<160xi32, #tpu.memory_space<hbm>>
        tpu.enqueue_dma source(%dma_start3A_273 : memref<160xi32, #tpu.memory_space<hbm>>) target(%arg11 : memref<160xi32, #tpu.memory_space<vmem>>) target_semaphore(%run_scoped3A : memref<!tpu.dma_semaphore, #tpu.memory_space<semaphore_mem>>)
        %dma_wait3A_274 = tpu.memref_slice %arg5[%add3A_100] : memref<163840xi32, #tpu.memory_space<hbm>> -> memref<160xi32, #tpu.memory_space<hbm>>
        %dma_wait3A_275 = tpu.memref_slice %arg5[%add3A_100] : memref<163840xi32, #tpu.memory_space<hbm>> -> memref<160xi32, #tpu.memory_space<hbm>>
        tpu.wait_dma2 semaphore(%run_scoped3A : memref<!tpu.dma_semaphore, #tpu.memory_space<semaphore_mem>>) src(%dma_wait3A_275 : memref<160xi32, #tpu.memory_space<hbm>>) dst(%arg11 : memref<160xi32, #tpu.memory_space<vmem>>)
        tpu.yield
      }) : () -> ()
      "tpu.region"() ({
        %run_scoped3A = tpu.sem_alloc : memref<!tpu.dma_semaphore, #tpu.memory_space<semaphore_mem>>
        %dma_start3A_272 = tpu.memref_slice %arg6[%add3A_100] : memref<163840xi32, #tpu.memory_space<hbm>> -> memref<160xi32, #tpu.memory_space<hbm>>
        %dma_start3A_273 = tpu.memref_slice %arg6[%add3A_100] : memref<163840xi32, #tpu.memory_space<hbm>> -> memref<160xi32, #tpu.memory_space<hbm>>
        tpu.enqueue_dma source(%dma_start3A_273 : memref<160xi32, #tpu.memory_space<hbm>>) target(%arg13 : memref<160xi32, #tpu.memory_space<vmem>>) target_semaphore(%run_scoped3A : memref<!tpu.dma_semaphore, #tpu.memory_space<semaphore_mem>>)
        %dma_wait3A_274 = tpu.memref_slice %arg6[%add3A_100] : memref<163840xi32, #tpu.memory_space<hbm>> -> memref<160xi32, #tpu.memory_space<hbm>>
        %dma_wait3A_275 = tpu.memref_slice %arg6[%add3A_100] : memref<163840xi32, #tpu.memory_space<hbm>> -> memref<160xi32, #tpu.memory_space<hbm>>
        tpu.wait_dma2 semaphore(%run_scoped3A : memref<!tpu.dma_semaphore, #tpu.memory_space<semaphore_mem>>) src(%dma_wait3A_275 : memref<160xi32, #tpu.memory_space<hbm>>) dst(%arg13 : memref<160xi32, #tpu.memory_space<vmem>>)
        tpu.yield
      }) : () -> ()
      %dma_start3A_106 = arith.constant 0 : i32
      %dma_start3A_107 = arith.constant 0 : i32
      %dma_start3A_108 = tpu.memref_slice %arg15[%dma_start3A_106, %dma_start3A_107] : memref<160x128xf32, #tpu.memory_space<vmem>> -> memref<128x128xf32, #tpu.memory_space<vmem>>
      %dma_start3A_109 = arith.constant 0 : i32
      %dma_start3A_110 = tpu.memref_slice %arg11[%dma_start3A_109] : memref<160xi32, #tpu.memory_space<vmem>> -> memref<128xi32, #tpu.memory_space<vmem>>
      %dma_start3A_111 = arith.constant 0 : i32
      %dma_start3A_112 = arith.constant 0 : i32
      %dma_start3A_113 = tpu.memref_slice %arg2[%dma_start3A_111, %dma_start3A_112] : memref<10240x128xf32, #tpu.memory_space<hbm>> -> memref<10240x128xf32, #tpu.memory_space<hbm>>
      tpu.enqueue_indirect_dma source(%dma_start3A_113 : memref<10240x128xf32, #tpu.memory_space<hbm>>) target(%dma_start3A_108 : memref<128x128xf32, #tpu.memory_space<vmem>>) offsets(%dma_start3A_110 : memref<128xi32, #tpu.memory_space<vmem>>) semaphore(%arg20 : memref<!tpu.dma_semaphore, #tpu.memory_space<semaphore_mem>>)
      %dma_start3A_114 = arith.constant 0 : i32
      %dma_start3A_115 = arith.constant 0 : i32
      %dma_start3A_116 = tpu.memref_slice %arg17[%dma_start3A_114, %dma_start3A_115] : memref<160x128xf32, #tpu.memory_space<vmem>> -> memref<128x128xf32, #tpu.memory_space<vmem>>
      %dma_start3A_117 = arith.constant 0 : i32
      %dma_start3A_118 = tpu.memref_slice %arg11[%dma_start3A_117] : memref<160xi32, #tpu.memory_space<vmem>> -> memref<128xi32, #tpu.memory_space<vmem>>
      %dma_start3A_119 = arith.constant 0 : i32
      %dma_start3A_120 = arith.constant 0 : i32
      %dma_start3A_121 = tpu.memref_slice %arg3[%dma_start3A_119, %dma_start3A_120] : memref<10240x128xf32, #tpu.memory_space<hbm>> -> memref<10240x128xf32, #tpu.memory_space<hbm>>
      tpu.enqueue_indirect_dma source(%dma_start3A_121 : memref<10240x128xf32, #tpu.memory_space<hbm>>) target(%dma_start3A_116 : memref<128x128xf32, #tpu.memory_space<vmem>>) offsets(%dma_start3A_118 : memref<128xi32, #tpu.memory_space<vmem>>) semaphore(%arg20 : memref<!tpu.dma_semaphore, #tpu.memory_space<semaphore_mem>>)
      %dma_start3A_122 = arith.constant 0 : i32
      %dma_start3A_123 = tpu.memref_slice %arg19[%dma_start3A_122] : memref<160xi32, #tpu.memory_space<vmem>> -> memref<128xi32, #tpu.memory_space<vmem>>
      %dma_start3A_124 = arith.constant 0 : i32
      %dma_start3A_125 = tpu.memref_slice %arg13[%dma_start3A_124] : memref<160xi32, #tpu.memory_space<vmem>> -> memref<128xi32, #tpu.memory_space<vmem>>
      %dma_start3A_126 = arith.constant 0 : i32
      %dma_start3A_127 = tpu.memref_slice %arg4[%dma_start3A_126] : memref<10240xi32, #tpu.memory_space<hbm>> -> memref<10240xi32, #tpu.memory_space<hbm>>
      tpu.enqueue_indirect_dma source(%dma_start3A_127 : memref<10240xi32, #tpu.memory_space<hbm>>) target(%dma_start3A_123 : memref<128xi32, #tpu.memory_space<vmem>>) offsets(%dma_start3A_125 : memref<128xi32, #tpu.memory_space<vmem>>) semaphore(%arg20 : memref<!tpu.dma_semaphore, #tpu.memory_space<semaphore_mem>>)
      %dma_start3A_128 = arith.constant 128 : i32
      %dma_start3A_129 = arith.constant 0 : i32
      %dma_start3A_130 = tpu.memref_slice %arg15[%dma_start3A_128, %dma_start3A_129] : memref<160x128xf32, #tpu.memory_space<vmem>> -> memref<32x128xf32, #tpu.memory_space<vmem>>
      %dma_start3A_131 = arith.constant 128 : i32
      %dma_start3A_132 = tpu.memref_slice %arg11[%dma_start3A_131] : memref<160xi32, #tpu.memory_space<vmem>> -> memref<32xi32, #tpu.memory_space<vmem>>
      %dma_start3A_133 = arith.constant 0 : i32
      %dma_start3A_134 = arith.constant 0 : i32
      %dma_start3A_135 = tpu.memref_slice %arg2[%dma_start3A_133, %dma_start3A_134] : memref<10240x128xf32, #tpu.memory_space<hbm>> -> memref<10240x128xf32, #tpu.memory_space<hbm>>
      tpu.enqueue_indirect_dma source(%dma_start3A_135 : memref<10240x128xf32, #tpu.memory_space<hbm>>) target(%dma_start3A_130 : memref<32x128xf32, #tpu.memory_space<vmem>>) offsets(%dma_start3A_132 : memref<32xi32, #tpu.memory_space<vmem>>) semaphore(%arg20 : memref<!tpu.dma_semaphore, #tpu.memory_space<semaphore_mem>>)
      %dma_start3A_136 = arith.constant 128 : i32
      %dma_start3A_137 = arith.constant 0 : i32
      %dma_start3A_138 = tpu.memref_slice %arg17[%dma_start3A_136, %dma_start3A_137] : memref<160x128xf32, #tpu.memory_space<vmem>> -> memref<32x128xf32, #tpu.memory_space<vmem>>
      %dma_start3A_139 = arith.constant 128 : i32
      %dma_start3A_140 = tpu.memref_slice %arg11[%dma_start3A_139] : memref<160xi32, #tpu.memory_space<vmem>> -> memref<32xi32, #tpu.memory_space<vmem>>
      %dma_start3A_141 = arith.constant 0 : i32
      %dma_start3A_142 = arith.constant 0 : i32
      %dma_start3A_143 = tpu.memref_slice %arg3[%dma_start3A_141, %dma_start3A_142] : memref<10240x128xf32, #tpu.memory_space<hbm>> -> memref<10240x128xf32, #tpu.memory_space<hbm>>
      tpu.enqueue_indirect_dma source(%dma_start3A_143 : memref<10240x128xf32, #tpu.memory_space<hbm>>) target(%dma_start3A_138 : memref<32x128xf32, #tpu.memory_space<vmem>>) offsets(%dma_start3A_140 : memref<32xi32, #tpu.memory_space<vmem>>) semaphore(%arg20 : memref<!tpu.dma_semaphore, #tpu.memory_space<semaphore_mem>>)
      %dma_start3A_144 = arith.constant 128 : i32
      %dma_start3A_145 = tpu.memref_slice %arg19[%dma_start3A_144] : memref<160xi32, #tpu.memory_space<vmem>> -> memref<32xi32, #tpu.memory_space<vmem>>
      %dma_start3A_146 = arith.constant 128 : i32
      %dma_start3A_147 = tpu.memref_slice %arg13[%dma_start3A_146] : memref<160xi32, #tpu.memory_space<vmem>> -> memref<32xi32, #tpu.memory_space<vmem>>
      %dma_start3A_148 = arith.constant 0 : i32
      %dma_start3A_149 = tpu.memref_slice %arg4[%dma_start3A_148] : memref<10240xi32, #tpu.memory_space<hbm>> -> memref<10240xi32, #tpu.memory_space<hbm>>
      tpu.enqueue_indirect_dma source(%dma_start3A_149 : memref<10240xi32, #tpu.memory_space<hbm>>) target(%dma_start3A_145 : memref<32xi32, #tpu.memory_space<vmem>>) offsets(%dma_start3A_147 : memref<32xi32, #tpu.memory_space<vmem>>) semaphore(%arg20 : memref<!tpu.dma_semaphore, #tpu.memory_space<semaphore_mem>>)
      %mul3A_150 = arith.constant 2 : i32
      %mul3A_151 = arith.muli %mul3A_150, %scan3A_41 : i32
      %add3A_152 = arith.constant 0 : i32
      %add3A_153 = arith.addi %mul3A_151, %add3A_152 : i32
      %mul3A_154 = arith.constant 160 : i32
      %mul3A_155 = arith.muli %add3A_153, %mul3A_154 : i32
      %add3A_156 = arith.addi %mul3A_4, %mul3A_155 : i32
      %dma_wait3A_157 = arith.constant 0 : i32
      %dma_wait3A_158 = arith.constant 0 : i32
      %dma_wait3A_159 = tpu.memref_slice %arg14[%dma_wait3A_157, %dma_wait3A_158] : memref<160x128xf32, #tpu.memory_space<vmem>> -> memref<128x128xf32, #tpu.memory_space<vmem>>
      %dma_wait3A_160 = arith.constant 0 : i32
      %dma_wait3A_161 = tpu.memref_slice %arg10[%dma_wait3A_160] : memref<160xi32, #tpu.memory_space<vmem>> -> memref<128xi32, #tpu.memory_space<vmem>>
      %dma_wait3A_162 = arith.constant 0 : i32
      %dma_wait3A_163 = arith.constant 0 : i32
      %dma_wait3A_164 = tpu.memref_slice %arg2[%dma_wait3A_162, %dma_wait3A_163] : memref<10240x128xf32, #tpu.memory_space<hbm>> -> memref<10240x128xf32, #tpu.memory_space<hbm>>
      tpu.wait_indirect_dma semaphore(%arg20 : memref<!tpu.dma_semaphore, #tpu.memory_space<semaphore_mem>>) src(%dma_wait3A_164 : memref<10240x128xf32, #tpu.memory_space<hbm>>) dst(%dma_wait3A_159 : memref<128x128xf32, #tpu.memory_space<vmem>>)
      %dma_wait3A_165 = arith.constant 0 : i32
      %dma_wait3A_166 = arith.constant 0 : i32
      %dma_wait3A_167 = tpu.memref_slice %arg16[%dma_wait3A_165, %dma_wait3A_166] : memref<160x128xf32, #tpu.memory_space<vmem>> -> memref<128x128xf32, #tpu.memory_space<vmem>>
      %dma_wait3A_168 = arith.constant 0 : i32
      %dma_wait3A_169 = tpu.memref_slice %arg10[%dma_wait3A_168] : memref<160xi32, #tpu.memory_space<vmem>> -> memref<128xi32, #tpu.memory_space<vmem>>
      %dma_wait3A_170 = arith.constant 0 : i32
      %dma_wait3A_171 = arith.constant 0 : i32
      %dma_wait3A_172 = tpu.memref_slice %arg3[%dma_wait3A_170, %dma_wait3A_171] : memref<10240x128xf32, #tpu.memory_space<hbm>> -> memref<10240x128xf32, #tpu.memory_space<hbm>>
      tpu.wait_indirect_dma semaphore(%arg20 : memref<!tpu.dma_semaphore, #tpu.memory_space<semaphore_mem>>) src(%dma_wait3A_172 : memref<10240x128xf32, #tpu.memory_space<hbm>>) dst(%dma_wait3A_167 : memref<128x128xf32, #tpu.memory_space<vmem>>)
      %dma_wait3A_173 = arith.constant 0 : i32
      %dma_wait3A_174 = tpu.memref_slice %arg18[%dma_wait3A_173] : memref<160xi32, #tpu.memory_space<vmem>> -> memref<128xi32, #tpu.memory_space<vmem>>
      %dma_wait3A_175 = arith.constant 0 : i32
      %dma_wait3A_176 = tpu.memref_slice %arg12[%dma_wait3A_175] : memref<160xi32, #tpu.memory_space<vmem>> -> memref<128xi32, #tpu.memory_space<vmem>>
      %dma_wait3A_177 = arith.constant 0 : i32
      %dma_wait3A_178 = tpu.memref_slice %arg4[%dma_wait3A_177] : memref<10240xi32, #tpu.memory_space<hbm>> -> memref<10240xi32, #tpu.memory_space<hbm>>
      tpu.wait_indirect_dma semaphore(%arg20 : memref<!tpu.dma_semaphore, #tpu.memory_space<semaphore_mem>>) src(%dma_wait3A_178 : memref<10240xi32, #tpu.memory_space<hbm>>) dst(%dma_wait3A_174 : memref<128xi32, #tpu.memory_space<vmem>>)
      %dma_wait3A_179 = arith.constant 128 : i32
      %dma_wait3A_180 = arith.constant 0 : i32
      %dma_wait3A_181 = tpu.memref_slice %arg14[%dma_wait3A_179, %dma_wait3A_180] : memref<160x128xf32, #tpu.memory_space<vmem>> -> memref<32x128xf32, #tpu.memory_space<vmem>>
      %dma_wait3A_182 = arith.constant 128 : i32
      %dma_wait3A_183 = tpu.memref_slice %arg10[%dma_wait3A_182] : memref<160xi32, #tpu.memory_space<vmem>> -> memref<32xi32, #tpu.memory_space<vmem>>
      %dma_wait3A_184 = arith.constant 0 : i32
      %dma_wait3A_185 = arith.constant 0 : i32
      %dma_wait3A_186 = tpu.memref_slice %arg2[%dma_wait3A_184, %dma_wait3A_185] : memref<10240x128xf32, #tpu.memory_space<hbm>> -> memref<10240x128xf32, #tpu.memory_space<hbm>>
      tpu.wait_indirect_dma semaphore(%arg20 : memref<!tpu.dma_semaphore, #tpu.memory_space<semaphore_mem>>) src(%dma_wait3A_186 : memref<10240x128xf32, #tpu.memory_space<hbm>>) dst(%dma_wait3A_181 : memref<32x128xf32, #tpu.memory_space<vmem>>)
      %dma_wait3A_187 = arith.constant 128 : i32
      %dma_wait3A_188 = arith.constant 0 : i32
      %dma_wait3A_189 = tpu.memref_slice %arg16[%dma_wait3A_187, %dma_wait3A_188] : memref<160x128xf32, #tpu.memory_space<vmem>> -> memref<32x128xf32, #tpu.memory_space<vmem>>
      %dma_wait3A_190 = arith.constant 128 : i32
      %dma_wait3A_191 = tpu.memref_slice %arg10[%dma_wait3A_190] : memref<160xi32, #tpu.memory_space<vmem>> -> memref<32xi32, #tpu.memory_space<vmem>>
      %dma_wait3A_192 = arith.constant 0 : i32
      %dma_wait3A_193 = arith.constant 0 : i32
      %dma_wait3A_194 = tpu.memref_slice %arg3[%dma_wait3A_192, %dma_wait3A_193] : memref<10240x128xf32, #tpu.memory_space<hbm>> -> memref<10240x128xf32, #tpu.memory_space<hbm>>
      tpu.wait_indirect_dma semaphore(%arg20 : memref<!tpu.dma_semaphore, #tpu.memory_space<semaphore_mem>>) src(%dma_wait3A_194 : memref<10240x128xf32, #tpu.memory_space<hbm>>) dst(%dma_wait3A_189 : memref<32x128xf32, #tpu.memory_space<vmem>>)
      %dma_wait3A_195 = arith.constant 128 : i32
      %dma_wait3A_196 = tpu.memref_slice %arg18[%dma_wait3A_195] : memref<160xi32, #tpu.memory_space<vmem>> -> memref<32xi32, #tpu.memory_space<vmem>>
      %dma_wait3A_197 = arith.constant 128 : i32
      %dma_wait3A_198 = tpu.memref_slice %arg12[%dma_wait3A_197] : memref<160xi32, #tpu.memory_space<vmem>> -> memref<32xi32, #tpu.memory_space<vmem>>
      %dma_wait3A_199 = arith.constant 0 : i32
      %dma_wait3A_200 = tpu.memref_slice %arg4[%dma_wait3A_199] : memref<10240xi32, #tpu.memory_space<hbm>> -> memref<10240xi32, #tpu.memory_space<hbm>>
      tpu.wait_indirect_dma semaphore(%arg20 : memref<!tpu.dma_semaphore, #tpu.memory_space<semaphore_mem>>) src(%dma_wait3A_200 : memref<10240xi32, #tpu.memory_space<hbm>>) dst(%dma_wait3A_196 : memref<32xi32, #tpu.memory_space<vmem>>)
      %dma_start3A_201 = arith.constant 0 : i32
      %dma_start3A_202 = tpu.memref_slice %arg7[%add3A_156, %dma_start3A_201] : memref<163840x128xf32, #tpu.memory_space<hbm>> -> memref<160x128xf32, #tpu.memory_space<hbm>>
      %dma_start3A_203 = arith.constant 0 : i32
      %dma_start3A_204 = tpu.memref_slice %arg7[%add3A_156, %dma_start3A_203] : memref<163840x128xf32, #tpu.memory_space<hbm>> -> memref<160x128xf32, #tpu.memory_space<hbm>>
      tpu.enqueue_dma source(%arg14 : memref<160x128xf32, #tpu.memory_space<vmem>>) target(%dma_start3A_204 : memref<160x128xf32, #tpu.memory_space<hbm>>) target_semaphore(%arg21 : memref<!tpu.dma_semaphore, #tpu.memory_space<semaphore_mem>>)
      %dma_start3A_205 = arith.constant 0 : i32
      %dma_start3A_206 = tpu.memref_slice %arg8[%add3A_156, %dma_start3A_205] : memref<163840x128xf32, #tpu.memory_space<hbm>> -> memref<160x128xf32, #tpu.memory_space<hbm>>
      %dma_start3A_207 = arith.constant 0 : i32
      %dma_start3A_208 = tpu.memref_slice %arg8[%add3A_156, %dma_start3A_207] : memref<163840x128xf32, #tpu.memory_space<hbm>> -> memref<160x128xf32, #tpu.memory_space<hbm>>
      tpu.enqueue_dma source(%arg16 : memref<160x128xf32, #tpu.memory_space<vmem>>) target(%dma_start3A_208 : memref<160x128xf32, #tpu.memory_space<hbm>>) target_semaphore(%arg21 : memref<!tpu.dma_semaphore, #tpu.memory_space<semaphore_mem>>)
      %dma_start3A_209 = tpu.memref_slice %arg9[%add3A_156] : memref<163840xi32, #tpu.memory_space<hbm>> -> memref<160xi32, #tpu.memory_space<hbm>>
      %dma_start3A_210 = tpu.memref_slice %arg9[%add3A_156] : memref<163840xi32, #tpu.memory_space<hbm>> -> memref<160xi32, #tpu.memory_space<hbm>>
      tpu.enqueue_dma source(%arg18 : memref<160xi32, #tpu.memory_space<vmem>>) target(%dma_start3A_210 : memref<160xi32, #tpu.memory_space<hbm>>) target_semaphore(%arg21 : memref<!tpu.dma_semaphore, #tpu.memory_space<semaphore_mem>>)
      %mul3A_211 = arith.constant 2 : i32
      %mul3A_212 = arith.muli %mul3A_211, %scan3A_41 : i32
      %add3A_213 = arith.constant 1 : i32
      %add3A_214 = arith.addi %mul3A_212, %add3A_213 : i32
      %mul3A_215 = arith.constant 160 : i32
      %mul3A_216 = arith.muli %add3A_214, %mul3A_215 : i32
      %add3A_217 = arith.addi %mul3A_4, %mul3A_216 : i32
      %dma_wait3A_218 = arith.constant 0 : i32
      %dma_wait3A_219 = arith.constant 0 : i32
      %dma_wait3A_220 = tpu.memref_slice %arg15[%dma_wait3A_218, %dma_wait3A_219] : memref<160x128xf32, #tpu.memory_space<vmem>> -> memref<128x128xf32, #tpu.memory_space<vmem>>
      %dma_wait3A_221 = arith.constant 0 : i32
      %dma_wait3A_222 = tpu.memref_slice %arg11[%dma_wait3A_221] : memref<160xi32, #tpu.memory_space<vmem>> -> memref<128xi32, #tpu.memory_space<vmem>>
      %dma_wait3A_223 = arith.constant 0 : i32
      %dma_wait3A_224 = arith.constant 0 : i32
      %dma_wait3A_225 = tpu.memref_slice %arg2[%dma_wait3A_223, %dma_wait3A_224] : memref<10240x128xf32, #tpu.memory_space<hbm>> -> memref<10240x128xf32, #tpu.memory_space<hbm>>
      tpu.wait_indirect_dma semaphore(%arg20 : memref<!tpu.dma_semaphore, #tpu.memory_space<semaphore_mem>>) src(%dma_wait3A_225 : memref<10240x128xf32, #tpu.memory_space<hbm>>) dst(%dma_wait3A_220 : memref<128x128xf32, #tpu.memory_space<vmem>>)
      %dma_wait3A_226 = arith.constant 0 : i32
      %dma_wait3A_227 = arith.constant 0 : i32
      %dma_wait3A_228 = tpu.memref_slice %arg17[%dma_wait3A_226, %dma_wait3A_227] : memref<160x128xf32, #tpu.memory_space<vmem>> -> memref<128x128xf32, #tpu.memory_space<vmem>>
      %dma_wait3A_229 = arith.constant 0 : i32
      %dma_wait3A_230 = tpu.memref_slice %arg11[%dma_wait3A_229] : memref<160xi32, #tpu.memory_space<vmem>> -> memref<128xi32, #tpu.memory_space<vmem>>
      %dma_wait3A_231 = arith.constant 0 : i32
      %dma_wait3A_232 = arith.constant 0 : i32
      %dma_wait3A_233 = tpu.memref_slice %arg3[%dma_wait3A_231, %dma_wait3A_232] : memref<10240x128xf32, #tpu.memory_space<hbm>> -> memref<10240x128xf32, #tpu.memory_space<hbm>>
      tpu.wait_indirect_dma semaphore(%arg20 : memref<!tpu.dma_semaphore, #tpu.memory_space<semaphore_mem>>) src(%dma_wait3A_233 : memref<10240x128xf32, #tpu.memory_space<hbm>>) dst(%dma_wait3A_228 : memref<128x128xf32, #tpu.memory_space<vmem>>)
      %dma_wait3A_234 = arith.constant 0 : i32
      %dma_wait3A_235 = tpu.memref_slice %arg19[%dma_wait3A_234] : memref<160xi32, #tpu.memory_space<vmem>> -> memref<128xi32, #tpu.memory_space<vmem>>
      %dma_wait3A_236 = arith.constant 0 : i32
      %dma_wait3A_237 = tpu.memref_slice %arg13[%dma_wait3A_236] : memref<160xi32, #tpu.memory_space<vmem>> -> memref<128xi32, #tpu.memory_space<vmem>>
      %dma_wait3A_238 = arith.constant 0 : i32
      %dma_wait3A_239 = tpu.memref_slice %arg4[%dma_wait3A_238] : memref<10240xi32, #tpu.memory_space<hbm>> -> memref<10240xi32, #tpu.memory_space<hbm>>
      tpu.wait_indirect_dma semaphore(%arg20 : memref<!tpu.dma_semaphore, #tpu.memory_space<semaphore_mem>>) src(%dma_wait3A_239 : memref<10240xi32, #tpu.memory_space<hbm>>) dst(%dma_wait3A_235 : memref<128xi32, #tpu.memory_space<vmem>>)
      %dma_wait3A_240 = arith.constant 128 : i32
      %dma_wait3A_241 = arith.constant 0 : i32
      %dma_wait3A_242 = tpu.memref_slice %arg15[%dma_wait3A_240, %dma_wait3A_241] : memref<160x128xf32, #tpu.memory_space<vmem>> -> memref<32x128xf32, #tpu.memory_space<vmem>>
      %dma_wait3A_243 = arith.constant 128 : i32
      %dma_wait3A_244 = tpu.memref_slice %arg11[%dma_wait3A_243] : memref<160xi32, #tpu.memory_space<vmem>> -> memref<32xi32, #tpu.memory_space<vmem>>
      %dma_wait3A_245 = arith.constant 0 : i32
      %dma_wait3A_246 = arith.constant 0 : i32
      %dma_wait3A_247 = tpu.memref_slice %arg2[%dma_wait3A_245, %dma_wait3A_246] : memref<10240x128xf32, #tpu.memory_space<hbm>> -> memref<10240x128xf32, #tpu.memory_space<hbm>>
      tpu.wait_indirect_dma semaphore(%arg20 : memref<!tpu.dma_semaphore, #tpu.memory_space<semaphore_mem>>) src(%dma_wait3A_247 : memref<10240x128xf32, #tpu.memory_space<hbm>>) dst(%dma_wait3A_242 : memref<32x128xf32, #tpu.memory_space<vmem>>)
      %dma_wait3A_248 = arith.constant 128 : i32
      %dma_wait3A_249 = arith.constant 0 : i32
      %dma_wait3A_250 = tpu.memref_slice %arg17[%dma_wait3A_248, %dma_wait3A_249] : memref<160x128xf32, #tpu.memory_space<vmem>> -> memref<32x128xf32, #tpu.memory_space<vmem>>
      %dma_wait3A_251 = arith.constant 128 : i32
      %dma_wait3A_252 = tpu.memref_slice %arg11[%dma_wait3A_251] : memref<160xi32, #tpu.memory_space<vmem>> -> memref<32xi32, #tpu.memory_space<vmem>>
      %dma_wait3A_253 = arith.constant 0 : i32
      %dma_wait3A_254 = arith.constant 0 : i32
      %dma_wait3A_255 = tpu.memref_slice %arg3[%dma_wait3A_253, %dma_wait3A_254] : memref<10240x128xf32, #tpu.memory_space<hbm>> -> memref<10240x128xf32, #tpu.memory_space<hbm>>
      tpu.wait_indirect_dma semaphore(%arg20 : memref<!tpu.dma_semaphore, #tpu.memory_space<semaphore_mem>>) src(%dma_wait3A_255 : memref<10240x128xf32, #tpu.memory_space<hbm>>) dst(%dma_wait3A_250 : memref<32x128xf32, #tpu.memory_space<vmem>>)
      %dma_wait3A_256 = arith.constant 128 : i32
      %dma_wait3A_257 = tpu.memref_slice %arg19[%dma_wait3A_256] : memref<160xi32, #tpu.memory_space<vmem>> -> memref<32xi32, #tpu.memory_space<vmem>>
      %dma_wait3A_258 = arith.constant 128 : i32
      %dma_wait3A_259 = tpu.memref_slice %arg13[%dma_wait3A_258] : memref<160xi32, #tpu.memory_space<vmem>> -> memref<32xi32, #tpu.memory_space<vmem>>
      %dma_wait3A_260 = arith.constant 0 : i32
      %dma_wait3A_261 = tpu.memref_slice %arg4[%dma_wait3A_260] : memref<10240xi32, #tpu.memory_space<hbm>> -> memref<10240xi32, #tpu.memory_space<hbm>>
      tpu.wait_indirect_dma semaphore(%arg20 : memref<!tpu.dma_semaphore, #tpu.memory_space<semaphore_mem>>) src(%dma_wait3A_261 : memref<10240xi32, #tpu.memory_space<hbm>>) dst(%dma_wait3A_257 : memref<32xi32, #tpu.memory_space<vmem>>)
      %dma_start3A_262 = arith.constant 0 : i32
      %dma_start3A_263 = tpu.memref_slice %arg7[%add3A_217, %dma_start3A_262] : memref<163840x128xf32, #tpu.memory_space<hbm>> -> memref<160x128xf32, #tpu.memory_space<hbm>>
      %dma_start3A_264 = arith.constant 0 : i32
      %dma_start3A_265 = tpu.memref_slice %arg7[%add3A_217, %dma_start3A_264] : memref<163840x128xf32, #tpu.memory_space<hbm>> -> memref<160x128xf32, #tpu.memory_space<hbm>>
      tpu.enqueue_dma source(%arg15 : memref<160x128xf32, #tpu.memory_space<vmem>>) target(%dma_start3A_265 : memref<160x128xf32, #tpu.memory_space<hbm>>) target_semaphore(%arg22 : memref<!tpu.dma_semaphore, #tpu.memory_space<semaphore_mem>>)
      %dma_start3A_266 = arith.constant 0 : i32
      %dma_start3A_267 = tpu.memref_slice %arg8[%add3A_217, %dma_start3A_266] : memref<163840x128xf32, #tpu.memory_space<hbm>> -> memref<160x128xf32, #tpu.memory_space<hbm>>
      %dma_start3A_268 = arith.constant 0 : i32
      %dma_start3A_269 = tpu.memref_slice %arg8[%add3A_217, %dma_start3A_268] : memref<163840x128xf32, #tpu.memory_space<hbm>> -> memref<160x128xf32, #tpu.memory_space<hbm>>
      tpu.enqueue_dma source(%arg17 : memref<160x128xf32, #tpu.memory_space<vmem>>) target(%dma_start3A_269 : memref<160x128xf32, #tpu.memory_space<hbm>>) target_semaphore(%arg22 : memref<!tpu.dma_semaphore, #tpu.memory_space<semaphore_mem>>)
      %dma_start3A_270 = tpu.memref_slice %arg9[%add3A_217] : memref<163840xi32, #tpu.memory_space<hbm>> -> memref<160xi32, #tpu.memory_space<hbm>>
      %dma_start3A_271 = tpu.memref_slice %arg9[%add3A_217] : memref<163840xi32, #tpu.memory_space<hbm>> -> memref<160xi32, #tpu.memory_space<hbm>>
      tpu.enqueue_dma source(%arg19 : memref<160xi32, #tpu.memory_space<vmem>>) target(%dma_start3A_271 : memref<160xi32, #tpu.memory_space<hbm>>) target_semaphore(%arg22 : memref<!tpu.dma_semaphore, #tpu.memory_space<semaphore_mem>>)
    }
    %scan3A_9 = arith.constant 16 : i32
    %dma_wait3A = arith.constant 0 : i32
    %dma_wait3A_10 = arith.constant 0 : i32
    %dma_wait3A_11 = tpu.memref_slice %arg7[%dma_wait3A, %dma_wait3A_10] : memref<163840x128xf32, #tpu.memory_space<hbm>> -> memref<160x128xf32, #tpu.memory_space<hbm>>
    %dma_wait3A_12 = arith.constant 0 : i32
    %dma_wait3A_13 = arith.constant 0 : i32
    %dma_wait3A_14 = tpu.memref_slice %arg7[%dma_wait3A_12, %dma_wait3A_13] : memref<163840x128xf32, #tpu.memory_space<hbm>> -> memref<160x128xf32, #tpu.memory_space<hbm>>
    tpu.wait_dma2 semaphore(%arg21 : memref<!tpu.dma_semaphore, #tpu.memory_space<semaphore_mem>>) src(%dma_wait3A_14 : memref<160x128xf32, #tpu.memory_space<hbm>>) dst(%arg14 : memref<160x128xf32, #tpu.memory_space<vmem>>)
    %dma_wait3A_15 = arith.constant 0 : i32
    %dma_wait3A_16 = arith.constant 0 : i32
    %dma_wait3A_17 = tpu.memref_slice %arg8[%dma_wait3A_15, %dma_wait3A_16] : memref<163840x128xf32, #tpu.memory_space<hbm>> -> memref<160x128xf32, #tpu.memory_space<hbm>>
    %dma_wait3A_18 = arith.constant 0 : i32
    %dma_wait3A_19 = arith.constant 0 : i32
    %dma_wait3A_20 = tpu.memref_slice %arg8[%dma_wait3A_18, %dma_wait3A_19] : memref<163840x128xf32, #tpu.memory_space<hbm>> -> memref<160x128xf32, #tpu.memory_space<hbm>>
    tpu.wait_dma2 semaphore(%arg21 : memref<!tpu.dma_semaphore, #tpu.memory_space<semaphore_mem>>) src(%dma_wait3A_20 : memref<160x128xf32, #tpu.memory_space<hbm>>) dst(%arg16 : memref<160x128xf32, #tpu.memory_space<vmem>>)
    %dma_wait3A_21 = arith.constant 0 : i32
    %dma_wait3A_22 = tpu.memref_slice %arg9[%dma_wait3A_21] : memref<163840xi32, #tpu.memory_space<hbm>> -> memref<160xi32, #tpu.memory_space<hbm>>
    %dma_wait3A_23 = arith.constant 0 : i32
    %dma_wait3A_24 = tpu.memref_slice %arg9[%dma_wait3A_23] : memref<163840xi32, #tpu.memory_space<hbm>> -> memref<160xi32, #tpu.memory_space<hbm>>
    tpu.wait_dma2 semaphore(%arg21 : memref<!tpu.dma_semaphore, #tpu.memory_space<semaphore_mem>>) src(%dma_wait3A_24 : memref<160xi32, #tpu.memory_space<hbm>>) dst(%arg18 : memref<160xi32, #tpu.memory_space<vmem>>)
    %dma_wait3A_25 = arith.constant 0 : i32
    %dma_wait3A_26 = arith.constant 0 : i32
    %dma_wait3A_27 = tpu.memref_slice %arg7[%dma_wait3A_25, %dma_wait3A_26] : memref<163840x128xf32, #tpu.memory_space<hbm>> -> memref<160x128xf32, #tpu.memory_space<hbm>>
    %dma_wait3A_28 = arith.constant 0 : i32
    %dma_wait3A_29 = arith.constant 0 : i32
    %dma_wait3A_30 = tpu.memref_slice %arg7[%dma_wait3A_28, %dma_wait3A_29] : memref<163840x128xf32, #tpu.memory_space<hbm>> -> memref<160x128xf32, #tpu.memory_space<hbm>>
    tpu.wait_dma2 semaphore(%arg22 : memref<!tpu.dma_semaphore, #tpu.memory_space<semaphore_mem>>) src(%dma_wait3A_30 : memref<160x128xf32, #tpu.memory_space<hbm>>) dst(%arg15 : memref<160x128xf32, #tpu.memory_space<vmem>>)
    %dma_wait3A_31 = arith.constant 0 : i32
    %dma_wait3A_32 = arith.constant 0 : i32
    %dma_wait3A_33 = tpu.memref_slice %arg8[%dma_wait3A_31, %dma_wait3A_32] : memref<163840x128xf32, #tpu.memory_space<hbm>> -> memref<160x128xf32, #tpu.memory_space<hbm>>
    %dma_wait3A_34 = arith.constant 0 : i32
    %dma_wait3A_35 = arith.constant 0 : i32
    %dma_wait3A_36 = tpu.memref_slice %arg8[%dma_wait3A_34, %dma_wait3A_35] : memref<163840x128xf32, #tpu.memory_space<hbm>> -> memref<160x128xf32, #tpu.memory_space<hbm>>
    tpu.wait_dma2 semaphore(%arg22 : memref<!tpu.dma_semaphore, #tpu.memory_space<semaphore_mem>>) src(%dma_wait3A_36 : memref<160x128xf32, #tpu.memory_space<hbm>>) dst(%arg17 : memref<160x128xf32, #tpu.memory_space<vmem>>)
    %dma_wait3A_37 = arith.constant 0 : i32
    %dma_wait3A_38 = tpu.memref_slice %arg9[%dma_wait3A_37] : memref<163840xi32, #tpu.memory_space<hbm>> -> memref<160xi32, #tpu.memory_space<hbm>>
    %dma_wait3A_39 = arith.constant 0 : i32
    %dma_wait3A_40 = tpu.memref_slice %arg9[%dma_wait3A_39] : memref<163840xi32, #tpu.memory_space<hbm>> -> memref<160xi32, #tpu.memory_space<hbm>>
    tpu.wait_dma2 semaphore(%arg22 : memref<!tpu.dma_semaphore, #tpu.memory_space<semaphore_mem>>) src(%dma_wait3A_40 : memref<160xi32, #tpu.memory_space<hbm>>) dst(%arg19 : memref<160xi32, #tpu.memory_space<vmem>>)
    return
  }
}

#map = affine_map<(d0, d1) -> (0, 0)>
#map1 = affine_map<(d0, d1) -> (0)>
module attributes {stable_mosaic.version = 14 : i64} {
  func.func @k(%arg0: i32, %arg1: i32, %arg2: memref<100000x128xf32, #tpu.memory_space<hbm>>, %arg3: memref<204800xi32, #tpu.memory_space<hbm>>, %arg4: memref<204800x128xf32, #tpu.memory_space<hbm>>, %arg5: memref<320xi32, #tpu.memory_space<vmem>>, %arg6: memref<320xi32, #tpu.memory_space<vmem>>, %arg7: memref<320x128xf32, #tpu.memory_space<vmem>>, %arg8: memref<320x128xf32, #tpu.memory_space<vmem>>, %arg9: memref<!tpu.dma_semaphore, #tpu.memory_space<semaphore_mem>>, %arg10: memref<!tpu.dma_semaphore, #tpu.memory_space<semaphore_mem>>, %arg11: memref<!tpu.dma_semaphore, #tpu.memory_space<semaphore_mem>>) attributes {dimension_semantics = [#tpu.dimension_semantics<core_parallel>, #tpu.dimension_semantics<subcore_parallel>], iteration_bounds = array<i64: 2, 16>, scalar_prefetch = 0 : i64, scratch_operands = 7 : i64, tpu.core_type = #tpu.core_type<sc_vector_subcore>, window_params = [{transform_indices = #map}, {transform_indices = #map1}, {transform_indices = #map}]} {
    %mul3A = arith.constant 2 : i32
    %mul3A_0 = arith.muli %arg1, %mul3A : i32
    %add3A = arith.addi %mul3A_0, %arg0 : i32
    %mul3A_1 = arith.constant 20 : i32
    %mul3A_2 = arith.muli %add3A, %mul3A_1 : i32
    %mul3A_3 = arith.constant 320 : i32
    %mul3A_4 = arith.muli %mul3A_2, %mul3A_3 : i32
    %scan3A = arith.constant 0 : i32
    %scan3A_5 = arith.constant 0 : i32
    %scan3A_6 = arith.constant 10 : i32
    %scan3A_7 = arith.addi %scan3A_5, %scan3A_6 : i32
    %scan3A_8 = arith.constant 1 : i32
    scf.for %scan3A_21 = %scan3A_5 to %scan3A_7 step %scan3A_8  : i32 {
      %mul3A_22 = arith.constant 2 : i32
      %mul3A_23 = arith.muli %mul3A_22, %scan3A_21 : i32
      %add3A_24 = arith.constant 0 : i32
      %add3A_25 = arith.addi %mul3A_23, %add3A_24 : i32
      %mul3A_26 = arith.constant 320 : i32
      %mul3A_27 = arith.muli %add3A_25, %mul3A_26 : i32
      %add3A_28 = arith.addi %mul3A_4, %mul3A_27 : i32
      %gt3A = arith.constant 0 : i32
      %gt3A_29 = arith.cmpi sgt, %scan3A_21, %gt3A : i32
      %convert_element_type3A = arith.extui %gt3A_29 : i1 to i32
      %cond3A = arith.constant 0 : i32
      %cond3A_30 = arith.cmpi ne, %convert_element_type3A, %cond3A : i32
      scf.if %cond3A_30 {
        %dma_wait3A_160 = arith.constant 0 : i32
        %dma_wait3A_161 = arith.constant 0 : i32
        %dma_wait3A_162 = tpu.memref_slice %arg4[%dma_wait3A_160, %dma_wait3A_161] : memref<204800x128xf32, #tpu.memory_space<hbm>> -> memref<320x128xf32, #tpu.memory_space<hbm>>
        %dma_wait3A_163 = arith.constant 0 : i32
        %dma_wait3A_164 = arith.constant 0 : i32
        %dma_wait3A_165 = tpu.memref_slice %arg4[%dma_wait3A_163, %dma_wait3A_164] : memref<204800x128xf32, #tpu.memory_space<hbm>> -> memref<320x128xf32, #tpu.memory_space<hbm>>
        tpu.wait_dma2 semaphore(%arg10 : memref<!tpu.dma_semaphore, #tpu.memory_space<semaphore_mem>>) src(%dma_wait3A_165 : memref<320x128xf32, #tpu.memory_space<hbm>>) dst(%arg7 : memref<320x128xf32, #tpu.memory_space<vmem>>)
      } else {
      }
      "tpu.region"() ({
        %run_scoped3A = tpu.sem_alloc : memref<!tpu.dma_semaphore, #tpu.memory_space<semaphore_mem>>
        %dma_start3A_160 = tpu.memref_slice %arg3[%add3A_28] : memref<204800xi32, #tpu.memory_space<hbm>> -> memref<320xi32, #tpu.memory_space<hbm>>
        %dma_start3A_161 = tpu.memref_slice %arg3[%add3A_28] : memref<204800xi32, #tpu.memory_space<hbm>> -> memref<320xi32, #tpu.memory_space<hbm>>
        tpu.enqueue_dma source(%dma_start3A_161 : memref<320xi32, #tpu.memory_space<hbm>>) target(%arg5 : memref<320xi32, #tpu.memory_space<vmem>>) target_semaphore(%run_scoped3A : memref<!tpu.dma_semaphore, #tpu.memory_space<semaphore_mem>>)
        %dma_wait3A_162 = tpu.memref_slice %arg3[%add3A_28] : memref<204800xi32, #tpu.memory_space<hbm>> -> memref<320xi32, #tpu.memory_space<hbm>>
        %dma_wait3A_163 = tpu.memref_slice %arg3[%add3A_28] : memref<204800xi32, #tpu.memory_space<hbm>> -> memref<320xi32, #tpu.memory_space<hbm>>
        tpu.wait_dma2 semaphore(%run_scoped3A : memref<!tpu.dma_semaphore, #tpu.memory_space<semaphore_mem>>) src(%dma_wait3A_163 : memref<320xi32, #tpu.memory_space<hbm>>) dst(%arg5 : memref<320xi32, #tpu.memory_space<vmem>>)
        tpu.yield
      }) : () -> ()
      %dma_start3A = arith.constant 0 : i32
      %dma_start3A_31 = arith.constant 0 : i32
      %dma_start3A_32 = tpu.memref_slice %arg7[%dma_start3A, %dma_start3A_31] : memref<320x128xf32, #tpu.memory_space<vmem>> -> memref<128x128xf32, #tpu.memory_space<vmem>>
      %dma_start3A_33 = arith.constant 0 : i32
      %dma_start3A_34 = tpu.memref_slice %arg5[%dma_start3A_33] : memref<320xi32, #tpu.memory_space<vmem>> -> memref<128xi32, #tpu.memory_space<vmem>>
      %dma_start3A_35 = arith.constant 0 : i32
      %dma_start3A_36 = arith.constant 0 : i32
      %dma_start3A_37 = tpu.memref_slice %arg2[%dma_start3A_35, %dma_start3A_36] : memref<100000x128xf32, #tpu.memory_space<hbm>> -> memref<100000x128xf32, #tpu.memory_space<hbm>>
      tpu.enqueue_indirect_dma source(%dma_start3A_37 : memref<100000x128xf32, #tpu.memory_space<hbm>>) target(%dma_start3A_32 : memref<128x128xf32, #tpu.memory_space<vmem>>) offsets(%dma_start3A_34 : memref<128xi32, #tpu.memory_space<vmem>>) semaphore(%arg9 : memref<!tpu.dma_semaphore, #tpu.memory_space<semaphore_mem>>)
      %dma_start3A_38 = arith.constant 128 : i32
      %dma_start3A_39 = arith.constant 0 : i32
      %dma_start3A_40 = tpu.memref_slice %arg7[%dma_start3A_38, %dma_start3A_39] : memref<320x128xf32, #tpu.memory_space<vmem>> -> memref<128x128xf32, #tpu.memory_space<vmem>>
      %dma_start3A_41 = arith.constant 128 : i32
      %dma_start3A_42 = tpu.memref_slice %arg5[%dma_start3A_41] : memref<320xi32, #tpu.memory_space<vmem>> -> memref<128xi32, #tpu.memory_space<vmem>>
      %dma_start3A_43 = arith.constant 0 : i32
      %dma_start3A_44 = arith.constant 0 : i32
      %dma_start3A_45 = tpu.memref_slice %arg2[%dma_start3A_43, %dma_start3A_44] : memref<100000x128xf32, #tpu.memory_space<hbm>> -> memref<100000x128xf32, #tpu.memory_space<hbm>>
      tpu.enqueue_indirect_dma source(%dma_start3A_45 : memref<100000x128xf32, #tpu.memory_space<hbm>>) target(%dma_start3A_40 : memref<128x128xf32, #tpu.memory_space<vmem>>) offsets(%dma_start3A_42 : memref<128xi32, #tpu.memory_space<vmem>>) semaphore(%arg9 : memref<!tpu.dma_semaphore, #tpu.memory_space<semaphore_mem>>)
      %dma_start3A_46 = arith.constant 256 : i32
      %dma_start3A_47 = arith.constant 0 : i32
      %dma_start3A_48 = tpu.memref_slice %arg7[%dma_start3A_46, %dma_start3A_47] : memref<320x128xf32, #tpu.memory_space<vmem>> -> memref<64x128xf32, #tpu.memory_space<vmem>>
      %dma_start3A_49 = arith.constant 256 : i32
      %dma_start3A_50 = tpu.memref_slice %arg5[%dma_start3A_49] : memref<320xi32, #tpu.memory_space<vmem>> -> memref<64xi32, #tpu.memory_space<vmem>>
      %dma_start3A_51 = arith.constant 0 : i32
      %dma_start3A_52 = arith.constant 0 : i32
      %dma_start3A_53 = tpu.memref_slice %arg2[%dma_start3A_51, %dma_start3A_52] : memref<100000x128xf32, #tpu.memory_space<hbm>> -> memref<100000x128xf32, #tpu.memory_space<hbm>>
      tpu.enqueue_indirect_dma source(%dma_start3A_53 : memref<100000x128xf32, #tpu.memory_space<hbm>>) target(%dma_start3A_48 : memref<64x128xf32, #tpu.memory_space<vmem>>) offsets(%dma_start3A_50 : memref<64xi32, #tpu.memory_space<vmem>>) semaphore(%arg9 : memref<!tpu.dma_semaphore, #tpu.memory_space<semaphore_mem>>)
      %mul3A_54 = arith.constant 2 : i32
      %mul3A_55 = arith.muli %mul3A_54, %scan3A_21 : i32
      %add3A_56 = arith.constant 1 : i32
      %add3A_57 = arith.addi %mul3A_55, %add3A_56 : i32
      %mul3A_58 = arith.constant 320 : i32
      %mul3A_59 = arith.muli %add3A_57, %mul3A_58 : i32
      %add3A_60 = arith.addi %mul3A_4, %mul3A_59 : i32
      %gt3A_61 = arith.constant 0 : i32
      %gt3A_62 = arith.cmpi sgt, %scan3A_21, %gt3A_61 : i32
      %convert_element_type3A_63 = arith.extui %gt3A_62 : i1 to i32
      %cond3A_64 = arith.constant 0 : i32
      %cond3A_65 = arith.cmpi ne, %convert_element_type3A_63, %cond3A_64 : i32
      scf.if %cond3A_65 {
        %dma_wait3A_160 = arith.constant 0 : i32
        %dma_wait3A_161 = arith.constant 0 : i32
        %dma_wait3A_162 = tpu.memref_slice %arg4[%dma_wait3A_160, %dma_wait3A_161] : memref<204800x128xf32, #tpu.memory_space<hbm>> -> memref<320x128xf32, #tpu.memory_space<hbm>>
        %dma_wait3A_163 = arith.constant 0 : i32
        %dma_wait3A_164 = arith.constant 0 : i32
        %dma_wait3A_165 = tpu.memref_slice %arg4[%dma_wait3A_163, %dma_wait3A_164] : memref<204800x128xf32, #tpu.memory_space<hbm>> -> memref<320x128xf32, #tpu.memory_space<hbm>>
        tpu.wait_dma2 semaphore(%arg11 : memref<!tpu.dma_semaphore, #tpu.memory_space<semaphore_mem>>) src(%dma_wait3A_165 : memref<320x128xf32, #tpu.memory_space<hbm>>) dst(%arg8 : memref<320x128xf32, #tpu.memory_space<vmem>>)
      } else {
      }
      "tpu.region"() ({
        %run_scoped3A = tpu.sem_alloc : memref<!tpu.dma_semaphore, #tpu.memory_space<semaphore_mem>>
        %dma_start3A_160 = tpu.memref_slice %arg3[%add3A_60] : memref<204800xi32, #tpu.memory_space<hbm>> -> memref<320xi32, #tpu.memory_space<hbm>>
        %dma_start3A_161 = tpu.memref_slice %arg3[%add3A_60] : memref<204800xi32, #tpu.memory_space<hbm>> -> memref<320xi32, #tpu.memory_space<hbm>>
        tpu.enqueue_dma source(%dma_start3A_161 : memref<320xi32, #tpu.memory_space<hbm>>) target(%arg6 : memref<320xi32, #tpu.memory_space<vmem>>) target_semaphore(%run_scoped3A : memref<!tpu.dma_semaphore, #tpu.memory_space<semaphore_mem>>)
        %dma_wait3A_162 = tpu.memref_slice %arg3[%add3A_60] : memref<204800xi32, #tpu.memory_space<hbm>> -> memref<320xi32, #tpu.memory_space<hbm>>
        %dma_wait3A_163 = tpu.memref_slice %arg3[%add3A_60] : memref<204800xi32, #tpu.memory_space<hbm>> -> memref<320xi32, #tpu.memory_space<hbm>>
        tpu.wait_dma2 semaphore(%run_scoped3A : memref<!tpu.dma_semaphore, #tpu.memory_space<semaphore_mem>>) src(%dma_wait3A_163 : memref<320xi32, #tpu.memory_space<hbm>>) dst(%arg6 : memref<320xi32, #tpu.memory_space<vmem>>)
        tpu.yield
      }) : () -> ()
      %dma_start3A_66 = arith.constant 0 : i32
      %dma_start3A_67 = arith.constant 0 : i32
      %dma_start3A_68 = tpu.memref_slice %arg8[%dma_start3A_66, %dma_start3A_67] : memref<320x128xf32, #tpu.memory_space<vmem>> -> memref<128x128xf32, #tpu.memory_space<vmem>>
      %dma_start3A_69 = arith.constant 0 : i32
      %dma_start3A_70 = tpu.memref_slice %arg6[%dma_start3A_69] : memref<320xi32, #tpu.memory_space<vmem>> -> memref<128xi32, #tpu.memory_space<vmem>>
      %dma_start3A_71 = arith.constant 0 : i32
      %dma_start3A_72 = arith.constant 0 : i32
      %dma_start3A_73 = tpu.memref_slice %arg2[%dma_start3A_71, %dma_start3A_72] : memref<100000x128xf32, #tpu.memory_space<hbm>> -> memref<100000x128xf32, #tpu.memory_space<hbm>>
      tpu.enqueue_indirect_dma source(%dma_start3A_73 : memref<100000x128xf32, #tpu.memory_space<hbm>>) target(%dma_start3A_68 : memref<128x128xf32, #tpu.memory_space<vmem>>) offsets(%dma_start3A_70 : memref<128xi32, #tpu.memory_space<vmem>>) semaphore(%arg9 : memref<!tpu.dma_semaphore, #tpu.memory_space<semaphore_mem>>)
      %dma_start3A_74 = arith.constant 128 : i32
      %dma_start3A_75 = arith.constant 0 : i32
      %dma_start3A_76 = tpu.memref_slice %arg8[%dma_start3A_74, %dma_start3A_75] : memref<320x128xf32, #tpu.memory_space<vmem>> -> memref<128x128xf32, #tpu.memory_space<vmem>>
      %dma_start3A_77 = arith.constant 128 : i32
      %dma_start3A_78 = tpu.memref_slice %arg6[%dma_start3A_77] : memref<320xi32, #tpu.memory_space<vmem>> -> memref<128xi32, #tpu.memory_space<vmem>>
      %dma_start3A_79 = arith.constant 0 : i32
      %dma_start3A_80 = arith.constant 0 : i32
      %dma_start3A_81 = tpu.memref_slice %arg2[%dma_start3A_79, %dma_start3A_80] : memref<100000x128xf32, #tpu.memory_space<hbm>> -> memref<100000x128xf32, #tpu.memory_space<hbm>>
      tpu.enqueue_indirect_dma source(%dma_start3A_81 : memref<100000x128xf32, #tpu.memory_space<hbm>>) target(%dma_start3A_76 : memref<128x128xf32, #tpu.memory_space<vmem>>) offsets(%dma_start3A_78 : memref<128xi32, #tpu.memory_space<vmem>>) semaphore(%arg9 : memref<!tpu.dma_semaphore, #tpu.memory_space<semaphore_mem>>)
      %dma_start3A_82 = arith.constant 256 : i32
      %dma_start3A_83 = arith.constant 0 : i32
      %dma_start3A_84 = tpu.memref_slice %arg8[%dma_start3A_82, %dma_start3A_83] : memref<320x128xf32, #tpu.memory_space<vmem>> -> memref<64x128xf32, #tpu.memory_space<vmem>>
      %dma_start3A_85 = arith.constant 256 : i32
      %dma_start3A_86 = tpu.memref_slice %arg6[%dma_start3A_85] : memref<320xi32, #tpu.memory_space<vmem>> -> memref<64xi32, #tpu.memory_space<vmem>>
      %dma_start3A_87 = arith.constant 0 : i32
      %dma_start3A_88 = arith.constant 0 : i32
      %dma_start3A_89 = tpu.memref_slice %arg2[%dma_start3A_87, %dma_start3A_88] : memref<100000x128xf32, #tpu.memory_space<hbm>> -> memref<100000x128xf32, #tpu.memory_space<hbm>>
      tpu.enqueue_indirect_dma source(%dma_start3A_89 : memref<100000x128xf32, #tpu.memory_space<hbm>>) target(%dma_start3A_84 : memref<64x128xf32, #tpu.memory_space<vmem>>) offsets(%dma_start3A_86 : memref<64xi32, #tpu.memory_space<vmem>>) semaphore(%arg9 : memref<!tpu.dma_semaphore, #tpu.memory_space<semaphore_mem>>)
      %mul3A_90 = arith.constant 2 : i32
      %mul3A_91 = arith.muli %mul3A_90, %scan3A_21 : i32
      %add3A_92 = arith.constant 0 : i32
      %add3A_93 = arith.addi %mul3A_91, %add3A_92 : i32
      %mul3A_94 = arith.constant 320 : i32
      %mul3A_95 = arith.muli %add3A_93, %mul3A_94 : i32
      %add3A_96 = arith.addi %mul3A_4, %mul3A_95 : i32
      %dma_wait3A_97 = arith.constant 0 : i32
      %dma_wait3A_98 = arith.constant 0 : i32
      %dma_wait3A_99 = tpu.memref_slice %arg7[%dma_wait3A_97, %dma_wait3A_98] : memref<320x128xf32, #tpu.memory_space<vmem>> -> memref<128x128xf32, #tpu.memory_space<vmem>>
      %dma_wait3A_100 = arith.constant 0 : i32
      %dma_wait3A_101 = tpu.memref_slice %arg5[%dma_wait3A_100] : memref<320xi32, #tpu.memory_space<vmem>> -> memref<128xi32, #tpu.memory_space<vmem>>
      %dma_wait3A_102 = arith.constant 0 : i32
      %dma_wait3A_103 = arith.constant 0 : i32
      %dma_wait3A_104 = tpu.memref_slice %arg2[%dma_wait3A_102, %dma_wait3A_103] : memref<100000x128xf32, #tpu.memory_space<hbm>> -> memref<100000x128xf32, #tpu.memory_space<hbm>>
      tpu.wait_indirect_dma semaphore(%arg9 : memref<!tpu.dma_semaphore, #tpu.memory_space<semaphore_mem>>) src(%dma_wait3A_104 : memref<100000x128xf32, #tpu.memory_space<hbm>>) dst(%dma_wait3A_99 : memref<128x128xf32, #tpu.memory_space<vmem>>)
      %dma_wait3A_105 = arith.constant 128 : i32
      %dma_wait3A_106 = arith.constant 0 : i32
      %dma_wait3A_107 = tpu.memref_slice %arg7[%dma_wait3A_105, %dma_wait3A_106] : memref<320x128xf32, #tpu.memory_space<vmem>> -> memref<128x128xf32, #tpu.memory_space<vmem>>
      %dma_wait3A_108 = arith.constant 128 : i32
      %dma_wait3A_109 = tpu.memref_slice %arg5[%dma_wait3A_108] : memref<320xi32, #tpu.memory_space<vmem>> -> memref<128xi32, #tpu.memory_space<vmem>>
      %dma_wait3A_110 = arith.constant 0 : i32
      %dma_wait3A_111 = arith.constant 0 : i32
      %dma_wait3A_112 = tpu.memref_slice %arg2[%dma_wait3A_110, %dma_wait3A_111] : memref<100000x128xf32, #tpu.memory_space<hbm>> -> memref<100000x128xf32, #tpu.memory_space<hbm>>
      tpu.wait_indirect_dma semaphore(%arg9 : memref<!tpu.dma_semaphore, #tpu.memory_space<semaphore_mem>>) src(%dma_wait3A_112 : memref<100000x128xf32, #tpu.memory_space<hbm>>) dst(%dma_wait3A_107 : memref<128x128xf32, #tpu.memory_space<vmem>>)
      %dma_wait3A_113 = arith.constant 256 : i32
      %dma_wait3A_114 = arith.constant 0 : i32
      %dma_wait3A_115 = tpu.memref_slice %arg7[%dma_wait3A_113, %dma_wait3A_114] : memref<320x128xf32, #tpu.memory_space<vmem>> -> memref<64x128xf32, #tpu.memory_space<vmem>>
      %dma_wait3A_116 = arith.constant 256 : i32
      %dma_wait3A_117 = tpu.memref_slice %arg5[%dma_wait3A_116] : memref<320xi32, #tpu.memory_space<vmem>> -> memref<64xi32, #tpu.memory_space<vmem>>
      %dma_wait3A_118 = arith.constant 0 : i32
      %dma_wait3A_119 = arith.constant 0 : i32
      %dma_wait3A_120 = tpu.memref_slice %arg2[%dma_wait3A_118, %dma_wait3A_119] : memref<100000x128xf32, #tpu.memory_space<hbm>> -> memref<100000x128xf32, #tpu.memory_space<hbm>>
      tpu.wait_indirect_dma semaphore(%arg9 : memref<!tpu.dma_semaphore, #tpu.memory_space<semaphore_mem>>) src(%dma_wait3A_120 : memref<100000x128xf32, #tpu.memory_space<hbm>>) dst(%dma_wait3A_115 : memref<64x128xf32, #tpu.memory_space<vmem>>)
      %dma_start3A_121 = arith.constant 0 : i32
      %dma_start3A_122 = tpu.memref_slice %arg4[%add3A_96, %dma_start3A_121] : memref<204800x128xf32, #tpu.memory_space<hbm>> -> memref<320x128xf32, #tpu.memory_space<hbm>>
      %dma_start3A_123 = arith.constant 0 : i32
      %dma_start3A_124 = tpu.memref_slice %arg4[%add3A_96, %dma_start3A_123] : memref<204800x128xf32, #tpu.memory_space<hbm>> -> memref<320x128xf32, #tpu.memory_space<hbm>>
      tpu.enqueue_dma source(%arg7 : memref<320x128xf32, #tpu.memory_space<vmem>>) target(%dma_start3A_124 : memref<320x128xf32, #tpu.memory_space<hbm>>) target_semaphore(%arg10 : memref<!tpu.dma_semaphore, #tpu.memory_space<semaphore_mem>>)
      %mul3A_125 = arith.constant 2 : i32
      %mul3A_126 = arith.muli %mul3A_125, %scan3A_21 : i32
      %add3A_127 = arith.constant 1 : i32
      %add3A_128 = arith.addi %mul3A_126, %add3A_127 : i32
      %mul3A_129 = arith.constant 320 : i32
      %mul3A_130 = arith.muli %add3A_128, %mul3A_129 : i32
      %add3A_131 = arith.addi %mul3A_4, %mul3A_130 : i32
      %dma_wait3A_132 = arith.constant 0 : i32
      %dma_wait3A_133 = arith.constant 0 : i32
      %dma_wait3A_134 = tpu.memref_slice %arg8[%dma_wait3A_132, %dma_wait3A_133] : memref<320x128xf32, #tpu.memory_space<vmem>> -> memref<128x128xf32, #tpu.memory_space<vmem>>
      %dma_wait3A_135 = arith.constant 0 : i32
      %dma_wait3A_136 = tpu.memref_slice %arg6[%dma_wait3A_135] : memref<320xi32, #tpu.memory_space<vmem>> -> memref<128xi32, #tpu.memory_space<vmem>>
      %dma_wait3A_137 = arith.constant 0 : i32
      %dma_wait3A_138 = arith.constant 0 : i32
      %dma_wait3A_139 = tpu.memref_slice %arg2[%dma_wait3A_137, %dma_wait3A_138] : memref<100000x128xf32, #tpu.memory_space<hbm>> -> memref<100000x128xf32, #tpu.memory_space<hbm>>
      tpu.wait_indirect_dma semaphore(%arg9 : memref<!tpu.dma_semaphore, #tpu.memory_space<semaphore_mem>>) src(%dma_wait3A_139 : memref<100000x128xf32, #tpu.memory_space<hbm>>) dst(%dma_wait3A_134 : memref<128x128xf32, #tpu.memory_space<vmem>>)
      %dma_wait3A_140 = arith.constant 128 : i32
      %dma_wait3A_141 = arith.constant 0 : i32
      %dma_wait3A_142 = tpu.memref_slice %arg8[%dma_wait3A_140, %dma_wait3A_141] : memref<320x128xf32, #tpu.memory_space<vmem>> -> memref<128x128xf32, #tpu.memory_space<vmem>>
      %dma_wait3A_143 = arith.constant 128 : i32
      %dma_wait3A_144 = tpu.memref_slice %arg6[%dma_wait3A_143] : memref<320xi32, #tpu.memory_space<vmem>> -> memref<128xi32, #tpu.memory_space<vmem>>
      %dma_wait3A_145 = arith.constant 0 : i32
      %dma_wait3A_146 = arith.constant 0 : i32
      %dma_wait3A_147 = tpu.memref_slice %arg2[%dma_wait3A_145, %dma_wait3A_146] : memref<100000x128xf32, #tpu.memory_space<hbm>> -> memref<100000x128xf32, #tpu.memory_space<hbm>>
      tpu.wait_indirect_dma semaphore(%arg9 : memref<!tpu.dma_semaphore, #tpu.memory_space<semaphore_mem>>) src(%dma_wait3A_147 : memref<100000x128xf32, #tpu.memory_space<hbm>>) dst(%dma_wait3A_142 : memref<128x128xf32, #tpu.memory_space<vmem>>)
      %dma_wait3A_148 = arith.constant 256 : i32
      %dma_wait3A_149 = arith.constant 0 : i32
      %dma_wait3A_150 = tpu.memref_slice %arg8[%dma_wait3A_148, %dma_wait3A_149] : memref<320x128xf32, #tpu.memory_space<vmem>> -> memref<64x128xf32, #tpu.memory_space<vmem>>
      %dma_wait3A_151 = arith.constant 256 : i32
      %dma_wait3A_152 = tpu.memref_slice %arg6[%dma_wait3A_151] : memref<320xi32, #tpu.memory_space<vmem>> -> memref<64xi32, #tpu.memory_space<vmem>>
      %dma_wait3A_153 = arith.constant 0 : i32
      %dma_wait3A_154 = arith.constant 0 : i32
      %dma_wait3A_155 = tpu.memref_slice %arg2[%dma_wait3A_153, %dma_wait3A_154] : memref<100000x128xf32, #tpu.memory_space<hbm>> -> memref<100000x128xf32, #tpu.memory_space<hbm>>
      tpu.wait_indirect_dma semaphore(%arg9 : memref<!tpu.dma_semaphore, #tpu.memory_space<semaphore_mem>>) src(%dma_wait3A_155 : memref<100000x128xf32, #tpu.memory_space<hbm>>) dst(%dma_wait3A_150 : memref<64x128xf32, #tpu.memory_space<vmem>>)
      %dma_start3A_156 = arith.constant 0 : i32
      %dma_start3A_157 = tpu.memref_slice %arg4[%add3A_131, %dma_start3A_156] : memref<204800x128xf32, #tpu.memory_space<hbm>> -> memref<320x128xf32, #tpu.memory_space<hbm>>
      %dma_start3A_158 = arith.constant 0 : i32
      %dma_start3A_159 = tpu.memref_slice %arg4[%add3A_131, %dma_start3A_158] : memref<204800x128xf32, #tpu.memory_space<hbm>> -> memref<320x128xf32, #tpu.memory_space<hbm>>
      tpu.enqueue_dma source(%arg8 : memref<320x128xf32, #tpu.memory_space<vmem>>) target(%dma_start3A_159 : memref<320x128xf32, #tpu.memory_space<hbm>>) target_semaphore(%arg11 : memref<!tpu.dma_semaphore, #tpu.memory_space<semaphore_mem>>)
    }
    %scan3A_9 = arith.constant 10 : i32
    %dma_wait3A = arith.constant 0 : i32
    %dma_wait3A_10 = arith.constant 0 : i32
    %dma_wait3A_11 = tpu.memref_slice %arg4[%dma_wait3A, %dma_wait3A_10] : memref<204800x128xf32, #tpu.memory_space<hbm>> -> memref<320x128xf32, #tpu.memory_space<hbm>>
    %dma_wait3A_12 = arith.constant 0 : i32
    %dma_wait3A_13 = arith.constant 0 : i32
    %dma_wait3A_14 = tpu.memref_slice %arg4[%dma_wait3A_12, %dma_wait3A_13] : memref<204800x128xf32, #tpu.memory_space<hbm>> -> memref<320x128xf32, #tpu.memory_space<hbm>>
    tpu.wait_dma2 semaphore(%arg10 : memref<!tpu.dma_semaphore, #tpu.memory_space<semaphore_mem>>) src(%dma_wait3A_14 : memref<320x128xf32, #tpu.memory_space<hbm>>) dst(%arg7 : memref<320x128xf32, #tpu.memory_space<vmem>>)
    %dma_wait3A_15 = arith.constant 0 : i32
    %dma_wait3A_16 = arith.constant 0 : i32
    %dma_wait3A_17 = tpu.memref_slice %arg4[%dma_wait3A_15, %dma_wait3A_16] : memref<204800x128xf32, #tpu.memory_space<hbm>> -> memref<320x128xf32, #tpu.memory_space<hbm>>
    %dma_wait3A_18 = arith.constant 0 : i32
    %dma_wait3A_19 = arith.constant 0 : i32
    %dma_wait3A_20 = tpu.memref_slice %arg4[%dma_wait3A_18, %dma_wait3A_19] : memref<204800x128xf32, #tpu.memory_space<hbm>> -> memref<320x128xf32, #tpu.memory_space<hbm>>
    tpu.wait_dma2 semaphore(%arg11 : memref<!tpu.dma_semaphore, #tpu.memory_space<semaphore_mem>>) src(%dma_wait3A_20 : memref<320x128xf32, #tpu.memory_space<hbm>>) dst(%arg8 : memref<320x128xf32, #tpu.memory_space<vmem>>)
    return
  }
}

#map = affine_map<(d0, d1) -> (0, 0)>
#map1 = affine_map<(d0, d1) -> (0)>
module attributes {stable_mosaic.version = 14 : i64} {
  func.func @k(%arg0: i32, %arg1: i32, %arg2: memref<100000x128xf32, #tpu.memory_space<hbm>>, %arg3: memref<10240xi32, #tpu.memory_space<hbm>>, %arg4: memref<10240x128xf32, #tpu.memory_space<hbm>>, %arg5: memref<160xi32, #tpu.memory_space<vmem>>, %arg6: memref<160xi32, #tpu.memory_space<vmem>>, %arg7: memref<160x128xf32, #tpu.memory_space<vmem>>, %arg8: memref<160x128xf32, #tpu.memory_space<vmem>>, %arg9: memref<!tpu.dma_semaphore, #tpu.memory_space<semaphore_mem>>, %arg10: memref<!tpu.dma_semaphore, #tpu.memory_space<semaphore_mem>>, %arg11: memref<!tpu.dma_semaphore, #tpu.memory_space<semaphore_mem>>) attributes {dimension_semantics = [#tpu.dimension_semantics<core_parallel>, #tpu.dimension_semantics<subcore_parallel>], iteration_bounds = array<i64: 2, 16>, scalar_prefetch = 0 : i64, scratch_operands = 7 : i64, tpu.core_type = #tpu.core_type<sc_vector_subcore>, window_params = [{transform_indices = #map}, {transform_indices = #map1}, {transform_indices = #map}]} {
    %mul3A = arith.constant 2 : i32
    %mul3A_0 = arith.muli %arg1, %mul3A : i32
    %add3A = arith.addi %mul3A_0, %arg0 : i32
    %mul3A_1 = arith.constant 2 : i32
    %mul3A_2 = arith.muli %add3A, %mul3A_1 : i32
    %mul3A_3 = arith.constant 160 : i32
    %mul3A_4 = arith.muli %mul3A_2, %mul3A_3 : i32
    %scan3A = arith.constant 0 : i32
    %scan3A_5 = arith.constant 0 : i32
    %mul3A_6 = arith.constant 2 : i32
    %mul3A_7 = arith.muli %mul3A_6, %scan3A_5 : i32
    %add3A_8 = arith.constant 0 : i32
    %add3A_9 = arith.addi %mul3A_7, %add3A_8 : i32
    %mul3A_10 = arith.constant 160 : i32
    %mul3A_11 = arith.muli %add3A_9, %mul3A_10 : i32
    %add3A_12 = arith.addi %mul3A_4, %mul3A_11 : i32
    %gt3A = arith.constant 0 : i32
    %gt3A_13 = arith.cmpi sgt, %scan3A_5, %gt3A : i32
    %convert_element_type3A = arith.extui %gt3A_13 : i1 to i32
    %cond3A = arith.constant 0 : i32
    %cond3A_14 = arith.cmpi ne, %convert_element_type3A, %cond3A : i32
    scf.if %cond3A_14 {
      %dma_wait3A_124 = arith.constant 0 : i32
      %dma_wait3A_125 = arith.constant 0 : i32
      %dma_wait3A_126 = tpu.memref_slice %arg4[%dma_wait3A_124, %dma_wait3A_125] : memref<10240x128xf32, #tpu.memory_space<hbm>> -> memref<160x128xf32, #tpu.memory_space<hbm>>
      %dma_wait3A_127 = arith.constant 0 : i32
      %dma_wait3A_128 = arith.constant 0 : i32
      %dma_wait3A_129 = tpu.memref_slice %arg4[%dma_wait3A_127, %dma_wait3A_128] : memref<10240x128xf32, #tpu.memory_space<hbm>> -> memref<160x128xf32, #tpu.memory_space<hbm>>
      tpu.wait_dma2 semaphore(%arg10 : memref<!tpu.dma_semaphore, #tpu.memory_space<semaphore_mem>>) src(%dma_wait3A_129 : memref<160x128xf32, #tpu.memory_space<hbm>>) dst(%arg7 : memref<160x128xf32, #tpu.memory_space<vmem>>)
    } else {
    }
    "tpu.region"() ({
      %run_scoped3A = tpu.sem_alloc : memref<!tpu.dma_semaphore, #tpu.memory_space<semaphore_mem>>
      %dma_start3A_124 = tpu.memref_slice %arg3[%add3A_12] : memref<10240xi32, #tpu.memory_space<hbm>> -> memref<160xi32, #tpu.memory_space<hbm>>
      %dma_start3A_125 = tpu.memref_slice %arg3[%add3A_12] : memref<10240xi32, #tpu.memory_space<hbm>> -> memref<160xi32, #tpu.memory_space<hbm>>
      tpu.enqueue_dma source(%dma_start3A_125 : memref<160xi32, #tpu.memory_space<hbm>>) target(%arg5 : memref<160xi32, #tpu.memory_space<vmem>>) target_semaphore(%run_scoped3A : memref<!tpu.dma_semaphore, #tpu.memory_space<semaphore_mem>>)
      %dma_wait3A_126 = tpu.memref_slice %arg3[%add3A_12] : memref<10240xi32, #tpu.memory_space<hbm>> -> memref<160xi32, #tpu.memory_space<hbm>>
      %dma_wait3A_127 = tpu.memref_slice %arg3[%add3A_12] : memref<10240xi32, #tpu.memory_space<hbm>> -> memref<160xi32, #tpu.memory_space<hbm>>
      tpu.wait_dma2 semaphore(%run_scoped3A : memref<!tpu.dma_semaphore, #tpu.memory_space<semaphore_mem>>) src(%dma_wait3A_127 : memref<160xi32, #tpu.memory_space<hbm>>) dst(%arg5 : memref<160xi32, #tpu.memory_space<vmem>>)
      tpu.yield
    }) : () -> ()
    %dma_start3A = arith.constant 0 : i32
    %dma_start3A_15 = arith.constant 0 : i32
    %dma_start3A_16 = tpu.memref_slice %arg7[%dma_start3A, %dma_start3A_15] : memref<160x128xf32, #tpu.memory_space<vmem>> -> memref<128x128xf32, #tpu.memory_space<vmem>>
    %dma_start3A_17 = arith.constant 0 : i32
    %dma_start3A_18 = tpu.memref_slice %arg5[%dma_start3A_17] : memref<160xi32, #tpu.memory_space<vmem>> -> memref<128xi32, #tpu.memory_space<vmem>>
    %dma_start3A_19 = arith.constant 0 : i32
    %dma_start3A_20 = arith.constant 0 : i32
    %dma_start3A_21 = tpu.memref_slice %arg2[%dma_start3A_19, %dma_start3A_20] : memref<100000x128xf32, #tpu.memory_space<hbm>> -> memref<100000x128xf32, #tpu.memory_space<hbm>>
    tpu.enqueue_indirect_dma source(%dma_start3A_21 : memref<100000x128xf32, #tpu.memory_space<hbm>>) target(%dma_start3A_16 : memref<128x128xf32, #tpu.memory_space<vmem>>) offsets(%dma_start3A_18 : memref<128xi32, #tpu.memory_space<vmem>>) semaphore(%arg9 : memref<!tpu.dma_semaphore, #tpu.memory_space<semaphore_mem>>)
    %dma_start3A_22 = arith.constant 128 : i32
    %dma_start3A_23 = arith.constant 0 : i32
    %dma_start3A_24 = tpu.memref_slice %arg7[%dma_start3A_22, %dma_start3A_23] : memref<160x128xf32, #tpu.memory_space<vmem>> -> memref<32x128xf32, #tpu.memory_space<vmem>>
    %dma_start3A_25 = arith.constant 128 : i32
    %dma_start3A_26 = tpu.memref_slice %arg5[%dma_start3A_25] : memref<160xi32, #tpu.memory_space<vmem>> -> memref<32xi32, #tpu.memory_space<vmem>>
    %dma_start3A_27 = arith.constant 0 : i32
    %dma_start3A_28 = arith.constant 0 : i32
    %dma_start3A_29 = tpu.memref_slice %arg2[%dma_start3A_27, %dma_start3A_28] : memref<100000x128xf32, #tpu.memory_space<hbm>> -> memref<100000x128xf32, #tpu.memory_space<hbm>>
    tpu.enqueue_indirect_dma source(%dma_start3A_29 : memref<100000x128xf32, #tpu.memory_space<hbm>>) target(%dma_start3A_24 : memref<32x128xf32, #tpu.memory_space<vmem>>) offsets(%dma_start3A_26 : memref<32xi32, #tpu.memory_space<vmem>>) semaphore(%arg9 : memref<!tpu.dma_semaphore, #tpu.memory_space<semaphore_mem>>)
    %mul3A_30 = arith.constant 2 : i32
    %mul3A_31 = arith.muli %mul3A_30, %scan3A_5 : i32
    %add3A_32 = arith.constant 1 : i32
    %add3A_33 = arith.addi %mul3A_31, %add3A_32 : i32
    %mul3A_34 = arith.constant 160 : i32
    %mul3A_35 = arith.muli %add3A_33, %mul3A_34 : i32
    %add3A_36 = arith.addi %mul3A_4, %mul3A_35 : i32
    %gt3A_37 = arith.constant 0 : i32
    %gt3A_38 = arith.cmpi sgt, %scan3A_5, %gt3A_37 : i32
    %convert_element_type3A_39 = arith.extui %gt3A_38 : i1 to i32
    %cond3A_40 = arith.constant 0 : i32
    %cond3A_41 = arith.cmpi ne, %convert_element_type3A_39, %cond3A_40 : i32
    scf.if %cond3A_41 {
      %dma_wait3A_124 = arith.constant 0 : i32
      %dma_wait3A_125 = arith.constant 0 : i32
      %dma_wait3A_126 = tpu.memref_slice %arg4[%dma_wait3A_124, %dma_wait3A_125] : memref<10240x128xf32, #tpu.memory_space<hbm>> -> memref<160x128xf32, #tpu.memory_space<hbm>>
      %dma_wait3A_127 = arith.constant 0 : i32
      %dma_wait3A_128 = arith.constant 0 : i32
      %dma_wait3A_129 = tpu.memref_slice %arg4[%dma_wait3A_127, %dma_wait3A_128] : memref<10240x128xf32, #tpu.memory_space<hbm>> -> memref<160x128xf32, #tpu.memory_space<hbm>>
      tpu.wait_dma2 semaphore(%arg11 : memref<!tpu.dma_semaphore, #tpu.memory_space<semaphore_mem>>) src(%dma_wait3A_129 : memref<160x128xf32, #tpu.memory_space<hbm>>) dst(%arg8 : memref<160x128xf32, #tpu.memory_space<vmem>>)
    } else {
    }
    "tpu.region"() ({
      %run_scoped3A = tpu.sem_alloc : memref<!tpu.dma_semaphore, #tpu.memory_space<semaphore_mem>>
      %dma_start3A_124 = tpu.memref_slice %arg3[%add3A_36] : memref<10240xi32, #tpu.memory_space<hbm>> -> memref<160xi32, #tpu.memory_space<hbm>>
      %dma_start3A_125 = tpu.memref_slice %arg3[%add3A_36] : memref<10240xi32, #tpu.memory_space<hbm>> -> memref<160xi32, #tpu.memory_space<hbm>>
      tpu.enqueue_dma source(%dma_start3A_125 : memref<160xi32, #tpu.memory_space<hbm>>) target(%arg6 : memref<160xi32, #tpu.memory_space<vmem>>) target_semaphore(%run_scoped3A : memref<!tpu.dma_semaphore, #tpu.memory_space<semaphore_mem>>)
      %dma_wait3A_126 = tpu.memref_slice %arg3[%add3A_36] : memref<10240xi32, #tpu.memory_space<hbm>> -> memref<160xi32, #tpu.memory_space<hbm>>
      %dma_wait3A_127 = tpu.memref_slice %arg3[%add3A_36] : memref<10240xi32, #tpu.memory_space<hbm>> -> memref<160xi32, #tpu.memory_space<hbm>>
      tpu.wait_dma2 semaphore(%run_scoped3A : memref<!tpu.dma_semaphore, #tpu.memory_space<semaphore_mem>>) src(%dma_wait3A_127 : memref<160xi32, #tpu.memory_space<hbm>>) dst(%arg6 : memref<160xi32, #tpu.memory_space<vmem>>)
      tpu.yield
    }) : () -> ()
    %dma_start3A_42 = arith.constant 0 : i32
    %dma_start3A_43 = arith.constant 0 : i32
    %dma_start3A_44 = tpu.memref_slice %arg8[%dma_start3A_42, %dma_start3A_43] : memref<160x128xf32, #tpu.memory_space<vmem>> -> memref<128x128xf32, #tpu.memory_space<vmem>>
    %dma_start3A_45 = arith.constant 0 : i32
    %dma_start3A_46 = tpu.memref_slice %arg6[%dma_start3A_45] : memref<160xi32, #tpu.memory_space<vmem>> -> memref<128xi32, #tpu.memory_space<vmem>>
    %dma_start3A_47 = arith.constant 0 : i32
    %dma_start3A_48 = arith.constant 0 : i32
    %dma_start3A_49 = tpu.memref_slice %arg2[%dma_start3A_47, %dma_start3A_48] : memref<100000x128xf32, #tpu.memory_space<hbm>> -> memref<100000x128xf32, #tpu.memory_space<hbm>>
    tpu.enqueue_indirect_dma source(%dma_start3A_49 : memref<100000x128xf32, #tpu.memory_space<hbm>>) target(%dma_start3A_44 : memref<128x128xf32, #tpu.memory_space<vmem>>) offsets(%dma_start3A_46 : memref<128xi32, #tpu.memory_space<vmem>>) semaphore(%arg9 : memref<!tpu.dma_semaphore, #tpu.memory_space<semaphore_mem>>)
    %dma_start3A_50 = arith.constant 128 : i32
    %dma_start3A_51 = arith.constant 0 : i32
    %dma_start3A_52 = tpu.memref_slice %arg8[%dma_start3A_50, %dma_start3A_51] : memref<160x128xf32, #tpu.memory_space<vmem>> -> memref<32x128xf32, #tpu.memory_space<vmem>>
    %dma_start3A_53 = arith.constant 128 : i32
    %dma_start3A_54 = tpu.memref_slice %arg6[%dma_start3A_53] : memref<160xi32, #tpu.memory_space<vmem>> -> memref<32xi32, #tpu.memory_space<vmem>>
    %dma_start3A_55 = arith.constant 0 : i32
    %dma_start3A_56 = arith.constant 0 : i32
    %dma_start3A_57 = tpu.memref_slice %arg2[%dma_start3A_55, %dma_start3A_56] : memref<100000x128xf32, #tpu.memory_space<hbm>> -> memref<100000x128xf32, #tpu.memory_space<hbm>>
    tpu.enqueue_indirect_dma source(%dma_start3A_57 : memref<100000x128xf32, #tpu.memory_space<hbm>>) target(%dma_start3A_52 : memref<32x128xf32, #tpu.memory_space<vmem>>) offsets(%dma_start3A_54 : memref<32xi32, #tpu.memory_space<vmem>>) semaphore(%arg9 : memref<!tpu.dma_semaphore, #tpu.memory_space<semaphore_mem>>)
    %mul3A_58 = arith.constant 2 : i32
    %mul3A_59 = arith.muli %mul3A_58, %scan3A_5 : i32
    %add3A_60 = arith.constant 0 : i32
    %add3A_61 = arith.addi %mul3A_59, %add3A_60 : i32
    %mul3A_62 = arith.constant 160 : i32
    %mul3A_63 = arith.muli %add3A_61, %mul3A_62 : i32
    %add3A_64 = arith.addi %mul3A_4, %mul3A_63 : i32
    %dma_wait3A = arith.constant 0 : i32
    %dma_wait3A_65 = arith.constant 0 : i32
    %dma_wait3A_66 = tpu.memref_slice %arg7[%dma_wait3A, %dma_wait3A_65] : memref<160x128xf32, #tpu.memory_space<vmem>> -> memref<128x128xf32, #tpu.memory_space<vmem>>
    %dma_wait3A_67 = arith.constant 0 : i32
    %dma_wait3A_68 = tpu.memref_slice %arg5[%dma_wait3A_67] : memref<160xi32, #tpu.memory_space<vmem>> -> memref<128xi32, #tpu.memory_space<vmem>>
    %dma_wait3A_69 = arith.constant 0 : i32
    %dma_wait3A_70 = arith.constant 0 : i32
    %dma_wait3A_71 = tpu.memref_slice %arg2[%dma_wait3A_69, %dma_wait3A_70] : memref<100000x128xf32, #tpu.memory_space<hbm>> -> memref<100000x128xf32, #tpu.memory_space<hbm>>
    tpu.wait_indirect_dma semaphore(%arg9 : memref<!tpu.dma_semaphore, #tpu.memory_space<semaphore_mem>>) src(%dma_wait3A_71 : memref<100000x128xf32, #tpu.memory_space<hbm>>) dst(%dma_wait3A_66 : memref<128x128xf32, #tpu.memory_space<vmem>>)
    %dma_wait3A_72 = arith.constant 128 : i32
    %dma_wait3A_73 = arith.constant 0 : i32
    %dma_wait3A_74 = tpu.memref_slice %arg7[%dma_wait3A_72, %dma_wait3A_73] : memref<160x128xf32, #tpu.memory_space<vmem>> -> memref<32x128xf32, #tpu.memory_space<vmem>>
    %dma_wait3A_75 = arith.constant 128 : i32
    %dma_wait3A_76 = tpu.memref_slice %arg5[%dma_wait3A_75] : memref<160xi32, #tpu.memory_space<vmem>> -> memref<32xi32, #tpu.memory_space<vmem>>
    %dma_wait3A_77 = arith.constant 0 : i32
    %dma_wait3A_78 = arith.constant 0 : i32
    %dma_wait3A_79 = tpu.memref_slice %arg2[%dma_wait3A_77, %dma_wait3A_78] : memref<100000x128xf32, #tpu.memory_space<hbm>> -> memref<100000x128xf32, #tpu.memory_space<hbm>>
    tpu.wait_indirect_dma semaphore(%arg9 : memref<!tpu.dma_semaphore, #tpu.memory_space<semaphore_mem>>) src(%dma_wait3A_79 : memref<100000x128xf32, #tpu.memory_space<hbm>>) dst(%dma_wait3A_74 : memref<32x128xf32, #tpu.memory_space<vmem>>)
    %dma_start3A_80 = arith.constant 0 : i32
    %dma_start3A_81 = tpu.memref_slice %arg4[%add3A_64, %dma_start3A_80] : memref<10240x128xf32, #tpu.memory_space<hbm>> -> memref<160x128xf32, #tpu.memory_space<hbm>>
    %dma_start3A_82 = arith.constant 0 : i32
    %dma_start3A_83 = tpu.memref_slice %arg4[%add3A_64, %dma_start3A_82] : memref<10240x128xf32, #tpu.memory_space<hbm>> -> memref<160x128xf32, #tpu.memory_space<hbm>>
    tpu.enqueue_dma source(%arg7 : memref<160x128xf32, #tpu.memory_space<vmem>>) target(%dma_start3A_83 : memref<160x128xf32, #tpu.memory_space<hbm>>) target_semaphore(%arg10 : memref<!tpu.dma_semaphore, #tpu.memory_space<semaphore_mem>>)
    %mul3A_84 = arith.constant 2 : i32
    %mul3A_85 = arith.muli %mul3A_84, %scan3A_5 : i32
    %add3A_86 = arith.constant 1 : i32
    %add3A_87 = arith.addi %mul3A_85, %add3A_86 : i32
    %mul3A_88 = arith.constant 160 : i32
    %mul3A_89 = arith.muli %add3A_87, %mul3A_88 : i32
    %add3A_90 = arith.addi %mul3A_4, %mul3A_89 : i32
    %dma_wait3A_91 = arith.constant 0 : i32
    %dma_wait3A_92 = arith.constant 0 : i32
    %dma_wait3A_93 = tpu.memref_slice %arg8[%dma_wait3A_91, %dma_wait3A_92] : memref<160x128xf32, #tpu.memory_space<vmem>> -> memref<128x128xf32, #tpu.memory_space<vmem>>
    %dma_wait3A_94 = arith.constant 0 : i32
    %dma_wait3A_95 = tpu.memref_slice %arg6[%dma_wait3A_94] : memref<160xi32, #tpu.memory_space<vmem>> -> memref<128xi32, #tpu.memory_space<vmem>>
    %dma_wait3A_96 = arith.constant 0 : i32
    %dma_wait3A_97 = arith.constant 0 : i32
    %dma_wait3A_98 = tpu.memref_slice %arg2[%dma_wait3A_96, %dma_wait3A_97] : memref<100000x128xf32, #tpu.memory_space<hbm>> -> memref<100000x128xf32, #tpu.memory_space<hbm>>
    tpu.wait_indirect_dma semaphore(%arg9 : memref<!tpu.dma_semaphore, #tpu.memory_space<semaphore_mem>>) src(%dma_wait3A_98 : memref<100000x128xf32, #tpu.memory_space<hbm>>) dst(%dma_wait3A_93 : memref<128x128xf32, #tpu.memory_space<vmem>>)
    %dma_wait3A_99 = arith.constant 128 : i32
    %dma_wait3A_100 = arith.constant 0 : i32
    %dma_wait3A_101 = tpu.memref_slice %arg8[%dma_wait3A_99, %dma_wait3A_100] : memref<160x128xf32, #tpu.memory_space<vmem>> -> memref<32x128xf32, #tpu.memory_space<vmem>>
    %dma_wait3A_102 = arith.constant 128 : i32
    %dma_wait3A_103 = tpu.memref_slice %arg6[%dma_wait3A_102] : memref<160xi32, #tpu.memory_space<vmem>> -> memref<32xi32, #tpu.memory_space<vmem>>
    %dma_wait3A_104 = arith.constant 0 : i32
    %dma_wait3A_105 = arith.constant 0 : i32
    %dma_wait3A_106 = tpu.memref_slice %arg2[%dma_wait3A_104, %dma_wait3A_105] : memref<100000x128xf32, #tpu.memory_space<hbm>> -> memref<100000x128xf32, #tpu.memory_space<hbm>>
    tpu.wait_indirect_dma semaphore(%arg9 : memref<!tpu.dma_semaphore, #tpu.memory_space<semaphore_mem>>) src(%dma_wait3A_106 : memref<100000x128xf32, #tpu.memory_space<hbm>>) dst(%dma_wait3A_101 : memref<32x128xf32, #tpu.memory_space<vmem>>)
    %dma_start3A_107 = arith.constant 0 : i32
    %dma_start3A_108 = tpu.memref_slice %arg4[%add3A_90, %dma_start3A_107] : memref<10240x128xf32, #tpu.memory_space<hbm>> -> memref<160x128xf32, #tpu.memory_space<hbm>>
    %dma_start3A_109 = arith.constant 0 : i32
    %dma_start3A_110 = tpu.memref_slice %arg4[%add3A_90, %dma_start3A_109] : memref<10240x128xf32, #tpu.memory_space<hbm>> -> memref<160x128xf32, #tpu.memory_space<hbm>>
    tpu.enqueue_dma source(%arg8 : memref<160x128xf32, #tpu.memory_space<vmem>>) target(%dma_start3A_110 : memref<160x128xf32, #tpu.memory_space<hbm>>) target_semaphore(%arg11 : memref<!tpu.dma_semaphore, #tpu.memory_space<semaphore_mem>>)
    %scan3A_111 = arith.constant 1 : i32
    %dma_wait3A_112 = arith.constant 0 : i32
    %dma_wait3A_113 = arith.constant 0 : i32
    %dma_wait3A_114 = tpu.memref_slice %arg4[%dma_wait3A_112, %dma_wait3A_113] : memref<10240x128xf32, #tpu.memory_space<hbm>> -> memref<160x128xf32, #tpu.memory_space<hbm>>
    %dma_wait3A_115 = arith.constant 0 : i32
    %dma_wait3A_116 = arith.constant 0 : i32
    %dma_wait3A_117 = tpu.memref_slice %arg4[%dma_wait3A_115, %dma_wait3A_116] : memref<10240x128xf32, #tpu.memory_space<hbm>> -> memref<160x128xf32, #tpu.memory_space<hbm>>
    tpu.wait_dma2 semaphore(%arg10 : memref<!tpu.dma_semaphore, #tpu.memory_space<semaphore_mem>>) src(%dma_wait3A_117 : memref<160x128xf32, #tpu.memory_space<hbm>>) dst(%arg7 : memref<160x128xf32, #tpu.memory_space<vmem>>)
    %dma_wait3A_118 = arith.constant 0 : i32
    %dma_wait3A_119 = arith.constant 0 : i32
    %dma_wait3A_120 = tpu.memref_slice %arg4[%dma_wait3A_118, %dma_wait3A_119] : memref<10240x128xf32, #tpu.memory_space<hbm>> -> memref<160x128xf32, #tpu.memory_space<hbm>>
    %dma_wait3A_121 = arith.constant 0 : i32
    %dma_wait3A_122 = arith.constant 0 : i32
    %dma_wait3A_123 = tpu.memref_slice %arg4[%dma_wait3A_121, %dma_wait3A_122] : memref<10240x128xf32, #tpu.memory_space<hbm>> -> memref<160x128xf32, #tpu.memory_space<hbm>>
    tpu.wait_dma2 semaphore(%arg11 : memref<!tpu.dma_semaphore, #tpu.memory_space<semaphore_mem>>) src(%dma_wait3A_123 : memref<160x128xf32, #tpu.memory_space<hbm>>) dst(%arg8 : memref<160x128xf32, #tpu.memory_space<vmem>>)
    return
  }
}

module attributes {stable_mosaic.version = 14 : i64} {
  func.func @_lstm_body(%arg0: i32, %arg1: memref<512x2560xf32, #tpu.memory_space<vmem>>, %arg2: memref<512x1xi32, #tpu.memory_space<vmem>>, %arg3: memref<128x512xf32, #tpu.memory_space<vmem>>, %arg4: memref<128x512xf32, #tpu.memory_space<vmem>>, %arg5: memref<1x512xf32, #tpu.memory_space<vmem>>, %arg6: memref<1x512xf32, #tpu.memory_space<vmem>>, %arg7: memref<512x128xf32, #tpu.memory_space<vmem>>) attributes {dimension_semantics = [#tpu.dimension_semantics<arbitrary>], iteration_bounds = array<i64: 20>, scalar_prefetch = 0 : i64, scratch_operands = 0 : i64, tpu.core_type = #tpu.core_type<tc>, window_params = [{transform_indices = @transform_0, window_bounds = array<i64: 512, 2560>}, {transform_indices = @transform_1, window_bounds = array<i64: 512, 1>}, {pipeline_mode = #tpu.pipeline_mode<synchronous>, transform_indices = @transform_2, window_bounds = array<i64: 128, 512>}, {pipeline_mode = #tpu.pipeline_mode<synchronous>, transform_indices = @transform_3, window_bounds = array<i64: 128, 512>}, {pipeline_mode = #tpu.pipeline_mode<synchronous>, transform_indices = @transform_4, window_bounds = array<i64: 1, 512>}, {pipeline_mode = #tpu.pipeline_mode<synchronous>, transform_indices = @transform_5, window_bounds = array<i64: 1, 512>}, {transform_indices = @transform_6, window_bounds = array<i64: 512, 128>}]} {
    %get3A = arith.constant 0 : index
    %get3A_0 = arith.constant 0 : index
    %get3A_1 = vector.load %arg1[%get3A, %get3A_0] : memref<512x2560xf32, #tpu.memory_space<vmem>>, vector<512x2560xf32>
    %get3A_2 = arith.constant 0 : index
    %get3A_3 = arith.constant 0 : index
    %get3A_4 = vector.load %arg3[%get3A_2, %get3A_3] : memref<128x512xf32, #tpu.memory_space<vmem>>, vector<128x512xf32>
    %get3A_5 = arith.constant 0 : index
    %get3A_6 = arith.constant 0 : index
    %get3A_7 = vector.load %arg4[%get3A_5, %get3A_6] : memref<128x512xf32, #tpu.memory_space<vmem>>, vector<128x512xf32>
    %get3A_8 = arith.constant 0 : index
    %get3A_9 = arith.constant 0 : index
    %get3A_10 = vector.load %arg5[%get3A_8, %get3A_9] : memref<1x512xf32, #tpu.memory_space<vmem>>, vector<1x512xf32>
    %get3A_11 = arith.constant 0 : index
    %get3A_12 = arith.constant 0 : index
    %get3A_13 = vector.load %arg6[%get3A_11, %get3A_12] : memref<1x512xf32, #tpu.memory_space<vmem>>, vector<1x512xf32>
    %get3A_14 = arith.constant 0 : index
    %get3A_15 = arith.constant 0 : index
    %get3A_16 = vector.load %arg2[%get3A_14, %get3A_15] : memref<512x1xi32, #tpu.memory_space<vmem>>, vector<512x1xi32>
    %broadcast_in_dim3A = arith.constant 0.000000e+00 : f32
    %broadcast_in_dim3A_17 = vector.broadcast %broadcast_in_dim3A : f32 to vector<512x128xf32>
    %broadcast_in_dim3A_18 = arith.constant 0.000000e+00 : f32
    %broadcast_in_dim3A_19 = vector.broadcast %broadcast_in_dim3A_18 : f32 to vector<512x128xf32>
    %broadcast_in_dim3A_20 = arith.constant 0.000000e+00 : f32
    %broadcast_in_dim3A_21 = vector.broadcast %broadcast_in_dim3A_20 : f32 to vector<512x128xf32>
    %slice3A = vector.extract_strided_slice %get3A_1 {offsets = [0, 0], sizes = [512, 128], strides = [1, 1]} : vector<512x2560xf32> to vector<512x128xf32>
    %dot_general3A = arith.constant dense<0.000000e+00> : vector<512x512xf32>
    %dot_general3A_22 = tpu.matmul %slice3A, %get3A_4, %dot_general3A {dimension_numbers = #tpu.dot_dimension_numbers<[1], [0], [0], [1], [0, 0, 1, 1], [], []>, transpose_lhs_hint = false} : vector<512x128xf32>, vector<128x512xf32>, vector<512x512xf32> -> vector<512x512xf32>
    %add3A = vector.broadcast %get3A_10 : vector<1x512xf32> to vector<512x512xf32>
    %add3A_23 = arith.addf %dot_general3A_22, %add3A : vector<512x512xf32>
    %dot_general3A_24 = arith.constant dense<0.000000e+00> : vector<512x512xf32>
    %dot_general3A_25 = tpu.matmul %broadcast_in_dim3A_17, %get3A_7, %dot_general3A_24 {dimension_numbers = #tpu.dot_dimension_numbers<[1], [0], [0], [1], [0, 0, 1, 1], [], []>, transpose_lhs_hint = false} : vector<512x128xf32>, vector<128x512xf32>, vector<512x512xf32> -> vector<512x512xf32>
    %add3A_26 = arith.addf %add3A_23, %dot_general3A_25 : vector<512x512xf32>
    %add3A_27 = vector.broadcast %get3A_13 : vector<1x512xf32> to vector<512x512xf32>
    %add3A_28 = arith.addf %add3A_26, %add3A_27 : vector<512x512xf32>
    %slice3A_29 = vector.extract_strided_slice %add3A_28 {offsets = [0, 0], sizes = [512, 128], strides = [1, 1]} : vector<512x512xf32> to vector<512x128xf32>
    %logistic3A = arith.negf %slice3A_29 : vector<512x128xf32>
    %logistic3A_30 = math.exp %logistic3A : vector<512x128xf32>
    %logistic3A_31 = arith.constant 1.000000e+00 : f32
    %logistic3A_32 = vector.broadcast %logistic3A_31 : f32 to vector<512x128xf32>
    %logistic3A_33 = arith.addf %logistic3A_32, %logistic3A_30 : vector<512x128xf32>
    %logistic3A_34 = arith.divf %logistic3A_32, %logistic3A_33 : vector<512x128xf32>
    %slice3A_35 = vector.extract_strided_slice %add3A_28 {offsets = [0, 128], sizes = [512, 128], strides = [1, 1]} : vector<512x512xf32> to vector<512x128xf32>
    %logistic3A_36 = arith.negf %slice3A_35 : vector<512x128xf32>
    %logistic3A_37 = math.exp %logistic3A_36 : vector<512x128xf32>
    %logistic3A_38 = arith.constant 1.000000e+00 : f32
    %logistic3A_39 = vector.broadcast %logistic3A_38 : f32 to vector<512x128xf32>
    %logistic3A_40 = arith.addf %logistic3A_39, %logistic3A_37 : vector<512x128xf32>
    %logistic3A_41 = arith.divf %logistic3A_39, %logistic3A_40 : vector<512x128xf32>
    %slice3A_42 = vector.extract_strided_slice %add3A_28 {offsets = [0, 256], sizes = [512, 128], strides = [1, 1]} : vector<512x512xf32> to vector<512x128xf32>
    %tanh3A = math.tanh %slice3A_42 : vector<512x128xf32>
    %slice3A_43 = vector.extract_strided_slice %add3A_28 {offsets = [0, 384], sizes = [512, 128], strides = [1, 1]} : vector<512x512xf32> to vector<512x128xf32>
    %logistic3A_44 = arith.negf %slice3A_43 : vector<512x128xf32>
    %logistic3A_45 = math.exp %logistic3A_44 : vector<512x128xf32>
    %logistic3A_46 = arith.constant 1.000000e+00 : f32
    %logistic3A_47 = vector.broadcast %logistic3A_46 : f32 to vector<512x128xf32>
    %logistic3A_48 = arith.addf %logistic3A_47, %logistic3A_45 : vector<512x128xf32>
    %logistic3A_49 = arith.divf %logistic3A_47, %logistic3A_48 : vector<512x128xf32>
    %mul3A = arith.mulf %logistic3A_41, %broadcast_in_dim3A_19 : vector<512x128xf32>
    %mul3A_50 = arith.mulf %logistic3A_34, %tanh3A : vector<512x128xf32>
    %add3A_51 = arith.addf %mul3A, %mul3A_50 : vector<512x128xf32>
    %tanh3A_52 = math.tanh %add3A_51 : vector<512x128xf32>
    %mul3A_53 = arith.mulf %logistic3A_49, %tanh3A_52 : vector<512x128xf32>
    %eq3A = arith.constant 1 : i32
    %eq3A_54 = vector.broadcast %eq3A : i32 to vector<512x1xi32>
    %eq3A_55 = arith.cmpi eq, %get3A_16, %eq3A_54 : vector<512x1xi32>
    %broadcast_in_dim3A_56 = vector.shape_cast %eq3A_55 : vector<512x1xi1> to vector<512x1xi1>
    %broadcast_in_dim3A_57 = vector.broadcast %broadcast_in_dim3A_56 : vector<512x1xi1> to vector<512x128xi1>
    %select_n3A = arith.select %broadcast_in_dim3A_57, %mul3A_53, %broadcast_in_dim3A_21 : vector<512x128xi1>, vector<512x128xf32>
    %slice3A_58 = vector.extract_strided_slice %get3A_1 {offsets = [0, 128], sizes = [512, 128], strides = [1, 1]} : vector<512x2560xf32> to vector<512x128xf32>
    %dot_general3A_59 = arith.constant dense<0.000000e+00> : vector<512x512xf32>
    %dot_general3A_60 = tpu.matmul %slice3A_58, %get3A_4, %dot_general3A_59 {dimension_numbers = #tpu.dot_dimension_numbers<[1], [0], [0], [1], [0, 0, 1, 1], [], []>, transpose_lhs_hint = false} : vector<512x128xf32>, vector<128x512xf32>, vector<512x512xf32> -> vector<512x512xf32>
    %add3A_61 = vector.broadcast %get3A_10 : vector<1x512xf32> to vector<512x512xf32>
    %add3A_62 = arith.addf %dot_general3A_60, %add3A_61 : vector<512x512xf32>
    %dot_general3A_63 = arith.constant dense<0.000000e+00> : vector<512x512xf32>
    %dot_general3A_64 = tpu.matmul %mul3A_53, %get3A_7, %dot_general3A_63 {dimension_numbers = #tpu.dot_dimension_numbers<[1], [0], [0], [1], [0, 0, 1, 1], [], []>, transpose_lhs_hint = false} : vector<512x128xf32>, vector<128x512xf32>, vector<512x512xf32> -> vector<512x512xf32>
    %add3A_65 = arith.addf %add3A_62, %dot_general3A_64 : vector<512x512xf32>
    %add3A_66 = vector.broadcast %get3A_13 : vector<1x512xf32> to vector<512x512xf32>
    %add3A_67 = arith.addf %add3A_65, %add3A_66 : vector<512x512xf32>
    %slice3A_68 = vector.extract_strided_slice %add3A_67 {offsets = [0, 0], sizes = [512, 128], strides = [1, 1]} : vector<512x512xf32> to vector<512x128xf32>
    %logistic3A_69 = arith.negf %slice3A_68 : vector<512x128xf32>
    %logistic3A_70 = math.exp %logistic3A_69 : vector<512x128xf32>
    %logistic3A_71 = arith.constant 1.000000e+00 : f32
    %logistic3A_72 = vector.broadcast %logistic3A_71 : f32 to vector<512x128xf32>
    %logistic3A_73 = arith.addf %logistic3A_72, %logistic3A_70 : vector<512x128xf32>
    %logistic3A_74 = arith.divf %logistic3A_72, %logistic3A_73 : vector<512x128xf32>
    %slice3A_75 = vector.extract_strided_slice %add3A_67 {offsets = [0, 128], sizes = [512, 128], strides = [1, 1]} : vector<512x512xf32> to vector<512x128xf32>
    %logistic3A_76 = arith.negf %slice3A_75 : vector<512x128xf32>
    %logistic3A_77 = math.exp %logistic3A_76 : vector<512x128xf32>
    %logistic3A_78 = arith.constant 1.000000e+00 : f32
    %logistic3A_79 = vector.broadcast %logistic3A_78 : f32 to vector<512x128xf32>
    %logistic3A_80 = arith.addf %logistic3A_79, %logistic3A_77 : vector<512x128xf32>
    %logistic3A_81 = arith.divf %logistic3A_79, %logistic3A_80 : vector<512x128xf32>
    %slice3A_82 = vector.extract_strided_slice %add3A_67 {offsets = [0, 256], sizes = [512, 128], strides = [1, 1]} : vector<512x512xf32> to vector<512x128xf32>
    %tanh3A_83 = math.tanh %slice3A_82 : vector<512x128xf32>
    %slice3A_84 = vector.extract_strided_slice %add3A_67 {offsets = [0, 384], sizes = [512, 128], strides = [1, 1]} : vector<512x512xf32> to vector<512x128xf32>
    %logistic3A_85 = arith.negf %slice3A_84 : vector<512x128xf32>
    %logistic3A_86 = math.exp %logistic3A_85 : vector<512x128xf32>
    %logistic3A_87 = arith.constant 1.000000e+00 : f32
    %logistic3A_88 = vector.broadcast %logistic3A_87 : f32 to vector<512x128xf32>
    %logistic3A_89 = arith.addf %logistic3A_88, %logistic3A_86 : vector<512x128xf32>
    %logistic3A_90 = arith.divf %logistic3A_88, %logistic3A_89 : vector<512x128xf32>
    %mul3A_91 = arith.mulf %logistic3A_81, %add3A_51 : vector<512x128xf32>
    %mul3A_92 = arith.mulf %logistic3A_74, %tanh3A_83 : vector<512x128xf32>
    %add3A_93 = arith.addf %mul3A_91, %mul3A_92 : vector<512x128xf32>
    %tanh3A_94 = math.tanh %add3A_93 : vector<512x128xf32>
    %mul3A_95 = arith.mulf %logistic3A_90, %tanh3A_94 : vector<512x128xf32>
    %eq3A_96 = arith.constant 2 : i32
    %eq3A_97 = vector.broadcast %eq3A_96 : i32 to vector<512x1xi32>
    %eq3A_98 = arith.cmpi eq, %get3A_16, %eq3A_97 : vector<512x1xi32>
    %broadcast_in_dim3A_99 = vector.shape_cast %eq3A_98 : vector<512x1xi1> to vector<512x1xi1>
    %broadcast_in_dim3A_100 = vector.broadcast %broadcast_in_dim3A_99 : vector<512x1xi1> to vector<512x128xi1>
    %select_n3A_101 = arith.select %broadcast_in_dim3A_100, %mul3A_95, %select_n3A : vector<512x128xi1>, vector<512x128xf32>
    %slice3A_102 = vector.extract_strided_slice %get3A_1 {offsets = [0, 256], sizes = [512, 128], strides = [1, 1]} : vector<512x2560xf32> to vector<512x128xf32>
    %dot_general3A_103 = arith.constant dense<0.000000e+00> : vector<512x512xf32>
    %dot_general3A_104 = tpu.matmul %slice3A_102, %get3A_4, %dot_general3A_103 {dimension_numbers = #tpu.dot_dimension_numbers<[1], [0], [0], [1], [0, 0, 1, 1], [], []>, transpose_lhs_hint = false} : vector<512x128xf32>, vector<128x512xf32>, vector<512x512xf32> -> vector<512x512xf32>
    %add3A_105 = vector.broadcast %get3A_10 : vector<1x512xf32> to vector<512x512xf32>
    %add3A_106 = arith.addf %dot_general3A_104, %add3A_105 : vector<512x512xf32>
    %dot_general3A_107 = arith.constant dense<0.000000e+00> : vector<512x512xf32>
    %dot_general3A_108 = tpu.matmul %mul3A_95, %get3A_7, %dot_general3A_107 {dimension_numbers = #tpu.dot_dimension_numbers<[1], [0], [0], [1], [0, 0, 1, 1], [], []>, transpose_lhs_hint = false} : vector<512x128xf32>, vector<128x512xf32>, vector<512x512xf32> -> vector<512x512xf32>
    %add3A_109 = arith.addf %add3A_106, %dot_general3A_108 : vector<512x512xf32>
    %add3A_110 = vector.broadcast %get3A_13 : vector<1x512xf32> to vector<512x512xf32>
    %add3A_111 = arith.addf %add3A_109, %add3A_110 : vector<512x512xf32>
    %slice3A_112 = vector.extract_strided_slice %add3A_111 {offsets = [0, 0], sizes = [512, 128], strides = [1, 1]} : vector<512x512xf32> to vector<512x128xf32>
    %logistic3A_113 = arith.negf %slice3A_112 : vector<512x128xf32>
    %logistic3A_114 = math.exp %logistic3A_113 : vector<512x128xf32>
    %logistic3A_115 = arith.constant 1.000000e+00 : f32
    %logistic3A_116 = vector.broadcast %logistic3A_115 : f32 to vector<512x128xf32>
    %logistic3A_117 = arith.addf %logistic3A_116, %logistic3A_114 : vector<512x128xf32>
    %logistic3A_118 = arith.divf %logistic3A_116, %logistic3A_117 : vector<512x128xf32>
    %slice3A_119 = vector.extract_strided_slice %add3A_111 {offsets = [0, 128], sizes = [512, 128], strides = [1, 1]} : vector<512x512xf32> to vector<512x128xf32>
    %logistic3A_120 = arith.negf %slice3A_119 : vector<512x128xf32>
    %logistic3A_121 = math.exp %logistic3A_120 : vector<512x128xf32>
    %logistic3A_122 = arith.constant 1.000000e+00 : f32
    %logistic3A_123 = vector.broadcast %logistic3A_122 : f32 to vector<512x128xf32>
    %logistic3A_124 = arith.addf %logistic3A_123, %logistic3A_121 : vector<512x128xf32>
    %logistic3A_125 = arith.divf %logistic3A_123, %logistic3A_124 : vector<512x128xf32>
    %slice3A_126 = vector.extract_strided_slice %add3A_111 {offsets = [0, 256], sizes = [512, 128], strides = [1, 1]} : vector<512x512xf32> to vector<512x128xf32>
    %tanh3A_127 = math.tanh %slice3A_126 : vector<512x128xf32>
    %slice3A_128 = vector.extract_strided_slice %add3A_111 {offsets = [0, 384], sizes = [512, 128], strides = [1, 1]} : vector<512x512xf32> to vector<512x128xf32>
    %logistic3A_129 = arith.negf %slice3A_128 : vector<512x128xf32>
    %logistic3A_130 = math.exp %logistic3A_129 : vector<512x128xf32>
    %logistic3A_131 = arith.constant 1.000000e+00 : f32
    %logistic3A_132 = vector.broadcast %logistic3A_131 : f32 to vector<512x128xf32>
    %logistic3A_133 = arith.addf %logistic3A_132, %logistic3A_130 : vector<512x128xf32>
    %logistic3A_134 = arith.divf %logistic3A_132, %logistic3A_133 : vector<512x128xf32>
    %mul3A_135 = arith.mulf %logistic3A_125, %add3A_93 : vector<512x128xf32>
    %mul3A_136 = arith.mulf %logistic3A_118, %tanh3A_127 : vector<512x128xf32>
    %add3A_137 = arith.addf %mul3A_135, %mul3A_136 : vector<512x128xf32>
    %tanh3A_138 = math.tanh %add3A_137 : vector<512x128xf32>
    %mul3A_139 = arith.mulf %logistic3A_134, %tanh3A_138 : vector<512x128xf32>
    %eq3A_140 = arith.constant 3 : i32
    %eq3A_141 = vector.broadcast %eq3A_140 : i32 to vector<512x1xi32>
    %eq3A_142 = arith.cmpi eq, %get3A_16, %eq3A_141 : vector<512x1xi32>
    %broadcast_in_dim3A_143 = vector.shape_cast %eq3A_142 : vector<512x1xi1> to vector<512x1xi1>
    %broadcast_in_dim3A_144 = vector.broadcast %broadcast_in_dim3A_143 : vector<512x1xi1> to vector<512x128xi1>
    %select_n3A_145 = arith.select %broadcast_in_dim3A_144, %mul3A_139, %select_n3A_101 : vector<512x128xi1>, vector<512x128xf32>
    %slice3A_146 = vector.extract_strided_slice %get3A_1 {offsets = [0, 384], sizes = [512, 128], strides = [1, 1]} : vector<512x2560xf32> to vector<512x128xf32>
    %dot_general3A_147 = arith.constant dense<0.000000e+00> : vector<512x512xf32>
    %dot_general3A_148 = tpu.matmul %slice3A_146, %get3A_4, %dot_general3A_147 {dimension_numbers = #tpu.dot_dimension_numbers<[1], [0], [0], [1], [0, 0, 1, 1], [], []>, transpose_lhs_hint = false} : vector<512x128xf32>, vector<128x512xf32>, vector<512x512xf32> -> vector<512x512xf32>
    %add3A_149 = vector.broadcast %get3A_10 : vector<1x512xf32> to vector<512x512xf32>
    %add3A_150 = arith.addf %dot_general3A_148, %add3A_149 : vector<512x512xf32>
    %dot_general3A_151 = arith.constant dense<0.000000e+00> : vector<512x512xf32>
    %dot_general3A_152 = tpu.matmul %mul3A_139, %get3A_7, %dot_general3A_151 {dimension_numbers = #tpu.dot_dimension_numbers<[1], [0], [0], [1], [0, 0, 1, 1], [], []>, transpose_lhs_hint = false} : vector<512x128xf32>, vector<128x512xf32>, vector<512x512xf32> -> vector<512x512xf32>
    %add3A_153 = arith.addf %add3A_150, %dot_general3A_152 : vector<512x512xf32>
    %add3A_154 = vector.broadcast %get3A_13 : vector<1x512xf32> to vector<512x512xf32>
    %add3A_155 = arith.addf %add3A_153, %add3A_154 : vector<512x512xf32>
    %slice3A_156 = vector.extract_strided_slice %add3A_155 {offsets = [0, 0], sizes = [512, 128], strides = [1, 1]} : vector<512x512xf32> to vector<512x128xf32>
    %logistic3A_157 = arith.negf %slice3A_156 : vector<512x128xf32>
    %logistic3A_158 = math.exp %logistic3A_157 : vector<512x128xf32>
    %logistic3A_159 = arith.constant 1.000000e+00 : f32
    %logistic3A_160 = vector.broadcast %logistic3A_159 : f32 to vector<512x128xf32>
    %logistic3A_161 = arith.addf %logistic3A_160, %logistic3A_158 : vector<512x128xf32>
    %logistic3A_162 = arith.divf %logistic3A_160, %logistic3A_161 : vector<512x128xf32>
    %slice3A_163 = vector.extract_strided_slice %add3A_155 {offsets = [0, 128], sizes = [512, 128], strides = [1, 1]} : vector<512x512xf32> to vector<512x128xf32>
    %logistic3A_164 = arith.negf %slice3A_163 : vector<512x128xf32>
    %logistic3A_165 = math.exp %logistic3A_164 : vector<512x128xf32>
    %logistic3A_166 = arith.constant 1.000000e+00 : f32
    %logistic3A_167 = vector.broadcast %logistic3A_166 : f32 to vector<512x128xf32>
    %logistic3A_168 = arith.addf %logistic3A_167, %logistic3A_165 : vector<512x128xf32>
    %logistic3A_169 = arith.divf %logistic3A_167, %logistic3A_168 : vector<512x128xf32>
    %slice3A_170 = vector.extract_strided_slice %add3A_155 {offsets = [0, 256], sizes = [512, 128], strides = [1, 1]} : vector<512x512xf32> to vector<512x128xf32>
    %tanh3A_171 = math.tanh %slice3A_170 : vector<512x128xf32>
    %slice3A_172 = vector.extract_strided_slice %add3A_155 {offsets = [0, 384], sizes = [512, 128], strides = [1, 1]} : vector<512x512xf32> to vector<512x128xf32>
    %logistic3A_173 = arith.negf %slice3A_172 : vector<512x128xf32>
    %logistic3A_174 = math.exp %logistic3A_173 : vector<512x128xf32>
    %logistic3A_175 = arith.constant 1.000000e+00 : f32
    %logistic3A_176 = vector.broadcast %logistic3A_175 : f32 to vector<512x128xf32>
    %logistic3A_177 = arith.addf %logistic3A_176, %logistic3A_174 : vector<512x128xf32>
    %logistic3A_178 = arith.divf %logistic3A_176, %logistic3A_177 : vector<512x128xf32>
    %mul3A_179 = arith.mulf %logistic3A_169, %add3A_137 : vector<512x128xf32>
    %mul3A_180 = arith.mulf %logistic3A_162, %tanh3A_171 : vector<512x128xf32>
    %add3A_181 = arith.addf %mul3A_179, %mul3A_180 : vector<512x128xf32>
    %tanh3A_182 = math.tanh %add3A_181 : vector<512x128xf32>
    %mul3A_183 = arith.mulf %logistic3A_178, %tanh3A_182 : vector<512x128xf32>
    %eq3A_184 = arith.constant 4 : i32
    %eq3A_185 = vector.broadcast %eq3A_184 : i32 to vector<512x1xi32>
    %eq3A_186 = arith.cmpi eq, %get3A_16, %eq3A_185 : vector<512x1xi32>
    %broadcast_in_dim3A_187 = vector.shape_cast %eq3A_186 : vector<512x1xi1> to vector<512x1xi1>
    %broadcast_in_dim3A_188 = vector.broadcast %broadcast_in_dim3A_187 : vector<512x1xi1> to vector<512x128xi1>
    %select_n3A_189 = arith.select %broadcast_in_dim3A_188, %mul3A_183, %select_n3A_145 : vector<512x128xi1>, vector<512x128xf32>
    %slice3A_190 = vector.extract_strided_slice %get3A_1 {offsets = [0, 512], sizes = [512, 128], strides = [1, 1]} : vector<512x2560xf32> to vector<512x128xf32>
    %dot_general3A_191 = arith.constant dense<0.000000e+00> : vector<512x512xf32>
    %dot_general3A_192 = tpu.matmul %slice3A_190, %get3A_4, %dot_general3A_191 {dimension_numbers = #tpu.dot_dimension_numbers<[1], [0], [0], [1], [0, 0, 1, 1], [], []>, transpose_lhs_hint = false} : vector<512x128xf32>, vector<128x512xf32>, vector<512x512xf32> -> vector<512x512xf32>
    %add3A_193 = vector.broadcast %get3A_10 : vector<1x512xf32> to vector<512x512xf32>
    %add3A_194 = arith.addf %dot_general3A_192, %add3A_193 : vector<512x512xf32>
    %dot_general3A_195 = arith.constant dense<0.000000e+00> : vector<512x512xf32>
    %dot_general3A_196 = tpu.matmul %mul3A_183, %get3A_7, %dot_general3A_195 {dimension_numbers = #tpu.dot_dimension_numbers<[1], [0], [0], [1], [0, 0, 1, 1], [], []>, transpose_lhs_hint = false} : vector<512x128xf32>, vector<128x512xf32>, vector<512x512xf32> -> vector<512x512xf32>
    %add3A_197 = arith.addf %add3A_194, %dot_general3A_196 : vector<512x512xf32>
    %add3A_198 = vector.broadcast %get3A_13 : vector<1x512xf32> to vector<512x512xf32>
    %add3A_199 = arith.addf %add3A_197, %add3A_198 : vector<512x512xf32>
    %slice3A_200 = vector.extract_strided_slice %add3A_199 {offsets = [0, 0], sizes = [512, 128], strides = [1, 1]} : vector<512x512xf32> to vector<512x128xf32>
    %logistic3A_201 = arith.negf %slice3A_200 : vector<512x128xf32>
    %logistic3A_202 = math.exp %logistic3A_201 : vector<512x128xf32>
    %logistic3A_203 = arith.constant 1.000000e+00 : f32
    %logistic3A_204 = vector.broadcast %logistic3A_203 : f32 to vector<512x128xf32>
    %logistic3A_205 = arith.addf %logistic3A_204, %logistic3A_202 : vector<512x128xf32>
    %logistic3A_206 = arith.divf %logistic3A_204, %logistic3A_205 : vector<512x128xf32>
    %slice3A_207 = vector.extract_strided_slice %add3A_199 {offsets = [0, 128], sizes = [512, 128], strides = [1, 1]} : vector<512x512xf32> to vector<512x128xf32>
    %logistic3A_208 = arith.negf %slice3A_207 : vector<512x128xf32>
    %logistic3A_209 = math.exp %logistic3A_208 : vector<512x128xf32>
    %logistic3A_210 = arith.constant 1.000000e+00 : f32
    %logistic3A_211 = vector.broadcast %logistic3A_210 : f32 to vector<512x128xf32>
    %logistic3A_212 = arith.addf %logistic3A_211, %logistic3A_209 : vector<512x128xf32>
    %logistic3A_213 = arith.divf %logistic3A_211, %logistic3A_212 : vector<512x128xf32>
    %slice3A_214 = vector.extract_strided_slice %add3A_199 {offsets = [0, 256], sizes = [512, 128], strides = [1, 1]} : vector<512x512xf32> to vector<512x128xf32>
    %tanh3A_215 = math.tanh %slice3A_214 : vector<512x128xf32>
    %slice3A_216 = vector.extract_strided_slice %add3A_199 {offsets = [0, 384], sizes = [512, 128], strides = [1, 1]} : vector<512x512xf32> to vector<512x128xf32>
    %logistic3A_217 = arith.negf %slice3A_216 : vector<512x128xf32>
    %logistic3A_218 = math.exp %logistic3A_217 : vector<512x128xf32>
    %logistic3A_219 = arith.constant 1.000000e+00 : f32
    %logistic3A_220 = vector.broadcast %logistic3A_219 : f32 to vector<512x128xf32>
    %logistic3A_221 = arith.addf %logistic3A_220, %logistic3A_218 : vector<512x128xf32>
    %logistic3A_222 = arith.divf %logistic3A_220, %logistic3A_221 : vector<512x128xf32>
    %mul3A_223 = arith.mulf %logistic3A_213, %add3A_181 : vector<512x128xf32>
    %mul3A_224 = arith.mulf %logistic3A_206, %tanh3A_215 : vector<512x128xf32>
    %add3A_225 = arith.addf %mul3A_223, %mul3A_224 : vector<512x128xf32>
    %tanh3A_226 = math.tanh %add3A_225 : vector<512x128xf32>
    %mul3A_227 = arith.mulf %logistic3A_222, %tanh3A_226 : vector<512x128xf32>
    %eq3A_228 = arith.constant 5 : i32
    %eq3A_229 = vector.broadcast %eq3A_228 : i32 to vector<512x1xi32>
    %eq3A_230 = arith.cmpi eq, %get3A_16, %eq3A_229 : vector<512x1xi32>
    %broadcast_in_dim3A_231 = vector.shape_cast %eq3A_230 : vector<512x1xi1> to vector<512x1xi1>
    %broadcast_in_dim3A_232 = vector.broadcast %broadcast_in_dim3A_231 : vector<512x1xi1> to vector<512x128xi1>
    %select_n3A_233 = arith.select %broadcast_in_dim3A_232, %mul3A_227, %select_n3A_189 : vector<512x128xi1>, vector<512x128xf32>
    %slice3A_234 = vector.extract_strided_slice %get3A_1 {offsets = [0, 640], sizes = [512, 128], strides = [1, 1]} : vector<512x2560xf32> to vector<512x128xf32>
    %dot_general3A_235 = arith.constant dense<0.000000e+00> : vector<512x512xf32>
    %dot_general3A_236 = tpu.matmul %slice3A_234, %get3A_4, %dot_general3A_235 {dimension_numbers = #tpu.dot_dimension_numbers<[1], [0], [0], [1], [0, 0, 1, 1], [], []>, transpose_lhs_hint = false} : vector<512x128xf32>, vector<128x512xf32>, vector<512x512xf32> -> vector<512x512xf32>
    %add3A_237 = vector.broadcast %get3A_10 : vector<1x512xf32> to vector<512x512xf32>
    %add3A_238 = arith.addf %dot_general3A_236, %add3A_237 : vector<512x512xf32>
    %dot_general3A_239 = arith.constant dense<0.000000e+00> : vector<512x512xf32>
    %dot_general3A_240 = tpu.matmul %mul3A_227, %get3A_7, %dot_general3A_239 {dimension_numbers = #tpu.dot_dimension_numbers<[1], [0], [0], [1], [0, 0, 1, 1], [], []>, transpose_lhs_hint = false} : vector<512x128xf32>, vector<128x512xf32>, vector<512x512xf32> -> vector<512x512xf32>
    %add3A_241 = arith.addf %add3A_238, %dot_general3A_240 : vector<512x512xf32>
    %add3A_242 = vector.broadcast %get3A_13 : vector<1x512xf32> to vector<512x512xf32>
    %add3A_243 = arith.addf %add3A_241, %add3A_242 : vector<512x512xf32>
    %slice3A_244 = vector.extract_strided_slice %add3A_243 {offsets = [0, 0], sizes = [512, 128], strides = [1, 1]} : vector<512x512xf32> to vector<512x128xf32>
    %logistic3A_245 = arith.negf %slice3A_244 : vector<512x128xf32>
    %logistic3A_246 = math.exp %logistic3A_245 : vector<512x128xf32>
    %logistic3A_247 = arith.constant 1.000000e+00 : f32
    %logistic3A_248 = vector.broadcast %logistic3A_247 : f32 to vector<512x128xf32>
    %logistic3A_249 = arith.addf %logistic3A_248, %logistic3A_246 : vector<512x128xf32>
    %logistic3A_250 = arith.divf %logistic3A_248, %logistic3A_249 : vector<512x128xf32>
    %slice3A_251 = vector.extract_strided_slice %add3A_243 {offsets = [0, 128], sizes = [512, 128], strides = [1, 1]} : vector<512x512xf32> to vector<512x128xf32>
    %logistic3A_252 = arith.negf %slice3A_251 : vector<512x128xf32>
    %logistic3A_253 = math.exp %logistic3A_252 : vector<512x128xf32>
    %logistic3A_254 = arith.constant 1.000000e+00 : f32
    %logistic3A_255 = vector.broadcast %logistic3A_254 : f32 to vector<512x128xf32>
    %logistic3A_256 = arith.addf %logistic3A_255, %logistic3A_253 : vector<512x128xf32>
    %logistic3A_257 = arith.divf %logistic3A_255, %logistic3A_256 : vector<512x128xf32>
    %slice3A_258 = vector.extract_strided_slice %add3A_243 {offsets = [0, 256], sizes = [512, 128], strides = [1, 1]} : vector<512x512xf32> to vector<512x128xf32>
    %tanh3A_259 = math.tanh %slice3A_258 : vector<512x128xf32>
    %slice3A_260 = vector.extract_strided_slice %add3A_243 {offsets = [0, 384], sizes = [512, 128], strides = [1, 1]} : vector<512x512xf32> to vector<512x128xf32>
    %logistic3A_261 = arith.negf %slice3A_260 : vector<512x128xf32>
    %logistic3A_262 = math.exp %logistic3A_261 : vector<512x128xf32>
    %logistic3A_263 = arith.constant 1.000000e+00 : f32
    %logistic3A_264 = vector.broadcast %logistic3A_263 : f32 to vector<512x128xf32>
    %logistic3A_265 = arith.addf %logistic3A_264, %logistic3A_262 : vector<512x128xf32>
    %logistic3A_266 = arith.divf %logistic3A_264, %logistic3A_265 : vector<512x128xf32>
    %mul3A_267 = arith.mulf %logistic3A_257, %add3A_225 : vector<512x128xf32>
    %mul3A_268 = arith.mulf %logistic3A_250, %tanh3A_259 : vector<512x128xf32>
    %add3A_269 = arith.addf %mul3A_267, %mul3A_268 : vector<512x128xf32>
    %tanh3A_270 = math.tanh %add3A_269 : vector<512x128xf32>
    %mul3A_271 = arith.mulf %logistic3A_266, %tanh3A_270 : vector<512x128xf32>
    %eq3A_272 = arith.constant 6 : i32
    %eq3A_273 = vector.broadcast %eq3A_272 : i32 to vector<512x1xi32>
    %eq3A_274 = arith.cmpi eq, %get3A_16, %eq3A_273 : vector<512x1xi32>
    %broadcast_in_dim3A_275 = vector.shape_cast %eq3A_274 : vector<512x1xi1> to vector<512x1xi1>
    %broadcast_in_dim3A_276 = vector.broadcast %broadcast_in_dim3A_275 : vector<512x1xi1> to vector<512x128xi1>
    %select_n3A_277 = arith.select %broadcast_in_dim3A_276, %mul3A_271, %select_n3A_233 : vector<512x128xi1>, vector<512x128xf32>
    %slice3A_278 = vector.extract_strided_slice %get3A_1 {offsets = [0, 768], sizes = [512, 128], strides = [1, 1]} : vector<512x2560xf32> to vector<512x128xf32>
    %dot_general3A_279 = arith.constant dense<0.000000e+00> : vector<512x512xf32>
    %dot_general3A_280 = tpu.matmul %slice3A_278, %get3A_4, %dot_general3A_279 {dimension_numbers = #tpu.dot_dimension_numbers<[1], [0], [0], [1], [0, 0, 1, 1], [], []>, transpose_lhs_hint = false} : vector<512x128xf32>, vector<128x512xf32>, vector<512x512xf32> -> vector<512x512xf32>
    %add3A_281 = vector.broadcast %get3A_10 : vector<1x512xf32> to vector<512x512xf32>
    %add3A_282 = arith.addf %dot_general3A_280, %add3A_281 : vector<512x512xf32>
    %dot_general3A_283 = arith.constant dense<0.000000e+00> : vector<512x512xf32>
    %dot_general3A_284 = tpu.matmul %mul3A_271, %get3A_7, %dot_general3A_283 {dimension_numbers = #tpu.dot_dimension_numbers<[1], [0], [0], [1], [0, 0, 1, 1], [], []>, transpose_lhs_hint = false} : vector<512x128xf32>, vector<128x512xf32>, vector<512x512xf32> -> vector<512x512xf32>
    %add3A_285 = arith.addf %add3A_282, %dot_general3A_284 : vector<512x512xf32>
    %add3A_286 = vector.broadcast %get3A_13 : vector<1x512xf32> to vector<512x512xf32>
    %add3A_287 = arith.addf %add3A_285, %add3A_286 : vector<512x512xf32>
    %slice3A_288 = vector.extract_strided_slice %add3A_287 {offsets = [0, 0], sizes = [512, 128], strides = [1, 1]} : vector<512x512xf32> to vector<512x128xf32>
    %logistic3A_289 = arith.negf %slice3A_288 : vector<512x128xf32>
    %logistic3A_290 = math.exp %logistic3A_289 : vector<512x128xf32>
    %logistic3A_291 = arith.constant 1.000000e+00 : f32
    %logistic3A_292 = vector.broadcast %logistic3A_291 : f32 to vector<512x128xf32>
    %logistic3A_293 = arith.addf %logistic3A_292, %logistic3A_290 : vector<512x128xf32>
    %logistic3A_294 = arith.divf %logistic3A_292, %logistic3A_293 : vector<512x128xf32>
    %slice3A_295 = vector.extract_strided_slice %add3A_287 {offsets = [0, 128], sizes = [512, 128], strides = [1, 1]} : vector<512x512xf32> to vector<512x128xf32>
    %logistic3A_296 = arith.negf %slice3A_295 : vector<512x128xf32>
    %logistic3A_297 = math.exp %logistic3A_296 : vector<512x128xf32>
    %logistic3A_298 = arith.constant 1.000000e+00 : f32
    %logistic3A_299 = vector.broadcast %logistic3A_298 : f32 to vector<512x128xf32>
    %logistic3A_300 = arith.addf %logistic3A_299, %logistic3A_297 : vector<512x128xf32>
    %logistic3A_301 = arith.divf %logistic3A_299, %logistic3A_300 : vector<512x128xf32>
    %slice3A_302 = vector.extract_strided_slice %add3A_287 {offsets = [0, 256], sizes = [512, 128], strides = [1, 1]} : vector<512x512xf32> to vector<512x128xf32>
    %tanh3A_303 = math.tanh %slice3A_302 : vector<512x128xf32>
    %slice3A_304 = vector.extract_strided_slice %add3A_287 {offsets = [0, 384], sizes = [512, 128], strides = [1, 1]} : vector<512x512xf32> to vector<512x128xf32>
    %logistic3A_305 = arith.negf %slice3A_304 : vector<512x128xf32>
    %logistic3A_306 = math.exp %logistic3A_305 : vector<512x128xf32>
    %logistic3A_307 = arith.constant 1.000000e+00 : f32
    %logistic3A_308 = vector.broadcast %logistic3A_307 : f32 to vector<512x128xf32>
    %logistic3A_309 = arith.addf %logistic3A_308, %logistic3A_306 : vector<512x128xf32>
    %logistic3A_310 = arith.divf %logistic3A_308, %logistic3A_309 : vector<512x128xf32>
    %mul3A_311 = arith.mulf %logistic3A_301, %add3A_269 : vector<512x128xf32>
    %mul3A_312 = arith.mulf %logistic3A_294, %tanh3A_303 : vector<512x128xf32>
    %add3A_313 = arith.addf %mul3A_311, %mul3A_312 : vector<512x128xf32>
    %tanh3A_314 = math.tanh %add3A_313 : vector<512x128xf32>
    %mul3A_315 = arith.mulf %logistic3A_310, %tanh3A_314 : vector<512x128xf32>
    %eq3A_316 = arith.constant 7 : i32
    %eq3A_317 = vector.broadcast %eq3A_316 : i32 to vector<512x1xi32>
    %eq3A_318 = arith.cmpi eq, %get3A_16, %eq3A_317 : vector<512x1xi32>
    %broadcast_in_dim3A_319 = vector.shape_cast %eq3A_318 : vector<512x1xi1> to vector<512x1xi1>
    %broadcast_in_dim3A_320 = vector.broadcast %broadcast_in_dim3A_319 : vector<512x1xi1> to vector<512x128xi1>
    %select_n3A_321 = arith.select %broadcast_in_dim3A_320, %mul3A_315, %select_n3A_277 : vector<512x128xi1>, vector<512x128xf32>
    %slice3A_322 = vector.extract_strided_slice %get3A_1 {offsets = [0, 896], sizes = [512, 128], strides = [1, 1]} : vector<512x2560xf32> to vector<512x128xf32>
    %dot_general3A_323 = arith.constant dense<0.000000e+00> : vector<512x512xf32>
    %dot_general3A_324 = tpu.matmul %slice3A_322, %get3A_4, %dot_general3A_323 {dimension_numbers = #tpu.dot_dimension_numbers<[1], [0], [0], [1], [0, 0, 1, 1], [], []>, transpose_lhs_hint = false} : vector<512x128xf32>, vector<128x512xf32>, vector<512x512xf32> -> vector<512x512xf32>
    %add3A_325 = vector.broadcast %get3A_10 : vector<1x512xf32> to vector<512x512xf32>
    %add3A_326 = arith.addf %dot_general3A_324, %add3A_325 : vector<512x512xf32>
    %dot_general3A_327 = arith.constant dense<0.000000e+00> : vector<512x512xf32>
    %dot_general3A_328 = tpu.matmul %mul3A_315, %get3A_7, %dot_general3A_327 {dimension_numbers = #tpu.dot_dimension_numbers<[1], [0], [0], [1], [0, 0, 1, 1], [], []>, transpose_lhs_hint = false} : vector<512x128xf32>, vector<128x512xf32>, vector<512x512xf32> -> vector<512x512xf32>
    %add3A_329 = arith.addf %add3A_326, %dot_general3A_328 : vector<512x512xf32>
    %add3A_330 = vector.broadcast %get3A_13 : vector<1x512xf32> to vector<512x512xf32>
    %add3A_331 = arith.addf %add3A_329, %add3A_330 : vector<512x512xf32>
    %slice3A_332 = vector.extract_strided_slice %add3A_331 {offsets = [0, 0], sizes = [512, 128], strides = [1, 1]} : vector<512x512xf32> to vector<512x128xf32>
    %logistic3A_333 = arith.negf %slice3A_332 : vector<512x128xf32>
    %logistic3A_334 = math.exp %logistic3A_333 : vector<512x128xf32>
    %logistic3A_335 = arith.constant 1.000000e+00 : f32
    %logistic3A_336 = vector.broadcast %logistic3A_335 : f32 to vector<512x128xf32>
    %logistic3A_337 = arith.addf %logistic3A_336, %logistic3A_334 : vector<512x128xf32>
    %logistic3A_338 = arith.divf %logistic3A_336, %logistic3A_337 : vector<512x128xf32>
    %slice3A_339 = vector.extract_strided_slice %add3A_331 {offsets = [0, 128], sizes = [512, 128], strides = [1, 1]} : vector<512x512xf32> to vector<512x128xf32>
    %logistic3A_340 = arith.negf %slice3A_339 : vector<512x128xf32>
    %logistic3A_341 = math.exp %logistic3A_340 : vector<512x128xf32>
    %logistic3A_342 = arith.constant 1.000000e+00 : f32
    %logistic3A_343 = vector.broadcast %logistic3A_342 : f32 to vector<512x128xf32>
    %logistic3A_344 = arith.addf %logistic3A_343, %logistic3A_341 : vector<512x128xf32>
    %logistic3A_345 = arith.divf %logistic3A_343, %logistic3A_344 : vector<512x128xf32>
    %slice3A_346 = vector.extract_strided_slice %add3A_331 {offsets = [0, 256], sizes = [512, 128], strides = [1, 1]} : vector<512x512xf32> to vector<512x128xf32>
    %tanh3A_347 = math.tanh %slice3A_346 : vector<512x128xf32>
    %slice3A_348 = vector.extract_strided_slice %add3A_331 {offsets = [0, 384], sizes = [512, 128], strides = [1, 1]} : vector<512x512xf32> to vector<512x128xf32>
    %logistic3A_349 = arith.negf %slice3A_348 : vector<512x128xf32>
    %logistic3A_350 = math.exp %logistic3A_349 : vector<512x128xf32>
    %logistic3A_351 = arith.constant 1.000000e+00 : f32
    %logistic3A_352 = vector.broadcast %logistic3A_351 : f32 to vector<512x128xf32>
    %logistic3A_353 = arith.addf %logistic3A_352, %logistic3A_350 : vector<512x128xf32>
    %logistic3A_354 = arith.divf %logistic3A_352, %logistic3A_353 : vector<512x128xf32>
    %mul3A_355 = arith.mulf %logistic3A_345, %add3A_313 : vector<512x128xf32>
    %mul3A_356 = arith.mulf %logistic3A_338, %tanh3A_347 : vector<512x128xf32>
    %add3A_357 = arith.addf %mul3A_355, %mul3A_356 : vector<512x128xf32>
    %tanh3A_358 = math.tanh %add3A_357 : vector<512x128xf32>
    %mul3A_359 = arith.mulf %logistic3A_354, %tanh3A_358 : vector<512x128xf32>
    %eq3A_360 = arith.constant 8 : i32
    %eq3A_361 = vector.broadcast %eq3A_360 : i32 to vector<512x1xi32>
    %eq3A_362 = arith.cmpi eq, %get3A_16, %eq3A_361 : vector<512x1xi32>
    %broadcast_in_dim3A_363 = vector.shape_cast %eq3A_362 : vector<512x1xi1> to vector<512x1xi1>
    %broadcast_in_dim3A_364 = vector.broadcast %broadcast_in_dim3A_363 : vector<512x1xi1> to vector<512x128xi1>
    %select_n3A_365 = arith.select %broadcast_in_dim3A_364, %mul3A_359, %select_n3A_321 : vector<512x128xi1>, vector<512x128xf32>
    %slice3A_366 = vector.extract_strided_slice %get3A_1 {offsets = [0, 1024], sizes = [512, 128], strides = [1, 1]} : vector<512x2560xf32> to vector<512x128xf32>
    %dot_general3A_367 = arith.constant dense<0.000000e+00> : vector<512x512xf32>
    %dot_general3A_368 = tpu.matmul %slice3A_366, %get3A_4, %dot_general3A_367 {dimension_numbers = #tpu.dot_dimension_numbers<[1], [0], [0], [1], [0, 0, 1, 1], [], []>, transpose_lhs_hint = false} : vector<512x128xf32>, vector<128x512xf32>, vector<512x512xf32> -> vector<512x512xf32>
    %add3A_369 = vector.broadcast %get3A_10 : vector<1x512xf32> to vector<512x512xf32>
    %add3A_370 = arith.addf %dot_general3A_368, %add3A_369 : vector<512x512xf32>
    %dot_general3A_371 = arith.constant dense<0.000000e+00> : vector<512x512xf32>
    %dot_general3A_372 = tpu.matmul %mul3A_359, %get3A_7, %dot_general3A_371 {dimension_numbers = #tpu.dot_dimension_numbers<[1], [0], [0], [1], [0, 0, 1, 1], [], []>, transpose_lhs_hint = false} : vector<512x128xf32>, vector<128x512xf32>, vector<512x512xf32> -> vector<512x512xf32>
    %add3A_373 = arith.addf %add3A_370, %dot_general3A_372 : vector<512x512xf32>
    %add3A_374 = vector.broadcast %get3A_13 : vector<1x512xf32> to vector<512x512xf32>
    %add3A_375 = arith.addf %add3A_373, %add3A_374 : vector<512x512xf32>
    %slice3A_376 = vector.extract_strided_slice %add3A_375 {offsets = [0, 0], sizes = [512, 128], strides = [1, 1]} : vector<512x512xf32> to vector<512x128xf32>
    %logistic3A_377 = arith.negf %slice3A_376 : vector<512x128xf32>
    %logistic3A_378 = math.exp %logistic3A_377 : vector<512x128xf32>
    %logistic3A_379 = arith.constant 1.000000e+00 : f32
    %logistic3A_380 = vector.broadcast %logistic3A_379 : f32 to vector<512x128xf32>
    %logistic3A_381 = arith.addf %logistic3A_380, %logistic3A_378 : vector<512x128xf32>
    %logistic3A_382 = arith.divf %logistic3A_380, %logistic3A_381 : vector<512x128xf32>
    %slice3A_383 = vector.extract_strided_slice %add3A_375 {offsets = [0, 128], sizes = [512, 128], strides = [1, 1]} : vector<512x512xf32> to vector<512x128xf32>
    %logistic3A_384 = arith.negf %slice3A_383 : vector<512x128xf32>
    %logistic3A_385 = math.exp %logistic3A_384 : vector<512x128xf32>
    %logistic3A_386 = arith.constant 1.000000e+00 : f32
    %logistic3A_387 = vector.broadcast %logistic3A_386 : f32 to vector<512x128xf32>
    %logistic3A_388 = arith.addf %logistic3A_387, %logistic3A_385 : vector<512x128xf32>
    %logistic3A_389 = arith.divf %logistic3A_387, %logistic3A_388 : vector<512x128xf32>
    %slice3A_390 = vector.extract_strided_slice %add3A_375 {offsets = [0, 256], sizes = [512, 128], strides = [1, 1]} : vector<512x512xf32> to vector<512x128xf32>
    %tanh3A_391 = math.tanh %slice3A_390 : vector<512x128xf32>
    %slice3A_392 = vector.extract_strided_slice %add3A_375 {offsets = [0, 384], sizes = [512, 128], strides = [1, 1]} : vector<512x512xf32> to vector<512x128xf32>
    %logistic3A_393 = arith.negf %slice3A_392 : vector<512x128xf32>
    %logistic3A_394 = math.exp %logistic3A_393 : vector<512x128xf32>
    %logistic3A_395 = arith.constant 1.000000e+00 : f32
    %logistic3A_396 = vector.broadcast %logistic3A_395 : f32 to vector<512x128xf32>
    %logistic3A_397 = arith.addf %logistic3A_396, %logistic3A_394 : vector<512x128xf32>
    %logistic3A_398 = arith.divf %logistic3A_396, %logistic3A_397 : vector<512x128xf32>
    %mul3A_399 = arith.mulf %logistic3A_389, %add3A_357 : vector<512x128xf32>
    %mul3A_400 = arith.mulf %logistic3A_382, %tanh3A_391 : vector<512x128xf32>
    %add3A_401 = arith.addf %mul3A_399, %mul3A_400 : vector<512x128xf32>
    %tanh3A_402 = math.tanh %add3A_401 : vector<512x128xf32>
    %mul3A_403 = arith.mulf %logistic3A_398, %tanh3A_402 : vector<512x128xf32>
    %eq3A_404 = arith.constant 9 : i32
    %eq3A_405 = vector.broadcast %eq3A_404 : i32 to vector<512x1xi32>
    %eq3A_406 = arith.cmpi eq, %get3A_16, %eq3A_405 : vector<512x1xi32>
    %broadcast_in_dim3A_407 = vector.shape_cast %eq3A_406 : vector<512x1xi1> to vector<512x1xi1>
    %broadcast_in_dim3A_408 = vector.broadcast %broadcast_in_dim3A_407 : vector<512x1xi1> to vector<512x128xi1>
    %select_n3A_409 = arith.select %broadcast_in_dim3A_408, %mul3A_403, %select_n3A_365 : vector<512x128xi1>, vector<512x128xf32>
    %slice3A_410 = vector.extract_strided_slice %get3A_1 {offsets = [0, 1152], sizes = [512, 128], strides = [1, 1]} : vector<512x2560xf32> to vector<512x128xf32>
    %dot_general3A_411 = arith.constant dense<0.000000e+00> : vector<512x512xf32>
    %dot_general3A_412 = tpu.matmul %slice3A_410, %get3A_4, %dot_general3A_411 {dimension_numbers = #tpu.dot_dimension_numbers<[1], [0], [0], [1], [0, 0, 1, 1], [], []>, transpose_lhs_hint = false} : vector<512x128xf32>, vector<128x512xf32>, vector<512x512xf32> -> vector<512x512xf32>
    %add3A_413 = vector.broadcast %get3A_10 : vector<1x512xf32> to vector<512x512xf32>
    %add3A_414 = arith.addf %dot_general3A_412, %add3A_413 : vector<512x512xf32>
    %dot_general3A_415 = arith.constant dense<0.000000e+00> : vector<512x512xf32>
    %dot_general3A_416 = tpu.matmul %mul3A_403, %get3A_7, %dot_general3A_415 {dimension_numbers = #tpu.dot_dimension_numbers<[1], [0], [0], [1], [0, 0, 1, 1], [], []>, transpose_lhs_hint = false} : vector<512x128xf32>, vector<128x512xf32>, vector<512x512xf32> -> vector<512x512xf32>
    %add3A_417 = arith.addf %add3A_414, %dot_general3A_416 : vector<512x512xf32>
    %add3A_418 = vector.broadcast %get3A_13 : vector<1x512xf32> to vector<512x512xf32>
    %add3A_419 = arith.addf %add3A_417, %add3A_418 : vector<512x512xf32>
    %slice3A_420 = vector.extract_strided_slice %add3A_419 {offsets = [0, 0], sizes = [512, 128], strides = [1, 1]} : vector<512x512xf32> to vector<512x128xf32>
    %logistic3A_421 = arith.negf %slice3A_420 : vector<512x128xf32>
    %logistic3A_422 = math.exp %logistic3A_421 : vector<512x128xf32>
    %logistic3A_423 = arith.constant 1.000000e+00 : f32
    %logistic3A_424 = vector.broadcast %logistic3A_423 : f32 to vector<512x128xf32>
    %logistic3A_425 = arith.addf %logistic3A_424, %logistic3A_422 : vector<512x128xf32>
    %logistic3A_426 = arith.divf %logistic3A_424, %logistic3A_425 : vector<512x128xf32>
    %slice3A_427 = vector.extract_strided_slice %add3A_419 {offsets = [0, 128], sizes = [512, 128], strides = [1, 1]} : vector<512x512xf32> to vector<512x128xf32>
    %logistic3A_428 = arith.negf %slice3A_427 : vector<512x128xf32>
    %logistic3A_429 = math.exp %logistic3A_428 : vector<512x128xf32>
    %logistic3A_430 = arith.constant 1.000000e+00 : f32
    %logistic3A_431 = vector.broadcast %logistic3A_430 : f32 to vector<512x128xf32>
    %logistic3A_432 = arith.addf %logistic3A_431, %logistic3A_429 : vector<512x128xf32>
    %logistic3A_433 = arith.divf %logistic3A_431, %logistic3A_432 : vector<512x128xf32>
    %slice3A_434 = vector.extract_strided_slice %add3A_419 {offsets = [0, 256], sizes = [512, 128], strides = [1, 1]} : vector<512x512xf32> to vector<512x128xf32>
    %tanh3A_435 = math.tanh %slice3A_434 : vector<512x128xf32>
    %slice3A_436 = vector.extract_strided_slice %add3A_419 {offsets = [0, 384], sizes = [512, 128], strides = [1, 1]} : vector<512x512xf32> to vector<512x128xf32>
    %logistic3A_437 = arith.negf %slice3A_436 : vector<512x128xf32>
    %logistic3A_438 = math.exp %logistic3A_437 : vector<512x128xf32>
    %logistic3A_439 = arith.constant 1.000000e+00 : f32
    %logistic3A_440 = vector.broadcast %logistic3A_439 : f32 to vector<512x128xf32>
    %logistic3A_441 = arith.addf %logistic3A_440, %logistic3A_438 : vector<512x128xf32>
    %logistic3A_442 = arith.divf %logistic3A_440, %logistic3A_441 : vector<512x128xf32>
    %mul3A_443 = arith.mulf %logistic3A_433, %add3A_401 : vector<512x128xf32>
    %mul3A_444 = arith.mulf %logistic3A_426, %tanh3A_435 : vector<512x128xf32>
    %add3A_445 = arith.addf %mul3A_443, %mul3A_444 : vector<512x128xf32>
    %tanh3A_446 = math.tanh %add3A_445 : vector<512x128xf32>
    %mul3A_447 = arith.mulf %logistic3A_442, %tanh3A_446 : vector<512x128xf32>
    %eq3A_448 = arith.constant 10 : i32
    %eq3A_449 = vector.broadcast %eq3A_448 : i32 to vector<512x1xi32>
    %eq3A_450 = arith.cmpi eq, %get3A_16, %eq3A_449 : vector<512x1xi32>
    %broadcast_in_dim3A_451 = vector.shape_cast %eq3A_450 : vector<512x1xi1> to vector<512x1xi1>
    %broadcast_in_dim3A_452 = vector.broadcast %broadcast_in_dim3A_451 : vector<512x1xi1> to vector<512x128xi1>
    %select_n3A_453 = arith.select %broadcast_in_dim3A_452, %mul3A_447, %select_n3A_409 : vector<512x128xi1>, vector<512x128xf32>
    %slice3A_454 = vector.extract_strided_slice %get3A_1 {offsets = [0, 1280], sizes = [512, 128], strides = [1, 1]} : vector<512x2560xf32> to vector<512x128xf32>
    %dot_general3A_455 = arith.constant dense<0.000000e+00> : vector<512x512xf32>
    %dot_general3A_456 = tpu.matmul %slice3A_454, %get3A_4, %dot_general3A_455 {dimension_numbers = #tpu.dot_dimension_numbers<[1], [0], [0], [1], [0, 0, 1, 1], [], []>, transpose_lhs_hint = false} : vector<512x128xf32>, vector<128x512xf32>, vector<512x512xf32> -> vector<512x512xf32>
    %add3A_457 = vector.broadcast %get3A_10 : vector<1x512xf32> to vector<512x512xf32>
    %add3A_458 = arith.addf %dot_general3A_456, %add3A_457 : vector<512x512xf32>
    %dot_general3A_459 = arith.constant dense<0.000000e+00> : vector<512x512xf32>
    %dot_general3A_460 = tpu.matmul %mul3A_447, %get3A_7, %dot_general3A_459 {dimension_numbers = #tpu.dot_dimension_numbers<[1], [0], [0], [1], [0, 0, 1, 1], [], []>, transpose_lhs_hint = false} : vector<512x128xf32>, vector<128x512xf32>, vector<512x512xf32> -> vector<512x512xf32>
    %add3A_461 = arith.addf %add3A_458, %dot_general3A_460 : vector<512x512xf32>
    %add3A_462 = vector.broadcast %get3A_13 : vector<1x512xf32> to vector<512x512xf32>
    %add3A_463 = arith.addf %add3A_461, %add3A_462 : vector<512x512xf32>
    %slice3A_464 = vector.extract_strided_slice %add3A_463 {offsets = [0, 0], sizes = [512, 128], strides = [1, 1]} : vector<512x512xf32> to vector<512x128xf32>
    %logistic3A_465 = arith.negf %slice3A_464 : vector<512x128xf32>
    %logistic3A_466 = math.exp %logistic3A_465 : vector<512x128xf32>
    %logistic3A_467 = arith.constant 1.000000e+00 : f32
    %logistic3A_468 = vector.broadcast %logistic3A_467 : f32 to vector<512x128xf32>
    %logistic3A_469 = arith.addf %logistic3A_468, %logistic3A_466 : vector<512x128xf32>
    %logistic3A_470 = arith.divf %logistic3A_468, %logistic3A_469 : vector<512x128xf32>
    %slice3A_471 = vector.extract_strided_slice %add3A_463 {offsets = [0, 128], sizes = [512, 128], strides = [1, 1]} : vector<512x512xf32> to vector<512x128xf32>
    %logistic3A_472 = arith.negf %slice3A_471 : vector<512x128xf32>
    %logistic3A_473 = math.exp %logistic3A_472 : vector<512x128xf32>
    %logistic3A_474 = arith.constant 1.000000e+00 : f32
    %logistic3A_475 = vector.broadcast %logistic3A_474 : f32 to vector<512x128xf32>
    %logistic3A_476 = arith.addf %logistic3A_475, %logistic3A_473 : vector<512x128xf32>
    %logistic3A_477 = arith.divf %logistic3A_475, %logistic3A_476 : vector<512x128xf32>
    %slice3A_478 = vector.extract_strided_slice %add3A_463 {offsets = [0, 256], sizes = [512, 128], strides = [1, 1]} : vector<512x512xf32> to vector<512x128xf32>
    %tanh3A_479 = math.tanh %slice3A_478 : vector<512x128xf32>
    %slice3A_480 = vector.extract_strided_slice %add3A_463 {offsets = [0, 384], sizes = [512, 128], strides = [1, 1]} : vector<512x512xf32> to vector<512x128xf32>
    %logistic3A_481 = arith.negf %slice3A_480 : vector<512x128xf32>
    %logistic3A_482 = math.exp %logistic3A_481 : vector<512x128xf32>
    %logistic3A_483 = arith.constant 1.000000e+00 : f32
    %logistic3A_484 = vector.broadcast %logistic3A_483 : f32 to vector<512x128xf32>
    %logistic3A_485 = arith.addf %logistic3A_484, %logistic3A_482 : vector<512x128xf32>
    %logistic3A_486 = arith.divf %logistic3A_484, %logistic3A_485 : vector<512x128xf32>
    %mul3A_487 = arith.mulf %logistic3A_477, %add3A_445 : vector<512x128xf32>
    %mul3A_488 = arith.mulf %logistic3A_470, %tanh3A_479 : vector<512x128xf32>
    %add3A_489 = arith.addf %mul3A_487, %mul3A_488 : vector<512x128xf32>
    %tanh3A_490 = math.tanh %add3A_489 : vector<512x128xf32>
    %mul3A_491 = arith.mulf %logistic3A_486, %tanh3A_490 : vector<512x128xf32>
    %eq3A_492 = arith.constant 11 : i32
    %eq3A_493 = vector.broadcast %eq3A_492 : i32 to vector<512x1xi32>
    %eq3A_494 = arith.cmpi eq, %get3A_16, %eq3A_493 : vector<512x1xi32>
    %broadcast_in_dim3A_495 = vector.shape_cast %eq3A_494 : vector<512x1xi1> to vector<512x1xi1>
    %broadcast_in_dim3A_496 = vector.broadcast %broadcast_in_dim3A_495 : vector<512x1xi1> to vector<512x128xi1>
    %select_n3A_497 = arith.select %broadcast_in_dim3A_496, %mul3A_491, %select_n3A_453 : vector<512x128xi1>, vector<512x128xf32>
    %slice3A_498 = vector.extract_strided_slice %get3A_1 {offsets = [0, 1408], sizes = [512, 128], strides = [1, 1]} : vector<512x2560xf32> to vector<512x128xf32>
    %dot_general3A_499 = arith.constant dense<0.000000e+00> : vector<512x512xf32>
    %dot_general3A_500 = tpu.matmul %slice3A_498, %get3A_4, %dot_general3A_499 {dimension_numbers = #tpu.dot_dimension_numbers<[1], [0], [0], [1], [0, 0, 1, 1], [], []>, transpose_lhs_hint = false} : vector<512x128xf32>, vector<128x512xf32>, vector<512x512xf32> -> vector<512x512xf32>
    %add3A_501 = vector.broadcast %get3A_10 : vector<1x512xf32> to vector<512x512xf32>
    %add3A_502 = arith.addf %dot_general3A_500, %add3A_501 : vector<512x512xf32>
    %dot_general3A_503 = arith.constant dense<0.000000e+00> : vector<512x512xf32>
    %dot_general3A_504 = tpu.matmul %mul3A_491, %get3A_7, %dot_general3A_503 {dimension_numbers = #tpu.dot_dimension_numbers<[1], [0], [0], [1], [0, 0, 1, 1], [], []>, transpose_lhs_hint = false} : vector<512x128xf32>, vector<128x512xf32>, vector<512x512xf32> -> vector<512x512xf32>
    %add3A_505 = arith.addf %add3A_502, %dot_general3A_504 : vector<512x512xf32>
    %add3A_506 = vector.broadcast %get3A_13 : vector<1x512xf32> to vector<512x512xf32>
    %add3A_507 = arith.addf %add3A_505, %add3A_506 : vector<512x512xf32>
    %slice3A_508 = vector.extract_strided_slice %add3A_507 {offsets = [0, 0], sizes = [512, 128], strides = [1, 1]} : vector<512x512xf32> to vector<512x128xf32>
    %logistic3A_509 = arith.negf %slice3A_508 : vector<512x128xf32>
    %logistic3A_510 = math.exp %logistic3A_509 : vector<512x128xf32>
    %logistic3A_511 = arith.constant 1.000000e+00 : f32
    %logistic3A_512 = vector.broadcast %logistic3A_511 : f32 to vector<512x128xf32>
    %logistic3A_513 = arith.addf %logistic3A_512, %logistic3A_510 : vector<512x128xf32>
    %logistic3A_514 = arith.divf %logistic3A_512, %logistic3A_513 : vector<512x128xf32>
    %slice3A_515 = vector.extract_strided_slice %add3A_507 {offsets = [0, 128], sizes = [512, 128], strides = [1, 1]} : vector<512x512xf32> to vector<512x128xf32>
    %logistic3A_516 = arith.negf %slice3A_515 : vector<512x128xf32>
    %logistic3A_517 = math.exp %logistic3A_516 : vector<512x128xf32>
    %logistic3A_518 = arith.constant 1.000000e+00 : f32
    %logistic3A_519 = vector.broadcast %logistic3A_518 : f32 to vector<512x128xf32>
    %logistic3A_520 = arith.addf %logistic3A_519, %logistic3A_517 : vector<512x128xf32>
    %logistic3A_521 = arith.divf %logistic3A_519, %logistic3A_520 : vector<512x128xf32>
    %slice3A_522 = vector.extract_strided_slice %add3A_507 {offsets = [0, 256], sizes = [512, 128], strides = [1, 1]} : vector<512x512xf32> to vector<512x128xf32>
    %tanh3A_523 = math.tanh %slice3A_522 : vector<512x128xf32>
    %slice3A_524 = vector.extract_strided_slice %add3A_507 {offsets = [0, 384], sizes = [512, 128], strides = [1, 1]} : vector<512x512xf32> to vector<512x128xf32>
    %logistic3A_525 = arith.negf %slice3A_524 : vector<512x128xf32>
    %logistic3A_526 = math.exp %logistic3A_525 : vector<512x128xf32>
    %logistic3A_527 = arith.constant 1.000000e+00 : f32
    %logistic3A_528 = vector.broadcast %logistic3A_527 : f32 to vector<512x128xf32>
    %logistic3A_529 = arith.addf %logistic3A_528, %logistic3A_526 : vector<512x128xf32>
    %logistic3A_530 = arith.divf %logistic3A_528, %logistic3A_529 : vector<512x128xf32>
    %mul3A_531 = arith.mulf %logistic3A_521, %add3A_489 : vector<512x128xf32>
    %mul3A_532 = arith.mulf %logistic3A_514, %tanh3A_523 : vector<512x128xf32>
    %add3A_533 = arith.addf %mul3A_531, %mul3A_532 : vector<512x128xf32>
    %tanh3A_534 = math.tanh %add3A_533 : vector<512x128xf32>
    %mul3A_535 = arith.mulf %logistic3A_530, %tanh3A_534 : vector<512x128xf32>
    %eq3A_536 = arith.constant 12 : i32
    %eq3A_537 = vector.broadcast %eq3A_536 : i32 to vector<512x1xi32>
    %eq3A_538 = arith.cmpi eq, %get3A_16, %eq3A_537 : vector<512x1xi32>
    %broadcast_in_dim3A_539 = vector.shape_cast %eq3A_538 : vector<512x1xi1> to vector<512x1xi1>
    %broadcast_in_dim3A_540 = vector.broadcast %broadcast_in_dim3A_539 : vector<512x1xi1> to vector<512x128xi1>
    %select_n3A_541 = arith.select %broadcast_in_dim3A_540, %mul3A_535, %select_n3A_497 : vector<512x128xi1>, vector<512x128xf32>
    %slice3A_542 = vector.extract_strided_slice %get3A_1 {offsets = [0, 1536], sizes = [512, 128], strides = [1, 1]} : vector<512x2560xf32> to vector<512x128xf32>
    %dot_general3A_543 = arith.constant dense<0.000000e+00> : vector<512x512xf32>
    %dot_general3A_544 = tpu.matmul %slice3A_542, %get3A_4, %dot_general3A_543 {dimension_numbers = #tpu.dot_dimension_numbers<[1], [0], [0], [1], [0, 0, 1, 1], [], []>, transpose_lhs_hint = false} : vector<512x128xf32>, vector<128x512xf32>, vector<512x512xf32> -> vector<512x512xf32>
    %add3A_545 = vector.broadcast %get3A_10 : vector<1x512xf32> to vector<512x512xf32>
    %add3A_546 = arith.addf %dot_general3A_544, %add3A_545 : vector<512x512xf32>
    %dot_general3A_547 = arith.constant dense<0.000000e+00> : vector<512x512xf32>
    %dot_general3A_548 = tpu.matmul %mul3A_535, %get3A_7, %dot_general3A_547 {dimension_numbers = #tpu.dot_dimension_numbers<[1], [0], [0], [1], [0, 0, 1, 1], [], []>, transpose_lhs_hint = false} : vector<512x128xf32>, vector<128x512xf32>, vector<512x512xf32> -> vector<512x512xf32>
    %add3A_549 = arith.addf %add3A_546, %dot_general3A_548 : vector<512x512xf32>
    %add3A_550 = vector.broadcast %get3A_13 : vector<1x512xf32> to vector<512x512xf32>
    %add3A_551 = arith.addf %add3A_549, %add3A_550 : vector<512x512xf32>
    %slice3A_552 = vector.extract_strided_slice %add3A_551 {offsets = [0, 0], sizes = [512, 128], strides = [1, 1]} : vector<512x512xf32> to vector<512x128xf32>
    %logistic3A_553 = arith.negf %slice3A_552 : vector<512x128xf32>
    %logistic3A_554 = math.exp %logistic3A_553 : vector<512x128xf32>
    %logistic3A_555 = arith.constant 1.000000e+00 : f32
    %logistic3A_556 = vector.broadcast %logistic3A_555 : f32 to vector<512x128xf32>
    %logistic3A_557 = arith.addf %logistic3A_556, %logistic3A_554 : vector<512x128xf32>
    %logistic3A_558 = arith.divf %logistic3A_556, %logistic3A_557 : vector<512x128xf32>
    %slice3A_559 = vector.extract_strided_slice %add3A_551 {offsets = [0, 128], sizes = [512, 128], strides = [1, 1]} : vector<512x512xf32> to vector<512x128xf32>
    %logistic3A_560 = arith.negf %slice3A_559 : vector<512x128xf32>
    %logistic3A_561 = math.exp %logistic3A_560 : vector<512x128xf32>
    %logistic3A_562 = arith.constant 1.000000e+00 : f32
    %logistic3A_563 = vector.broadcast %logistic3A_562 : f32 to vector<512x128xf32>
    %logistic3A_564 = arith.addf %logistic3A_563, %logistic3A_561 : vector<512x128xf32>
    %logistic3A_565 = arith.divf %logistic3A_563, %logistic3A_564 : vector<512x128xf32>
    %slice3A_566 = vector.extract_strided_slice %add3A_551 {offsets = [0, 256], sizes = [512, 128], strides = [1, 1]} : vector<512x512xf32> to vector<512x128xf32>
    %tanh3A_567 = math.tanh %slice3A_566 : vector<512x128xf32>
    %slice3A_568 = vector.extract_strided_slice %add3A_551 {offsets = [0, 384], sizes = [512, 128], strides = [1, 1]} : vector<512x512xf32> to vector<512x128xf32>
    %logistic3A_569 = arith.negf %slice3A_568 : vector<512x128xf32>
    %logistic3A_570 = math.exp %logistic3A_569 : vector<512x128xf32>
    %logistic3A_571 = arith.constant 1.000000e+00 : f32
    %logistic3A_572 = vector.broadcast %logistic3A_571 : f32 to vector<512x128xf32>
    %logistic3A_573 = arith.addf %logistic3A_572, %logistic3A_570 : vector<512x128xf32>
    %logistic3A_574 = arith.divf %logistic3A_572, %logistic3A_573 : vector<512x128xf32>
    %mul3A_575 = arith.mulf %logistic3A_565, %add3A_533 : vector<512x128xf32>
    %mul3A_576 = arith.mulf %logistic3A_558, %tanh3A_567 : vector<512x128xf32>
    %add3A_577 = arith.addf %mul3A_575, %mul3A_576 : vector<512x128xf32>
    %tanh3A_578 = math.tanh %add3A_577 : vector<512x128xf32>
    %mul3A_579 = arith.mulf %logistic3A_574, %tanh3A_578 : vector<512x128xf32>
    %eq3A_580 = arith.constant 13 : i32
    %eq3A_581 = vector.broadcast %eq3A_580 : i32 to vector<512x1xi32>
    %eq3A_582 = arith.cmpi eq, %get3A_16, %eq3A_581 : vector<512x1xi32>
    %broadcast_in_dim3A_583 = vector.shape_cast %eq3A_582 : vector<512x1xi1> to vector<512x1xi1>
    %broadcast_in_dim3A_584 = vector.broadcast %broadcast_in_dim3A_583 : vector<512x1xi1> to vector<512x128xi1>
    %select_n3A_585 = arith.select %broadcast_in_dim3A_584, %mul3A_579, %select_n3A_541 : vector<512x128xi1>, vector<512x128xf32>
    %slice3A_586 = vector.extract_strided_slice %get3A_1 {offsets = [0, 1664], sizes = [512, 128], strides = [1, 1]} : vector<512x2560xf32> to vector<512x128xf32>
    %dot_general3A_587 = arith.constant dense<0.000000e+00> : vector<512x512xf32>
    %dot_general3A_588 = tpu.matmul %slice3A_586, %get3A_4, %dot_general3A_587 {dimension_numbers = #tpu.dot_dimension_numbers<[1], [0], [0], [1], [0, 0, 1, 1], [], []>, transpose_lhs_hint = false} : vector<512x128xf32>, vector<128x512xf32>, vector<512x512xf32> -> vector<512x512xf32>
    %add3A_589 = vector.broadcast %get3A_10 : vector<1x512xf32> to vector<512x512xf32>
    %add3A_590 = arith.addf %dot_general3A_588, %add3A_589 : vector<512x512xf32>
    %dot_general3A_591 = arith.constant dense<0.000000e+00> : vector<512x512xf32>
    %dot_general3A_592 = tpu.matmul %mul3A_579, %get3A_7, %dot_general3A_591 {dimension_numbers = #tpu.dot_dimension_numbers<[1], [0], [0], [1], [0, 0, 1, 1], [], []>, transpose_lhs_hint = false} : vector<512x128xf32>, vector<128x512xf32>, vector<512x512xf32> -> vector<512x512xf32>
    %add3A_593 = arith.addf %add3A_590, %dot_general3A_592 : vector<512x512xf32>
    %add3A_594 = vector.broadcast %get3A_13 : vector<1x512xf32> to vector<512x512xf32>
    %add3A_595 = arith.addf %add3A_593, %add3A_594 : vector<512x512xf32>
    %slice3A_596 = vector.extract_strided_slice %add3A_595 {offsets = [0, 0], sizes = [512, 128], strides = [1, 1]} : vector<512x512xf32> to vector<512x128xf32>
    %logistic3A_597 = arith.negf %slice3A_596 : vector<512x128xf32>
    %logistic3A_598 = math.exp %logistic3A_597 : vector<512x128xf32>
    %logistic3A_599 = arith.constant 1.000000e+00 : f32
    %logistic3A_600 = vector.broadcast %logistic3A_599 : f32 to vector<512x128xf32>
    %logistic3A_601 = arith.addf %logistic3A_600, %logistic3A_598 : vector<512x128xf32>
    %logistic3A_602 = arith.divf %logistic3A_600, %logistic3A_601 : vector<512x128xf32>
    %slice3A_603 = vector.extract_strided_slice %add3A_595 {offsets = [0, 128], sizes = [512, 128], strides = [1, 1]} : vector<512x512xf32> to vector<512x128xf32>
    %logistic3A_604 = arith.negf %slice3A_603 : vector<512x128xf32>
    %logistic3A_605 = math.exp %logistic3A_604 : vector<512x128xf32>
    %logistic3A_606 = arith.constant 1.000000e+00 : f32
    %logistic3A_607 = vector.broadcast %logistic3A_606 : f32 to vector<512x128xf32>
    %logistic3A_608 = arith.addf %logistic3A_607, %logistic3A_605 : vector<512x128xf32>
    %logistic3A_609 = arith.divf %logistic3A_607, %logistic3A_608 : vector<512x128xf32>
    %slice3A_610 = vector.extract_strided_slice %add3A_595 {offsets = [0, 256], sizes = [512, 128], strides = [1, 1]} : vector<512x512xf32> to vector<512x128xf32>
    %tanh3A_611 = math.tanh %slice3A_610 : vector<512x128xf32>
    %slice3A_612 = vector.extract_strided_slice %add3A_595 {offsets = [0, 384], sizes = [512, 128], strides = [1, 1]} : vector<512x512xf32> to vector<512x128xf32>
    %logistic3A_613 = arith.negf %slice3A_612 : vector<512x128xf32>
    %logistic3A_614 = math.exp %logistic3A_613 : vector<512x128xf32>
    %logistic3A_615 = arith.constant 1.000000e+00 : f32
    %logistic3A_616 = vector.broadcast %logistic3A_615 : f32 to vector<512x128xf32>
    %logistic3A_617 = arith.addf %logistic3A_616, %logistic3A_614 : vector<512x128xf32>
    %logistic3A_618 = arith.divf %logistic3A_616, %logistic3A_617 : vector<512x128xf32>
    %mul3A_619 = arith.mulf %logistic3A_609, %add3A_577 : vector<512x128xf32>
    %mul3A_620 = arith.mulf %logistic3A_602, %tanh3A_611 : vector<512x128xf32>
    %add3A_621 = arith.addf %mul3A_619, %mul3A_620 : vector<512x128xf32>
    %tanh3A_622 = math.tanh %add3A_621 : vector<512x128xf32>
    %mul3A_623 = arith.mulf %logistic3A_618, %tanh3A_622 : vector<512x128xf32>
    %eq3A_624 = arith.constant 14 : i32
    %eq3A_625 = vector.broadcast %eq3A_624 : i32 to vector<512x1xi32>
    %eq3A_626 = arith.cmpi eq, %get3A_16, %eq3A_625 : vector<512x1xi32>
    %broadcast_in_dim3A_627 = vector.shape_cast %eq3A_626 : vector<512x1xi1> to vector<512x1xi1>
    %broadcast_in_dim3A_628 = vector.broadcast %broadcast_in_dim3A_627 : vector<512x1xi1> to vector<512x128xi1>
    %select_n3A_629 = arith.select %broadcast_in_dim3A_628, %mul3A_623, %select_n3A_585 : vector<512x128xi1>, vector<512x128xf32>
    %slice3A_630 = vector.extract_strided_slice %get3A_1 {offsets = [0, 1792], sizes = [512, 128], strides = [1, 1]} : vector<512x2560xf32> to vector<512x128xf32>
    %dot_general3A_631 = arith.constant dense<0.000000e+00> : vector<512x512xf32>
    %dot_general3A_632 = tpu.matmul %slice3A_630, %get3A_4, %dot_general3A_631 {dimension_numbers = #tpu.dot_dimension_numbers<[1], [0], [0], [1], [0, 0, 1, 1], [], []>, transpose_lhs_hint = false} : vector<512x128xf32>, vector<128x512xf32>, vector<512x512xf32> -> vector<512x512xf32>
    %add3A_633 = vector.broadcast %get3A_10 : vector<1x512xf32> to vector<512x512xf32>
    %add3A_634 = arith.addf %dot_general3A_632, %add3A_633 : vector<512x512xf32>
    %dot_general3A_635 = arith.constant dense<0.000000e+00> : vector<512x512xf32>
    %dot_general3A_636 = tpu.matmul %mul3A_623, %get3A_7, %dot_general3A_635 {dimension_numbers = #tpu.dot_dimension_numbers<[1], [0], [0], [1], [0, 0, 1, 1], [], []>, transpose_lhs_hint = false} : vector<512x128xf32>, vector<128x512xf32>, vector<512x512xf32> -> vector<512x512xf32>
    %add3A_637 = arith.addf %add3A_634, %dot_general3A_636 : vector<512x512xf32>
    %add3A_638 = vector.broadcast %get3A_13 : vector<1x512xf32> to vector<512x512xf32>
    %add3A_639 = arith.addf %add3A_637, %add3A_638 : vector<512x512xf32>
    %slice3A_640 = vector.extract_strided_slice %add3A_639 {offsets = [0, 0], sizes = [512, 128], strides = [1, 1]} : vector<512x512xf32> to vector<512x128xf32>
    %logistic3A_641 = arith.negf %slice3A_640 : vector<512x128xf32>
    %logistic3A_642 = math.exp %logistic3A_641 : vector<512x128xf32>
    %logistic3A_643 = arith.constant 1.000000e+00 : f32
    %logistic3A_644 = vector.broadcast %logistic3A_643 : f32 to vector<512x128xf32>
    %logistic3A_645 = arith.addf %logistic3A_644, %logistic3A_642 : vector<512x128xf32>
    %logistic3A_646 = arith.divf %logistic3A_644, %logistic3A_645 : vector<512x128xf32>
    %slice3A_647 = vector.extract_strided_slice %add3A_639 {offsets = [0, 128], sizes = [512, 128], strides = [1, 1]} : vector<512x512xf32> to vector<512x128xf32>
    %logistic3A_648 = arith.negf %slice3A_647 : vector<512x128xf32>
    %logistic3A_649 = math.exp %logistic3A_648 : vector<512x128xf32>
    %logistic3A_650 = arith.constant 1.000000e+00 : f32
    %logistic3A_651 = vector.broadcast %logistic3A_650 : f32 to vector<512x128xf32>
    %logistic3A_652 = arith.addf %logistic3A_651, %logistic3A_649 : vector<512x128xf32>
    %logistic3A_653 = arith.divf %logistic3A_651, %logistic3A_652 : vector<512x128xf32>
    %slice3A_654 = vector.extract_strided_slice %add3A_639 {offsets = [0, 256], sizes = [512, 128], strides = [1, 1]} : vector<512x512xf32> to vector<512x128xf32>
    %tanh3A_655 = math.tanh %slice3A_654 : vector<512x128xf32>
    %slice3A_656 = vector.extract_strided_slice %add3A_639 {offsets = [0, 384], sizes = [512, 128], strides = [1, 1]} : vector<512x512xf32> to vector<512x128xf32>
    %logistic3A_657 = arith.negf %slice3A_656 : vector<512x128xf32>
    %logistic3A_658 = math.exp %logistic3A_657 : vector<512x128xf32>
    %logistic3A_659 = arith.constant 1.000000e+00 : f32
    %logistic3A_660 = vector.broadcast %logistic3A_659 : f32 to vector<512x128xf32>
    %logistic3A_661 = arith.addf %logistic3A_660, %logistic3A_658 : vector<512x128xf32>
    %logistic3A_662 = arith.divf %logistic3A_660, %logistic3A_661 : vector<512x128xf32>
    %mul3A_663 = arith.mulf %logistic3A_653, %add3A_621 : vector<512x128xf32>
    %mul3A_664 = arith.mulf %logistic3A_646, %tanh3A_655 : vector<512x128xf32>
    %add3A_665 = arith.addf %mul3A_663, %mul3A_664 : vector<512x128xf32>
    %tanh3A_666 = math.tanh %add3A_665 : vector<512x128xf32>
    %mul3A_667 = arith.mulf %logistic3A_662, %tanh3A_666 : vector<512x128xf32>
    %eq3A_668 = arith.constant 15 : i32
    %eq3A_669 = vector.broadcast %eq3A_668 : i32 to vector<512x1xi32>
    %eq3A_670 = arith.cmpi eq, %get3A_16, %eq3A_669 : vector<512x1xi32>
    %broadcast_in_dim3A_671 = vector.shape_cast %eq3A_670 : vector<512x1xi1> to vector<512x1xi1>
    %broadcast_in_dim3A_672 = vector.broadcast %broadcast_in_dim3A_671 : vector<512x1xi1> to vector<512x128xi1>
    %select_n3A_673 = arith.select %broadcast_in_dim3A_672, %mul3A_667, %select_n3A_629 : vector<512x128xi1>, vector<512x128xf32>
    %slice3A_674 = vector.extract_strided_slice %get3A_1 {offsets = [0, 1920], sizes = [512, 128], strides = [1, 1]} : vector<512x2560xf32> to vector<512x128xf32>
    %dot_general3A_675 = arith.constant dense<0.000000e+00> : vector<512x512xf32>
    %dot_general3A_676 = tpu.matmul %slice3A_674, %get3A_4, %dot_general3A_675 {dimension_numbers = #tpu.dot_dimension_numbers<[1], [0], [0], [1], [0, 0, 1, 1], [], []>, transpose_lhs_hint = false} : vector<512x128xf32>, vector<128x512xf32>, vector<512x512xf32> -> vector<512x512xf32>
    %add3A_677 = vector.broadcast %get3A_10 : vector<1x512xf32> to vector<512x512xf32>
    %add3A_678 = arith.addf %dot_general3A_676, %add3A_677 : vector<512x512xf32>
    %dot_general3A_679 = arith.constant dense<0.000000e+00> : vector<512x512xf32>
    %dot_general3A_680 = tpu.matmul %mul3A_667, %get3A_7, %dot_general3A_679 {dimension_numbers = #tpu.dot_dimension_numbers<[1], [0], [0], [1], [0, 0, 1, 1], [], []>, transpose_lhs_hint = false} : vector<512x128xf32>, vector<128x512xf32>, vector<512x512xf32> -> vector<512x512xf32>
    %add3A_681 = arith.addf %add3A_678, %dot_general3A_680 : vector<512x512xf32>
    %add3A_682 = vector.broadcast %get3A_13 : vector<1x512xf32> to vector<512x512xf32>
    %add3A_683 = arith.addf %add3A_681, %add3A_682 : vector<512x512xf32>
    %slice3A_684 = vector.extract_strided_slice %add3A_683 {offsets = [0, 0], sizes = [512, 128], strides = [1, 1]} : vector<512x512xf32> to vector<512x128xf32>
    %logistic3A_685 = arith.negf %slice3A_684 : vector<512x128xf32>
    %logistic3A_686 = math.exp %logistic3A_685 : vector<512x128xf32>
    %logistic3A_687 = arith.constant 1.000000e+00 : f32
    %logistic3A_688 = vector.broadcast %logistic3A_687 : f32 to vector<512x128xf32>
    %logistic3A_689 = arith.addf %logistic3A_688, %logistic3A_686 : vector<512x128xf32>
    %logistic3A_690 = arith.divf %logistic3A_688, %logistic3A_689 : vector<512x128xf32>
    %slice3A_691 = vector.extract_strided_slice %add3A_683 {offsets = [0, 128], sizes = [512, 128], strides = [1, 1]} : vector<512x512xf32> to vector<512x128xf32>
    %logistic3A_692 = arith.negf %slice3A_691 : vector<512x128xf32>
    %logistic3A_693 = math.exp %logistic3A_692 : vector<512x128xf32>
    %logistic3A_694 = arith.constant 1.000000e+00 : f32
    %logistic3A_695 = vector.broadcast %logistic3A_694 : f32 to vector<512x128xf32>
    %logistic3A_696 = arith.addf %logistic3A_695, %logistic3A_693 : vector<512x128xf32>
    %logistic3A_697 = arith.divf %logistic3A_695, %logistic3A_696 : vector<512x128xf32>
    %slice3A_698 = vector.extract_strided_slice %add3A_683 {offsets = [0, 256], sizes = [512, 128], strides = [1, 1]} : vector<512x512xf32> to vector<512x128xf32>
    %tanh3A_699 = math.tanh %slice3A_698 : vector<512x128xf32>
    %slice3A_700 = vector.extract_strided_slice %add3A_683 {offsets = [0, 384], sizes = [512, 128], strides = [1, 1]} : vector<512x512xf32> to vector<512x128xf32>
    %logistic3A_701 = arith.negf %slice3A_700 : vector<512x128xf32>
    %logistic3A_702 = math.exp %logistic3A_701 : vector<512x128xf32>
    %logistic3A_703 = arith.constant 1.000000e+00 : f32
    %logistic3A_704 = vector.broadcast %logistic3A_703 : f32 to vector<512x128xf32>
    %logistic3A_705 = arith.addf %logistic3A_704, %logistic3A_702 : vector<512x128xf32>
    %logistic3A_706 = arith.divf %logistic3A_704, %logistic3A_705 : vector<512x128xf32>
    %mul3A_707 = arith.mulf %logistic3A_697, %add3A_665 : vector<512x128xf32>
    %mul3A_708 = arith.mulf %logistic3A_690, %tanh3A_699 : vector<512x128xf32>
    %add3A_709 = arith.addf %mul3A_707, %mul3A_708 : vector<512x128xf32>
    %tanh3A_710 = math.tanh %add3A_709 : vector<512x128xf32>
    %mul3A_711 = arith.mulf %logistic3A_706, %tanh3A_710 : vector<512x128xf32>
    %eq3A_712 = arith.constant 16 : i32
    %eq3A_713 = vector.broadcast %eq3A_712 : i32 to vector<512x1xi32>
    %eq3A_714 = arith.cmpi eq, %get3A_16, %eq3A_713 : vector<512x1xi32>
    %broadcast_in_dim3A_715 = vector.shape_cast %eq3A_714 : vector<512x1xi1> to vector<512x1xi1>
    %broadcast_in_dim3A_716 = vector.broadcast %broadcast_in_dim3A_715 : vector<512x1xi1> to vector<512x128xi1>
    %select_n3A_717 = arith.select %broadcast_in_dim3A_716, %mul3A_711, %select_n3A_673 : vector<512x128xi1>, vector<512x128xf32>
    %slice3A_718 = vector.extract_strided_slice %get3A_1 {offsets = [0, 2048], sizes = [512, 128], strides = [1, 1]} : vector<512x2560xf32> to vector<512x128xf32>
    %dot_general3A_719 = arith.constant dense<0.000000e+00> : vector<512x512xf32>
    %dot_general3A_720 = tpu.matmul %slice3A_718, %get3A_4, %dot_general3A_719 {dimension_numbers = #tpu.dot_dimension_numbers<[1], [0], [0], [1], [0, 0, 1, 1], [], []>, transpose_lhs_hint = false} : vector<512x128xf32>, vector<128x512xf32>, vector<512x512xf32> -> vector<512x512xf32>
    %add3A_721 = vector.broadcast %get3A_10 : vector<1x512xf32> to vector<512x512xf32>
    %add3A_722 = arith.addf %dot_general3A_720, %add3A_721 : vector<512x512xf32>
    %dot_general3A_723 = arith.constant dense<0.000000e+00> : vector<512x512xf32>
    %dot_general3A_724 = tpu.matmul %mul3A_711, %get3A_7, %dot_general3A_723 {dimension_numbers = #tpu.dot_dimension_numbers<[1], [0], [0], [1], [0, 0, 1, 1], [], []>, transpose_lhs_hint = false} : vector<512x128xf32>, vector<128x512xf32>, vector<512x512xf32> -> vector<512x512xf32>
    %add3A_725 = arith.addf %add3A_722, %dot_general3A_724 : vector<512x512xf32>
    %add3A_726 = vector.broadcast %get3A_13 : vector<1x512xf32> to vector<512x512xf32>
    %add3A_727 = arith.addf %add3A_725, %add3A_726 : vector<512x512xf32>
    %slice3A_728 = vector.extract_strided_slice %add3A_727 {offsets = [0, 0], sizes = [512, 128], strides = [1, 1]} : vector<512x512xf32> to vector<512x128xf32>
    %logistic3A_729 = arith.negf %slice3A_728 : vector<512x128xf32>
    %logistic3A_730 = math.exp %logistic3A_729 : vector<512x128xf32>
    %logistic3A_731 = arith.constant 1.000000e+00 : f32
    %logistic3A_732 = vector.broadcast %logistic3A_731 : f32 to vector<512x128xf32>
    %logistic3A_733 = arith.addf %logistic3A_732, %logistic3A_730 : vector<512x128xf32>
    %logistic3A_734 = arith.divf %logistic3A_732, %logistic3A_733 : vector<512x128xf32>
    %slice3A_735 = vector.extract_strided_slice %add3A_727 {offsets = [0, 128], sizes = [512, 128], strides = [1, 1]} : vector<512x512xf32> to vector<512x128xf32>
    %logistic3A_736 = arith.negf %slice3A_735 : vector<512x128xf32>
    %logistic3A_737 = math.exp %logistic3A_736 : vector<512x128xf32>
    %logistic3A_738 = arith.constant 1.000000e+00 : f32
    %logistic3A_739 = vector.broadcast %logistic3A_738 : f32 to vector<512x128xf32>
    %logistic3A_740 = arith.addf %logistic3A_739, %logistic3A_737 : vector<512x128xf32>
    %logistic3A_741 = arith.divf %logistic3A_739, %logistic3A_740 : vector<512x128xf32>
    %slice3A_742 = vector.extract_strided_slice %add3A_727 {offsets = [0, 256], sizes = [512, 128], strides = [1, 1]} : vector<512x512xf32> to vector<512x128xf32>
    %tanh3A_743 = math.tanh %slice3A_742 : vector<512x128xf32>
    %slice3A_744 = vector.extract_strided_slice %add3A_727 {offsets = [0, 384], sizes = [512, 128], strides = [1, 1]} : vector<512x512xf32> to vector<512x128xf32>
    %logistic3A_745 = arith.negf %slice3A_744 : vector<512x128xf32>
    %logistic3A_746 = math.exp %logistic3A_745 : vector<512x128xf32>
    %logistic3A_747 = arith.constant 1.000000e+00 : f32
    %logistic3A_748 = vector.broadcast %logistic3A_747 : f32 to vector<512x128xf32>
    %logistic3A_749 = arith.addf %logistic3A_748, %logistic3A_746 : vector<512x128xf32>
    %logistic3A_750 = arith.divf %logistic3A_748, %logistic3A_749 : vector<512x128xf32>
    %mul3A_751 = arith.mulf %logistic3A_741, %add3A_709 : vector<512x128xf32>
    %mul3A_752 = arith.mulf %logistic3A_734, %tanh3A_743 : vector<512x128xf32>
    %add3A_753 = arith.addf %mul3A_751, %mul3A_752 : vector<512x128xf32>
    %tanh3A_754 = math.tanh %add3A_753 : vector<512x128xf32>
    %mul3A_755 = arith.mulf %logistic3A_750, %tanh3A_754 : vector<512x128xf32>
    %eq3A_756 = arith.constant 17 : i32
    %eq3A_757 = vector.broadcast %eq3A_756 : i32 to vector<512x1xi32>
    %eq3A_758 = arith.cmpi eq, %get3A_16, %eq3A_757 : vector<512x1xi32>
    %broadcast_in_dim3A_759 = vector.shape_cast %eq3A_758 : vector<512x1xi1> to vector<512x1xi1>
    %broadcast_in_dim3A_760 = vector.broadcast %broadcast_in_dim3A_759 : vector<512x1xi1> to vector<512x128xi1>
    %select_n3A_761 = arith.select %broadcast_in_dim3A_760, %mul3A_755, %select_n3A_717 : vector<512x128xi1>, vector<512x128xf32>
    %slice3A_762 = vector.extract_strided_slice %get3A_1 {offsets = [0, 2176], sizes = [512, 128], strides = [1, 1]} : vector<512x2560xf32> to vector<512x128xf32>
    %dot_general3A_763 = arith.constant dense<0.000000e+00> : vector<512x512xf32>
    %dot_general3A_764 = tpu.matmul %slice3A_762, %get3A_4, %dot_general3A_763 {dimension_numbers = #tpu.dot_dimension_numbers<[1], [0], [0], [1], [0, 0, 1, 1], [], []>, transpose_lhs_hint = false} : vector<512x128xf32>, vector<128x512xf32>, vector<512x512xf32> -> vector<512x512xf32>
    %add3A_765 = vector.broadcast %get3A_10 : vector<1x512xf32> to vector<512x512xf32>
    %add3A_766 = arith.addf %dot_general3A_764, %add3A_765 : vector<512x512xf32>
    %dot_general3A_767 = arith.constant dense<0.000000e+00> : vector<512x512xf32>
    %dot_general3A_768 = tpu.matmul %mul3A_755, %get3A_7, %dot_general3A_767 {dimension_numbers = #tpu.dot_dimension_numbers<[1], [0], [0], [1], [0, 0, 1, 1], [], []>, transpose_lhs_hint = false} : vector<512x128xf32>, vector<128x512xf32>, vector<512x512xf32> -> vector<512x512xf32>
    %add3A_769 = arith.addf %add3A_766, %dot_general3A_768 : vector<512x512xf32>
    %add3A_770 = vector.broadcast %get3A_13 : vector<1x512xf32> to vector<512x512xf32>
    %add3A_771 = arith.addf %add3A_769, %add3A_770 : vector<512x512xf32>
    %slice3A_772 = vector.extract_strided_slice %add3A_771 {offsets = [0, 0], sizes = [512, 128], strides = [1, 1]} : vector<512x512xf32> to vector<512x128xf32>
    %logistic3A_773 = arith.negf %slice3A_772 : vector<512x128xf32>
    %logistic3A_774 = math.exp %logistic3A_773 : vector<512x128xf32>
    %logistic3A_775 = arith.constant 1.000000e+00 : f32
    %logistic3A_776 = vector.broadcast %logistic3A_775 : f32 to vector<512x128xf32>
    %logistic3A_777 = arith.addf %logistic3A_776, %logistic3A_774 : vector<512x128xf32>
    %logistic3A_778 = arith.divf %logistic3A_776, %logistic3A_777 : vector<512x128xf32>
    %slice3A_779 = vector.extract_strided_slice %add3A_771 {offsets = [0, 128], sizes = [512, 128], strides = [1, 1]} : vector<512x512xf32> to vector<512x128xf32>
    %logistic3A_780 = arith.negf %slice3A_779 : vector<512x128xf32>
    %logistic3A_781 = math.exp %logistic3A_780 : vector<512x128xf32>
    %logistic3A_782 = arith.constant 1.000000e+00 : f32
    %logistic3A_783 = vector.broadcast %logistic3A_782 : f32 to vector<512x128xf32>
    %logistic3A_784 = arith.addf %logistic3A_783, %logistic3A_781 : vector<512x128xf32>
    %logistic3A_785 = arith.divf %logistic3A_783, %logistic3A_784 : vector<512x128xf32>
    %slice3A_786 = vector.extract_strided_slice %add3A_771 {offsets = [0, 256], sizes = [512, 128], strides = [1, 1]} : vector<512x512xf32> to vector<512x128xf32>
    %tanh3A_787 = math.tanh %slice3A_786 : vector<512x128xf32>
    %slice3A_788 = vector.extract_strided_slice %add3A_771 {offsets = [0, 384], sizes = [512, 128], strides = [1, 1]} : vector<512x512xf32> to vector<512x128xf32>
    %logistic3A_789 = arith.negf %slice3A_788 : vector<512x128xf32>
    %logistic3A_790 = math.exp %logistic3A_789 : vector<512x128xf32>
    %logistic3A_791 = arith.constant 1.000000e+00 : f32
    %logistic3A_792 = vector.broadcast %logistic3A_791 : f32 to vector<512x128xf32>
    %logistic3A_793 = arith.addf %logistic3A_792, %logistic3A_790 : vector<512x128xf32>
    %logistic3A_794 = arith.divf %logistic3A_792, %logistic3A_793 : vector<512x128xf32>
    %mul3A_795 = arith.mulf %logistic3A_785, %add3A_753 : vector<512x128xf32>
    %mul3A_796 = arith.mulf %logistic3A_778, %tanh3A_787 : vector<512x128xf32>
    %add3A_797 = arith.addf %mul3A_795, %mul3A_796 : vector<512x128xf32>
    %tanh3A_798 = math.tanh %add3A_797 : vector<512x128xf32>
    %mul3A_799 = arith.mulf %logistic3A_794, %tanh3A_798 : vector<512x128xf32>
    %eq3A_800 = arith.constant 18 : i32
    %eq3A_801 = vector.broadcast %eq3A_800 : i32 to vector<512x1xi32>
    %eq3A_802 = arith.cmpi eq, %get3A_16, %eq3A_801 : vector<512x1xi32>
    %broadcast_in_dim3A_803 = vector.shape_cast %eq3A_802 : vector<512x1xi1> to vector<512x1xi1>
    %broadcast_in_dim3A_804 = vector.broadcast %broadcast_in_dim3A_803 : vector<512x1xi1> to vector<512x128xi1>
    %select_n3A_805 = arith.select %broadcast_in_dim3A_804, %mul3A_799, %select_n3A_761 : vector<512x128xi1>, vector<512x128xf32>
    %slice3A_806 = vector.extract_strided_slice %get3A_1 {offsets = [0, 2304], sizes = [512, 128], strides = [1, 1]} : vector<512x2560xf32> to vector<512x128xf32>
    %dot_general3A_807 = arith.constant dense<0.000000e+00> : vector<512x512xf32>
    %dot_general3A_808 = tpu.matmul %slice3A_806, %get3A_4, %dot_general3A_807 {dimension_numbers = #tpu.dot_dimension_numbers<[1], [0], [0], [1], [0, 0, 1, 1], [], []>, transpose_lhs_hint = false} : vector<512x128xf32>, vector<128x512xf32>, vector<512x512xf32> -> vector<512x512xf32>
    %add3A_809 = vector.broadcast %get3A_10 : vector<1x512xf32> to vector<512x512xf32>
    %add3A_810 = arith.addf %dot_general3A_808, %add3A_809 : vector<512x512xf32>
    %dot_general3A_811 = arith.constant dense<0.000000e+00> : vector<512x512xf32>
    %dot_general3A_812 = tpu.matmul %mul3A_799, %get3A_7, %dot_general3A_811 {dimension_numbers = #tpu.dot_dimension_numbers<[1], [0], [0], [1], [0, 0, 1, 1], [], []>, transpose_lhs_hint = false} : vector<512x128xf32>, vector<128x512xf32>, vector<512x512xf32> -> vector<512x512xf32>
    %add3A_813 = arith.addf %add3A_810, %dot_general3A_812 : vector<512x512xf32>
    %add3A_814 = vector.broadcast %get3A_13 : vector<1x512xf32> to vector<512x512xf32>
    %add3A_815 = arith.addf %add3A_813, %add3A_814 : vector<512x512xf32>
    %slice3A_816 = vector.extract_strided_slice %add3A_815 {offsets = [0, 0], sizes = [512, 128], strides = [1, 1]} : vector<512x512xf32> to vector<512x128xf32>
    %logistic3A_817 = arith.negf %slice3A_816 : vector<512x128xf32>
    %logistic3A_818 = math.exp %logistic3A_817 : vector<512x128xf32>
    %logistic3A_819 = arith.constant 1.000000e+00 : f32
    %logistic3A_820 = vector.broadcast %logistic3A_819 : f32 to vector<512x128xf32>
    %logistic3A_821 = arith.addf %logistic3A_820, %logistic3A_818 : vector<512x128xf32>
    %logistic3A_822 = arith.divf %logistic3A_820, %logistic3A_821 : vector<512x128xf32>
    %slice3A_823 = vector.extract_strided_slice %add3A_815 {offsets = [0, 128], sizes = [512, 128], strides = [1, 1]} : vector<512x512xf32> to vector<512x128xf32>
    %logistic3A_824 = arith.negf %slice3A_823 : vector<512x128xf32>
    %logistic3A_825 = math.exp %logistic3A_824 : vector<512x128xf32>
    %logistic3A_826 = arith.constant 1.000000e+00 : f32
    %logistic3A_827 = vector.broadcast %logistic3A_826 : f32 to vector<512x128xf32>
    %logistic3A_828 = arith.addf %logistic3A_827, %logistic3A_825 : vector<512x128xf32>
    %logistic3A_829 = arith.divf %logistic3A_827, %logistic3A_828 : vector<512x128xf32>
    %slice3A_830 = vector.extract_strided_slice %add3A_815 {offsets = [0, 256], sizes = [512, 128], strides = [1, 1]} : vector<512x512xf32> to vector<512x128xf32>
    %tanh3A_831 = math.tanh %slice3A_830 : vector<512x128xf32>
    %slice3A_832 = vector.extract_strided_slice %add3A_815 {offsets = [0, 384], sizes = [512, 128], strides = [1, 1]} : vector<512x512xf32> to vector<512x128xf32>
    %logistic3A_833 = arith.negf %slice3A_832 : vector<512x128xf32>
    %logistic3A_834 = math.exp %logistic3A_833 : vector<512x128xf32>
    %logistic3A_835 = arith.constant 1.000000e+00 : f32
    %logistic3A_836 = vector.broadcast %logistic3A_835 : f32 to vector<512x128xf32>
    %logistic3A_837 = arith.addf %logistic3A_836, %logistic3A_834 : vector<512x128xf32>
    %logistic3A_838 = arith.divf %logistic3A_836, %logistic3A_837 : vector<512x128xf32>
    %mul3A_839 = arith.mulf %logistic3A_829, %add3A_797 : vector<512x128xf32>
    %mul3A_840 = arith.mulf %logistic3A_822, %tanh3A_831 : vector<512x128xf32>
    %add3A_841 = arith.addf %mul3A_839, %mul3A_840 : vector<512x128xf32>
    %tanh3A_842 = math.tanh %add3A_841 : vector<512x128xf32>
    %mul3A_843 = arith.mulf %logistic3A_838, %tanh3A_842 : vector<512x128xf32>
    %eq3A_844 = arith.constant 19 : i32
    %eq3A_845 = vector.broadcast %eq3A_844 : i32 to vector<512x1xi32>
    %eq3A_846 = arith.cmpi eq, %get3A_16, %eq3A_845 : vector<512x1xi32>
    %broadcast_in_dim3A_847 = vector.shape_cast %eq3A_846 : vector<512x1xi1> to vector<512x1xi1>
    %broadcast_in_dim3A_848 = vector.broadcast %broadcast_in_dim3A_847 : vector<512x1xi1> to vector<512x128xi1>
    %select_n3A_849 = arith.select %broadcast_in_dim3A_848, %mul3A_843, %select_n3A_805 : vector<512x128xi1>, vector<512x128xf32>
    %slice3A_850 = vector.extract_strided_slice %get3A_1 {offsets = [0, 2432], sizes = [512, 128], strides = [1, 1]} : vector<512x2560xf32> to vector<512x128xf32>
    %dot_general3A_851 = arith.constant dense<0.000000e+00> : vector<512x512xf32>
    %dot_general3A_852 = tpu.matmul %slice3A_850, %get3A_4, %dot_general3A_851 {dimension_numbers = #tpu.dot_dimension_numbers<[1], [0], [0], [1], [0, 0, 1, 1], [], []>, transpose_lhs_hint = false} : vector<512x128xf32>, vector<128x512xf32>, vector<512x512xf32> -> vector<512x512xf32>
    %add3A_853 = vector.broadcast %get3A_10 : vector<1x512xf32> to vector<512x512xf32>
    %add3A_854 = arith.addf %dot_general3A_852, %add3A_853 : vector<512x512xf32>
    %dot_general3A_855 = arith.constant dense<0.000000e+00> : vector<512x512xf32>
    %dot_general3A_856 = tpu.matmul %mul3A_843, %get3A_7, %dot_general3A_855 {dimension_numbers = #tpu.dot_dimension_numbers<[1], [0], [0], [1], [0, 0, 1, 1], [], []>, transpose_lhs_hint = false} : vector<512x128xf32>, vector<128x512xf32>, vector<512x512xf32> -> vector<512x512xf32>
    %add3A_857 = arith.addf %add3A_854, %dot_general3A_856 : vector<512x512xf32>
    %add3A_858 = vector.broadcast %get3A_13 : vector<1x512xf32> to vector<512x512xf32>
    %add3A_859 = arith.addf %add3A_857, %add3A_858 : vector<512x512xf32>
    %slice3A_860 = vector.extract_strided_slice %add3A_859 {offsets = [0, 0], sizes = [512, 128], strides = [1, 1]} : vector<512x512xf32> to vector<512x128xf32>
    %logistic3A_861 = arith.negf %slice3A_860 : vector<512x128xf32>
    %logistic3A_862 = math.exp %logistic3A_861 : vector<512x128xf32>
    %logistic3A_863 = arith.constant 1.000000e+00 : f32
    %logistic3A_864 = vector.broadcast %logistic3A_863 : f32 to vector<512x128xf32>
    %logistic3A_865 = arith.addf %logistic3A_864, %logistic3A_862 : vector<512x128xf32>
    %logistic3A_866 = arith.divf %logistic3A_864, %logistic3A_865 : vector<512x128xf32>
    %slice3A_867 = vector.extract_strided_slice %add3A_859 {offsets = [0, 128], sizes = [512, 128], strides = [1, 1]} : vector<512x512xf32> to vector<512x128xf32>
    %logistic3A_868 = arith.negf %slice3A_867 : vector<512x128xf32>
    %logistic3A_869 = math.exp %logistic3A_868 : vector<512x128xf32>
    %logistic3A_870 = arith.constant 1.000000e+00 : f32
    %logistic3A_871 = vector.broadcast %logistic3A_870 : f32 to vector<512x128xf32>
    %logistic3A_872 = arith.addf %logistic3A_871, %logistic3A_869 : vector<512x128xf32>
    %logistic3A_873 = arith.divf %logistic3A_871, %logistic3A_872 : vector<512x128xf32>
    %slice3A_874 = vector.extract_strided_slice %add3A_859 {offsets = [0, 256], sizes = [512, 128], strides = [1, 1]} : vector<512x512xf32> to vector<512x128xf32>
    %tanh3A_875 = math.tanh %slice3A_874 : vector<512x128xf32>
    %slice3A_876 = vector.extract_strided_slice %add3A_859 {offsets = [0, 384], sizes = [512, 128], strides = [1, 1]} : vector<512x512xf32> to vector<512x128xf32>
    %logistic3A_877 = arith.negf %slice3A_876 : vector<512x128xf32>
    %logistic3A_878 = math.exp %logistic3A_877 : vector<512x128xf32>
    %logistic3A_879 = arith.constant 1.000000e+00 : f32
    %logistic3A_880 = vector.broadcast %logistic3A_879 : f32 to vector<512x128xf32>
    %logistic3A_881 = arith.addf %logistic3A_880, %logistic3A_878 : vector<512x128xf32>
    %logistic3A_882 = arith.divf %logistic3A_880, %logistic3A_881 : vector<512x128xf32>
    %mul3A_883 = arith.mulf %logistic3A_873, %add3A_841 : vector<512x128xf32>
    %mul3A_884 = arith.mulf %logistic3A_866, %tanh3A_875 : vector<512x128xf32>
    %add3A_885 = arith.addf %mul3A_883, %mul3A_884 : vector<512x128xf32>
    %tanh3A_886 = math.tanh %add3A_885 : vector<512x128xf32>
    %mul3A_887 = arith.mulf %logistic3A_882, %tanh3A_886 : vector<512x128xf32>
    %eq3A_888 = arith.constant 20 : i32
    %eq3A_889 = vector.broadcast %eq3A_888 : i32 to vector<512x1xi32>
    %eq3A_890 = arith.cmpi eq, %get3A_16, %eq3A_889 : vector<512x1xi32>
    %broadcast_in_dim3A_891 = vector.shape_cast %eq3A_890 : vector<512x1xi1> to vector<512x1xi1>
    %broadcast_in_dim3A_892 = vector.broadcast %broadcast_in_dim3A_891 : vector<512x1xi1> to vector<512x128xi1>
    %select_n3A_893 = arith.select %broadcast_in_dim3A_892, %mul3A_887, %select_n3A_849 : vector<512x128xi1>, vector<512x128xf32>
    %swap3A = arith.constant 0 : index
    %swap3A_894 = arith.constant 0 : index
    %swap3A_895 = vector.load %arg7[%swap3A, %swap3A_894] : memref<512x128xf32, #tpu.memory_space<vmem>>, vector<512x128xf32>
    tpu.vector_store %arg7[%swap3A, %swap3A_894], %select_n3A_893 {strides = array<i32>} : memref<512x128xf32, #tpu.memory_space<vmem>>, vector<512x128xf32>,
    return
  }
  func.func @transform_0(%arg0: i32) -> (i32, i32) {
    %c0_i32 = arith.constant 0 : i32
    %c0_i32_0 = arith.constant 0 : i32
    return %arg0, %c0_i32 : i32, i32
  }
  func.func @transform_1(%arg0: i32) -> (i32, i32) {
    %c0_i32 = arith.constant 0 : i32
    %c0_i32_0 = arith.constant 0 : i32
    return %arg0, %c0_i32 : i32, i32
  }
  func.func @transform_2(%arg0: i32) -> (i32, i32) {
    %c0_i32 = arith.constant 0 : i32
    %c0_i32_0 = arith.constant 0 : i32
    %c0_i32_1 = arith.constant 0 : i32
    return %c0_i32, %c0_i32_0 : i32, i32
  }
  func.func @transform_3(%arg0: i32) -> (i32, i32) {
    %c0_i32 = arith.constant 0 : i32
    %c0_i32_0 = arith.constant 0 : i32
    %c0_i32_1 = arith.constant 0 : i32
    return %c0_i32, %c0_i32_0 : i32, i32
  }
  func.func @transform_4(%arg0: i32) -> (i32, i32) {
    %c0_i32 = arith.constant 0 : i32
    %c0_i32_0 = arith.constant 0 : i32
    %c0_i32_1 = arith.constant 0 : i32
    return %c0_i32, %c0_i32_0 : i32, i32
  }
  func.func @transform_5(%arg0: i32) -> (i32, i32) {
    %c0_i32 = arith.constant 0 : i32
    %c0_i32_0 = arith.constant 0 : i32
    %c0_i32_1 = arith.constant 0 : i32
    return %c0_i32, %c0_i32_0 : i32, i32
  }
  func.func @transform_6(%arg0: i32) -> (i32, i32) {
    %c0_i32 = arith.constant 0 : i32
    %c0_i32_0 = arith.constant 0 : i32
    return %arg0, %c0_i32 : i32, i32
  }
}

module attributes {stable_mosaic.version = 14 : i64} {
  func.func @_fuse_body(%arg0: i32, %arg1: memref<512x128xf32, #tpu.memory_space<vmem>>, %arg2: memref<512x128xf32, #tpu.memory_space<vmem>>, %arg3: memref<512x1xi32, #tpu.memory_space<vmem>>, %arg4: memref<256x128xf32, #tpu.memory_space<vmem>>, %arg5: memref<512x128xf32, #tpu.memory_space<vmem>>) attributes {dimension_semantics = [#tpu.dimension_semantics<arbitrary>], iteration_bounds = array<i64: 20>, scalar_prefetch = 0 : i64, scratch_operands = 0 : i64, tpu.core_type = #tpu.core_type<tc>, window_params = [{transform_indices = @transform_0, window_bounds = array<i64: 512, 128>}, {transform_indices = @transform_1, window_bounds = array<i64: 512, 128>}, {transform_indices = @transform_2, window_bounds = array<i64: 512, 1>}, {pipeline_mode = #tpu.pipeline_mode<synchronous>, transform_indices = @transform_3, window_bounds = array<i64: 256, 128>}, {transform_indices = @transform_4, window_bounds = array<i64: 512, 128>}]} {
    %get3A = arith.constant 0 : index
    %get3A_0 = arith.constant 0 : index
    %get3A_1 = vector.load %arg1[%get3A, %get3A_0] : memref<512x128xf32, #tpu.memory_space<vmem>>, vector<512x128xf32>
    %get3A_2 = arith.constant 0 : index
    %get3A_3 = arith.constant 0 : index
    %get3A_4 = vector.load %arg2[%get3A_2, %get3A_3] : memref<512x128xf32, #tpu.memory_space<vmem>>, vector<512x128xf32>
    %concatenate3A = tpu.concatenate %get3A_4, %get3A_1 in 1 : vector<512x128xf32>, vector<512x128xf32> -> vector<512x256xf32>
    %get3A_5 = arith.constant 0 : index
    %get3A_6 = arith.constant 0 : index
    %get3A_7 = vector.load %arg4[%get3A_5, %get3A_6] : memref<256x128xf32, #tpu.memory_space<vmem>>, vector<256x128xf32>
    %dot_general3A = arith.constant dense<0.000000e+00> : vector<512x128xf32>
    %dot_general3A_8 = tpu.matmul %concatenate3A, %get3A_7, %dot_general3A {dimension_numbers = #tpu.dot_dimension_numbers<[1], [0], [0], [1], [0, 0, 1, 1], [], []>, transpose_lhs_hint = false} : vector<512x256xf32>, vector<256x128xf32>, vector<512x128xf32> -> vector<512x128xf32>
    %max3A = arith.constant 0.000000e+00 : f32
    %max3A_9 = vector.broadcast %max3A : f32 to vector<512x128xf32>
    %max3A_10 = arith.maximumf %dot_general3A_8, %max3A_9 : vector<512x128xf32>
    %get3A_11 = arith.constant 0 : index
    %get3A_12 = arith.constant 0 : index
    %get3A_13 = vector.load %arg3[%get3A_11, %get3A_12] : memref<512x1xi32, #tpu.memory_space<vmem>>, vector<512x1xi32>
    %eq3A = arith.constant 1 : i32
    %eq3A_14 = vector.broadcast %eq3A : i32 to vector<512x1xi32>
    %eq3A_15 = arith.cmpi eq, %get3A_13, %eq3A_14 : vector<512x1xi32>
    %broadcast_in_dim3A = vector.shape_cast %eq3A_15 : vector<512x1xi1> to vector<512x1xi1>
    %broadcast_in_dim3A_16 = vector.broadcast %broadcast_in_dim3A : vector<512x1xi1> to vector<512x128xi1>
    %select_n3A = arith.select %broadcast_in_dim3A_16, %get3A_1, %max3A_10 : vector<512x128xi1>, vector<512x128xf32>
    %swap3A = arith.constant 0 : index
    %swap3A_17 = arith.constant 0 : index
    %swap3A_18 = vector.load %arg5[%swap3A, %swap3A_17] : memref<512x128xf32, #tpu.memory_space<vmem>>, vector<512x128xf32>
    tpu.vector_store %arg5[%swap3A, %swap3A_17], %select_n3A {strides = array<i32>} : memref<512x128xf32, #tpu.memory_space<vmem>>, vector<512x128xf32>,
    return
  }
  func.func @transform_0(%arg0: i32) -> (i32, i32) {
    %c0_i32 = arith.constant 0 : i32
    %c0_i32_0 = arith.constant 0 : i32
    return %arg0, %c0_i32 : i32, i32
  }
  func.func @transform_1(%arg0: i32) -> (i32, i32) {
    %c0_i32 = arith.constant 0 : i32
    %c0_i32_0 = arith.constant 0 : i32
    return %arg0, %c0_i32 : i32, i32
  }
  func.func @transform_2(%arg0: i32) -> (i32, i32) {
    %c0_i32 = arith.constant 0 : i32
    %c0_i32_0 = arith.constant 0 : i32
    return %arg0, %c0_i32 : i32, i32
  }
  func.func @transform_3(%arg0: i32) -> (i32, i32) {
    %c0_i32 = arith.constant 0 : i32
    %c0_i32_0 = arith.constant 0 : i32
    %c0_i32_1 = arith.constant 0 : i32
    return %c0_i32, %c0_i32_0 : i32, i32
  }
  func.func @transform_4(%arg0: i32) -> (i32, i32) {
    %c0_i32 = arith.constant 0 : i32
    %c0_i32_0 = arith.constant 0 : i32
    return %arg0, %c0_i32 : i32, i32
  }
}

module attributes {stable_mosaic.version = 14 : i64} {
  func.func @_r1_body(%arg0: i32, %arg1: memref<16x256x128xf32, #tpu.memory_space<vmem>>, %arg2: memref<16x256x128xf32, #tpu.memory_space<vmem>>, %arg3: memref<256x16xi32, #tpu.memory_space<vmem>>, %arg4: memref<256x128xf32, #tpu.memory_space<vmem>>, %arg5: memref<256x128xf32, #tpu.memory_space<vmem>>, %arg6: memref<256x16xf32, #tpu.memory_space<vmem>>, %arg7: memref<1x1xf32, #tpu.memory_space<vmem>>, %arg8: memref<256x128xf32, #tpu.memory_space<vmem>>, %arg9: memref<1x128xf32, #tpu.memory_space<vmem>>, %arg10: memref<1x128xf32, #tpu.memory_space<vmem>>, %arg11: memref<256x128xf32, #tpu.memory_space<vmem>>, %arg12: memref<256x16xf32, #tpu.memory_space<vmem>>, %arg13: memref<256x8xi32, #tpu.memory_space<vmem>>) attributes {dimension_semantics = [#tpu.dimension_semantics<arbitrary>], iteration_bounds = array<i64: 40>, scalar_prefetch = 0 : i64, scratch_operands = 0 : i64, tpu.core_type = #tpu.core_type<tc>, window_params = [{transform_indices = @transform_0, window_bounds = array<i64: 16, 256, 128>}, {transform_indices = @transform_1, window_bounds = array<i64: 16, 256, 128>}, {transform_indices = @transform_2, window_bounds = array<i64: 256, 16>}, {transform_indices = @transform_3, window_bounds = array<i64: 256, 128>}, {transform_indices = @transform_4, window_bounds = array<i64: 256, 128>}, {transform_indices = @transform_5, window_bounds = array<i64: 256, 16>}, {pipeline_mode = #tpu.pipeline_mode<synchronous>, transform_indices = @transform_6, window_bounds = array<i64: 1, 1>}, {pipeline_mode = #tpu.pipeline_mode<synchronous>, transform_indices = @transform_7, window_bounds = array<i64: 256, 128>}, {pipeline_mode = #tpu.pipeline_mode<synchronous>, transform_indices = @transform_8, window_bounds = array<i64: 1, 128>}, {pipeline_mode = #tpu.pipeline_mode<synchronous>, transform_indices = @transform_9, window_bounds = array<i64: 1, 128>}, {transform_indices = @transform_10, window_bounds = array<i64: 256, 128>}, {transform_indices = @transform_11, window_bounds = array<i64: 256, 16>}, {transform_indices = @transform_12, window_bounds = array<i64: 256, 8>}]} {
    %get3A = arith.constant 0 : index
    %get3A_0 = arith.constant 0 : index
    %get3A_1 = vector.load %arg4[%get3A, %get3A_0] : memref<256x128xf32, #tpu.memory_space<vmem>>, vector<256x128xf32>
    %get3A_2 = arith.constant 0 : index
    %get3A_3 = arith.constant 0 : index
    %get3A_4 = vector.load %arg8[%get3A_2, %get3A_3] : memref<256x128xf32, #tpu.memory_space<vmem>>, vector<256x128xf32>
    %get3A_5 = arith.constant 0 : index
    %get3A_6 = arith.constant 0 : index
    %get3A_7 = vector.load %arg9[%get3A_5, %get3A_6] : memref<1x128xf32, #tpu.memory_space<vmem>>, vector<1x128xf32>
    %iota3A = tpu.iota {dimensions = array<i32: 1>} : vector<256x16xi32>
    %broadcast_in_dim3A = arith.constant 0.000000e+00 : f32
    %broadcast_in_dim3A_8 = vector.broadcast %broadcast_in_dim3A : f32 to vector<256x16xf32>
    %get3A_9 = arith.constant 0 : index
    %get3A_10 = arith.constant 0 : index
    %get3A_11 = vector.load %arg10[%get3A_9, %get3A_10] : memref<1x128xf32, #tpu.memory_space<vmem>>, vector<1x128xf32>
    %convert_element_type3A = arith.truncf %get3A_11 : vector<1x128xf32> to vector<1x128xbf16>
    %convert_element_type3A_12 = arith.extf %convert_element_type3A : vector<1x128xbf16> to vector<1x128xf32>
    %get3A_13 = arith.constant 0 : index
    %get3A_14 = arith.constant 0 : index
    %get3A_15 = arith.constant 0 : index
    %get3A_16 = vector.load %arg1[%get3A_13, %get3A_14, %get3A_15] : memref<16x256x128xf32, #tpu.memory_space<vmem>>, vector<1x256x128xf32>
    %get3A_17 = vector.shape_cast %get3A_16 : vector<1x256x128xf32> to vector<256x128xf32>
    %sub3A = arith.subf %get3A_17, %get3A_1 : vector<256x128xf32>
    %concatenate3A = tpu.concatenate %get3A_17, %sub3A in 1 : vector<256x128xf32>, vector<256x128xf32> -> vector<256x256xf32>
    %dot_general3A = arith.constant dense<0.000000e+00> : vector<256x128xf32>
    %dot_general3A_18 = tpu.matmul %concatenate3A, %get3A_4, %dot_general3A {dimension_numbers = #tpu.dot_dimension_numbers<[1], [0], [0], [1], [0, 0, 1, 1], [], []>, transpose_lhs_hint = false} : vector<256x256xf32>, vector<256x128xf32>, vector<256x128xf32> -> vector<256x128xf32>
    %add3A = vector.broadcast %get3A_7 : vector<1x128xf32> to vector<256x128xf32>
    %add3A_19 = arith.addf %dot_general3A_18, %add3A : vector<256x128xf32>
    %max3A = arith.constant 0.000000e+00 : f32
    %max3A_20 = vector.broadcast %max3A : f32 to vector<256x128xf32>
    %max3A_21 = arith.maximumf %add3A_19, %max3A_20 : vector<256x128xf32>
    %convert_element_type3A_22 = arith.truncf %max3A_21 : vector<256x128xf32> to vector<256x128xbf16>
    %convert_element_type3A_23 = arith.extf %convert_element_type3A_22 : vector<256x128xbf16> to vector<256x128xf32>
    %mul3A = vector.broadcast %convert_element_type3A_12 : vector<1x128xf32> to vector<256x128xf32>
    %mul3A_24 = arith.mulf %convert_element_type3A_23, %mul3A : vector<256x128xf32>
    %reduce_sum3A = arith.constant dense<0.000000e+00> : vector<256xf32>
    %reduce_sum3A_25 = vector.multi_reduction <add>, %mul3A_24, %reduce_sum3A [1] : vector<256x128xf32> to vector<256xf32>
    %broadcast_in_dim3A_26 = vector.shape_cast %reduce_sum3A_25 : vector<256xf32> to vector<256x1xf32>
    %eq3A = arith.constant 0 : i32
    %eq3A_27 = vector.broadcast %eq3A : i32 to vector<256x16xi32>
    %eq3A_28 = arith.cmpi eq, %iota3A, %eq3A_27 : vector<256x16xi32>
    %jit3A = arith.constant 0.000000e+00 : f32
    %broadcast_in_dim3A_29 = vector.shape_cast %broadcast_in_dim3A_26 : vector<256x1xf32> to vector<256x1xf32>
    %broadcast_in_dim3A_30 = vector.broadcast %broadcast_in_dim3A_29 : vector<256x1xf32> to vector<256x16xf32>
    %broadcast_in_dim3A_31 = vector.broadcast %jit3A : f32 to vector<256x16xf32>
    %select_n3A = arith.select %eq3A_28, %broadcast_in_dim3A_30, %broadcast_in_dim3A_31 : vector<256x16xi1>, vector<256x16xf32>
    %add3A_32 = arith.addf %broadcast_in_dim3A_8, %select_n3A : vector<256x16xf32>
    %get3A_33 = arith.constant 1 : index
    %get3A_34 = arith.constant 0 : index
    %get3A_35 = arith.constant 0 : index
    %get3A_36 = vector.load %arg1[%get3A_33, %get3A_34, %get3A_35] : memref<16x256x128xf32, #tpu.memory_space<vmem>>, vector<1x256x128xf32>
    %get3A_37 = vector.shape_cast %get3A_36 : vector<1x256x128xf32> to vector<256x128xf32>
    %sub3A_38 = arith.subf %get3A_37, %get3A_1 : vector<256x128xf32>
    %concatenate3A_39 = tpu.concatenate %get3A_37, %sub3A_38 in 1 : vector<256x128xf32>, vector<256x128xf32> -> vector<256x256xf32>
    %dot_general3A_40 = arith.constant dense<0.000000e+00> : vector<256x128xf32>
    %dot_general3A_41 = tpu.matmul %concatenate3A_39, %get3A_4, %dot_general3A_40 {dimension_numbers = #tpu.dot_dimension_numbers<[1], [0], [0], [1], [0, 0, 1, 1], [], []>, transpose_lhs_hint = false} : vector<256x256xf32>, vector<256x128xf32>, vector<256x128xf32> -> vector<256x128xf32>
    %add3A_42 = vector.broadcast %get3A_7 : vector<1x128xf32> to vector<256x128xf32>
    %add3A_43 = arith.addf %dot_general3A_41, %add3A_42 : vector<256x128xf32>
    %max3A_44 = arith.constant 0.000000e+00 : f32
    %max3A_45 = vector.broadcast %max3A_44 : f32 to vector<256x128xf32>
    %max3A_46 = arith.maximumf %add3A_43, %max3A_45 : vector<256x128xf32>
    %convert_element_type3A_47 = arith.truncf %max3A_46 : vector<256x128xf32> to vector<256x128xbf16>
    %convert_element_type3A_48 = arith.extf %convert_element_type3A_47 : vector<256x128xbf16> to vector<256x128xf32>
    %mul3A_49 = vector.broadcast %convert_element_type3A_12 : vector<1x128xf32> to vector<256x128xf32>
    %mul3A_50 = arith.mulf %convert_element_type3A_48, %mul3A_49 : vector<256x128xf32>
    %reduce_sum3A_51 = arith.constant dense<0.000000e+00> : vector<256xf32>
    %reduce_sum3A_52 = vector.multi_reduction <add>, %mul3A_50, %reduce_sum3A_51 [1] : vector<256x128xf32> to vector<256xf32>
    %broadcast_in_dim3A_53 = vector.shape_cast %reduce_sum3A_52 : vector<256xf32> to vector<256x1xf32>
    %eq3A_54 = arith.constant 1 : i32
    %eq3A_55 = vector.broadcast %eq3A_54 : i32 to vector<256x16xi32>
    %eq3A_56 = arith.cmpi eq, %iota3A, %eq3A_55 : vector<256x16xi32>
    %jit3A_57 = arith.constant 0.000000e+00 : f32
    %broadcast_in_dim3A_58 = vector.shape_cast %broadcast_in_dim3A_53 : vector<256x1xf32> to vector<256x1xf32>
    %broadcast_in_dim3A_59 = vector.broadcast %broadcast_in_dim3A_58 : vector<256x1xf32> to vector<256x16xf32>
    %broadcast_in_dim3A_60 = vector.broadcast %jit3A_57 : f32 to vector<256x16xf32>
    %select_n3A_61 = arith.select %eq3A_56, %broadcast_in_dim3A_59, %broadcast_in_dim3A_60 : vector<256x16xi1>, vector<256x16xf32>
    %add3A_62 = arith.addf %add3A_32, %select_n3A_61 : vector<256x16xf32>
    %get3A_63 = arith.constant 2 : index
    %get3A_64 = arith.constant 0 : index
    %get3A_65 = arith.constant 0 : index
    %get3A_66 = vector.load %arg1[%get3A_63, %get3A_64, %get3A_65] : memref<16x256x128xf32, #tpu.memory_space<vmem>>, vector<1x256x128xf32>
    %get3A_67 = vector.shape_cast %get3A_66 : vector<1x256x128xf32> to vector<256x128xf32>
    %sub3A_68 = arith.subf %get3A_67, %get3A_1 : vector<256x128xf32>
    %concatenate3A_69 = tpu.concatenate %get3A_67, %sub3A_68 in 1 : vector<256x128xf32>, vector<256x128xf32> -> vector<256x256xf32>
    %dot_general3A_70 = arith.constant dense<0.000000e+00> : vector<256x128xf32>
    %dot_general3A_71 = tpu.matmul %concatenate3A_69, %get3A_4, %dot_general3A_70 {dimension_numbers = #tpu.dot_dimension_numbers<[1], [0], [0], [1], [0, 0, 1, 1], [], []>, transpose_lhs_hint = false} : vector<256x256xf32>, vector<256x128xf32>, vector<256x128xf32> -> vector<256x128xf32>
    %add3A_72 = vector.broadcast %get3A_7 : vector<1x128xf32> to vector<256x128xf32>
    %add3A_73 = arith.addf %dot_general3A_71, %add3A_72 : vector<256x128xf32>
    %max3A_74 = arith.constant 0.000000e+00 : f32
    %max3A_75 = vector.broadcast %max3A_74 : f32 to vector<256x128xf32>
    %max3A_76 = arith.maximumf %add3A_73, %max3A_75 : vector<256x128xf32>
    %convert_element_type3A_77 = arith.truncf %max3A_76 : vector<256x128xf32> to vector<256x128xbf16>
    %convert_element_type3A_78 = arith.extf %convert_element_type3A_77 : vector<256x128xbf16> to vector<256x128xf32>
    %mul3A_79 = vector.broadcast %convert_element_type3A_12 : vector<1x128xf32> to vector<256x128xf32>
    %mul3A_80 = arith.mulf %convert_element_type3A_78, %mul3A_79 : vector<256x128xf32>
    %reduce_sum3A_81 = arith.constant dense<0.000000e+00> : vector<256xf32>
    %reduce_sum3A_82 = vector.multi_reduction <add>, %mul3A_80, %reduce_sum3A_81 [1] : vector<256x128xf32> to vector<256xf32>
    %broadcast_in_dim3A_83 = vector.shape_cast %reduce_sum3A_82 : vector<256xf32> to vector<256x1xf32>
    %eq3A_84 = arith.constant 2 : i32
    %eq3A_85 = vector.broadcast %eq3A_84 : i32 to vector<256x16xi32>
    %eq3A_86 = arith.cmpi eq, %iota3A, %eq3A_85 : vector<256x16xi32>
    %jit3A_87 = arith.constant 0.000000e+00 : f32
    %broadcast_in_dim3A_88 = vector.shape_cast %broadcast_in_dim3A_83 : vector<256x1xf32> to vector<256x1xf32>
    %broadcast_in_dim3A_89 = vector.broadcast %broadcast_in_dim3A_88 : vector<256x1xf32> to vector<256x16xf32>
    %broadcast_in_dim3A_90 = vector.broadcast %jit3A_87 : f32 to vector<256x16xf32>
    %select_n3A_91 = arith.select %eq3A_86, %broadcast_in_dim3A_89, %broadcast_in_dim3A_90 : vector<256x16xi1>, vector<256x16xf32>
    %add3A_92 = arith.addf %add3A_62, %select_n3A_91 : vector<256x16xf32>
    %get3A_93 = arith.constant 3 : index
    %get3A_94 = arith.constant 0 : index
    %get3A_95 = arith.constant 0 : index
    %get3A_96 = vector.load %arg1[%get3A_93, %get3A_94, %get3A_95] : memref<16x256x128xf32, #tpu.memory_space<vmem>>, vector<1x256x128xf32>
    %get3A_97 = vector.shape_cast %get3A_96 : vector<1x256x128xf32> to vector<256x128xf32>
    %sub3A_98 = arith.subf %get3A_97, %get3A_1 : vector<256x128xf32>
    %concatenate3A_99 = tpu.concatenate %get3A_97, %sub3A_98 in 1 : vector<256x128xf32>, vector<256x128xf32> -> vector<256x256xf32>
    %dot_general3A_100 = arith.constant dense<0.000000e+00> : vector<256x128xf32>
    %dot_general3A_101 = tpu.matmul %concatenate3A_99, %get3A_4, %dot_general3A_100 {dimension_numbers = #tpu.dot_dimension_numbers<[1], [0], [0], [1], [0, 0, 1, 1], [], []>, transpose_lhs_hint = false} : vector<256x256xf32>, vector<256x128xf32>, vector<256x128xf32> -> vector<256x128xf32>
    %add3A_102 = vector.broadcast %get3A_7 : vector<1x128xf32> to vector<256x128xf32>
    %add3A_103 = arith.addf %dot_general3A_101, %add3A_102 : vector<256x128xf32>
    %max3A_104 = arith.constant 0.000000e+00 : f32
    %max3A_105 = vector.broadcast %max3A_104 : f32 to vector<256x128xf32>
    %max3A_106 = arith.maximumf %add3A_103, %max3A_105 : vector<256x128xf32>
    %convert_element_type3A_107 = arith.truncf %max3A_106 : vector<256x128xf32> to vector<256x128xbf16>
    %convert_element_type3A_108 = arith.extf %convert_element_type3A_107 : vector<256x128xbf16> to vector<256x128xf32>
    %mul3A_109 = vector.broadcast %convert_element_type3A_12 : vector<1x128xf32> to vector<256x128xf32>
    %mul3A_110 = arith.mulf %convert_element_type3A_108, %mul3A_109 : vector<256x128xf32>
    %reduce_sum3A_111 = arith.constant dense<0.000000e+00> : vector<256xf32>
    %reduce_sum3A_112 = vector.multi_reduction <add>, %mul3A_110, %reduce_sum3A_111 [1] : vector<256x128xf32> to vector<256xf32>
    %broadcast_in_dim3A_113 = vector.shape_cast %reduce_sum3A_112 : vector<256xf32> to vector<256x1xf32>
    %eq3A_114 = arith.constant 3 : i32
    %eq3A_115 = vector.broadcast %eq3A_114 : i32 to vector<256x16xi32>
    %eq3A_116 = arith.cmpi eq, %iota3A, %eq3A_115 : vector<256x16xi32>
    %jit3A_117 = arith.constant 0.000000e+00 : f32
    %broadcast_in_dim3A_118 = vector.shape_cast %broadcast_in_dim3A_113 : vector<256x1xf32> to vector<256x1xf32>
    %broadcast_in_dim3A_119 = vector.broadcast %broadcast_in_dim3A_118 : vector<256x1xf32> to vector<256x16xf32>
    %broadcast_in_dim3A_120 = vector.broadcast %jit3A_117 : f32 to vector<256x16xf32>
    %select_n3A_121 = arith.select %eq3A_116, %broadcast_in_dim3A_119, %broadcast_in_dim3A_120 : vector<256x16xi1>, vector<256x16xf32>
    %add3A_122 = arith.addf %add3A_92, %select_n3A_121 : vector<256x16xf32>
    %get3A_123 = arith.constant 4 : index
    %get3A_124 = arith.constant 0 : index
    %get3A_125 = arith.constant 0 : index
    %get3A_126 = vector.load %arg1[%get3A_123, %get3A_124, %get3A_125] : memref<16x256x128xf32, #tpu.memory_space<vmem>>, vector<1x256x128xf32>
    %get3A_127 = vector.shape_cast %get3A_126 : vector<1x256x128xf32> to vector<256x128xf32>
    %sub3A_128 = arith.subf %get3A_127, %get3A_1 : vector<256x128xf32>
    %concatenate3A_129 = tpu.concatenate %get3A_127, %sub3A_128 in 1 : vector<256x128xf32>, vector<256x128xf32> -> vector<256x256xf32>
    %dot_general3A_130 = arith.constant dense<0.000000e+00> : vector<256x128xf32>
    %dot_general3A_131 = tpu.matmul %concatenate3A_129, %get3A_4, %dot_general3A_130 {dimension_numbers = #tpu.dot_dimension_numbers<[1], [0], [0], [1], [0, 0, 1, 1], [], []>, transpose_lhs_hint = false} : vector<256x256xf32>, vector<256x128xf32>, vector<256x128xf32> -> vector<256x128xf32>
    %add3A_132 = vector.broadcast %get3A_7 : vector<1x128xf32> to vector<256x128xf32>
    %add3A_133 = arith.addf %dot_general3A_131, %add3A_132 : vector<256x128xf32>
    %max3A_134 = arith.constant 0.000000e+00 : f32
    %max3A_135 = vector.broadcast %max3A_134 : f32 to vector<256x128xf32>
    %max3A_136 = arith.maximumf %add3A_133, %max3A_135 : vector<256x128xf32>
    %convert_element_type3A_137 = arith.truncf %max3A_136 : vector<256x128xf32> to vector<256x128xbf16>
    %convert_element_type3A_138 = arith.extf %convert_element_type3A_137 : vector<256x128xbf16> to vector<256x128xf32>
    %mul3A_139 = vector.broadcast %convert_element_type3A_12 : vector<1x128xf32> to vector<256x128xf32>
    %mul3A_140 = arith.mulf %convert_element_type3A_138, %mul3A_139 : vector<256x128xf32>
    %reduce_sum3A_141 = arith.constant dense<0.000000e+00> : vector<256xf32>
    %reduce_sum3A_142 = vector.multi_reduction <add>, %mul3A_140, %reduce_sum3A_141 [1] : vector<256x128xf32> to vector<256xf32>
    %broadcast_in_dim3A_143 = vector.shape_cast %reduce_sum3A_142 : vector<256xf32> to vector<256x1xf32>
    %eq3A_144 = arith.constant 4 : i32
    %eq3A_145 = vector.broadcast %eq3A_144 : i32 to vector<256x16xi32>
    %eq3A_146 = arith.cmpi eq, %iota3A, %eq3A_145 : vector<256x16xi32>
    %jit3A_147 = arith.constant 0.000000e+00 : f32
    %broadcast_in_dim3A_148 = vector.shape_cast %broadcast_in_dim3A_143 : vector<256x1xf32> to vector<256x1xf32>
    %broadcast_in_dim3A_149 = vector.broadcast %broadcast_in_dim3A_148 : vector<256x1xf32> to vector<256x16xf32>
    %broadcast_in_dim3A_150 = vector.broadcast %jit3A_147 : f32 to vector<256x16xf32>
    %select_n3A_151 = arith.select %eq3A_146, %broadcast_in_dim3A_149, %broadcast_in_dim3A_150 : vector<256x16xi1>, vector<256x16xf32>
    %add3A_152 = arith.addf %add3A_122, %select_n3A_151 : vector<256x16xf32>
    %get3A_153 = arith.constant 5 : index
    %get3A_154 = arith.constant 0 : index
    %get3A_155 = arith.constant 0 : index
    %get3A_156 = vector.load %arg1[%get3A_153, %get3A_154, %get3A_155] : memref<16x256x128xf32, #tpu.memory_space<vmem>>, vector<1x256x128xf32>
    %get3A_157 = vector.shape_cast %get3A_156 : vector<1x256x128xf32> to vector<256x128xf32>
    %sub3A_158 = arith.subf %get3A_157, %get3A_1 : vector<256x128xf32>
    %concatenate3A_159 = tpu.concatenate %get3A_157, %sub3A_158 in 1 : vector<256x128xf32>, vector<256x128xf32> -> vector<256x256xf32>
    %dot_general3A_160 = arith.constant dense<0.000000e+00> : vector<256x128xf32>
    %dot_general3A_161 = tpu.matmul %concatenate3A_159, %get3A_4, %dot_general3A_160 {dimension_numbers = #tpu.dot_dimension_numbers<[1], [0], [0], [1], [0, 0, 1, 1], [], []>, transpose_lhs_hint = false} : vector<256x256xf32>, vector<256x128xf32>, vector<256x128xf32> -> vector<256x128xf32>
    %add3A_162 = vector.broadcast %get3A_7 : vector<1x128xf32> to vector<256x128xf32>
    %add3A_163 = arith.addf %dot_general3A_161, %add3A_162 : vector<256x128xf32>
    %max3A_164 = arith.constant 0.000000e+00 : f32
    %max3A_165 = vector.broadcast %max3A_164 : f32 to vector<256x128xf32>
    %max3A_166 = arith.maximumf %add3A_163, %max3A_165 : vector<256x128xf32>
    %convert_element_type3A_167 = arith.truncf %max3A_166 : vector<256x128xf32> to vector<256x128xbf16>
    %convert_element_type3A_168 = arith.extf %convert_element_type3A_167 : vector<256x128xbf16> to vector<256x128xf32>
    %mul3A_169 = vector.broadcast %convert_element_type3A_12 : vector<1x128xf32> to vector<256x128xf32>
    %mul3A_170 = arith.mulf %convert_element_type3A_168, %mul3A_169 : vector<256x128xf32>
    %reduce_sum3A_171 = arith.constant dense<0.000000e+00> : vector<256xf32>
    %reduce_sum3A_172 = vector.multi_reduction <add>, %mul3A_170, %reduce_sum3A_171 [1] : vector<256x128xf32> to vector<256xf32>
    %broadcast_in_dim3A_173 = vector.shape_cast %reduce_sum3A_172 : vector<256xf32> to vector<256x1xf32>
    %eq3A_174 = arith.constant 5 : i32
    %eq3A_175 = vector.broadcast %eq3A_174 : i32 to vector<256x16xi32>
    %eq3A_176 = arith.cmpi eq, %iota3A, %eq3A_175 : vector<256x16xi32>
    %jit3A_177 = arith.constant 0.000000e+00 : f32
    %broadcast_in_dim3A_178 = vector.shape_cast %broadcast_in_dim3A_173 : vector<256x1xf32> to vector<256x1xf32>
    %broadcast_in_dim3A_179 = vector.broadcast %broadcast_in_dim3A_178 : vector<256x1xf32> to vector<256x16xf32>
    %broadcast_in_dim3A_180 = vector.broadcast %jit3A_177 : f32 to vector<256x16xf32>
    %select_n3A_181 = arith.select %eq3A_176, %broadcast_in_dim3A_179, %broadcast_in_dim3A_180 : vector<256x16xi1>, vector<256x16xf32>
    %add3A_182 = arith.addf %add3A_152, %select_n3A_181 : vector<256x16xf32>
    %get3A_183 = arith.constant 6 : index
    %get3A_184 = arith.constant 0 : index
    %get3A_185 = arith.constant 0 : index
    %get3A_186 = vector.load %arg1[%get3A_183, %get3A_184, %get3A_185] : memref<16x256x128xf32, #tpu.memory_space<vmem>>, vector<1x256x128xf32>
    %get3A_187 = vector.shape_cast %get3A_186 : vector<1x256x128xf32> to vector<256x128xf32>
    %sub3A_188 = arith.subf %get3A_187, %get3A_1 : vector<256x128xf32>
    %concatenate3A_189 = tpu.concatenate %get3A_187, %sub3A_188 in 1 : vector<256x128xf32>, vector<256x128xf32> -> vector<256x256xf32>
    %dot_general3A_190 = arith.constant dense<0.000000e+00> : vector<256x128xf32>
    %dot_general3A_191 = tpu.matmul %concatenate3A_189, %get3A_4, %dot_general3A_190 {dimension_numbers = #tpu.dot_dimension_numbers<[1], [0], [0], [1], [0, 0, 1, 1], [], []>, transpose_lhs_hint = false} : vector<256x256xf32>, vector<256x128xf32>, vector<256x128xf32> -> vector<256x128xf32>
    %add3A_192 = vector.broadcast %get3A_7 : vector<1x128xf32> to vector<256x128xf32>
    %add3A_193 = arith.addf %dot_general3A_191, %add3A_192 : vector<256x128xf32>
    %max3A_194 = arith.constant 0.000000e+00 : f32
    %max3A_195 = vector.broadcast %max3A_194 : f32 to vector<256x128xf32>
    %max3A_196 = arith.maximumf %add3A_193, %max3A_195 : vector<256x128xf32>
    %convert_element_type3A_197 = arith.truncf %max3A_196 : vector<256x128xf32> to vector<256x128xbf16>
    %convert_element_type3A_198 = arith.extf %convert_element_type3A_197 : vector<256x128xbf16> to vector<256x128xf32>
    %mul3A_199 = vector.broadcast %convert_element_type3A_12 : vector<1x128xf32> to vector<256x128xf32>
    %mul3A_200 = arith.mulf %convert_element_type3A_198, %mul3A_199 : vector<256x128xf32>
    %reduce_sum3A_201 = arith.constant dense<0.000000e+00> : vector<256xf32>
    %reduce_sum3A_202 = vector.multi_reduction <add>, %mul3A_200, %reduce_sum3A_201 [1] : vector<256x128xf32> to vector<256xf32>
    %broadcast_in_dim3A_203 = vector.shape_cast %reduce_sum3A_202 : vector<256xf32> to vector<256x1xf32>
    %eq3A_204 = arith.constant 6 : i32
    %eq3A_205 = vector.broadcast %eq3A_204 : i32 to vector<256x16xi32>
    %eq3A_206 = arith.cmpi eq, %iota3A, %eq3A_205 : vector<256x16xi32>
    %jit3A_207 = arith.constant 0.000000e+00 : f32
    %broadcast_in_dim3A_208 = vector.shape_cast %broadcast_in_dim3A_203 : vector<256x1xf32> to vector<256x1xf32>
    %broadcast_in_dim3A_209 = vector.broadcast %broadcast_in_dim3A_208 : vector<256x1xf32> to vector<256x16xf32>
    %broadcast_in_dim3A_210 = vector.broadcast %jit3A_207 : f32 to vector<256x16xf32>
    %select_n3A_211 = arith.select %eq3A_206, %broadcast_in_dim3A_209, %broadcast_in_dim3A_210 : vector<256x16xi1>, vector<256x16xf32>
    %add3A_212 = arith.addf %add3A_182, %select_n3A_211 : vector<256x16xf32>
    %get3A_213 = arith.constant 7 : index
    %get3A_214 = arith.constant 0 : index
    %get3A_215 = arith.constant 0 : index
    %get3A_216 = vector.load %arg1[%get3A_213, %get3A_214, %get3A_215] : memref<16x256x128xf32, #tpu.memory_space<vmem>>, vector<1x256x128xf32>
    %get3A_217 = vector.shape_cast %get3A_216 : vector<1x256x128xf32> to vector<256x128xf32>
    %sub3A_218 = arith.subf %get3A_217, %get3A_1 : vector<256x128xf32>
    %concatenate3A_219 = tpu.concatenate %get3A_217, %sub3A_218 in 1 : vector<256x128xf32>, vector<256x128xf32> -> vector<256x256xf32>
    %dot_general3A_220 = arith.constant dense<0.000000e+00> : vector<256x128xf32>
    %dot_general3A_221 = tpu.matmul %concatenate3A_219, %get3A_4, %dot_general3A_220 {dimension_numbers = #tpu.dot_dimension_numbers<[1], [0], [0], [1], [0, 0, 1, 1], [], []>, transpose_lhs_hint = false} : vector<256x256xf32>, vector<256x128xf32>, vector<256x128xf32> -> vector<256x128xf32>
    %add3A_222 = vector.broadcast %get3A_7 : vector<1x128xf32> to vector<256x128xf32>
    %add3A_223 = arith.addf %dot_general3A_221, %add3A_222 : vector<256x128xf32>
    %max3A_224 = arith.constant 0.000000e+00 : f32
    %max3A_225 = vector.broadcast %max3A_224 : f32 to vector<256x128xf32>
    %max3A_226 = arith.maximumf %add3A_223, %max3A_225 : vector<256x128xf32>
    %convert_element_type3A_227 = arith.truncf %max3A_226 : vector<256x128xf32> to vector<256x128xbf16>
    %convert_element_type3A_228 = arith.extf %convert_element_type3A_227 : vector<256x128xbf16> to vector<256x128xf32>
    %mul3A_229 = vector.broadcast %convert_element_type3A_12 : vector<1x128xf32> to vector<256x128xf32>
    %mul3A_230 = arith.mulf %convert_element_type3A_228, %mul3A_229 : vector<256x128xf32>
    %reduce_sum3A_231 = arith.constant dense<0.000000e+00> : vector<256xf32>
    %reduce_sum3A_232 = vector.multi_reduction <add>, %mul3A_230, %reduce_sum3A_231 [1] : vector<256x128xf32> to vector<256xf32>
    %broadcast_in_dim3A_233 = vector.shape_cast %reduce_sum3A_232 : vector<256xf32> to vector<256x1xf32>
    %eq3A_234 = arith.constant 7 : i32
    %eq3A_235 = vector.broadcast %eq3A_234 : i32 to vector<256x16xi32>
    %eq3A_236 = arith.cmpi eq, %iota3A, %eq3A_235 : vector<256x16xi32>
    %jit3A_237 = arith.constant 0.000000e+00 : f32
    %broadcast_in_dim3A_238 = vector.shape_cast %broadcast_in_dim3A_233 : vector<256x1xf32> to vector<256x1xf32>
    %broadcast_in_dim3A_239 = vector.broadcast %broadcast_in_dim3A_238 : vector<256x1xf32> to vector<256x16xf32>
    %broadcast_in_dim3A_240 = vector.broadcast %jit3A_237 : f32 to vector<256x16xf32>
    %select_n3A_241 = arith.select %eq3A_236, %broadcast_in_dim3A_239, %broadcast_in_dim3A_240 : vector<256x16xi1>, vector<256x16xf32>
    %add3A_242 = arith.addf %add3A_212, %select_n3A_241 : vector<256x16xf32>
    %get3A_243 = arith.constant 8 : index
    %get3A_244 = arith.constant 0 : index
    %get3A_245 = arith.constant 0 : index
    %get3A_246 = vector.load %arg1[%get3A_243, %get3A_244, %get3A_245] : memref<16x256x128xf32, #tpu.memory_space<vmem>>, vector<1x256x128xf32>
    %get3A_247 = vector.shape_cast %get3A_246 : vector<1x256x128xf32> to vector<256x128xf32>
    %sub3A_248 = arith.subf %get3A_247, %get3A_1 : vector<256x128xf32>
    %concatenate3A_249 = tpu.concatenate %get3A_247, %sub3A_248 in 1 : vector<256x128xf32>, vector<256x128xf32> -> vector<256x256xf32>
    %dot_general3A_250 = arith.constant dense<0.000000e+00> : vector<256x128xf32>
    %dot_general3A_251 = tpu.matmul %concatenate3A_249, %get3A_4, %dot_general3A_250 {dimension_numbers = #tpu.dot_dimension_numbers<[1], [0], [0], [1], [0, 0, 1, 1], [], []>, transpose_lhs_hint = false} : vector<256x256xf32>, vector<256x128xf32>, vector<256x128xf32> -> vector<256x128xf32>
    %add3A_252 = vector.broadcast %get3A_7 : vector<1x128xf32> to vector<256x128xf32>
    %add3A_253 = arith.addf %dot_general3A_251, %add3A_252 : vector<256x128xf32>
    %max3A_254 = arith.constant 0.000000e+00 : f32
    %max3A_255 = vector.broadcast %max3A_254 : f32 to vector<256x128xf32>
    %max3A_256 = arith.maximumf %add3A_253, %max3A_255 : vector<256x128xf32>
    %convert_element_type3A_257 = arith.truncf %max3A_256 : vector<256x128xf32> to vector<256x128xbf16>
    %convert_element_type3A_258 = arith.extf %convert_element_type3A_257 : vector<256x128xbf16> to vector<256x128xf32>
    %mul3A_259 = vector.broadcast %convert_element_type3A_12 : vector<1x128xf32> to vector<256x128xf32>
    %mul3A_260 = arith.mulf %convert_element_type3A_258, %mul3A_259 : vector<256x128xf32>
    %reduce_sum3A_261 = arith.constant dense<0.000000e+00> : vector<256xf32>
    %reduce_sum3A_262 = vector.multi_reduction <add>, %mul3A_260, %reduce_sum3A_261 [1] : vector<256x128xf32> to vector<256xf32>
    %broadcast_in_dim3A_263 = vector.shape_cast %reduce_sum3A_262 : vector<256xf32> to vector<256x1xf32>
    %eq3A_264 = arith.constant 8 : i32
    %eq3A_265 = vector.broadcast %eq3A_264 : i32 to vector<256x16xi32>
    %eq3A_266 = arith.cmpi eq, %iota3A, %eq3A_265 : vector<256x16xi32>
    %jit3A_267 = arith.constant 0.000000e+00 : f32
    %broadcast_in_dim3A_268 = vector.shape_cast %broadcast_in_dim3A_263 : vector<256x1xf32> to vector<256x1xf32>
    %broadcast_in_dim3A_269 = vector.broadcast %broadcast_in_dim3A_268 : vector<256x1xf32> to vector<256x16xf32>
    %broadcast_in_dim3A_270 = vector.broadcast %jit3A_267 : f32 to vector<256x16xf32>
    %select_n3A_271 = arith.select %eq3A_266, %broadcast_in_dim3A_269, %broadcast_in_dim3A_270 : vector<256x16xi1>, vector<256x16xf32>
    %add3A_272 = arith.addf %add3A_242, %select_n3A_271 : vector<256x16xf32>
    %get3A_273 = arith.constant 9 : index
    %get3A_274 = arith.constant 0 : index
    %get3A_275 = arith.constant 0 : index
    %get3A_276 = vector.load %arg1[%get3A_273, %get3A_274, %get3A_275] : memref<16x256x128xf32, #tpu.memory_space<vmem>>, vector<1x256x128xf32>
    %get3A_277 = vector.shape_cast %get3A_276 : vector<1x256x128xf32> to vector<256x128xf32>
    %sub3A_278 = arith.subf %get3A_277, %get3A_1 : vector<256x128xf32>
    %concatenate3A_279 = tpu.concatenate %get3A_277, %sub3A_278 in 1 : vector<256x128xf32>, vector<256x128xf32> -> vector<256x256xf32>
    %dot_general3A_280 = arith.constant dense<0.000000e+00> : vector<256x128xf32>
    %dot_general3A_281 = tpu.matmul %concatenate3A_279, %get3A_4, %dot_general3A_280 {dimension_numbers = #tpu.dot_dimension_numbers<[1], [0], [0], [1], [0, 0, 1, 1], [], []>, transpose_lhs_hint = false} : vector<256x256xf32>, vector<256x128xf32>, vector<256x128xf32> -> vector<256x128xf32>
    %add3A_282 = vector.broadcast %get3A_7 : vector<1x128xf32> to vector<256x128xf32>
    %add3A_283 = arith.addf %dot_general3A_281, %add3A_282 : vector<256x128xf32>
    %max3A_284 = arith.constant 0.000000e+00 : f32
    %max3A_285 = vector.broadcast %max3A_284 : f32 to vector<256x128xf32>
    %max3A_286 = arith.maximumf %add3A_283, %max3A_285 : vector<256x128xf32>
    %convert_element_type3A_287 = arith.truncf %max3A_286 : vector<256x128xf32> to vector<256x128xbf16>
    %convert_element_type3A_288 = arith.extf %convert_element_type3A_287 : vector<256x128xbf16> to vector<256x128xf32>
    %mul3A_289 = vector.broadcast %convert_element_type3A_12 : vector<1x128xf32> to vector<256x128xf32>
    %mul3A_290 = arith.mulf %convert_element_type3A_288, %mul3A_289 : vector<256x128xf32>
    %reduce_sum3A_291 = arith.constant dense<0.000000e+00> : vector<256xf32>
    %reduce_sum3A_292 = vector.multi_reduction <add>, %mul3A_290, %reduce_sum3A_291 [1] : vector<256x128xf32> to vector<256xf32>
    %broadcast_in_dim3A_293 = vector.shape_cast %reduce_sum3A_292 : vector<256xf32> to vector<256x1xf32>
    %eq3A_294 = arith.constant 9 : i32
    %eq3A_295 = vector.broadcast %eq3A_294 : i32 to vector<256x16xi32>
    %eq3A_296 = arith.cmpi eq, %iota3A, %eq3A_295 : vector<256x16xi32>
    %jit3A_297 = arith.constant 0.000000e+00 : f32
    %broadcast_in_dim3A_298 = vector.shape_cast %broadcast_in_dim3A_293 : vector<256x1xf32> to vector<256x1xf32>
    %broadcast_in_dim3A_299 = vector.broadcast %broadcast_in_dim3A_298 : vector<256x1xf32> to vector<256x16xf32>
    %broadcast_in_dim3A_300 = vector.broadcast %jit3A_297 : f32 to vector<256x16xf32>
    %select_n3A_301 = arith.select %eq3A_296, %broadcast_in_dim3A_299, %broadcast_in_dim3A_300 : vector<256x16xi1>, vector<256x16xf32>
    %add3A_302 = arith.addf %add3A_272, %select_n3A_301 : vector<256x16xf32>
    %get3A_303 = arith.constant 10 : index
    %get3A_304 = arith.constant 0 : index
    %get3A_305 = arith.constant 0 : index
    %get3A_306 = vector.load %arg1[%get3A_303, %get3A_304, %get3A_305] : memref<16x256x128xf32, #tpu.memory_space<vmem>>, vector<1x256x128xf32>
    %get3A_307 = vector.shape_cast %get3A_306 : vector<1x256x128xf32> to vector<256x128xf32>
    %sub3A_308 = arith.subf %get3A_307, %get3A_1 : vector<256x128xf32>
    %concatenate3A_309 = tpu.concatenate %get3A_307, %sub3A_308 in 1 : vector<256x128xf32>, vector<256x128xf32> -> vector<256x256xf32>
    %dot_general3A_310 = arith.constant dense<0.000000e+00> : vector<256x128xf32>
    %dot_general3A_311 = tpu.matmul %concatenate3A_309, %get3A_4, %dot_general3A_310 {dimension_numbers = #tpu.dot_dimension_numbers<[1], [0], [0], [1], [0, 0, 1, 1], [], []>, transpose_lhs_hint = false} : vector<256x256xf32>, vector<256x128xf32>, vector<256x128xf32> -> vector<256x128xf32>
    %add3A_312 = vector.broadcast %get3A_7 : vector<1x128xf32> to vector<256x128xf32>
    %add3A_313 = arith.addf %dot_general3A_311, %add3A_312 : vector<256x128xf32>
    %max3A_314 = arith.constant 0.000000e+00 : f32
    %max3A_315 = vector.broadcast %max3A_314 : f32 to vector<256x128xf32>
    %max3A_316 = arith.maximumf %add3A_313, %max3A_315 : vector<256x128xf32>
    %convert_element_type3A_317 = arith.truncf %max3A_316 : vector<256x128xf32> to vector<256x128xbf16>
    %convert_element_type3A_318 = arith.extf %convert_element_type3A_317 : vector<256x128xbf16> to vector<256x128xf32>
    %mul3A_319 = vector.broadcast %convert_element_type3A_12 : vector<1x128xf32> to vector<256x128xf32>
    %mul3A_320 = arith.mulf %convert_element_type3A_318, %mul3A_319 : vector<256x128xf32>
    %reduce_sum3A_321 = arith.constant dense<0.000000e+00> : vector<256xf32>
    %reduce_sum3A_322 = vector.multi_reduction <add>, %mul3A_320, %reduce_sum3A_321 [1] : vector<256x128xf32> to vector<256xf32>
    %broadcast_in_dim3A_323 = vector.shape_cast %reduce_sum3A_322 : vector<256xf32> to vector<256x1xf32>
    %eq3A_324 = arith.constant 10 : i32
    %eq3A_325 = vector.broadcast %eq3A_324 : i32 to vector<256x16xi32>
    %eq3A_326 = arith.cmpi eq, %iota3A, %eq3A_325 : vector<256x16xi32>
    %jit3A_327 = arith.constant 0.000000e+00 : f32
    %broadcast_in_dim3A_328 = vector.shape_cast %broadcast_in_dim3A_323 : vector<256x1xf32> to vector<256x1xf32>
    %broadcast_in_dim3A_329 = vector.broadcast %broadcast_in_dim3A_328 : vector<256x1xf32> to vector<256x16xf32>
    %broadcast_in_dim3A_330 = vector.broadcast %jit3A_327 : f32 to vector<256x16xf32>
    %select_n3A_331 = arith.select %eq3A_326, %broadcast_in_dim3A_329, %broadcast_in_dim3A_330 : vector<256x16xi1>, vector<256x16xf32>
    %add3A_332 = arith.addf %add3A_302, %select_n3A_331 : vector<256x16xf32>
    %get3A_333 = arith.constant 11 : index
    %get3A_334 = arith.constant 0 : index
    %get3A_335 = arith.constant 0 : index
    %get3A_336 = vector.load %arg1[%get3A_333, %get3A_334, %get3A_335] : memref<16x256x128xf32, #tpu.memory_space<vmem>>, vector<1x256x128xf32>
    %get3A_337 = vector.shape_cast %get3A_336 : vector<1x256x128xf32> to vector<256x128xf32>
    %sub3A_338 = arith.subf %get3A_337, %get3A_1 : vector<256x128xf32>
    %concatenate3A_339 = tpu.concatenate %get3A_337, %sub3A_338 in 1 : vector<256x128xf32>, vector<256x128xf32> -> vector<256x256xf32>
    %dot_general3A_340 = arith.constant dense<0.000000e+00> : vector<256x128xf32>
    %dot_general3A_341 = tpu.matmul %concatenate3A_339, %get3A_4, %dot_general3A_340 {dimension_numbers = #tpu.dot_dimension_numbers<[1], [0], [0], [1], [0, 0, 1, 1], [], []>, transpose_lhs_hint = false} : vector<256x256xf32>, vector<256x128xf32>, vector<256x128xf32> -> vector<256x128xf32>
    %add3A_342 = vector.broadcast %get3A_7 : vector<1x128xf32> to vector<256x128xf32>
    %add3A_343 = arith.addf %dot_general3A_341, %add3A_342 : vector<256x128xf32>
    %max3A_344 = arith.constant 0.000000e+00 : f32
    %max3A_345 = vector.broadcast %max3A_344 : f32 to vector<256x128xf32>
    %max3A_346 = arith.maximumf %add3A_343, %max3A_345 : vector<256x128xf32>
    %convert_element_type3A_347 = arith.truncf %max3A_346 : vector<256x128xf32> to vector<256x128xbf16>
    %convert_element_type3A_348 = arith.extf %convert_element_type3A_347 : vector<256x128xbf16> to vector<256x128xf32>
    %mul3A_349 = vector.broadcast %convert_element_type3A_12 : vector<1x128xf32> to vector<256x128xf32>
    %mul3A_350 = arith.mulf %convert_element_type3A_348, %mul3A_349 : vector<256x128xf32>
    %reduce_sum3A_351 = arith.constant dense<0.000000e+00> : vector<256xf32>
    %reduce_sum3A_352 = vector.multi_reduction <add>, %mul3A_350, %reduce_sum3A_351 [1] : vector<256x128xf32> to vector<256xf32>
    %broadcast_in_dim3A_353 = vector.shape_cast %reduce_sum3A_352 : vector<256xf32> to vector<256x1xf32>
    %eq3A_354 = arith.constant 11 : i32
    %eq3A_355 = vector.broadcast %eq3A_354 : i32 to vector<256x16xi32>
    %eq3A_356 = arith.cmpi eq, %iota3A, %eq3A_355 : vector<256x16xi32>
    %jit3A_357 = arith.constant 0.000000e+00 : f32
    %broadcast_in_dim3A_358 = vector.shape_cast %broadcast_in_dim3A_353 : vector<256x1xf32> to vector<256x1xf32>
    %broadcast_in_dim3A_359 = vector.broadcast %broadcast_in_dim3A_358 : vector<256x1xf32> to vector<256x16xf32>
    %broadcast_in_dim3A_360 = vector.broadcast %jit3A_357 : f32 to vector<256x16xf32>
    %select_n3A_361 = arith.select %eq3A_356, %broadcast_in_dim3A_359, %broadcast_in_dim3A_360 : vector<256x16xi1>, vector<256x16xf32>
    %add3A_362 = arith.addf %add3A_332, %select_n3A_361 : vector<256x16xf32>
    %get3A_363 = arith.constant 12 : index
    %get3A_364 = arith.constant 0 : index
    %get3A_365 = arith.constant 0 : index
    %get3A_366 = vector.load %arg1[%get3A_363, %get3A_364, %get3A_365] : memref<16x256x128xf32, #tpu.memory_space<vmem>>, vector<1x256x128xf32>
    %get3A_367 = vector.shape_cast %get3A_366 : vector<1x256x128xf32> to vector<256x128xf32>
    %sub3A_368 = arith.subf %get3A_367, %get3A_1 : vector<256x128xf32>
    %concatenate3A_369 = tpu.concatenate %get3A_367, %sub3A_368 in 1 : vector<256x128xf32>, vector<256x128xf32> -> vector<256x256xf32>
    %dot_general3A_370 = arith.constant dense<0.000000e+00> : vector<256x128xf32>
    %dot_general3A_371 = tpu.matmul %concatenate3A_369, %get3A_4, %dot_general3A_370 {dimension_numbers = #tpu.dot_dimension_numbers<[1], [0], [0], [1], [0, 0, 1, 1], [], []>, transpose_lhs_hint = false} : vector<256x256xf32>, vector<256x128xf32>, vector<256x128xf32> -> vector<256x128xf32>
    %add3A_372 = vector.broadcast %get3A_7 : vector<1x128xf32> to vector<256x128xf32>
    %add3A_373 = arith.addf %dot_general3A_371, %add3A_372 : vector<256x128xf32>
    %max3A_374 = arith.constant 0.000000e+00 : f32
    %max3A_375 = vector.broadcast %max3A_374 : f32 to vector<256x128xf32>
    %max3A_376 = arith.maximumf %add3A_373, %max3A_375 : vector<256x128xf32>
    %convert_element_type3A_377 = arith.truncf %max3A_376 : vector<256x128xf32> to vector<256x128xbf16>
    %convert_element_type3A_378 = arith.extf %convert_element_type3A_377 : vector<256x128xbf16> to vector<256x128xf32>
    %mul3A_379 = vector.broadcast %convert_element_type3A_12 : vector<1x128xf32> to vector<256x128xf32>
    %mul3A_380 = arith.mulf %convert_element_type3A_378, %mul3A_379 : vector<256x128xf32>
    %reduce_sum3A_381 = arith.constant dense<0.000000e+00> : vector<256xf32>
    %reduce_sum3A_382 = vector.multi_reduction <add>, %mul3A_380, %reduce_sum3A_381 [1] : vector<256x128xf32> to vector<256xf32>
    %broadcast_in_dim3A_383 = vector.shape_cast %reduce_sum3A_382 : vector<256xf32> to vector<256x1xf32>
    %eq3A_384 = arith.constant 12 : i32
    %eq3A_385 = vector.broadcast %eq3A_384 : i32 to vector<256x16xi32>
    %eq3A_386 = arith.cmpi eq, %iota3A, %eq3A_385 : vector<256x16xi32>
    %jit3A_387 = arith.constant 0.000000e+00 : f32
    %broadcast_in_dim3A_388 = vector.shape_cast %broadcast_in_dim3A_383 : vector<256x1xf32> to vector<256x1xf32>
    %broadcast_in_dim3A_389 = vector.broadcast %broadcast_in_dim3A_388 : vector<256x1xf32> to vector<256x16xf32>
    %broadcast_in_dim3A_390 = vector.broadcast %jit3A_387 : f32 to vector<256x16xf32>
    %select_n3A_391 = arith.select %eq3A_386, %broadcast_in_dim3A_389, %broadcast_in_dim3A_390 : vector<256x16xi1>, vector<256x16xf32>
    %add3A_392 = arith.addf %add3A_362, %select_n3A_391 : vector<256x16xf32>
    %get3A_393 = arith.constant 13 : index
    %get3A_394 = arith.constant 0 : index
    %get3A_395 = arith.constant 0 : index
    %get3A_396 = vector.load %arg1[%get3A_393, %get3A_394, %get3A_395] : memref<16x256x128xf32, #tpu.memory_space<vmem>>, vector<1x256x128xf32>
    %get3A_397 = vector.shape_cast %get3A_396 : vector<1x256x128xf32> to vector<256x128xf32>
    %sub3A_398 = arith.subf %get3A_397, %get3A_1 : vector<256x128xf32>
    %concatenate3A_399 = tpu.concatenate %get3A_397, %sub3A_398 in 1 : vector<256x128xf32>, vector<256x128xf32> -> vector<256x256xf32>
    %dot_general3A_400 = arith.constant dense<0.000000e+00> : vector<256x128xf32>
    %dot_general3A_401 = tpu.matmul %concatenate3A_399, %get3A_4, %dot_general3A_400 {dimension_numbers = #tpu.dot_dimension_numbers<[1], [0], [0], [1], [0, 0, 1, 1], [], []>, transpose_lhs_hint = false} : vector<256x256xf32>, vector<256x128xf32>, vector<256x128xf32> -> vector<256x128xf32>
    %add3A_402 = vector.broadcast %get3A_7 : vector<1x128xf32> to vector<256x128xf32>
    %add3A_403 = arith.addf %dot_general3A_401, %add3A_402 : vector<256x128xf32>
    %max3A_404 = arith.constant 0.000000e+00 : f32
    %max3A_405 = vector.broadcast %max3A_404 : f32 to vector<256x128xf32>
    %max3A_406 = arith.maximumf %add3A_403, %max3A_405 : vector<256x128xf32>
    %convert_element_type3A_407 = arith.truncf %max3A_406 : vector<256x128xf32> to vector<256x128xbf16>
    %convert_element_type3A_408 = arith.extf %convert_element_type3A_407 : vector<256x128xbf16> to vector<256x128xf32>
    %mul3A_409 = vector.broadcast %convert_element_type3A_12 : vector<1x128xf32> to vector<256x128xf32>
    %mul3A_410 = arith.mulf %convert_element_type3A_408, %mul3A_409 : vector<256x128xf32>
    %reduce_sum3A_411 = arith.constant dense<0.000000e+00> : vector<256xf32>
    %reduce_sum3A_412 = vector.multi_reduction <add>, %mul3A_410, %reduce_sum3A_411 [1] : vector<256x128xf32> to vector<256xf32>
    %broadcast_in_dim3A_413 = vector.shape_cast %reduce_sum3A_412 : vector<256xf32> to vector<256x1xf32>
    %eq3A_414 = arith.constant 13 : i32
    %eq3A_415 = vector.broadcast %eq3A_414 : i32 to vector<256x16xi32>
    %eq3A_416 = arith.cmpi eq, %iota3A, %eq3A_415 : vector<256x16xi32>
    %jit3A_417 = arith.constant 0.000000e+00 : f32
    %broadcast_in_dim3A_418 = vector.shape_cast %broadcast_in_dim3A_413 : vector<256x1xf32> to vector<256x1xf32>
    %broadcast_in_dim3A_419 = vector.broadcast %broadcast_in_dim3A_418 : vector<256x1xf32> to vector<256x16xf32>
    %broadcast_in_dim3A_420 = vector.broadcast %jit3A_417 : f32 to vector<256x16xf32>
    %select_n3A_421 = arith.select %eq3A_416, %broadcast_in_dim3A_419, %broadcast_in_dim3A_420 : vector<256x16xi1>, vector<256x16xf32>
    %add3A_422 = arith.addf %add3A_392, %select_n3A_421 : vector<256x16xf32>
    %get3A_423 = arith.constant 14 : index
    %get3A_424 = arith.constant 0 : index
    %get3A_425 = arith.constant 0 : index
    %get3A_426 = vector.load %arg1[%get3A_423, %get3A_424, %get3A_425] : memref<16x256x128xf32, #tpu.memory_space<vmem>>, vector<1x256x128xf32>
    %get3A_427 = vector.shape_cast %get3A_426 : vector<1x256x128xf32> to vector<256x128xf32>
    %sub3A_428 = arith.subf %get3A_427, %get3A_1 : vector<256x128xf32>
    %concatenate3A_429 = tpu.concatenate %get3A_427, %sub3A_428 in 1 : vector<256x128xf32>, vector<256x128xf32> -> vector<256x256xf32>
    %dot_general3A_430 = arith.constant dense<0.000000e+00> : vector<256x128xf32>
    %dot_general3A_431 = tpu.matmul %concatenate3A_429, %get3A_4, %dot_general3A_430 {dimension_numbers = #tpu.dot_dimension_numbers<[1], [0], [0], [1], [0, 0, 1, 1], [], []>, transpose_lhs_hint = false} : vector<256x256xf32>, vector<256x128xf32>, vector<256x128xf32> -> vector<256x128xf32>
    %add3A_432 = vector.broadcast %get3A_7 : vector<1x128xf32> to vector<256x128xf32>
    %add3A_433 = arith.addf %dot_general3A_431, %add3A_432 : vector<256x128xf32>
    %max3A_434 = arith.constant 0.000000e+00 : f32
    %max3A_435 = vector.broadcast %max3A_434 : f32 to vector<256x128xf32>
    %max3A_436 = arith.maximumf %add3A_433, %max3A_435 : vector<256x128xf32>
    %convert_element_type3A_437 = arith.truncf %max3A_436 : vector<256x128xf32> to vector<256x128xbf16>
    %convert_element_type3A_438 = arith.extf %convert_element_type3A_437 : vector<256x128xbf16> to vector<256x128xf32>
    %mul3A_439 = vector.broadcast %convert_element_type3A_12 : vector<1x128xf32> to vector<256x128xf32>
    %mul3A_440 = arith.mulf %convert_element_type3A_438, %mul3A_439 : vector<256x128xf32>
    %reduce_sum3A_441 = arith.constant dense<0.000000e+00> : vector<256xf32>
    %reduce_sum3A_442 = vector.multi_reduction <add>, %mul3A_440, %reduce_sum3A_441 [1] : vector<256x128xf32> to vector<256xf32>
    %broadcast_in_dim3A_443 = vector.shape_cast %reduce_sum3A_442 : vector<256xf32> to vector<256x1xf32>
    %eq3A_444 = arith.constant 14 : i32
    %eq3A_445 = vector.broadcast %eq3A_444 : i32 to vector<256x16xi32>
    %eq3A_446 = arith.cmpi eq, %iota3A, %eq3A_445 : vector<256x16xi32>
    %jit3A_447 = arith.constant 0.000000e+00 : f32
    %broadcast_in_dim3A_448 = vector.shape_cast %broadcast_in_dim3A_443 : vector<256x1xf32> to vector<256x1xf32>
    %broadcast_in_dim3A_449 = vector.broadcast %broadcast_in_dim3A_448 : vector<256x1xf32> to vector<256x16xf32>
    %broadcast_in_dim3A_450 = vector.broadcast %jit3A_447 : f32 to vector<256x16xf32>
    %select_n3A_451 = arith.select %eq3A_446, %broadcast_in_dim3A_449, %broadcast_in_dim3A_450 : vector<256x16xi1>, vector<256x16xf32>
    %add3A_452 = arith.addf %add3A_422, %select_n3A_451 : vector<256x16xf32>
    %get3A_453 = arith.constant 15 : index
    %get3A_454 = arith.constant 0 : index
    %get3A_455 = arith.constant 0 : index
    %get3A_456 = vector.load %arg1[%get3A_453, %get3A_454, %get3A_455] : memref<16x256x128xf32, #tpu.memory_space<vmem>>, vector<1x256x128xf32>
    %get3A_457 = vector.shape_cast %get3A_456 : vector<1x256x128xf32> to vector<256x128xf32>
    %sub3A_458 = arith.subf %get3A_457, %get3A_1 : vector<256x128xf32>
    %concatenate3A_459 = tpu.concatenate %get3A_457, %sub3A_458 in 1 : vector<256x128xf32>, vector<256x128xf32> -> vector<256x256xf32>
    %dot_general3A_460 = arith.constant dense<0.000000e+00> : vector<256x128xf32>
    %dot_general3A_461 = tpu.matmul %concatenate3A_459, %get3A_4, %dot_general3A_460 {dimension_numbers = #tpu.dot_dimension_numbers<[1], [0], [0], [1], [0, 0, 1, 1], [], []>, transpose_lhs_hint = false} : vector<256x256xf32>, vector<256x128xf32>, vector<256x128xf32> -> vector<256x128xf32>
    %add3A_462 = vector.broadcast %get3A_7 : vector<1x128xf32> to vector<256x128xf32>
    %add3A_463 = arith.addf %dot_general3A_461, %add3A_462 : vector<256x128xf32>
    %max3A_464 = arith.constant 0.000000e+00 : f32
    %max3A_465 = vector.broadcast %max3A_464 : f32 to vector<256x128xf32>
    %max3A_466 = arith.maximumf %add3A_463, %max3A_465 : vector<256x128xf32>
    %convert_element_type3A_467 = arith.truncf %max3A_466 : vector<256x128xf32> to vector<256x128xbf16>
    %convert_element_type3A_468 = arith.extf %convert_element_type3A_467 : vector<256x128xbf16> to vector<256x128xf32>
    %mul3A_469 = vector.broadcast %convert_element_type3A_12 : vector<1x128xf32> to vector<256x128xf32>
    %mul3A_470 = arith.mulf %convert_element_type3A_468, %mul3A_469 : vector<256x128xf32>
    %reduce_sum3A_471 = arith.constant dense<0.000000e+00> : vector<256xf32>
    %reduce_sum3A_472 = vector.multi_reduction <add>, %mul3A_470, %reduce_sum3A_471 [1] : vector<256x128xf32> to vector<256xf32>
    %broadcast_in_dim3A_473 = vector.shape_cast %reduce_sum3A_472 : vector<256xf32> to vector<256x1xf32>
    %eq3A_474 = arith.constant 15 : i32
    %eq3A_475 = vector.broadcast %eq3A_474 : i32 to vector<256x16xi32>
    %eq3A_476 = arith.cmpi eq, %iota3A, %eq3A_475 : vector<256x16xi32>
    %jit3A_477 = arith.constant 0.000000e+00 : f32
    %broadcast_in_dim3A_478 = vector.shape_cast %broadcast_in_dim3A_473 : vector<256x1xf32> to vector<256x1xf32>
    %broadcast_in_dim3A_479 = vector.broadcast %broadcast_in_dim3A_478 : vector<256x1xf32> to vector<256x16xf32>
    %broadcast_in_dim3A_480 = vector.broadcast %jit3A_477 : f32 to vector<256x16xf32>
    %select_n3A_481 = arith.select %eq3A_476, %broadcast_in_dim3A_479, %broadcast_in_dim3A_480 : vector<256x16xi1>, vector<256x16xf32>
    %add3A_482 = arith.addf %add3A_452, %select_n3A_481 : vector<256x16xf32>
    %iota3A_483 = tpu.iota {dimensions = array<i32: 1>} : vector<256x8xi32>
    %broadcast_in_dim3A_484 = arith.constant 0.000000e+00 : f32
    %broadcast_in_dim3A_485 = vector.broadcast %broadcast_in_dim3A_484 : f32 to vector<256x16xf32>
    %broadcast_in_dim3A_486 = arith.constant 0 : i32
    %broadcast_in_dim3A_487 = vector.broadcast %broadcast_in_dim3A_486 : i32 to vector<256x8xi32>
    %get3A_488 = arith.constant 0 : index
    %get3A_489 = arith.constant 0 : index
    %get3A_490 = vector.load %arg3[%get3A_488, %get3A_489] : memref<256x16xi32, #tpu.memory_space<vmem>>, vector<256x16xi32>
    %reduce_max3A = arith.constant dense<0xFF800000> : vector<256xf32>
    %reduce_max3A_491 = vector.multi_reduction <maximumf>, %add3A_482, %reduce_max3A [1] : vector<256x16xf32> to vector<256xf32>
    %broadcast_in_dim3A_492 = vector.shape_cast %reduce_max3A_491 : vector<256xf32> to vector<256x1xf32>
    %eq3A_493 = vector.broadcast %broadcast_in_dim3A_492 : vector<256x1xf32> to vector<256x16xf32>
    %eq3A_494 = arith.cmpf oeq, %add3A_482, %eq3A_493 : vector<256x16xf32>
    %jit3A_495 = arith.constant 16 : i32
    %broadcast_in_dim3A_496 = vector.broadcast %jit3A_495 : i32 to vector<256x16xi32>
    %select_n3A_497 = arith.select %eq3A_494, %iota3A, %broadcast_in_dim3A_496 : vector<256x16xi1>, vector<256x16xi32>
    %reduce_min3A = arith.constant dense<2147483647> : vector<256xi32>
    %reduce_min3A_498 = vector.multi_reduction <minsi>, %select_n3A_497, %reduce_min3A [1] : vector<256x16xi32> to vector<256xi32>
    %broadcast_in_dim3A_499 = vector.shape_cast %reduce_min3A_498 : vector<256xi32> to vector<256x1xi32>
    %eq3A_500 = vector.broadcast %broadcast_in_dim3A_499 : vector<256x1xi32> to vector<256x16xi32>
    %eq3A_501 = arith.cmpi eq, %iota3A, %eq3A_500 : vector<256x16xi32>
    %jit3A_502 = arith.constant 1.000000e+00 : f32
    %jit3A_503 = arith.constant 0.000000e+00 : f32
    %broadcast_in_dim3A_504 = vector.broadcast %jit3A_502 : f32 to vector<256x16xf32>
    %broadcast_in_dim3A_505 = vector.broadcast %jit3A_503 : f32 to vector<256x16xf32>
    %select_n3A_506 = arith.select %eq3A_501, %broadcast_in_dim3A_504, %broadcast_in_dim3A_505 : vector<256x16xi1>, vector<256x16xf32>
    %add3A_507 = arith.addf %broadcast_in_dim3A_485, %select_n3A_506 : vector<256x16xf32>
    %jit3A_508 = arith.constant 0 : i32
    %broadcast_in_dim3A_509 = vector.broadcast %jit3A_508 : i32 to vector<256x16xi32>
    %select_n3A_510 = arith.select %eq3A_501, %get3A_490, %broadcast_in_dim3A_509 : vector<256x16xi1>, vector<256x16xi32>
    %reduce_sum3A_511 = arith.constant dense<0> : vector<256xi32>
    %reduce_sum3A_512 = vector.multi_reduction <add>, %select_n3A_510, %reduce_sum3A_511 [1] : vector<256x16xi32> to vector<256xi32>
    %broadcast_in_dim3A_513 = vector.shape_cast %reduce_sum3A_512 : vector<256xi32> to vector<256x1xi32>
    %eq3A_514 = arith.constant 0 : i32
    %eq3A_515 = vector.broadcast %eq3A_514 : i32 to vector<256x8xi32>
    %eq3A_516 = arith.cmpi eq, %iota3A_483, %eq3A_515 : vector<256x8xi32>
    %jit3A_517 = arith.constant 0 : i32
    %broadcast_in_dim3A_518 = vector.shape_cast %broadcast_in_dim3A_513 : vector<256x1xi32> to vector<256x1xi32>
    %broadcast_in_dim3A_519 = vector.broadcast %broadcast_in_dim3A_518 : vector<256x1xi32> to vector<256x8xi32>
    %broadcast_in_dim3A_520 = vector.broadcast %jit3A_517 : i32 to vector<256x8xi32>
    %select_n3A_521 = arith.select %eq3A_516, %broadcast_in_dim3A_519, %broadcast_in_dim3A_520 : vector<256x8xi1>, vector<256x8xi32>
    %add3A_522 = arith.addi %broadcast_in_dim3A_487, %select_n3A_521 : vector<256x8xi32>
    %jit3A_523 = arith.constant -3.000000e+38 : f32
    %broadcast_in_dim3A_524 = vector.broadcast %jit3A_523 : f32 to vector<256x16xf32>
    %select_n3A_525 = arith.select %eq3A_501, %broadcast_in_dim3A_524, %add3A_482 : vector<256x16xi1>, vector<256x16xf32>
    %reduce_max3A_526 = arith.constant dense<0xFF800000> : vector<256xf32>
    %reduce_max3A_527 = vector.multi_reduction <maximumf>, %select_n3A_525, %reduce_max3A_526 [1] : vector<256x16xf32> to vector<256xf32>
    %broadcast_in_dim3A_528 = vector.shape_cast %reduce_max3A_527 : vector<256xf32> to vector<256x1xf32>
    %eq3A_529 = vector.broadcast %broadcast_in_dim3A_528 : vector<256x1xf32> to vector<256x16xf32>
    %eq3A_530 = arith.cmpf oeq, %select_n3A_525, %eq3A_529 : vector<256x16xf32>
    %jit3A_531 = arith.constant 16 : i32
    %broadcast_in_dim3A_532 = vector.broadcast %jit3A_531 : i32 to vector<256x16xi32>
    %select_n3A_533 = arith.select %eq3A_530, %iota3A, %broadcast_in_dim3A_532 : vector<256x16xi1>, vector<256x16xi32>
    %reduce_min3A_534 = arith.constant dense<2147483647> : vector<256xi32>
    %reduce_min3A_535 = vector.multi_reduction <minsi>, %select_n3A_533, %reduce_min3A_534 [1] : vector<256x16xi32> to vector<256xi32>
    %broadcast_in_dim3A_536 = vector.shape_cast %reduce_min3A_535 : vector<256xi32> to vector<256x1xi32>
    %eq3A_537 = vector.broadcast %broadcast_in_dim3A_536 : vector<256x1xi32> to vector<256x16xi32>
    %eq3A_538 = arith.cmpi eq, %iota3A, %eq3A_537 : vector<256x16xi32>
    %jit3A_539 = arith.constant 1.000000e+00 : f32
    %jit3A_540 = arith.constant 0.000000e+00 : f32
    %broadcast_in_dim3A_541 = vector.broadcast %jit3A_539 : f32 to vector<256x16xf32>
    %broadcast_in_dim3A_542 = vector.broadcast %jit3A_540 : f32 to vector<256x16xf32>
    %select_n3A_543 = arith.select %eq3A_538, %broadcast_in_dim3A_541, %broadcast_in_dim3A_542 : vector<256x16xi1>, vector<256x16xf32>
    %add3A_544 = arith.addf %add3A_507, %select_n3A_543 : vector<256x16xf32>
    %jit3A_545 = arith.constant 0 : i32
    %broadcast_in_dim3A_546 = vector.broadcast %jit3A_545 : i32 to vector<256x16xi32>
    %select_n3A_547 = arith.select %eq3A_538, %get3A_490, %broadcast_in_dim3A_546 : vector<256x16xi1>, vector<256x16xi32>
    %reduce_sum3A_548 = arith.constant dense<0> : vector<256xi32>
    %reduce_sum3A_549 = vector.multi_reduction <add>, %select_n3A_547, %reduce_sum3A_548 [1] : vector<256x16xi32> to vector<256xi32>
    %broadcast_in_dim3A_550 = vector.shape_cast %reduce_sum3A_549 : vector<256xi32> to vector<256x1xi32>
    %eq3A_551 = arith.constant 1 : i32
    %eq3A_552 = vector.broadcast %eq3A_551 : i32 to vector<256x8xi32>
    %eq3A_553 = arith.cmpi eq, %iota3A_483, %eq3A_552 : vector<256x8xi32>
    %jit3A_554 = arith.constant 0 : i32
    %broadcast_in_dim3A_555 = vector.shape_cast %broadcast_in_dim3A_550 : vector<256x1xi32> to vector<256x1xi32>
    %broadcast_in_dim3A_556 = vector.broadcast %broadcast_in_dim3A_555 : vector<256x1xi32> to vector<256x8xi32>
    %broadcast_in_dim3A_557 = vector.broadcast %jit3A_554 : i32 to vector<256x8xi32>
    %select_n3A_558 = arith.select %eq3A_553, %broadcast_in_dim3A_556, %broadcast_in_dim3A_557 : vector<256x8xi1>, vector<256x8xi32>
    %add3A_559 = arith.addi %add3A_522, %select_n3A_558 : vector<256x8xi32>
    %jit3A_560 = arith.constant -3.000000e+38 : f32
    %broadcast_in_dim3A_561 = vector.broadcast %jit3A_560 : f32 to vector<256x16xf32>
    %select_n3A_562 = arith.select %eq3A_538, %broadcast_in_dim3A_561, %select_n3A_525 : vector<256x16xi1>, vector<256x16xf32>
    %reduce_max3A_563 = arith.constant dense<0xFF800000> : vector<256xf32>
    %reduce_max3A_564 = vector.multi_reduction <maximumf>, %select_n3A_562, %reduce_max3A_563 [1] : vector<256x16xf32> to vector<256xf32>
    %broadcast_in_dim3A_565 = vector.shape_cast %reduce_max3A_564 : vector<256xf32> to vector<256x1xf32>
    %eq3A_566 = vector.broadcast %broadcast_in_dim3A_565 : vector<256x1xf32> to vector<256x16xf32>
    %eq3A_567 = arith.cmpf oeq, %select_n3A_562, %eq3A_566 : vector<256x16xf32>
    %jit3A_568 = arith.constant 16 : i32
    %broadcast_in_dim3A_569 = vector.broadcast %jit3A_568 : i32 to vector<256x16xi32>
    %select_n3A_570 = arith.select %eq3A_567, %iota3A, %broadcast_in_dim3A_569 : vector<256x16xi1>, vector<256x16xi32>
    %reduce_min3A_571 = arith.constant dense<2147483647> : vector<256xi32>
    %reduce_min3A_572 = vector.multi_reduction <minsi>, %select_n3A_570, %reduce_min3A_571 [1] : vector<256x16xi32> to vector<256xi32>
    %broadcast_in_dim3A_573 = vector.shape_cast %reduce_min3A_572 : vector<256xi32> to vector<256x1xi32>
    %eq3A_574 = vector.broadcast %broadcast_in_dim3A_573 : vector<256x1xi32> to vector<256x16xi32>
    %eq3A_575 = arith.cmpi eq, %iota3A, %eq3A_574 : vector<256x16xi32>
    %jit3A_576 = arith.constant 1.000000e+00 : f32
    %jit3A_577 = arith.constant 0.000000e+00 : f32
    %broadcast_in_dim3A_578 = vector.broadcast %jit3A_576 : f32 to vector<256x16xf32>
    %broadcast_in_dim3A_579 = vector.broadcast %jit3A_577 : f32 to vector<256x16xf32>
    %select_n3A_580 = arith.select %eq3A_575, %broadcast_in_dim3A_578, %broadcast_in_dim3A_579 : vector<256x16xi1>, vector<256x16xf32>
    %add3A_581 = arith.addf %add3A_544, %select_n3A_580 : vector<256x16xf32>
    %jit3A_582 = arith.constant 0 : i32
    %broadcast_in_dim3A_583 = vector.broadcast %jit3A_582 : i32 to vector<256x16xi32>
    %select_n3A_584 = arith.select %eq3A_575, %get3A_490, %broadcast_in_dim3A_583 : vector<256x16xi1>, vector<256x16xi32>
    %reduce_sum3A_585 = arith.constant dense<0> : vector<256xi32>
    %reduce_sum3A_586 = vector.multi_reduction <add>, %select_n3A_584, %reduce_sum3A_585 [1] : vector<256x16xi32> to vector<256xi32>
    %broadcast_in_dim3A_587 = vector.shape_cast %reduce_sum3A_586 : vector<256xi32> to vector<256x1xi32>
    %eq3A_588 = arith.constant 2 : i32
    %eq3A_589 = vector.broadcast %eq3A_588 : i32 to vector<256x8xi32>
    %eq3A_590 = arith.cmpi eq, %iota3A_483, %eq3A_589 : vector<256x8xi32>
    %jit3A_591 = arith.constant 0 : i32
    %broadcast_in_dim3A_592 = vector.shape_cast %broadcast_in_dim3A_587 : vector<256x1xi32> to vector<256x1xi32>
    %broadcast_in_dim3A_593 = vector.broadcast %broadcast_in_dim3A_592 : vector<256x1xi32> to vector<256x8xi32>
    %broadcast_in_dim3A_594 = vector.broadcast %jit3A_591 : i32 to vector<256x8xi32>
    %select_n3A_595 = arith.select %eq3A_590, %broadcast_in_dim3A_593, %broadcast_in_dim3A_594 : vector<256x8xi1>, vector<256x8xi32>
    %add3A_596 = arith.addi %add3A_559, %select_n3A_595 : vector<256x8xi32>
    %jit3A_597 = arith.constant -3.000000e+38 : f32
    %broadcast_in_dim3A_598 = vector.broadcast %jit3A_597 : f32 to vector<256x16xf32>
    %select_n3A_599 = arith.select %eq3A_575, %broadcast_in_dim3A_598, %select_n3A_562 : vector<256x16xi1>, vector<256x16xf32>
    %reduce_max3A_600 = arith.constant dense<0xFF800000> : vector<256xf32>
    %reduce_max3A_601 = vector.multi_reduction <maximumf>, %select_n3A_599, %reduce_max3A_600 [1] : vector<256x16xf32> to vector<256xf32>
    %broadcast_in_dim3A_602 = vector.shape_cast %reduce_max3A_601 : vector<256xf32> to vector<256x1xf32>
    %eq3A_603 = vector.broadcast %broadcast_in_dim3A_602 : vector<256x1xf32> to vector<256x16xf32>
    %eq3A_604 = arith.cmpf oeq, %select_n3A_599, %eq3A_603 : vector<256x16xf32>
    %jit3A_605 = arith.constant 16 : i32
    %broadcast_in_dim3A_606 = vector.broadcast %jit3A_605 : i32 to vector<256x16xi32>
    %select_n3A_607 = arith.select %eq3A_604, %iota3A, %broadcast_in_dim3A_606 : vector<256x16xi1>, vector<256x16xi32>
    %reduce_min3A_608 = arith.constant dense<2147483647> : vector<256xi32>
    %reduce_min3A_609 = vector.multi_reduction <minsi>, %select_n3A_607, %reduce_min3A_608 [1] : vector<256x16xi32> to vector<256xi32>
    %broadcast_in_dim3A_610 = vector.shape_cast %reduce_min3A_609 : vector<256xi32> to vector<256x1xi32>
    %eq3A_611 = vector.broadcast %broadcast_in_dim3A_610 : vector<256x1xi32> to vector<256x16xi32>
    %eq3A_612 = arith.cmpi eq, %iota3A, %eq3A_611 : vector<256x16xi32>
    %jit3A_613 = arith.constant 1.000000e+00 : f32
    %jit3A_614 = arith.constant 0.000000e+00 : f32
    %broadcast_in_dim3A_615 = vector.broadcast %jit3A_613 : f32 to vector<256x16xf32>
    %broadcast_in_dim3A_616 = vector.broadcast %jit3A_614 : f32 to vector<256x16xf32>
    %select_n3A_617 = arith.select %eq3A_612, %broadcast_in_dim3A_615, %broadcast_in_dim3A_616 : vector<256x16xi1>, vector<256x16xf32>
    %add3A_618 = arith.addf %add3A_581, %select_n3A_617 : vector<256x16xf32>
    %jit3A_619 = arith.constant 0 : i32
    %broadcast_in_dim3A_620 = vector.broadcast %jit3A_619 : i32 to vector<256x16xi32>
    %select_n3A_621 = arith.select %eq3A_612, %get3A_490, %broadcast_in_dim3A_620 : vector<256x16xi1>, vector<256x16xi32>
    %reduce_sum3A_622 = arith.constant dense<0> : vector<256xi32>
    %reduce_sum3A_623 = vector.multi_reduction <add>, %select_n3A_621, %reduce_sum3A_622 [1] : vector<256x16xi32> to vector<256xi32>
    %broadcast_in_dim3A_624 = vector.shape_cast %reduce_sum3A_623 : vector<256xi32> to vector<256x1xi32>
    %eq3A_625 = arith.constant 3 : i32
    %eq3A_626 = vector.broadcast %eq3A_625 : i32 to vector<256x8xi32>
    %eq3A_627 = arith.cmpi eq, %iota3A_483, %eq3A_626 : vector<256x8xi32>
    %jit3A_628 = arith.constant 0 : i32
    %broadcast_in_dim3A_629 = vector.shape_cast %broadcast_in_dim3A_624 : vector<256x1xi32> to vector<256x1xi32>
    %broadcast_in_dim3A_630 = vector.broadcast %broadcast_in_dim3A_629 : vector<256x1xi32> to vector<256x8xi32>
    %broadcast_in_dim3A_631 = vector.broadcast %jit3A_628 : i32 to vector<256x8xi32>
    %select_n3A_632 = arith.select %eq3A_627, %broadcast_in_dim3A_630, %broadcast_in_dim3A_631 : vector<256x8xi1>, vector<256x8xi32>
    %add3A_633 = arith.addi %add3A_596, %select_n3A_632 : vector<256x8xi32>
    %jit3A_634 = arith.constant -3.000000e+38 : f32
    %broadcast_in_dim3A_635 = vector.broadcast %jit3A_634 : f32 to vector<256x16xf32>
    %select_n3A_636 = arith.select %eq3A_612, %broadcast_in_dim3A_635, %select_n3A_599 : vector<256x16xi1>, vector<256x16xf32>
    %reduce_max3A_637 = arith.constant dense<0xFF800000> : vector<256xf32>
    %reduce_max3A_638 = vector.multi_reduction <maximumf>, %select_n3A_636, %reduce_max3A_637 [1] : vector<256x16xf32> to vector<256xf32>
    %broadcast_in_dim3A_639 = vector.shape_cast %reduce_max3A_638 : vector<256xf32> to vector<256x1xf32>
    %eq3A_640 = vector.broadcast %broadcast_in_dim3A_639 : vector<256x1xf32> to vector<256x16xf32>
    %eq3A_641 = arith.cmpf oeq, %select_n3A_636, %eq3A_640 : vector<256x16xf32>
    %jit3A_642 = arith.constant 16 : i32
    %broadcast_in_dim3A_643 = vector.broadcast %jit3A_642 : i32 to vector<256x16xi32>
    %select_n3A_644 = arith.select %eq3A_641, %iota3A, %broadcast_in_dim3A_643 : vector<256x16xi1>, vector<256x16xi32>
    %reduce_min3A_645 = arith.constant dense<2147483647> : vector<256xi32>
    %reduce_min3A_646 = vector.multi_reduction <minsi>, %select_n3A_644, %reduce_min3A_645 [1] : vector<256x16xi32> to vector<256xi32>
    %broadcast_in_dim3A_647 = vector.shape_cast %reduce_min3A_646 : vector<256xi32> to vector<256x1xi32>
    %eq3A_648 = vector.broadcast %broadcast_in_dim3A_647 : vector<256x1xi32> to vector<256x16xi32>
    %eq3A_649 = arith.cmpi eq, %iota3A, %eq3A_648 : vector<256x16xi32>
    %jit3A_650 = arith.constant 1.000000e+00 : f32
    %jit3A_651 = arith.constant 0.000000e+00 : f32
    %broadcast_in_dim3A_652 = vector.broadcast %jit3A_650 : f32 to vector<256x16xf32>
    %broadcast_in_dim3A_653 = vector.broadcast %jit3A_651 : f32 to vector<256x16xf32>
    %select_n3A_654 = arith.select %eq3A_649, %broadcast_in_dim3A_652, %broadcast_in_dim3A_653 : vector<256x16xi1>, vector<256x16xf32>
    %add3A_655 = arith.addf %add3A_618, %select_n3A_654 : vector<256x16xf32>
    %jit3A_656 = arith.constant 0 : i32
    %broadcast_in_dim3A_657 = vector.broadcast %jit3A_656 : i32 to vector<256x16xi32>
    %select_n3A_658 = arith.select %eq3A_649, %get3A_490, %broadcast_in_dim3A_657 : vector<256x16xi1>, vector<256x16xi32>
    %reduce_sum3A_659 = arith.constant dense<0> : vector<256xi32>
    %reduce_sum3A_660 = vector.multi_reduction <add>, %select_n3A_658, %reduce_sum3A_659 [1] : vector<256x16xi32> to vector<256xi32>
    %broadcast_in_dim3A_661 = vector.shape_cast %reduce_sum3A_660 : vector<256xi32> to vector<256x1xi32>
    %eq3A_662 = arith.constant 4 : i32
    %eq3A_663 = vector.broadcast %eq3A_662 : i32 to vector<256x8xi32>
    %eq3A_664 = arith.cmpi eq, %iota3A_483, %eq3A_663 : vector<256x8xi32>
    %jit3A_665 = arith.constant 0 : i32
    %broadcast_in_dim3A_666 = vector.shape_cast %broadcast_in_dim3A_661 : vector<256x1xi32> to vector<256x1xi32>
    %broadcast_in_dim3A_667 = vector.broadcast %broadcast_in_dim3A_666 : vector<256x1xi32> to vector<256x8xi32>
    %broadcast_in_dim3A_668 = vector.broadcast %jit3A_665 : i32 to vector<256x8xi32>
    %select_n3A_669 = arith.select %eq3A_664, %broadcast_in_dim3A_667, %broadcast_in_dim3A_668 : vector<256x8xi1>, vector<256x8xi32>
    %add3A_670 = arith.addi %add3A_633, %select_n3A_669 : vector<256x8xi32>
    %jit3A_671 = arith.constant -3.000000e+38 : f32
    %broadcast_in_dim3A_672 = vector.broadcast %jit3A_671 : f32 to vector<256x16xf32>
    %select_n3A_673 = arith.select %eq3A_649, %broadcast_in_dim3A_672, %select_n3A_636 : vector<256x16xi1>, vector<256x16xf32>
    %reduce_max3A_674 = arith.constant dense<0xFF800000> : vector<256xf32>
    %reduce_max3A_675 = vector.multi_reduction <maximumf>, %select_n3A_673, %reduce_max3A_674 [1] : vector<256x16xf32> to vector<256xf32>
    %broadcast_in_dim3A_676 = vector.shape_cast %reduce_max3A_675 : vector<256xf32> to vector<256x1xf32>
    %eq3A_677 = vector.broadcast %broadcast_in_dim3A_676 : vector<256x1xf32> to vector<256x16xf32>
    %eq3A_678 = arith.cmpf oeq, %select_n3A_673, %eq3A_677 : vector<256x16xf32>
    %jit3A_679 = arith.constant 16 : i32
    %broadcast_in_dim3A_680 = vector.broadcast %jit3A_679 : i32 to vector<256x16xi32>
    %select_n3A_681 = arith.select %eq3A_678, %iota3A, %broadcast_in_dim3A_680 : vector<256x16xi1>, vector<256x16xi32>
    %reduce_min3A_682 = arith.constant dense<2147483647> : vector<256xi32>
    %reduce_min3A_683 = vector.multi_reduction <minsi>, %select_n3A_681, %reduce_min3A_682 [1] : vector<256x16xi32> to vector<256xi32>
    %broadcast_in_dim3A_684 = vector.shape_cast %reduce_min3A_683 : vector<256xi32> to vector<256x1xi32>
    %eq3A_685 = vector.broadcast %broadcast_in_dim3A_684 : vector<256x1xi32> to vector<256x16xi32>
    %eq3A_686 = arith.cmpi eq, %iota3A, %eq3A_685 : vector<256x16xi32>
    %jit3A_687 = arith.constant 1.000000e+00 : f32
    %jit3A_688 = arith.constant 0.000000e+00 : f32
    %broadcast_in_dim3A_689 = vector.broadcast %jit3A_687 : f32 to vector<256x16xf32>
    %broadcast_in_dim3A_690 = vector.broadcast %jit3A_688 : f32 to vector<256x16xf32>
    %select_n3A_691 = arith.select %eq3A_686, %broadcast_in_dim3A_689, %broadcast_in_dim3A_690 : vector<256x16xi1>, vector<256x16xf32>
    %add3A_692 = arith.addf %add3A_655, %select_n3A_691 : vector<256x16xf32>
    %jit3A_693 = arith.constant 0 : i32
    %broadcast_in_dim3A_694 = vector.broadcast %jit3A_693 : i32 to vector<256x16xi32>
    %select_n3A_695 = arith.select %eq3A_686, %get3A_490, %broadcast_in_dim3A_694 : vector<256x16xi1>, vector<256x16xi32>
    %reduce_sum3A_696 = arith.constant dense<0> : vector<256xi32>
    %reduce_sum3A_697 = vector.multi_reduction <add>, %select_n3A_695, %reduce_sum3A_696 [1] : vector<256x16xi32> to vector<256xi32>
    %broadcast_in_dim3A_698 = vector.shape_cast %reduce_sum3A_697 : vector<256xi32> to vector<256x1xi32>
    %eq3A_699 = arith.constant 5 : i32
    %eq3A_700 = vector.broadcast %eq3A_699 : i32 to vector<256x8xi32>
    %eq3A_701 = arith.cmpi eq, %iota3A_483, %eq3A_700 : vector<256x8xi32>
    %jit3A_702 = arith.constant 0 : i32
    %broadcast_in_dim3A_703 = vector.shape_cast %broadcast_in_dim3A_698 : vector<256x1xi32> to vector<256x1xi32>
    %broadcast_in_dim3A_704 = vector.broadcast %broadcast_in_dim3A_703 : vector<256x1xi32> to vector<256x8xi32>
    %broadcast_in_dim3A_705 = vector.broadcast %jit3A_702 : i32 to vector<256x8xi32>
    %select_n3A_706 = arith.select %eq3A_701, %broadcast_in_dim3A_704, %broadcast_in_dim3A_705 : vector<256x8xi1>, vector<256x8xi32>
    %add3A_707 = arith.addi %add3A_670, %select_n3A_706 : vector<256x8xi32>
    %jit3A_708 = arith.constant -3.000000e+38 : f32
    %broadcast_in_dim3A_709 = vector.broadcast %jit3A_708 : f32 to vector<256x16xf32>
    %select_n3A_710 = arith.select %eq3A_686, %broadcast_in_dim3A_709, %select_n3A_673 : vector<256x16xi1>, vector<256x16xf32>
    %reduce_max3A_711 = arith.constant dense<0xFF800000> : vector<256xf32>
    %reduce_max3A_712 = vector.multi_reduction <maximumf>, %select_n3A_710, %reduce_max3A_711 [1] : vector<256x16xf32> to vector<256xf32>
    %broadcast_in_dim3A_713 = vector.shape_cast %reduce_max3A_712 : vector<256xf32> to vector<256x1xf32>
    %eq3A_714 = vector.broadcast %broadcast_in_dim3A_713 : vector<256x1xf32> to vector<256x16xf32>
    %eq3A_715 = arith.cmpf oeq, %select_n3A_710, %eq3A_714 : vector<256x16xf32>
    %jit3A_716 = arith.constant 16 : i32
    %broadcast_in_dim3A_717 = vector.broadcast %jit3A_716 : i32 to vector<256x16xi32>
    %select_n3A_718 = arith.select %eq3A_715, %iota3A, %broadcast_in_dim3A_717 : vector<256x16xi1>, vector<256x16xi32>
    %reduce_min3A_719 = arith.constant dense<2147483647> : vector<256xi32>
    %reduce_min3A_720 = vector.multi_reduction <minsi>, %select_n3A_718, %reduce_min3A_719 [1] : vector<256x16xi32> to vector<256xi32>
    %broadcast_in_dim3A_721 = vector.shape_cast %reduce_min3A_720 : vector<256xi32> to vector<256x1xi32>
    %eq3A_722 = vector.broadcast %broadcast_in_dim3A_721 : vector<256x1xi32> to vector<256x16xi32>
    %eq3A_723 = arith.cmpi eq, %iota3A, %eq3A_722 : vector<256x16xi32>
    %jit3A_724 = arith.constant 1.000000e+00 : f32
    %jit3A_725 = arith.constant 0.000000e+00 : f32
    %broadcast_in_dim3A_726 = vector.broadcast %jit3A_724 : f32 to vector<256x16xf32>
    %broadcast_in_dim3A_727 = vector.broadcast %jit3A_725 : f32 to vector<256x16xf32>
    %select_n3A_728 = arith.select %eq3A_723, %broadcast_in_dim3A_726, %broadcast_in_dim3A_727 : vector<256x16xi1>, vector<256x16xf32>
    %add3A_729 = arith.addf %add3A_692, %select_n3A_728 : vector<256x16xf32>
    %jit3A_730 = arith.constant 0 : i32
    %broadcast_in_dim3A_731 = vector.broadcast %jit3A_730 : i32 to vector<256x16xi32>
    %select_n3A_732 = arith.select %eq3A_723, %get3A_490, %broadcast_in_dim3A_731 : vector<256x16xi1>, vector<256x16xi32>
    %reduce_sum3A_733 = arith.constant dense<0> : vector<256xi32>
    %reduce_sum3A_734 = vector.multi_reduction <add>, %select_n3A_732, %reduce_sum3A_733 [1] : vector<256x16xi32> to vector<256xi32>
    %broadcast_in_dim3A_735 = vector.shape_cast %reduce_sum3A_734 : vector<256xi32> to vector<256x1xi32>
    %eq3A_736 = arith.constant 6 : i32
    %eq3A_737 = vector.broadcast %eq3A_736 : i32 to vector<256x8xi32>
    %eq3A_738 = arith.cmpi eq, %iota3A_483, %eq3A_737 : vector<256x8xi32>
    %jit3A_739 = arith.constant 0 : i32
    %broadcast_in_dim3A_740 = vector.shape_cast %broadcast_in_dim3A_735 : vector<256x1xi32> to vector<256x1xi32>
    %broadcast_in_dim3A_741 = vector.broadcast %broadcast_in_dim3A_740 : vector<256x1xi32> to vector<256x8xi32>
    %broadcast_in_dim3A_742 = vector.broadcast %jit3A_739 : i32 to vector<256x8xi32>
    %select_n3A_743 = arith.select %eq3A_738, %broadcast_in_dim3A_741, %broadcast_in_dim3A_742 : vector<256x8xi1>, vector<256x8xi32>
    %add3A_744 = arith.addi %add3A_707, %select_n3A_743 : vector<256x8xi32>
    %jit3A_745 = arith.constant -3.000000e+38 : f32
    %broadcast_in_dim3A_746 = vector.broadcast %jit3A_745 : f32 to vector<256x16xf32>
    %select_n3A_747 = arith.select %eq3A_723, %broadcast_in_dim3A_746, %select_n3A_710 : vector<256x16xi1>, vector<256x16xf32>
    %reduce_max3A_748 = arith.constant dense<0xFF800000> : vector<256xf32>
    %reduce_max3A_749 = vector.multi_reduction <maximumf>, %select_n3A_747, %reduce_max3A_748 [1] : vector<256x16xf32> to vector<256xf32>
    %broadcast_in_dim3A_750 = vector.shape_cast %reduce_max3A_749 : vector<256xf32> to vector<256x1xf32>
    %eq3A_751 = vector.broadcast %broadcast_in_dim3A_750 : vector<256x1xf32> to vector<256x16xf32>
    %eq3A_752 = arith.cmpf oeq, %select_n3A_747, %eq3A_751 : vector<256x16xf32>
    %jit3A_753 = arith.constant 16 : i32
    %broadcast_in_dim3A_754 = vector.broadcast %jit3A_753 : i32 to vector<256x16xi32>
    %select_n3A_755 = arith.select %eq3A_752, %iota3A, %broadcast_in_dim3A_754 : vector<256x16xi1>, vector<256x16xi32>
    %reduce_min3A_756 = arith.constant dense<2147483647> : vector<256xi32>
    %reduce_min3A_757 = vector.multi_reduction <minsi>, %select_n3A_755, %reduce_min3A_756 [1] : vector<256x16xi32> to vector<256xi32>
    %broadcast_in_dim3A_758 = vector.shape_cast %reduce_min3A_757 : vector<256xi32> to vector<256x1xi32>
    %eq3A_759 = vector.broadcast %broadcast_in_dim3A_758 : vector<256x1xi32> to vector<256x16xi32>
    %eq3A_760 = arith.cmpi eq, %iota3A, %eq3A_759 : vector<256x16xi32>
    %jit3A_761 = arith.constant 1.000000e+00 : f32
    %jit3A_762 = arith.constant 0.000000e+00 : f32
    %broadcast_in_dim3A_763 = vector.broadcast %jit3A_761 : f32 to vector<256x16xf32>
    %broadcast_in_dim3A_764 = vector.broadcast %jit3A_762 : f32 to vector<256x16xf32>
    %select_n3A_765 = arith.select %eq3A_760, %broadcast_in_dim3A_763, %broadcast_in_dim3A_764 : vector<256x16xi1>, vector<256x16xf32>
    %add3A_766 = arith.addf %add3A_729, %select_n3A_765 : vector<256x16xf32>
    %jit3A_767 = arith.constant 0 : i32
    %broadcast_in_dim3A_768 = vector.broadcast %jit3A_767 : i32 to vector<256x16xi32>
    %select_n3A_769 = arith.select %eq3A_760, %get3A_490, %broadcast_in_dim3A_768 : vector<256x16xi1>, vector<256x16xi32>
    %reduce_sum3A_770 = arith.constant dense<0> : vector<256xi32>
    %reduce_sum3A_771 = vector.multi_reduction <add>, %select_n3A_769, %reduce_sum3A_770 [1] : vector<256x16xi32> to vector<256xi32>
    %broadcast_in_dim3A_772 = vector.shape_cast %reduce_sum3A_771 : vector<256xi32> to vector<256x1xi32>
    %eq3A_773 = arith.constant 7 : i32
    %eq3A_774 = vector.broadcast %eq3A_773 : i32 to vector<256x8xi32>
    %eq3A_775 = arith.cmpi eq, %iota3A_483, %eq3A_774 : vector<256x8xi32>
    %jit3A_776 = arith.constant 0 : i32
    %broadcast_in_dim3A_777 = vector.shape_cast %broadcast_in_dim3A_772 : vector<256x1xi32> to vector<256x1xi32>
    %broadcast_in_dim3A_778 = vector.broadcast %broadcast_in_dim3A_777 : vector<256x1xi32> to vector<256x8xi32>
    %broadcast_in_dim3A_779 = vector.broadcast %jit3A_776 : i32 to vector<256x8xi32>
    %select_n3A_780 = arith.select %eq3A_775, %broadcast_in_dim3A_778, %broadcast_in_dim3A_779 : vector<256x8xi1>, vector<256x8xi32>
    %add3A_781 = arith.addi %add3A_744, %select_n3A_780 : vector<256x8xi32>
    %swap3A = arith.constant 0 : index
    %swap3A_782 = arith.constant 0 : index
    %swap3A_783 = vector.load %arg13[%swap3A, %swap3A_782] : memref<256x8xi32, #tpu.memory_space<vmem>>, vector<256x8xi32>
    tpu.vector_store %arg13[%swap3A, %swap3A_782], %add3A_781 {strides = array<i32>} : memref<256x8xi32, #tpu.memory_space<vmem>>, vector<256x8xi32>,
    %get3A_784 = arith.constant 0 : index
    %get3A_785 = arith.constant 0 : index
    %get3A_786 = vector.load %arg7[%get3A_784, %get3A_785] : memref<1x1xf32, #tpu.memory_space<vmem>>, vector<1x1xf32>
    %get3A_787 = vector.extract %get3A_786[0, 0] : f32 from vector<1x1xf32>
    %sub3A_788 = arith.constant 1.000000e+00 : f32
    %sub3A_789 = arith.subf %sub3A_788, %get3A_787 : f32
    %sub3A_790 = arith.constant 1.000000e+00 : f32
    %sub3A_791 = vector.broadcast %sub3A_790 : f32 to vector<256x16xf32>
    %sub3A_792 = arith.subf %sub3A_791, %add3A_766 : vector<256x16xf32>
    %mul3A_793 = arith.constant 9.99999979E+10 : f32
    %mul3A_794 = vector.broadcast %mul3A_793 : f32 to vector<256x16xf32>
    %mul3A_795 = arith.mulf %sub3A_792, %mul3A_794 : vector<256x16xf32>
    %sub3A_796 = arith.subf %add3A_482, %mul3A_795 : vector<256x16xf32>
    %logistic3A = arith.negf %sub3A_796 : vector<256x16xf32>
    %logistic3A_797 = math.exp %logistic3A : vector<256x16xf32>
    %logistic3A_798 = arith.constant 1.000000e+00 : f32
    %logistic3A_799 = vector.broadcast %logistic3A_798 : f32 to vector<256x16xf32>
    %logistic3A_800 = arith.addf %logistic3A_799, %logistic3A_797 : vector<256x16xf32>
    %logistic3A_801 = arith.divf %logistic3A_799, %logistic3A_800 : vector<256x16xf32>
    %mul3A_802 = vector.broadcast %sub3A_789 : f32 to vector<256x16xf32>
    %mul3A_803 = arith.mulf %mul3A_802, %logistic3A_801 : vector<256x16xf32>
    %get3A_804 = arith.constant 0 : index
    %get3A_805 = arith.constant 0 : index
    %get3A_806 = vector.load %arg6[%get3A_804, %get3A_805] : memref<256x16xf32, #tpu.memory_space<vmem>>, vector<256x16xf32>
    %mul3A_807 = vector.broadcast %get3A_787 : f32 to vector<256x16xf32>
    %mul3A_808 = arith.mulf %mul3A_807, %get3A_806 : vector<256x16xf32>
    %add3A_809 = arith.addf %mul3A_803, %mul3A_808 : vector<256x16xf32>
    %swap3A_810 = arith.constant 0 : index
    %swap3A_811 = arith.constant 0 : index
    %swap3A_812 = vector.load %arg12[%swap3A_810, %swap3A_811] : memref<256x16xf32, #tpu.memory_space<vmem>>, vector<256x16xf32>
    tpu.vector_store %arg12[%swap3A_810, %swap3A_811], %add3A_809 {strides = array<i32>} : memref<256x16xf32, #tpu.memory_space<vmem>>, vector<256x16xf32>,
    %reduce_sum3A_813 = arith.constant dense<0.000000e+00> : vector<256xf32>
    %reduce_sum3A_814 = vector.multi_reduction <add>, %add3A_809, %reduce_sum3A_813 [1] : vector<256x16xf32> to vector<256xf32>
    %broadcast_in_dim3A_815 = vector.shape_cast %reduce_sum3A_814 : vector<256xf32> to vector<256x1xf32>
    %add3A_816 = arith.constant 1.000000e+00 : f32
    %add3A_817 = vector.broadcast %add3A_816 : f32 to vector<256x1xf32>
    %add3A_818 = arith.addf %broadcast_in_dim3A_815, %add3A_817 : vector<256x1xf32>
    %broadcast_in_dim3A_819 = arith.constant 0.000000e+00 : f32
    %broadcast_in_dim3A_820 = vector.broadcast %broadcast_in_dim3A_819 : f32 to vector<256x128xf32>
    %get3A_821 = arith.constant 0 : index
    %get3A_822 = arith.constant 0 : index
    %get3A_823 = arith.constant 0 : index
    %get3A_824 = vector.load %arg2[%get3A_821, %get3A_822, %get3A_823] : memref<16x256x128xf32, #tpu.memory_space<vmem>>, vector<1x256x128xf32>
    %get3A_825 = vector.shape_cast %get3A_824 : vector<1x256x128xf32> to vector<256x128xf32>
    %slice3A = vector.extract_strided_slice %add3A_809 {offsets = [0, 0], sizes = [256, 1], strides = [1, 1]} : vector<256x16xf32> to vector<256x1xf32>
    %mul3A_826 = vector.broadcast %slice3A : vector<256x1xf32> to vector<256x128xf32>
    %mul3A_827 = arith.mulf %get3A_825, %mul3A_826 : vector<256x128xf32>
    %add3A_828 = arith.addf %broadcast_in_dim3A_820, %mul3A_827 : vector<256x128xf32>
    %get3A_829 = arith.constant 1 : index
    %get3A_830 = arith.constant 0 : index
    %get3A_831 = arith.constant 0 : index
    %get3A_832 = vector.load %arg2[%get3A_829, %get3A_830, %get3A_831] : memref<16x256x128xf32, #tpu.memory_space<vmem>>, vector<1x256x128xf32>
    %get3A_833 = vector.shape_cast %get3A_832 : vector<1x256x128xf32> to vector<256x128xf32>
    %slice3A_834 = vector.extract_strided_slice %add3A_809 {offsets = [0, 1], sizes = [256, 1], strides = [1, 1]} : vector<256x16xf32> to vector<256x1xf32>
    %mul3A_835 = vector.broadcast %slice3A_834 : vector<256x1xf32> to vector<256x128xf32>
    %mul3A_836 = arith.mulf %get3A_833, %mul3A_835 : vector<256x128xf32>
    %add3A_837 = arith.addf %add3A_828, %mul3A_836 : vector<256x128xf32>
    %get3A_838 = arith.constant 2 : index
    %get3A_839 = arith.constant 0 : index
    %get3A_840 = arith.constant 0 : index
    %get3A_841 = vector.load %arg2[%get3A_838, %get3A_839, %get3A_840] : memref<16x256x128xf32, #tpu.memory_space<vmem>>, vector<1x256x128xf32>
    %get3A_842 = vector.shape_cast %get3A_841 : vector<1x256x128xf32> to vector<256x128xf32>
    %slice3A_843 = vector.extract_strided_slice %add3A_809 {offsets = [0, 2], sizes = [256, 1], strides = [1, 1]} : vector<256x16xf32> to vector<256x1xf32>
    %mul3A_844 = vector.broadcast %slice3A_843 : vector<256x1xf32> to vector<256x128xf32>
    %mul3A_845 = arith.mulf %get3A_842, %mul3A_844 : vector<256x128xf32>
    %add3A_846 = arith.addf %add3A_837, %mul3A_845 : vector<256x128xf32>
    %get3A_847 = arith.constant 3 : index
    %get3A_848 = arith.constant 0 : index
    %get3A_849 = arith.constant 0 : index
    %get3A_850 = vector.load %arg2[%get3A_847, %get3A_848, %get3A_849] : memref<16x256x128xf32, #tpu.memory_space<vmem>>, vector<1x256x128xf32>
    %get3A_851 = vector.shape_cast %get3A_850 : vector<1x256x128xf32> to vector<256x128xf32>
    %slice3A_852 = vector.extract_strided_slice %add3A_809 {offsets = [0, 3], sizes = [256, 1], strides = [1, 1]} : vector<256x16xf32> to vector<256x1xf32>
    %mul3A_853 = vector.broadcast %slice3A_852 : vector<256x1xf32> to vector<256x128xf32>
    %mul3A_854 = arith.mulf %get3A_851, %mul3A_853 : vector<256x128xf32>
    %add3A_855 = arith.addf %add3A_846, %mul3A_854 : vector<256x128xf32>
    %get3A_856 = arith.constant 4 : index
    %get3A_857 = arith.constant 0 : index
    %get3A_858 = arith.constant 0 : index
    %get3A_859 = vector.load %arg2[%get3A_856, %get3A_857, %get3A_858] : memref<16x256x128xf32, #tpu.memory_space<vmem>>, vector<1x256x128xf32>
    %get3A_860 = vector.shape_cast %get3A_859 : vector<1x256x128xf32> to vector<256x128xf32>
    %slice3A_861 = vector.extract_strided_slice %add3A_809 {offsets = [0, 4], sizes = [256, 1], strides = [1, 1]} : vector<256x16xf32> to vector<256x1xf32>
    %mul3A_862 = vector.broadcast %slice3A_861 : vector<256x1xf32> to vector<256x128xf32>
    %mul3A_863 = arith.mulf %get3A_860, %mul3A_862 : vector<256x128xf32>
    %add3A_864 = arith.addf %add3A_855, %mul3A_863 : vector<256x128xf32>
    %get3A_865 = arith.constant 5 : index
    %get3A_866 = arith.constant 0 : index
    %get3A_867 = arith.constant 0 : index
    %get3A_868 = vector.load %arg2[%get3A_865, %get3A_866, %get3A_867] : memref<16x256x128xf32, #tpu.memory_space<vmem>>, vector<1x256x128xf32>
    %get3A_869 = vector.shape_cast %get3A_868 : vector<1x256x128xf32> to vector<256x128xf32>
    %slice3A_870 = vector.extract_strided_slice %add3A_809 {offsets = [0, 5], sizes = [256, 1], strides = [1, 1]} : vector<256x16xf32> to vector<256x1xf32>
    %mul3A_871 = vector.broadcast %slice3A_870 : vector<256x1xf32> to vector<256x128xf32>
    %mul3A_872 = arith.mulf %get3A_869, %mul3A_871 : vector<256x128xf32>
    %add3A_873 = arith.addf %add3A_864, %mul3A_872 : vector<256x128xf32>
    %get3A_874 = arith.constant 6 : index
    %get3A_875 = arith.constant 0 : index
    %get3A_876 = arith.constant 0 : index
    %get3A_877 = vector.load %arg2[%get3A_874, %get3A_875, %get3A_876] : memref<16x256x128xf32, #tpu.memory_space<vmem>>, vector<1x256x128xf32>
    %get3A_878 = vector.shape_cast %get3A_877 : vector<1x256x128xf32> to vector<256x128xf32>
    %slice3A_879 = vector.extract_strided_slice %add3A_809 {offsets = [0, 6], sizes = [256, 1], strides = [1, 1]} : vector<256x16xf32> to vector<256x1xf32>
    %mul3A_880 = vector.broadcast %slice3A_879 : vector<256x1xf32> to vector<256x128xf32>
    %mul3A_881 = arith.mulf %get3A_878, %mul3A_880 : vector<256x128xf32>
    %add3A_882 = arith.addf %add3A_873, %mul3A_881 : vector<256x128xf32>
    %get3A_883 = arith.constant 7 : index
    %get3A_884 = arith.constant 0 : index
    %get3A_885 = arith.constant 0 : index
    %get3A_886 = vector.load %arg2[%get3A_883, %get3A_884, %get3A_885] : memref<16x256x128xf32, #tpu.memory_space<vmem>>, vector<1x256x128xf32>
    %get3A_887 = vector.shape_cast %get3A_886 : vector<1x256x128xf32> to vector<256x128xf32>
    %slice3A_888 = vector.extract_strided_slice %add3A_809 {offsets = [0, 7], sizes = [256, 1], strides = [1, 1]} : vector<256x16xf32> to vector<256x1xf32>
    %mul3A_889 = vector.broadcast %slice3A_888 : vector<256x1xf32> to vector<256x128xf32>
    %mul3A_890 = arith.mulf %get3A_887, %mul3A_889 : vector<256x128xf32>
    %add3A_891 = arith.addf %add3A_882, %mul3A_890 : vector<256x128xf32>
    %get3A_892 = arith.constant 8 : index
    %get3A_893 = arith.constant 0 : index
    %get3A_894 = arith.constant 0 : index
    %get3A_895 = vector.load %arg2[%get3A_892, %get3A_893, %get3A_894] : memref<16x256x128xf32, #tpu.memory_space<vmem>>, vector<1x256x128xf32>
    %get3A_896 = vector.shape_cast %get3A_895 : vector<1x256x128xf32> to vector<256x128xf32>
    %slice3A_897 = vector.extract_strided_slice %add3A_809 {offsets = [0, 8], sizes = [256, 1], strides = [1, 1]} : vector<256x16xf32> to vector<256x1xf32>
    %mul3A_898 = vector.broadcast %slice3A_897 : vector<256x1xf32> to vector<256x128xf32>
    %mul3A_899 = arith.mulf %get3A_896, %mul3A_898 : vector<256x128xf32>
    %add3A_900 = arith.addf %add3A_891, %mul3A_899 : vector<256x128xf32>
    %get3A_901 = arith.constant 9 : index
    %get3A_902 = arith.constant 0 : index
    %get3A_903 = arith.constant 0 : index
    %get3A_904 = vector.load %arg2[%get3A_901, %get3A_902, %get3A_903] : memref<16x256x128xf32, #tpu.memory_space<vmem>>, vector<1x256x128xf32>
    %get3A_905 = vector.shape_cast %get3A_904 : vector<1x256x128xf32> to vector<256x128xf32>
    %slice3A_906 = vector.extract_strided_slice %add3A_809 {offsets = [0, 9], sizes = [256, 1], strides = [1, 1]} : vector<256x16xf32> to vector<256x1xf32>
    %mul3A_907 = vector.broadcast %slice3A_906 : vector<256x1xf32> to vector<256x128xf32>
    %mul3A_908 = arith.mulf %get3A_905, %mul3A_907 : vector<256x128xf32>
    %add3A_909 = arith.addf %add3A_900, %mul3A_908 : vector<256x128xf32>
    %get3A_910 = arith.constant 10 : index
    %get3A_911 = arith.constant 0 : index
    %get3A_912 = arith.constant 0 : index
    %get3A_913 = vector.load %arg2[%get3A_910, %get3A_911, %get3A_912] : memref<16x256x128xf32, #tpu.memory_space<vmem>>, vector<1x256x128xf32>
    %get3A_914 = vector.shape_cast %get3A_913 : vector<1x256x128xf32> to vector<256x128xf32>
    %slice3A_915 = vector.extract_strided_slice %add3A_809 {offsets = [0, 10], sizes = [256, 1], strides = [1, 1]} : vector<256x16xf32> to vector<256x1xf32>
    %mul3A_916 = vector.broadcast %slice3A_915 : vector<256x1xf32> to vector<256x128xf32>
    %mul3A_917 = arith.mulf %get3A_914, %mul3A_916 : vector<256x128xf32>
    %add3A_918 = arith.addf %add3A_909, %mul3A_917 : vector<256x128xf32>
    %get3A_919 = arith.constant 11 : index
    %get3A_920 = arith.constant 0 : index
    %get3A_921 = arith.constant 0 : index
    %get3A_922 = vector.load %arg2[%get3A_919, %get3A_920, %get3A_921] : memref<16x256x128xf32, #tpu.memory_space<vmem>>, vector<1x256x128xf32>
    %get3A_923 = vector.shape_cast %get3A_922 : vector<1x256x128xf32> to vector<256x128xf32>
    %slice3A_924 = vector.extract_strided_slice %add3A_809 {offsets = [0, 11], sizes = [256, 1], strides = [1, 1]} : vector<256x16xf32> to vector<256x1xf32>
    %mul3A_925 = vector.broadcast %slice3A_924 : vector<256x1xf32> to vector<256x128xf32>
    %mul3A_926 = arith.mulf %get3A_923, %mul3A_925 : vector<256x128xf32>
    %add3A_927 = arith.addf %add3A_918, %mul3A_926 : vector<256x128xf32>
    %get3A_928 = arith.constant 12 : index
    %get3A_929 = arith.constant 0 : index
    %get3A_930 = arith.constant 0 : index
    %get3A_931 = vector.load %arg2[%get3A_928, %get3A_929, %get3A_930] : memref<16x256x128xf32, #tpu.memory_space<vmem>>, vector<1x256x128xf32>
    %get3A_932 = vector.shape_cast %get3A_931 : vector<1x256x128xf32> to vector<256x128xf32>
    %slice3A_933 = vector.extract_strided_slice %add3A_809 {offsets = [0, 12], sizes = [256, 1], strides = [1, 1]} : vector<256x16xf32> to vector<256x1xf32>
    %mul3A_934 = vector.broadcast %slice3A_933 : vector<256x1xf32> to vector<256x128xf32>
    %mul3A_935 = arith.mulf %get3A_932, %mul3A_934 : vector<256x128xf32>
    %add3A_936 = arith.addf %add3A_927, %mul3A_935 : vector<256x128xf32>
    %get3A_937 = arith.constant 13 : index
    %get3A_938 = arith.constant 0 : index
    %get3A_939 = arith.constant 0 : index
    %get3A_940 = vector.load %arg2[%get3A_937, %get3A_938, %get3A_939] : memref<16x256x128xf32, #tpu.memory_space<vmem>>, vector<1x256x128xf32>
    %get3A_941 = vector.shape_cast %get3A_940 : vector<1x256x128xf32> to vector<256x128xf32>
    %slice3A_942 = vector.extract_strided_slice %add3A_809 {offsets = [0, 13], sizes = [256, 1], strides = [1, 1]} : vector<256x16xf32> to vector<256x1xf32>
    %mul3A_943 = vector.broadcast %slice3A_942 : vector<256x1xf32> to vector<256x128xf32>
    %mul3A_944 = arith.mulf %get3A_941, %mul3A_943 : vector<256x128xf32>
    %add3A_945 = arith.addf %add3A_936, %mul3A_944 : vector<256x128xf32>
    %get3A_946 = arith.constant 14 : index
    %get3A_947 = arith.constant 0 : index
    %get3A_948 = arith.constant 0 : index
    %get3A_949 = vector.load %arg2[%get3A_946, %get3A_947, %get3A_948] : memref<16x256x128xf32, #tpu.memory_space<vmem>>, vector<1x256x128xf32>
    %get3A_950 = vector.shape_cast %get3A_949 : vector<1x256x128xf32> to vector<256x128xf32>
    %slice3A_951 = vector.extract_strided_slice %add3A_809 {offsets = [0, 14], sizes = [256, 1], strides = [1, 1]} : vector<256x16xf32> to vector<256x1xf32>
    %mul3A_952 = vector.broadcast %slice3A_951 : vector<256x1xf32> to vector<256x128xf32>
    %mul3A_953 = arith.mulf %get3A_950, %mul3A_952 : vector<256x128xf32>
    %add3A_954 = arith.addf %add3A_945, %mul3A_953 : vector<256x128xf32>
    %get3A_955 = arith.constant 15 : index
    %get3A_956 = arith.constant 0 : index
    %get3A_957 = arith.constant 0 : index
    %get3A_958 = vector.load %arg2[%get3A_955, %get3A_956, %get3A_957] : memref<16x256x128xf32, #tpu.memory_space<vmem>>, vector<1x256x128xf32>
    %get3A_959 = vector.shape_cast %get3A_958 : vector<1x256x128xf32> to vector<256x128xf32>
    %slice3A_960 = vector.extract_strided_slice %add3A_809 {offsets = [0, 15], sizes = [256, 1], strides = [1, 1]} : vector<256x16xf32> to vector<256x1xf32>
    %mul3A_961 = vector.broadcast %slice3A_960 : vector<256x1xf32> to vector<256x128xf32>
    %mul3A_962 = arith.mulf %get3A_959, %mul3A_961 : vector<256x128xf32>
    %add3A_963 = arith.addf %add3A_954, %mul3A_962 : vector<256x128xf32>
    %get3A_964 = arith.constant 0 : index
    %get3A_965 = arith.constant 0 : index
    %get3A_966 = vector.load %arg5[%get3A_964, %get3A_965] : memref<256x128xf32, #tpu.memory_space<vmem>>, vector<256x128xf32>
    %add3A_967 = arith.addf %add3A_963, %get3A_966 : vector<256x128xf32>
    %div3A = vector.broadcast %add3A_818 : vector<256x1xf32> to vector<256x128xf32>
    %div3A_968 = arith.divf %add3A_967, %div3A : vector<256x128xf32>
    %swap3A_969 = arith.constant 0 : index
    %swap3A_970 = arith.constant 0 : index
    %swap3A_971 = vector.load %arg11[%swap3A_969, %swap3A_970] : memref<256x128xf32, #tpu.memory_space<vmem>>, vector<256x128xf32>
    tpu.vector_store %arg11[%swap3A_969, %swap3A_970], %div3A_968 {strides = array<i32>} : memref<256x128xf32, #tpu.memory_space<vmem>>, vector<256x128xf32>,
    return
  }
  func.func @transform_0(%arg0: i32) -> (i32, i32, i32) {
    %c0_i32 = arith.constant 0 : i32
    %c0_i32_0 = arith.constant 0 : i32
    %c0_i32_1 = arith.constant 0 : i32
    return %c0_i32, %arg0, %c0_i32_0 : i32, i32, i32
  }
  func.func @transform_1(%arg0: i32) -> (i32, i32, i32) {
    %c0_i32 = arith.constant 0 : i32
    %c0_i32_0 = arith.constant 0 : i32
    %c0_i32_1 = arith.constant 0 : i32
    return %c0_i32, %arg0, %c0_i32_0 : i32, i32, i32
  }
  func.func @transform_2(%arg0: i32) -> (i32, i32) {
    %c0_i32 = arith.constant 0 : i32
    %c0_i32_0 = arith.constant 0 : i32
    return %arg0, %c0_i32 : i32, i32
  }
  func.func @transform_3(%arg0: i32) -> (i32, i32) {
    %c0_i32 = arith.constant 0 : i32
    %c0_i32_0 = arith.constant 0 : i32
    return %arg0, %c0_i32 : i32, i32
  }
  func.func @transform_4(%arg0: i32) -> (i32, i32) {
    %c0_i32 = arith.constant 0 : i32
    %c0_i32_0 = arith.constant 0 : i32
    return %arg0, %c0_i32 : i32, i32
  }
  func.func @transform_5(%arg0: i32) -> (i32, i32) {
    %c0_i32 = arith.constant 0 : i32
    %c0_i32_0 = arith.constant 0 : i32
    return %arg0, %c0_i32 : i32, i32
  }
  func.func @transform_6(%arg0: i32) -> (i32, i32) {
    %c0_i32 = arith.constant 0 : i32
    %c0_i32_0 = arith.constant 0 : i32
    %c0_i32_1 = arith.constant 0 : i32
    return %c0_i32, %c0_i32_0 : i32, i32
  }
  func.func @transform_7(%arg0: i32) -> (i32, i32) {
    %c0_i32 = arith.constant 0 : i32
    %c0_i32_0 = arith.constant 0 : i32
    %c0_i32_1 = arith.constant 0 : i32
    return %c0_i32, %c0_i32_0 : i32, i32
  }
  func.func @transform_8(%arg0: i32) -> (i32, i32) {
    %c0_i32 = arith.constant 0 : i32
    %c0_i32_0 = arith.constant 0 : i32
    %c0_i32_1 = arith.constant 0 : i32
    return %c0_i32, %c0_i32_0 : i32, i32
  }
  func.func @transform_9(%arg0: i32) -> (i32, i32) {
    %c0_i32 = arith.constant 0 : i32
    %c0_i32_0 = arith.constant 0 : i32
    %c0_i32_1 = arith.constant 0 : i32
    return %c0_i32, %c0_i32_0 : i32, i32
  }
  func.func @transform_10(%arg0: i32) -> (i32, i32) {
    %c0_i32 = arith.constant 0 : i32
    %c0_i32_0 = arith.constant 0 : i32
    return %arg0, %c0_i32 : i32, i32
  }
  func.func @transform_11(%arg0: i32) -> (i32, i32) {
    %c0_i32 = arith.constant 0 : i32
    %c0_i32_0 = arith.constant 0 : i32
    return %arg0, %c0_i32 : i32, i32
  }
  func.func @transform_12(%arg0: i32) -> (i32, i32) {
    %c0_i32 = arith.constant 0 : i32
    %c0_i32_0 = arith.constant 0 : i32
    return %arg0, %c0_i32 : i32, i32
  }
}

module attributes {stable_mosaic.version = 14 : i64} {
  func.func @_r2_body(%arg0: i32, %arg1: memref<16x256x128xf32, #tpu.memory_space<vmem>>, %arg2: memref<256x128xf32, #tpu.memory_space<vmem>>, %arg3: memref<256x16xf32, #tpu.memory_space<vmem>>, %arg4: memref<256x128xf32, #tpu.memory_space<vmem>>) attributes {dimension_semantics = [#tpu.dimension_semantics<arbitrary>], iteration_bounds = array<i64: 40>, scalar_prefetch = 0 : i64, scratch_operands = 0 : i64, tpu.core_type = #tpu.core_type<tc>, window_params = [{transform_indices = @transform_0, window_bounds = array<i64: 16, 256, 128>}, {transform_indices = @transform_1, window_bounds = array<i64: 256, 128>}, {transform_indices = @transform_2, window_bounds = array<i64: 256, 16>}, {transform_indices = @transform_3, window_bounds = array<i64: 256, 128>}]} {
    %get3A = arith.constant 0 : index
    %get3A_0 = arith.constant 0 : index
    %get3A_1 = vector.load %arg3[%get3A, %get3A_0] : memref<256x16xf32, #tpu.memory_space<vmem>>, vector<256x16xf32>
    %reduce_sum3A = arith.constant dense<0.000000e+00> : vector<256xf32>
    %reduce_sum3A_2 = vector.multi_reduction <add>, %get3A_1, %reduce_sum3A [1] : vector<256x16xf32> to vector<256xf32>
    %broadcast_in_dim3A = vector.shape_cast %reduce_sum3A_2 : vector<256xf32> to vector<256x1xf32>
    %add3A = arith.constant 1.000000e+00 : f32
    %add3A_3 = vector.broadcast %add3A : f32 to vector<256x1xf32>
    %add3A_4 = arith.addf %broadcast_in_dim3A, %add3A_3 : vector<256x1xf32>
    %broadcast_in_dim3A_5 = arith.constant 0.000000e+00 : f32
    %broadcast_in_dim3A_6 = vector.broadcast %broadcast_in_dim3A_5 : f32 to vector<256x128xf32>
    %get3A_7 = arith.constant 0 : index
    %get3A_8 = arith.constant 0 : index
    %get3A_9 = arith.constant 0 : index
    %get3A_10 = vector.load %arg1[%get3A_7, %get3A_8, %get3A_9] : memref<16x256x128xf32, #tpu.memory_space<vmem>>, vector<1x256x128xf32>
    %get3A_11 = vector.shape_cast %get3A_10 : vector<1x256x128xf32> to vector<256x128xf32>
    %slice3A = vector.extract_strided_slice %get3A_1 {offsets = [0, 0], sizes = [256, 1], strides = [1, 1]} : vector<256x16xf32> to vector<256x1xf32>
    %mul3A = vector.broadcast %slice3A : vector<256x1xf32> to vector<256x128xf32>
    %mul3A_12 = arith.mulf %get3A_11, %mul3A : vector<256x128xf32>
    %add3A_13 = arith.addf %broadcast_in_dim3A_6, %mul3A_12 : vector<256x128xf32>
    %get3A_14 = arith.constant 1 : index
    %get3A_15 = arith.constant 0 : index
    %get3A_16 = arith.constant 0 : index
    %get3A_17 = vector.load %arg1[%get3A_14, %get3A_15, %get3A_16] : memref<16x256x128xf32, #tpu.memory_space<vmem>>, vector<1x256x128xf32>
    %get3A_18 = vector.shape_cast %get3A_17 : vector<1x256x128xf32> to vector<256x128xf32>
    %slice3A_19 = vector.extract_strided_slice %get3A_1 {offsets = [0, 1], sizes = [256, 1], strides = [1, 1]} : vector<256x16xf32> to vector<256x1xf32>
    %mul3A_20 = vector.broadcast %slice3A_19 : vector<256x1xf32> to vector<256x128xf32>
    %mul3A_21 = arith.mulf %get3A_18, %mul3A_20 : vector<256x128xf32>
    %add3A_22 = arith.addf %add3A_13, %mul3A_21 : vector<256x128xf32>
    %get3A_23 = arith.constant 2 : index
    %get3A_24 = arith.constant 0 : index
    %get3A_25 = arith.constant 0 : index
    %get3A_26 = vector.load %arg1[%get3A_23, %get3A_24, %get3A_25] : memref<16x256x128xf32, #tpu.memory_space<vmem>>, vector<1x256x128xf32>
    %get3A_27 = vector.shape_cast %get3A_26 : vector<1x256x128xf32> to vector<256x128xf32>
    %slice3A_28 = vector.extract_strided_slice %get3A_1 {offsets = [0, 2], sizes = [256, 1], strides = [1, 1]} : vector<256x16xf32> to vector<256x1xf32>
    %mul3A_29 = vector.broadcast %slice3A_28 : vector<256x1xf32> to vector<256x128xf32>
    %mul3A_30 = arith.mulf %get3A_27, %mul3A_29 : vector<256x128xf32>
    %add3A_31 = arith.addf %add3A_22, %mul3A_30 : vector<256x128xf32>
    %get3A_32 = arith.constant 3 : index
    %get3A_33 = arith.constant 0 : index
    %get3A_34 = arith.constant 0 : index
    %get3A_35 = vector.load %arg1[%get3A_32, %get3A_33, %get3A_34] : memref<16x256x128xf32, #tpu.memory_space<vmem>>, vector<1x256x128xf32>
    %get3A_36 = vector.shape_cast %get3A_35 : vector<1x256x128xf32> to vector<256x128xf32>
    %slice3A_37 = vector.extract_strided_slice %get3A_1 {offsets = [0, 3], sizes = [256, 1], strides = [1, 1]} : vector<256x16xf32> to vector<256x1xf32>
    %mul3A_38 = vector.broadcast %slice3A_37 : vector<256x1xf32> to vector<256x128xf32>
    %mul3A_39 = arith.mulf %get3A_36, %mul3A_38 : vector<256x128xf32>
    %add3A_40 = arith.addf %add3A_31, %mul3A_39 : vector<256x128xf32>
    %get3A_41 = arith.constant 4 : index
    %get3A_42 = arith.constant 0 : index
    %get3A_43 = arith.constant 0 : index
    %get3A_44 = vector.load %arg1[%get3A_41, %get3A_42, %get3A_43] : memref<16x256x128xf32, #tpu.memory_space<vmem>>, vector<1x256x128xf32>
    %get3A_45 = vector.shape_cast %get3A_44 : vector<1x256x128xf32> to vector<256x128xf32>
    %slice3A_46 = vector.extract_strided_slice %get3A_1 {offsets = [0, 4], sizes = [256, 1], strides = [1, 1]} : vector<256x16xf32> to vector<256x1xf32>
    %mul3A_47 = vector.broadcast %slice3A_46 : vector<256x1xf32> to vector<256x128xf32>
    %mul3A_48 = arith.mulf %get3A_45, %mul3A_47 : vector<256x128xf32>
    %add3A_49 = arith.addf %add3A_40, %mul3A_48 : vector<256x128xf32>
    %get3A_50 = arith.constant 5 : index
    %get3A_51 = arith.constant 0 : index
    %get3A_52 = arith.constant 0 : index
    %get3A_53 = vector.load %arg1[%get3A_50, %get3A_51, %get3A_52] : memref<16x256x128xf32, #tpu.memory_space<vmem>>, vector<1x256x128xf32>
    %get3A_54 = vector.shape_cast %get3A_53 : vector<1x256x128xf32> to vector<256x128xf32>
    %slice3A_55 = vector.extract_strided_slice %get3A_1 {offsets = [0, 5], sizes = [256, 1], strides = [1, 1]} : vector<256x16xf32> to vector<256x1xf32>
    %mul3A_56 = vector.broadcast %slice3A_55 : vector<256x1xf32> to vector<256x128xf32>
    %mul3A_57 = arith.mulf %get3A_54, %mul3A_56 : vector<256x128xf32>
    %add3A_58 = arith.addf %add3A_49, %mul3A_57 : vector<256x128xf32>
    %get3A_59 = arith.constant 6 : index
    %get3A_60 = arith.constant 0 : index
    %get3A_61 = arith.constant 0 : index
    %get3A_62 = vector.load %arg1[%get3A_59, %get3A_60, %get3A_61] : memref<16x256x128xf32, #tpu.memory_space<vmem>>, vector<1x256x128xf32>
    %get3A_63 = vector.shape_cast %get3A_62 : vector<1x256x128xf32> to vector<256x128xf32>
    %slice3A_64 = vector.extract_strided_slice %get3A_1 {offsets = [0, 6], sizes = [256, 1], strides = [1, 1]} : vector<256x16xf32> to vector<256x1xf32>
    %mul3A_65 = vector.broadcast %slice3A_64 : vector<256x1xf32> to vector<256x128xf32>
    %mul3A_66 = arith.mulf %get3A_63, %mul3A_65 : vector<256x128xf32>
    %add3A_67 = arith.addf %add3A_58, %mul3A_66 : vector<256x128xf32>
    %get3A_68 = arith.constant 7 : index
    %get3A_69 = arith.constant 0 : index
    %get3A_70 = arith.constant 0 : index
    %get3A_71 = vector.load %arg1[%get3A_68, %get3A_69, %get3A_70] : memref<16x256x128xf32, #tpu.memory_space<vmem>>, vector<1x256x128xf32>
    %get3A_72 = vector.shape_cast %get3A_71 : vector<1x256x128xf32> to vector<256x128xf32>
    %slice3A_73 = vector.extract_strided_slice %get3A_1 {offsets = [0, 7], sizes = [256, 1], strides = [1, 1]} : vector<256x16xf32> to vector<256x1xf32>
    %mul3A_74 = vector.broadcast %slice3A_73 : vector<256x1xf32> to vector<256x128xf32>
    %mul3A_75 = arith.mulf %get3A_72, %mul3A_74 : vector<256x128xf32>
    %add3A_76 = arith.addf %add3A_67, %mul3A_75 : vector<256x128xf32>
    %get3A_77 = arith.constant 8 : index
    %get3A_78 = arith.constant 0 : index
    %get3A_79 = arith.constant 0 : index
    %get3A_80 = vector.load %arg1[%get3A_77, %get3A_78, %get3A_79] : memref<16x256x128xf32, #tpu.memory_space<vmem>>, vector<1x256x128xf32>
    %get3A_81 = vector.shape_cast %get3A_80 : vector<1x256x128xf32> to vector<256x128xf32>
    %slice3A_82 = vector.extract_strided_slice %get3A_1 {offsets = [0, 8], sizes = [256, 1], strides = [1, 1]} : vector<256x16xf32> to vector<256x1xf32>
    %mul3A_83 = vector.broadcast %slice3A_82 : vector<256x1xf32> to vector<256x128xf32>
    %mul3A_84 = arith.mulf %get3A_81, %mul3A_83 : vector<256x128xf32>
    %add3A_85 = arith.addf %add3A_76, %mul3A_84 : vector<256x128xf32>
    %get3A_86 = arith.constant 9 : index
    %get3A_87 = arith.constant 0 : index
    %get3A_88 = arith.constant 0 : index
    %get3A_89 = vector.load %arg1[%get3A_86, %get3A_87, %get3A_88] : memref<16x256x128xf32, #tpu.memory_space<vmem>>, vector<1x256x128xf32>
    %get3A_90 = vector.shape_cast %get3A_89 : vector<1x256x128xf32> to vector<256x128xf32>
    %slice3A_91 = vector.extract_strided_slice %get3A_1 {offsets = [0, 9], sizes = [256, 1], strides = [1, 1]} : vector<256x16xf32> to vector<256x1xf32>
    %mul3A_92 = vector.broadcast %slice3A_91 : vector<256x1xf32> to vector<256x128xf32>
    %mul3A_93 = arith.mulf %get3A_90, %mul3A_92 : vector<256x128xf32>
    %add3A_94 = arith.addf %add3A_85, %mul3A_93 : vector<256x128xf32>
    %get3A_95 = arith.constant 10 : index
    %get3A_96 = arith.constant 0 : index
    %get3A_97 = arith.constant 0 : index
    %get3A_98 = vector.load %arg1[%get3A_95, %get3A_96, %get3A_97] : memref<16x256x128xf32, #tpu.memory_space<vmem>>, vector<1x256x128xf32>
    %get3A_99 = vector.shape_cast %get3A_98 : vector<1x256x128xf32> to vector<256x128xf32>
    %slice3A_100 = vector.extract_strided_slice %get3A_1 {offsets = [0, 10], sizes = [256, 1], strides = [1, 1]} : vector<256x16xf32> to vector<256x1xf32>
    %mul3A_101 = vector.broadcast %slice3A_100 : vector<256x1xf32> to vector<256x128xf32>
    %mul3A_102 = arith.mulf %get3A_99, %mul3A_101 : vector<256x128xf32>
    %add3A_103 = arith.addf %add3A_94, %mul3A_102 : vector<256x128xf32>
    %get3A_104 = arith.constant 11 : index
    %get3A_105 = arith.constant 0 : index
    %get3A_106 = arith.constant 0 : index
    %get3A_107 = vector.load %arg1[%get3A_104, %get3A_105, %get3A_106] : memref<16x256x128xf32, #tpu.memory_space<vmem>>, vector<1x256x128xf32>
    %get3A_108 = vector.shape_cast %get3A_107 : vector<1x256x128xf32> to vector<256x128xf32>
    %slice3A_109 = vector.extract_strided_slice %get3A_1 {offsets = [0, 11], sizes = [256, 1], strides = [1, 1]} : vector<256x16xf32> to vector<256x1xf32>
    %mul3A_110 = vector.broadcast %slice3A_109 : vector<256x1xf32> to vector<256x128xf32>
    %mul3A_111 = arith.mulf %get3A_108, %mul3A_110 : vector<256x128xf32>
    %add3A_112 = arith.addf %add3A_103, %mul3A_111 : vector<256x128xf32>
    %get3A_113 = arith.constant 12 : index
    %get3A_114 = arith.constant 0 : index
    %get3A_115 = arith.constant 0 : index
    %get3A_116 = vector.load %arg1[%get3A_113, %get3A_114, %get3A_115] : memref<16x256x128xf32, #tpu.memory_space<vmem>>, vector<1x256x128xf32>
    %get3A_117 = vector.shape_cast %get3A_116 : vector<1x256x128xf32> to vector<256x128xf32>
    %slice3A_118 = vector.extract_strided_slice %get3A_1 {offsets = [0, 12], sizes = [256, 1], strides = [1, 1]} : vector<256x16xf32> to vector<256x1xf32>
    %mul3A_119 = vector.broadcast %slice3A_118 : vector<256x1xf32> to vector<256x128xf32>
    %mul3A_120 = arith.mulf %get3A_117, %mul3A_119 : vector<256x128xf32>
    %add3A_121 = arith.addf %add3A_112, %mul3A_120 : vector<256x128xf32>
    %get3A_122 = arith.constant 13 : index
    %get3A_123 = arith.constant 0 : index
    %get3A_124 = arith.constant 0 : index
    %get3A_125 = vector.load %arg1[%get3A_122, %get3A_123, %get3A_124] : memref<16x256x128xf32, #tpu.memory_space<vmem>>, vector<1x256x128xf32>
    %get3A_126 = vector.shape_cast %get3A_125 : vector<1x256x128xf32> to vector<256x128xf32>
    %slice3A_127 = vector.extract_strided_slice %get3A_1 {offsets = [0, 13], sizes = [256, 1], strides = [1, 1]} : vector<256x16xf32> to vector<256x1xf32>
    %mul3A_128 = vector.broadcast %slice3A_127 : vector<256x1xf32> to vector<256x128xf32>
    %mul3A_129 = arith.mulf %get3A_126, %mul3A_128 : vector<256x128xf32>
    %add3A_130 = arith.addf %add3A_121, %mul3A_129 : vector<256x128xf32>
    %get3A_131 = arith.constant 14 : index
    %get3A_132 = arith.constant 0 : index
    %get3A_133 = arith.constant 0 : index
    %get3A_134 = vector.load %arg1[%get3A_131, %get3A_132, %get3A_133] : memref<16x256x128xf32, #tpu.memory_space<vmem>>, vector<1x256x128xf32>
    %get3A_135 = vector.shape_cast %get3A_134 : vector<1x256x128xf32> to vector<256x128xf32>
    %slice3A_136 = vector.extract_strided_slice %get3A_1 {offsets = [0, 14], sizes = [256, 1], strides = [1, 1]} : vector<256x16xf32> to vector<256x1xf32>
    %mul3A_137 = vector.broadcast %slice3A_136 : vector<256x1xf32> to vector<256x128xf32>
    %mul3A_138 = arith.mulf %get3A_135, %mul3A_137 : vector<256x128xf32>
    %add3A_139 = arith.addf %add3A_130, %mul3A_138 : vector<256x128xf32>
    %get3A_140 = arith.constant 15 : index
    %get3A_141 = arith.constant 0 : index
    %get3A_142 = arith.constant 0 : index
    %get3A_143 = vector.load %arg1[%get3A_140, %get3A_141, %get3A_142] : memref<16x256x128xf32, #tpu.memory_space<vmem>>, vector<1x256x128xf32>
    %get3A_144 = vector.shape_cast %get3A_143 : vector<1x256x128xf32> to vector<256x128xf32>
    %slice3A_145 = vector.extract_strided_slice %get3A_1 {offsets = [0, 15], sizes = [256, 1], strides = [1, 1]} : vector<256x16xf32> to vector<256x1xf32>
    %mul3A_146 = vector.broadcast %slice3A_145 : vector<256x1xf32> to vector<256x128xf32>
    %mul3A_147 = arith.mulf %get3A_144, %mul3A_146 : vector<256x128xf32>
    %add3A_148 = arith.addf %add3A_139, %mul3A_147 : vector<256x128xf32>
    %get3A_149 = arith.constant 0 : index
    %get3A_150 = arith.constant 0 : index
    %get3A_151 = vector.load %arg2[%get3A_149, %get3A_150] : memref<256x128xf32, #tpu.memory_space<vmem>>, vector<256x128xf32>
    %add3A_152 = arith.addf %add3A_148, %get3A_151 : vector<256x128xf32>
    %div3A = vector.broadcast %add3A_4 : vector<256x1xf32> to vector<256x128xf32>
    %div3A_153 = arith.divf %add3A_152, %div3A : vector<256x128xf32>
    %swap3A = arith.constant 0 : index
    %swap3A_154 = arith.constant 0 : index
    %swap3A_155 = vector.load %arg4[%swap3A, %swap3A_154] : memref<256x128xf32, #tpu.memory_space<vmem>>, vector<256x128xf32>
    tpu.vector_store %arg4[%swap3A, %swap3A_154], %div3A_153 {strides = array<i32>} : memref<256x128xf32, #tpu.memory_space<vmem>>, vector<256x128xf32>,
    return
  }
  func.func @transform_0(%arg0: i32) -> (i32, i32, i32) {
    %c0_i32 = arith.constant 0 : i32
    %c0_i32_0 = arith.constant 0 : i32
    %c0_i32_1 = arith.constant 0 : i32
    return %c0_i32, %arg0, %c0_i32_0 : i32, i32, i32
  }
  func.func @transform_1(%arg0: i32) -> (i32, i32) {
    %c0_i32 = arith.constant 0 : i32
    %c0_i32_0 = arith.constant 0 : i32
    return %arg0, %c0_i32 : i32, i32
  }
  func.func @transform_2(%arg0: i32) -> (i32, i32) {
    %c0_i32 = arith.constant 0 : i32
    %c0_i32_0 = arith.constant 0 : i32
    return %arg0, %c0_i32 : i32, i32
  }
  func.func @transform_3(%arg0: i32) -> (i32, i32) {
    %c0_i32 = arith.constant 0 : i32
    %c0_i32_0 = arith.constant 0 : i32
    return %arg0, %c0_i32 : i32, i32
  }
}

module attributes {stable_mosaic.version = 14 : i64} {
  func.func @_sm1_body(%arg0: i32, %arg1: memref<128x128xf32, #tpu.memory_space<vmem>>, %arg2: memref<128x128xf32, #tpu.memory_space<vmem>>, %arg3: memref<2000x128xf32, #tpu.memory_space<vmem>>, %arg4: memref<1x1x128xf32, #tpu.memory_space<vmem>>, %arg5: memref<1x1x128xf32, #tpu.memory_space<vmem>>) attributes {dimension_semantics = [#tpu.dimension_semantics<arbitrary>], iteration_bounds = array<i64: 50>, scalar_prefetch = 0 : i64, scratch_operands = 0 : i64, tpu.core_type = #tpu.core_type<tc>, window_params = [{pipeline_mode = #tpu.pipeline_mode<synchronous>, transform_indices = @transform_0, window_bounds = array<i64: 128, 128>}, {pipeline_mode = #tpu.pipeline_mode<synchronous>, transform_indices = @transform_1, window_bounds = array<i64: 128, 128>}, {transform_indices = @transform_2, window_bounds = array<i64: 2000, 128>}, {transform_indices = @transform_3, window_bounds = array<i64: 1, 1, 128>}, {transform_indices = @transform_4, window_bounds = array<i64: 1, 1, 128>}]} {
    %get3A = arith.constant 0 : index
    %get3A_0 = arith.constant 0 : index
    %get3A_1 = vector.load %arg1[%get3A, %get3A_0] : memref<128x128xf32, #tpu.memory_space<vmem>>, vector<128x128xf32>
    %get3A_2 = arith.constant 0 : index
    %get3A_3 = arith.constant 0 : index
    %get3A_4 = vector.load %arg2[%get3A_2, %get3A_3] : memref<128x128xf32, #tpu.memory_space<vmem>>, vector<128x128xf32>
    %add3A = arith.addf %get3A_1, %get3A_4 : vector<128x128xf32>
    %get3A_5 = arith.constant 0 : index
    %get3A_6 = arith.constant 0 : index
    %get3A_7 = vector.load %arg3[%get3A_5, %get3A_6] : memref<2000x128xf32, #tpu.memory_space<vmem>>, vector<2000x128xf32>
    %dot_general3A = arith.constant dense<0.000000e+00> : vector<2000x128xf32>
    %dot_general3A_8 = tpu.matmul %get3A_7, %add3A, %dot_general3A {dimension_numbers = #tpu.dot_dimension_numbers<[1], [1], [0], [0], [0, 0, 1, 0], [], []>, transpose_lhs_hint = false} : vector<2000x128xf32>, vector<128x128xf32>, vector<2000x128xf32> -> vector<2000x128xf32>
    %reduce_max3A = arith.constant dense<0xFF800000> : vector<128xf32>
    %reduce_max3A_9 = vector.multi_reduction <maximumf>, %dot_general3A_8, %reduce_max3A [0] : vector<2000x128xf32> to vector<128xf32>
    %broadcast_in_dim3A = vector.shape_cast %reduce_max3A_9 : vector<128xf32> to vector<1x128xf32>
    %broadcast_in_dim3A_10 = vector.shape_cast %broadcast_in_dim3A : vector<1x128xf32> to vector<1x1x128xf32>
    %swap3A = arith.constant 0 : index
    %swap3A_11 = arith.constant 0 : index
    %swap3A_12 = arith.constant 0 : index
    %swap3A_13 = vector.load %arg4[%swap3A, %swap3A_11, %swap3A_12] : memref<1x1x128xf32, #tpu.memory_space<vmem>>, vector<1x1x128xf32>
    tpu.vector_store %arg4[%swap3A, %swap3A_11, %swap3A_12], %broadcast_in_dim3A_10 {strides = array<i32>} : memref<1x1x128xf32, #tpu.memory_space<vmem>>, vector<1x1x128xf32>,
    %sub3A = vector.broadcast %broadcast_in_dim3A : vector<1x128xf32> to vector<2000x128xf32>
    %sub3A_14 = arith.subf %dot_general3A_8, %sub3A : vector<2000x128xf32>
    %exp3A = math.exp %sub3A_14 : vector<2000x128xf32>
    %reduce_sum3A = arith.constant dense<0.000000e+00> : vector<128xf32>
    %reduce_sum3A_15 = vector.multi_reduction <add>, %exp3A, %reduce_sum3A [0] : vector<2000x128xf32> to vector<128xf32>
    %broadcast_in_dim3A_16 = vector.shape_cast %reduce_sum3A_15 : vector<128xf32> to vector<1x128xf32>
    %broadcast_in_dim3A_17 = vector.shape_cast %broadcast_in_dim3A_16 : vector<1x128xf32> to vector<1x1x128xf32>
    %swap3A_18 = arith.constant 0 : index
    %swap3A_19 = arith.constant 0 : index
    %swap3A_20 = arith.constant 0 : index
    %swap3A_21 = vector.load %arg5[%swap3A_18, %swap3A_19, %swap3A_20] : memref<1x1x128xf32, #tpu.memory_space<vmem>>, vector<1x1x128xf32>
    tpu.vector_store %arg5[%swap3A_18, %swap3A_19, %swap3A_20], %broadcast_in_dim3A_17 {strides = array<i32>} : memref<1x1x128xf32, #tpu.memory_space<vmem>>, vector<1x1x128xf32>,
    return
  }
  func.func @transform_0(%arg0: i32) -> (i32, i32) {
    %c0_i32 = arith.constant 0 : i32
    %c0_i32_0 = arith.constant 0 : i32
    %c0_i32_1 = arith.constant 0 : i32
    return %c0_i32, %c0_i32_0 : i32, i32
  }
  func.func @transform_1(%arg0: i32) -> (i32, i32) {
    %c0_i32 = arith.constant 0 : i32
    %c0_i32_0 = arith.constant 0 : i32
    %c0_i32_1 = arith.constant 0 : i32
    return %c0_i32, %c0_i32_0 : i32, i32
  }
  func.func @transform_2(%arg0: i32) -> (i32, i32) {
    %c0_i32 = arith.constant 0 : i32
    %c0_i32_0 = arith.constant 0 : i32
    return %arg0, %c0_i32 : i32, i32
  }
  func.func @transform_3(%arg0: i32) -> (i32, i32, i32) {
    %c0_i32 = arith.constant 0 : i32
    %c0_i32_0 = arith.constant 0 : i32
    %c0_i32_1 = arith.constant 0 : i32
    return %arg0, %c0_i32, %c0_i32_0 : i32, i32, i32
  }
  func.func @transform_4(%arg0: i32) -> (i32, i32, i32) {
    %c0_i32 = arith.constant 0 : i32
    %c0_i32_0 = arith.constant 0 : i32
    %c0_i32_1 = arith.constant 0 : i32
    return %arg0, %c0_i32, %c0_i32_0 : i32, i32, i32
  }
}

module attributes {stable_mosaic.version = 14 : i64} {
  func.func @_sm2_body(%arg0: i32, %arg1: memref<128x128xf32, #tpu.memory_space<vmem>>, %arg2: memref<128x128xf32, #tpu.memory_space<vmem>>, %arg3: memref<2000x128xf32, #tpu.memory_space<vmem>>, %arg4: memref<50x128xf32, #tpu.memory_space<vmem>>, %arg5: memref<50x128xf32, #tpu.memory_space<vmem>>, %arg6: memref<2000x128xf32, #tpu.memory_space<vmem>>) attributes {dimension_semantics = [#tpu.dimension_semantics<arbitrary>], iteration_bounds = array<i64: 50>, scalar_prefetch = 0 : i64, scratch_operands = 0 : i64, tpu.core_type = #tpu.core_type<tc>, window_params = [{pipeline_mode = #tpu.pipeline_mode<synchronous>, transform_indices = @transform_0, window_bounds = array<i64: 128, 128>}, {pipeline_mode = #tpu.pipeline_mode<synchronous>, transform_indices = @transform_1, window_bounds = array<i64: 128, 128>}, {transform_indices = @transform_2, window_bounds = array<i64: 2000, 128>}, {pipeline_mode = #tpu.pipeline_mode<synchronous>, transform_indices = @transform_3, window_bounds = array<i64: 50, 128>}, {pipeline_mode = #tpu.pipeline_mode<synchronous>, transform_indices = @transform_4, window_bounds = array<i64: 50, 128>}, {transform_indices = @transform_5, window_bounds = array<i64: 2000, 128>}]} {
    %get3A = arith.constant 0 : index
    %get3A_0 = arith.constant 0 : index
    %get3A_1 = vector.load %arg1[%get3A, %get3A_0] : memref<128x128xf32, #tpu.memory_space<vmem>>, vector<128x128xf32>
    %get3A_2 = arith.constant 0 : index
    %get3A_3 = arith.constant 0 : index
    %get3A_4 = vector.load %arg2[%get3A_2, %get3A_3] : memref<128x128xf32, #tpu.memory_space<vmem>>, vector<128x128xf32>
    %add3A = arith.addf %get3A_1, %get3A_4 : vector<128x128xf32>
    %get3A_5 = arith.constant 0 : index
    %get3A_6 = arith.constant 0 : index
    %get3A_7 = vector.load %arg3[%get3A_5, %get3A_6] : memref<2000x128xf32, #tpu.memory_space<vmem>>, vector<2000x128xf32>
    %dot_general3A = arith.constant dense<0.000000e+00> : vector<2000x128xf32>
    %dot_general3A_8 = tpu.matmul %get3A_7, %add3A, %dot_general3A {dimension_numbers = #tpu.dot_dimension_numbers<[1], [1], [0], [0], [0, 0, 1, 0], [], []>, transpose_lhs_hint = false} : vector<2000x128xf32>, vector<128x128xf32>, vector<2000x128xf32> -> vector<2000x128xf32>
    %get3A_9 = arith.constant 0 : index
    %get3A_10 = arith.constant 0 : index
    %get3A_11 = vector.load %arg4[%get3A_9, %get3A_10] : memref<50x128xf32, #tpu.memory_space<vmem>>, vector<50x128xf32>
    %reduce_max3A = arith.constant dense<0xFF800000> : vector<128xf32>
    %reduce_max3A_12 = vector.multi_reduction <maximumf>, %get3A_11, %reduce_max3A [0] : vector<50x128xf32> to vector<128xf32>
    %broadcast_in_dim3A = vector.shape_cast %reduce_max3A_12 : vector<128xf32> to vector<1x128xf32>
    %get3A_13 = arith.constant 0 : index
    %get3A_14 = arith.constant 0 : index
    %get3A_15 = vector.load %arg5[%get3A_13, %get3A_14] : memref<50x128xf32, #tpu.memory_space<vmem>>, vector<50x128xf32>
    %sub3A = vector.broadcast %broadcast_in_dim3A : vector<1x128xf32> to vector<50x128xf32>
    %sub3A_16 = arith.subf %get3A_11, %sub3A : vector<50x128xf32>
    %exp3A = math.exp %sub3A_16 : vector<50x128xf32>
    %mul3A = arith.mulf %get3A_15, %exp3A : vector<50x128xf32>
    %reduce_sum3A = arith.constant dense<0.000000e+00> : vector<128xf32>
    %reduce_sum3A_17 = vector.multi_reduction <add>, %mul3A, %reduce_sum3A [0] : vector<50x128xf32> to vector<128xf32>
    %broadcast_in_dim3A_18 = vector.shape_cast %reduce_sum3A_17 : vector<128xf32> to vector<1x128xf32>
    %sub3A_19 = vector.broadcast %broadcast_in_dim3A : vector<1x128xf32> to vector<2000x128xf32>
    %sub3A_20 = arith.subf %dot_general3A_8, %sub3A_19 : vector<2000x128xf32>
    %exp3A_21 = math.exp %sub3A_20 : vector<2000x128xf32>
    %div3A = vector.broadcast %broadcast_in_dim3A_18 : vector<1x128xf32> to vector<2000x128xf32>
    %div3A_22 = arith.divf %exp3A_21, %div3A : vector<2000x128xf32>
    %swap3A = arith.constant 0 : index
    %swap3A_23 = arith.constant 0 : index
    %swap3A_24 = vector.load %arg6[%swap3A, %swap3A_23] : memref<2000x128xf32, #tpu.memory_space<vmem>>, vector<2000x128xf32>
    tpu.vector_store %arg6[%swap3A, %swap3A_23], %div3A_22 {strides = array<i32>} : memref<2000x128xf32, #tpu.memory_space<vmem>>, vector<2000x128xf32>,
    return
  }
  func.func @transform_0(%arg0: i32) -> (i32, i32) {
    %c0_i32 = arith.constant 0 : i32
    %c0_i32_0 = arith.constant 0 : i32
    %c0_i32_1 = arith.constant 0 : i32
    return %c0_i32, %c0_i32_0 : i32, i32
  }
  func.func @transform_1(%arg0: i32) -> (i32, i32) {
    %c0_i32 = arith.constant 0 : i32
    %c0_i32_0 = arith.constant 0 : i32
    %c0_i32_1 = arith.constant 0 : i32
    return %c0_i32, %c0_i32_0 : i32, i32
  }
  func.func @transform_2(%arg0: i32) -> (i32, i32) {
    %c0_i32 = arith.constant 0 : i32
    %c0_i32_0 = arith.constant 0 : i32
    return %arg0, %c0_i32 : i32, i32
  }
  func.func @transform_3(%arg0: i32) -> (i32, i32) {
    %c0_i32 = arith.constant 0 : i32
    %c0_i32_0 = arith.constant 0 : i32
    %c0_i32_1 = arith.constant 0 : i32
    return %c0_i32, %c0_i32_0 : i32, i32
  }
  func.func @transform_4(%arg0: i32) -> (i32, i32) {
    %c0_i32 = arith.constant 0 : i32
    %c0_i32_0 = arith.constant 0 : i32
    %c0_i32_1 = arith.constant 0 : i32
    return %c0_i32, %c0_i32_0 : i32, i32
  }
  func.func @transform_5(%arg0: i32) -> (i32, i32) {
    %c0_i32 = arith.constant 0 : i32
    %c0_i32_0 = arith.constant 0 : i32
    return %arg0, %c0_i32 : i32, i32
  }
}

</mosaic_0001>

<sc_bundles>
// kernel: kernel.12.cloned.1.call-start
scs
__scs_entry_jumppad:
0x0: {  	(pc) =	sbr.rel $0x88, $3  }
0x1: {  	(tag) =	ssettag $0x0;
	lr =	simm.s32 $0x1  }
0x2: {  	[smem:$0x3F90] =	sst lr;
	_ =	strace $0xD0000000  }
0x3: {  	_ = 	snop  }
0x4: {  	_ = 	snop  }
0x5: {  	_ = 	snop  }
0x6: {  	_ = 	snop  }
0x7: {  	_ = 	snop  }
__scs_overlays_trampoline_lowered:
0x8: {  	[smem:$0x3F9F] =	sst s0  }
0x9: {  	[smem:$0x3FA0] =	sst s1  }
0xa: {  	[smem:$0x3FA1] =	sst s2  }
0xb: {  	[smem:$0x3FA2] =	sst s3  }
0xc: {  	[smem:$0x3FA3] =	sst s4  }
0xd: {  	[smem:$0x3FA4] =	sst s5  }
0xe: {  	[smem:$0x3FA5] =	sst s6  }
0xf: {  	[smem:$0x3FA6] =	sst s7  }
0x10: {  	[smem:$0x3FA7] =	sst s8  }
0x11: {  	[smem:$0x3FA8] =	sst s9;
	s0 =	simm.s32 @!p0 $0x0  }
0x12: {  	s1 =	sld [smem:$0x3F8E];
	s0 =	simm.s32 @p0 $0x1  }
0x13: {  	[smem:$0x3FA9] =	sst s0;
	s0 =	simm.s32 @!p1 $0x0  }
0x14: {  	s2 =	sld [smem:$0x3F8D];
	s0 =	simm.s32 @p1 $0x1  }
0x15: {  	[smem:$0x3FAA] =	sst s0;
	s0 =	simm.s32 @!p2 $0x0  }
0x16: {  	s3 =	sld [smem:$0x3FDB];
	s0 =	simm.s32 @p2 $0x1  }
0x17: {  	s4 =	simm.s32 $0x1BF5;
	[smem:$0x3FAC] =	sst s0  }
0x18: {  	s0 =	sld [smem:$0x3F8F];
	_ =	swait.ge [sflag:s4], $0x0  }
0x19: {  	s7 =	sld [smem:$0x3F90]  }
0x1a: {  	s8 =	sadd.s32 $0xFFFFE003, lr  }
0x1b: {  	s9 =	sadd.s32 $0xFFFFFEF7, lr;
	s5 =	simm.s32 $0xFFFFFFFF;
	p2 =	slt.u32 s8, $0xFFFFF086  }
0x1c: {  	p1 =	slt.u32 s9, $0xF7A;
	s5 =	simm.s32 @!p2 $0x0  }
0x1d: {  	s5 =	simm.s32 @p1 $0x1;
	p0 =	seq.s32 s7, s2  }
0x1e: {  	s7 =	smul.u32 @!p0 $0xF7A, s2;
	p2 =	seq.s32 @!p0 s5, $0x0  }
0x1f: {  	s9 =	smul.u32 $0xF7A, s1;
	s8 =	simm.s32 @!p0 $0x1BF5;
	p2 =	por !p2, p0  }
0x20: {  	[sflag:s8] =	ssyncset.s32 @!p0 $0xFFFFF086;
	s6 =	sadd.s32 @!p0 s3, s7;
	s7 =	simm.s32 @!p0 $0x108  }
0x21: {  	s3 =	sadd.s32 s3, s9;
	s6 =	sadd.s32 @!p0 $0x88, s6;
	s7 =	simm.s32 @p2 $0x1082  }
0x22: {  	[simem:s7], [sflag:s8] =	dma.local @!p0 [hbm:s6], $0xF7A  }
0x23: {  	s9 =	sor.u32 $0xD0000000, s2;
	s6 =	simm.s32 $0x108;
	_ =	swait.ge @!p0 [sflag:s8], $0x0  }
0x24: {  	s3 =	sadd.s32 $0x88, s3;
	s6 =	simm.s32 @!p1 $0x1082;
	[sflag:s4] =	ssyncset.s32 $0xFFFFF086  }
0x25: {  	[simem:s6], [sflag:s4] =	dma.local [hbm:s3], $0xF7A  }
0x26: {  	[smem:$0x3F90] =	sst s1;
	(tag) =	ssettag s2;
	_ =	strace s9  }
0x27: {  	s1 =	sld [smem:$0x3FA0]  }
0x28: {  	s2 =	sld [smem:$0x3FA1]  }
0x29: {  	s4 =	sld [smem:$0x3FA3]  }
0x2a: {  	p0 =	seq.s32 s5, $0x0;
	s5 =	sld [smem:$0x3FA4]  }
0x2b: {  	s6 =	sld [smem:$0x3FA5]  }
0x2c: {  	s7 =	sld [smem:$0x3FA6]  }
0x2d: {  	s3 =	simm.s32 $0x108;
	s8 =	sld [smem:$0x3FA7]  }
0x2e: {  	s3 =	simm.s32 @!p0 $0x1082;
	s9 =	sld [smem:$0x3FA8]  }
0x2f: {  	lr =	sadd.s32 s0, s3;
	s0 =	sld [smem:$0x3F9F]  }
0x30: {  	s3 =	sld [smem:$0x3FA2]  }
0x31: {  	[smem:$0x3FAB] =	sst s10  }
0x32: {  	s10 =	sld [smem:$0x3FA9];
	_ =	sdelay $0x3  }
0x33: {  	p0 =	seq.s32 s10, $0x1;
	s10 =	sld [smem:$0x3FAB];
	_ =	sdelay $0x3  }
0x34: {  	[smem:$0x3FAB] =	sst s10  }
0x35: {  	s10 =	sld [smem:$0x3FAA];
	_ =	sdelay $0x3  }
0x36: {  	p1 =	seq.s32 s10, $0x1;
	s10 =	sld [smem:$0x3FAB];
	_ =	sdelay $0x3  }
0x37: {  	[smem:$0x3FAB] =	sst s10  }
0x38: {  	s10 =	sld [smem:$0x3FAC]  }
0x39: {  	_ = 	snop;
	(pc) =	sbr.ind lr, $3  }
0x3a: {  	_ = 	snop  }
0x3b: {  	_ = 	snop  }
0x3c: {  	p2 =	seq.s32 s10, $0x1;
	s10 =	sld [smem:$0x3FAB]  }
0x3d: {  	_ =	shalt  }
0x3e: {  	_ =	shalt  }
0x3f: {  	_ =	shalt  }
0x40: {  	_ =	shalt  }
0x41: {  	_ =	shalt  }
0x42: {  	_ =	shalt  }
0x43: {  	_ =	shalt  }
0x44: {  	_ =	shalt  }
0x45: {  	_ =	shalt  }
0x46: {  	_ =	shalt  }
0x47: {  	_ =	shalt  }
0x48: {  	_ =	shalt  }
0x49: {  	_ =	shalt  }
0x4a: {  	_ =	shalt  }
0x4b: {  	_ =	shalt  }
0x4c: {  	_ =	shalt  }
0x4d: {  	_ =	shalt  }
0x4e: {  	_ =	shalt  }
0x4f: {  	_ =	shalt  }
0x50: {  	_ =	shalt  }
0x51: {  	_ =	shalt  }
0x52: {  	_ =	shalt  }
0x53: {  	_ =	shalt  }
0x54: {  	_ =	shalt  }
0x55: {  	_ =	shalt  }
0x56: {  	_ =	shalt  }
0x57: {  	_ =	shalt  }
0x58: {  	_ =	shalt  }
0x59: {  	_ =	shalt  }
0x5a: {  	_ =	shalt  }
0x5b: {  	_ =	shalt  }
0x5c: {  	_ =	shalt  }
0x5d: {  	_ =	shalt  }
0x5e: {  	_ =	shalt  }
0x5f: {  	_ =	shalt  }
0x60: {  	_ =	shalt  }
0x61: {  	_ =	shalt  }
0x62: {  	_ =	shalt  }
0x63: {  	_ =	shalt  }
0x64: {  	_ =	shalt  }
0x65: {  	_ =	shalt  }
0x66: {  	_ =	shalt  }
0x67: {  	_ =	shalt  }
0x68: {  	_ =	shalt  }
0x69: {  	_ =	shalt  }
0x6a: {  	_ =	shalt  }
0x6b: {  	_ =	shalt  }
0x6c: {  	_ =	shalt  }
0x6d: {  	_ =	shalt  }
0x6e: {  	_ =	shalt  }
0x6f: {  	_ =	shalt  }
0x70: {  	_ =	shalt  }
0x71: {  	_ =	shalt  }
0x72: {  	_ =	shalt  }
0x73: {  	_ =	shalt  }
0x74: {  	_ =	shalt  }
0x75: {  	_ =	shalt  }
0x76: {  	_ =	shalt  }
0x77: {  	_ =	shalt  }
0x78: {  	_ =	shalt  }
0x79: {  	_ =	shalt  }
0x7a: {  	_ =	shalt  }
0x7b: {  	_ =	shalt  }
0x7c: {  	_ =	shalt  }
0x7d: {  	_ =	shalt  }
0x7e: {  	_ =	shalt  }
0x7f: {  	_ =	shalt  }
0x80: {  	_ =	shalt  }
0x81: {  	_ =	shalt  }
0x82: {  	_ =	shalt  }
0x83: {  	_ =	shalt  }
0x84: {  	_ =	shalt  }
0x85: {  	_ =	shalt  }
0x86: {  	_ =	shalt  }
0x87: {  	_ =	shalt  }
.Lfunc_end0:
.L_simem_size_0:
called_computation.1_lowered:
.L_overlay_start_0:
0x88: {  	s2 =	sld [smem:$0x3FD9]  }
0x89: {  	s3 =	sld [smem:$0x3FFE];
	_ =	sdelay $0x1  }
0x8a: {  	s1 =	srdreg.scid  }
0x8b: {  	s0 =	sand.u32 $0x1, s1  }
0x8c: {  	s14 =	sshll.u32 s0, $0xA;
	s2 =	sadd.s32 s3, s2  }
0x8d: {  	s2 =	sadd.s32 s2, s14  }
0x8e: {  	[smem:$0x3FB7] =	sst s2  }
0x8f: {  	_ = 	snop  }
0x90: {  	s2 =	sld [smem:$0x3FD0];
	_ =	sdelay $0x2  }
0x91: {  	s4 =	simm.s32 $0xB;
	s5 =	simm.s32 $0x10;
	s15 =	sld [smem:$0x3FC2]  }
0x92: {  	[smem:s5], [sflag:s4] =	dma.local [hbm:s2], $0x1  }
0x93: {  	_ =	swait.eq [sflag:s4], $0x1  }
0x94: {  	[sflag:s4] =	ssyncset.done $0x0  }
0x95: {  	[sflag:s4] =	ssyncadd.s32 $0xFFFFFFFF  }
0x96: {  	s16 =	sld [smem:$0x10];
	(tm) =	ssettm $0x1  }
0x97: {  	s17 =	sld [smem:$0x3FFB];
	_ =	sdelay $0x3  }
0x98: {  	_ =	strace s17  }
0x99: {  	s4 =	sld [smem:$0x3FFC];
	_ =	sdelay $0x3  }
0x9a: {  	_ =	strace s4  }
0x9b: {  	s4 =	sld [smem:$0x3FFD];
	_ =	sdelay $0x3  }
0x9c: {  	_ =	strace s4  }
0x9d: {  	_ =	strace $0x8FFFFFFF  }
0x9e: {  	s18 =	sld [smem:$0x3FDB];
	_ =	sdelay $0x1  }
0x9f: {  	s19 =	simm.s32 $_scs_section_size  }
0xa0: {  	s6 =	simm.s32 $_size__tile_overlayer_lowered;
	s7 =	simm.s32 $_tile_overlayer_lowered  }
0xa1: {  	s22 =	simm.s32 $0x1BFF;
	s21 =	sshll.u32 s7, $0x1;
	s4 =	sadd.s32 s19, s18  }
0xa2: {  	s8 =	simm.s32 $0x0;
	s20 =	sshll.u32 s6, $0x1;
	s6 =	sadd.s32 s21, s4  }
0xa3: {  	[timem:s8], [sflag:s22] =	dma.local [hbm:s6], s20  }
0xa4: {  	_ =	swait.ge [sflag:s22], s20  }
0xa5: {  	s5 =	ssub.s32 $0x0, s20;
	[sflag:s22] =	ssyncset.done $0x0  }
0xa6: {  	[sflag:s22] =	ssyncadd.s32 s5;
	_ =	sdelay $0x1  }
0xa7: {  	s23 =	simm.s32 $0x1B8B  }
0xa8: {  	_ =	swait.ge [sflag:s23], $0x1  }
0xa9: {  	[sflag:s23] =	ssyncset.done $0x0  }
0xaa: {  	s25 =	simm.s32 $0x1B8E;
	s24 =	sld [smem:$0x3FFE];
	[sflag:s23] =	ssyncadd.s32 $0xFFFFFFFF  }
0xab: {  	s26 =	simm.s32 $execute0_lowered;
	[smem:$0x3FD2] =	sst s25  }
0xac: {  	s6 =	sshll.u32 s26, $0x1;
	_ =	strace $0x80000046;
	[dreg:$0x1] =	wrdreg $0xFFFFFFFF  }
0xad: {  	s28 =	simm.s32 $_size_execute0_lowered;
	s4 =	sadd.s32 s4, s6;
	[dreg:$0x0] =	wrdreg $0x0  }
0xae: {  	s6 =	sshll.u32 s28, $0x1;
	[dreg:$0x2] =	wrdreg s4  }
0xaf: {  	[dreg:$0x3] =	wrdreg s6  }
0xb0: {  	[dreg:$0x4] =	wrdreg $0xC0  }
0xb1: {  	_ =	task [dreg:s8], $0x5FFFF  }
0xb2: {  	[dreg:$0x1] =	wrdreg $0xFFFFFFFF  }
0xb3: {  	[dreg:$0x0] =	wrdreg $0x60  }
0xb4: {  	[dreg:$0x2] =	wrdreg s15  }
0xb5: {  	[dreg:$0x3] =	wrdreg s16  }
0xb6: {  	[dreg:$0x4] =	wrdreg s24  }
0xb7: {  	[dreg:$0x5] =	wrdreg $0x9  }
0xb8: {  	_ =	task.clear_ibuf [dreg:s8], $0x6FFFF;
	_ =	strace $0x90000046  }
0xb9: {  	s29 =	simm.s32 $0x9;
	_ =	strace $0x80000048  }
0xba: {  	_ =	swait.ge [sflag:s29], $0x1  }
0xbb: {  	[sflag:s29] =	ssyncadd.s32 $0xFFFFFFFF  }
0xbc: {  	_ =	strace $0x90000048  }
0xbd: {  	_ =	sfence  }
0xbe: {  	s30 =	sld [smem:$0x0];
	_ =	sdelay $0x2  }
0xbf: {  	s31 =	sshll.u32 s1, $0xD;
	s1 =	sshrl.u32 s1, $0x2  }
0xc0: {  	s3 =	sand.u32 $0x4000, s31;
	s1 =	sadd.s32 s1, s30  }
0xc1: {  	s0 =	sor.u32 s3, s0;
	s1 =	sshll.u32 s1, $0x11  }
0xc2: {  	s0 =	sor.u32 s1, s0  }
0xc3: {  	s0 =	sadd.s32 $0x8F2B, s0  }
0xc4: {  	[sflag:s0] =	ssyncadd.remote.s32 $0x1  }
0xc5: {  	_ =	sfence.sel $0xFFFF  }
0xc6: {  	[dreg:$0x0] =	wrdreg $0xFFFFFFFF;
	(pc) =	sbr.abs _section_cstart, $3  }
0xc7: {  	[dreg:$0x1] =	wrdreg $0xFFFFFFFF  }
0xc8: {  	_ =	task.clear_ibuf [dreg:s8], $0x2FFFF;
	_ =	strace $0x9FFFFFFF  }
0xc9: {  	(tm) =	ssettm $0x7FFFFFFF  }
tec
execute0_lowered:
.L_overlay_start_1:
0x0: {  	(tag) =	ssettag $0x1  }
0x1: {  	s1 =	rddreg [dreg:$0x0]  }
0x2: {  	s3 =	rddreg [dreg:$0x1]  }
0x3: {  	s0 =	rddreg [dreg:$0x2];
	s2 =	srdreg.scid  }
0x4: {  	s11 =	stileid.u32;
	s4 =	simm.s32 $0x0;
	s13 =	simm.s32 $0x4  }
0x5: {  	s14 =	simm.s32 $0x80;
	s15 =	simm.s32 $0x300;
	s16 =	simm.s32 $0x4300  }
0x6: {  	s17 =	simm.s32 $0x40;
	s18 =	simm.s32 $0x100;
	s19 =	simm.s32 $0x8300  }
0x7: {  	s20 =	simm.s32 $0x180;
	s21 =	simm.s32 $0xA300;
	s28 =	simm.s32 $0x2  }
0x8: {  	s29 =	simm.s32 $0x3;
	s30 =	simm.s32 $0x0;
	s22 =	smul.u32 $0x3200, s11  }
0x9: {  	s2 =	sand.u32 $0x1, s2;
	s5 =	sshll.u32 s11, $0x1;
	s11 =	smul.u32 $0x32000, s11  }
0xa: {  	[smem:$0x7FF] =	sst s4;
	s0 =	sadd.s32 $0x4200, s0;
	s10 =	smul.u32 $0x1900, s2  }
0xb: {  	s5 =	sor.u32 s2, s5;
	s6 =	ssub.s32 $0x2, s2;
	s2 =	smul.u32 $0x19000, s2  }
0xc: {  	_ =	strace $0x80000047;
	s7 =	smul.u32 $0x1900, s5;
	s8 =	sshrl.u32 s6, $0x1  }
0xd: {  	s5 =	smul.u32 $0x19000, s5;
	s26 =	sadd.s32 s11, s0;
	s6 =	ssub.s32 s6, s8  }
0xe: {  	s10 =	sadd.s32 s10, s22;
	s2 =	sadd.s32 s2, s26;
	s22 =	simm.s32 $0x200  }
0xf: {  	s26 =	simm.s32 $0x1;
	s9 =	sadd.s32 $0x140, s7;
	s6 =	smax.u32 s6, $0x1  }
0x10: {  	s23 =	sshrl.u32 s7, $0x3;
	s8 =	sadd.s32 s0, s5;
	s31 =	sadd.s32 $0x3C0, s10  }
0x11: {  	s5 =	sadd.s32 $0x3C00, s2;
	s12 =	sadd.s32 $0x280, s10;
	[dreg:$0x4] =	wrdreg s6  }
0x12: {  	s6 =	sadd.s32 s3, s23;
	s24 =	sshrl.u32 s9, $0x3;
	s9 =	sshll.u32 s9, $0x4  }
0x13: {  	s11 =	sshrl.u32 s31, $0x3;
	s23 =	simm.s32 $0xE300;
	[dreg:$0x5] =	wrdreg s6  }
0x14: {  	s25 =	sadd.s32 s3, s24;
	s9 =	sadd.s32 s0, s9;
	s11 =	sadd.s32 s11, s3  }
0x15: {  	s24 =	simm.s32 $0x280;
	[dreg:$0x6] =	wrdreg s25;
	s25 =	simm.s32 $0x12300  }
.LBB2_1:
0x16: {  	s0 =	rddreg [dreg:$0x5]  }
0x17: {  	[tilespmem:s4], [sflag:$0x4] =	stream.linear.gather [hbm4b:s0+s4], $0x140, $0x38;
	[tilespmem:$0x14300] =	vst v63  }
0x18: {  	_ =	swait.ge [sflag:s13], $0x140  }
0x19: {  	[sflag:s13] =	ssyncset.done $0x0  }
0x1a: {  	[sflag:s13] =	ssyncadd.s32 $0xFFFFFEC0  }
0x1b: {  	[tilespmem:s15], [sflag:$0x1] =	stream.indirect.gather [hbm4b:s1+s14], $0x80, s4, s14, $0xb8;
	[tilespmem:$0x14300] =	vst v63  }
0x1c: {  	_ = 	snop  }
0x1d: {  	[tilespmem:s16], [sflag:$0x1] =	stream.indirect.gather [hbm4b:s1+s14], $0x80, s14, s14, $0xb8;
	[tilespmem:$0x14300] =	vst v63  }
0x1e: {  	_ = 	snop  }
0x1f: {  	[tilespmem:s19], [sflag:$0x1] =	stream.indirect.gather [hbm4b:s1+s17], $0x80, s18, s17, $0xb8;
	[tilespmem:$0x14300] =	vst v63  }
0x20: {  	s2 =	rddreg [dreg:$0x6]  }
0x21: {  	[tilespmem:s20], [sflag:$0x4] =	stream.linear.gather [hbm4b:s2+s4], $0x140, $0x38;
	[tilespmem:$0x14300] =	vst v63  }
0x22: {  	_ =	swait.ge [sflag:s13], $0x140  }
0x23: {  	[sflag:s13] =	ssyncset.done $0x0  }
0x24: {  	[sflag:s13] =	ssyncadd.s32 $0xFFFFFEC0  }
0x25: {  	[tilespmem:s21], [sflag:$0x1] =	stream.indirect.gather [hbm4b:s1+s14], $0x80, s20, s14, $0xb8;
	[tilespmem:$0x14300] =	vst v63  }
0x26: {  	_ = 	snop  }
0x27: {  	[tilespmem:s23], [sflag:$0x1] =	stream.indirect.gather [hbm4b:s1+s14], $0x80, s22, s14, $0xb8;
	[tilespmem:$0x14300] =	vst v63  }
0x28: {  	_ = 	snop  }
0x29: {  	[tilespmem:s25], [sflag:$0x1] =	stream.indirect.gather [hbm4b:s1+s17], $0x80, s24, s17, $0xb8;
	[tilespmem:$0x14300] =	vst v63  }
0x2a: {  	_ =	swait.ge [sflag:s26], $0x4000  }
0x2b: {  	[sflag:s26] =	ssyncset.done $0x0  }
0x2c: {  	[sflag:s26] =	ssyncadd.s32 $0xFFFFC000  }
0x2d: {  	_ =	swait.ge [sflag:s26], $0x4000  }
0x2e: {  	[sflag:s26] =	ssyncset.done $0x0  }
0x2f: {  	[sflag:s26] =	ssyncadd.s32 $0xFFFFC000  }
0x30: {  	_ =	swait.ge [sflag:s26], $0x2000  }
0x31: {  	[sflag:s26] =	ssyncset.done $0x0  }
0x32: {  	[sflag:s26] =	ssyncadd.s32 $0xFFFFE000  }
0x33: {  	[hbm4b:s8+s4] =	stream.linear.scatter [tilespmem:s15], [sflag:$0x2], $0xA000, $0x38;
	[tilespmem:$0x14300] =	vst v63  }
0x34: {  	_ =	swait.ge [sflag:s26], $0x4000  }
0x35: {  	[sflag:s26] =	ssyncset.done $0x0  }
0x36: {  	[sflag:s26] =	ssyncadd.s32 $0xFFFFC000  }
0x37: {  	_ =	swait.ge [sflag:s26], $0x4000  }
0x38: {  	[sflag:s26] =	ssyncset.done $0x0  }
0x39: {  	[sflag:s26] =	ssyncadd.s32 $0xFFFFC000  }
0x3a: {  	_ =	swait.ge [sflag:s26], $0x2000  }
0x3b: {  	[sflag:s26] =	ssyncset.done $0x0  }
0x3c: {  	[sflag:s26] =	ssyncadd.s32 $0xFFFFE000  }
0x3d: {  	[hbm4b:s9+s4] =	stream.linear.scatter [tilespmem:s21], [sflag:$0x3], $0xA000, $0x38;
	[tilespmem:$0x14300] =	vst v63  }
0x3e: {  	_ =	swait.ge [sflag:s28], $0xA000  }
0x3f: {  	s6 =	sshrl.u32 s12, $0x3;
	[sflag:s28] =	ssyncset.done $0x0  }
0x40: {  	s0 =	sadd.s32 s3, s6;
	[sflag:s28] =	ssyncadd.s32 $0xFFFF6000  }
0x41: {  	[tilespmem:s4], [sflag:$0x4] =	stream.linear.gather [hbm4b:s0+s4], $0x140, $0x38;
	[tilespmem:$0x14300] =	vst v63  }
0x42: {  	_ =	swait.ge [sflag:s13], $0x140  }
0x43: {  	[sflag:s13] =	ssyncset.done $0x0  }
0x44: {  	[sflag:s13] =	ssyncadd.s32 $0xFFFFFEC0  }
0x45: {  	[tilespmem:s15], [sflag:$0x1] =	stream.indirect.gather [hbm4b:s1+s14], $0x80, s4, s14, $0xb8;
	[tilespmem:$0x14300] =	vst v63  }
0x46: {  	_ = 	snop  }
0x47: {  	[tilespmem:s16], [sflag:$0x1] =	stream.indirect.gather [hbm4b:s1+s14], $0x80, s14, s14, $0xb8;
	[tilespmem:$0x14300] =	vst v63  }
0x48: {  	_ = 	snop  }
0x49: {  	[tilespmem:s19], [sflag:$0x1] =	stream.indirect.gather [hbm4b:s1+s17], $0x80, s18, s17, $0xb8;
	[tilespmem:$0x14300] =	vst v63  }
0x4a: {  	_ =	swait.ge [sflag:s29], $0xA000  }
0x4b: {  	[sflag:s29] =	ssyncset.done $0x0  }
0x4c: {  	s7 =	sadd.s32 $0x0, s11;
	[sflag:s29] =	ssyncadd.s32 $0xFFFF6000  }
0x4d: {  	[tilespmem:s20], [sflag:$0x4] =	stream.linear.gather [hbm4b:s7+s4], $0x140, $0x38;
	[tilespmem:$0x14300] =	vst v63  }
0x4e: {  	_ =	swait.ge [sflag:s13], $0x140  }
0x4f: {  	[sflag:s13] =	ssyncset.done $0x0  }
0x50: {  	[sflag:s13] =	ssyncadd.s32 $0xFFFFFEC0  }
0x51: {  	[tilespmem:s21], [sflag:$0x1] =	stream.indirect.gather [hbm4b:s1+s14], $0x80, s20, s14, $0xb8;
	[tilespmem:$0x14300] =	vst v63  }
0x52: {  	_ = 	snop  }
0x53: {  	[tilespmem:s23], [sflag:$0x1] =	stream.indirect.gather [hbm4b:s1+s14], $0x80, s22, s14, $0xb8;
	[tilespmem:$0x14300] =	vst v63  }
0x54: {  	_ = 	snop  }
0x55: {  	[tilespmem:s25], [sflag:$0x1] =	stream.indirect.gather [hbm4b:s1+s17], $0x80, s24, s17, $0xb8;
	[tilespmem:$0x14300] =	vst v63  }
0x56: {  	_ =	swait.ge [sflag:s26], $0x4000  }
0x57: {  	[sflag:s26] =	ssyncset.done $0x0  }
0x58: {  	[sflag:s26] =	ssyncadd.s32 $0xFFFFC000  }
0x59: {  	_ =	swait.ge [sflag:s26], $0x4000  }
0x5a: {  	[sflag:s26] =	ssyncset.done $0x0  }
0x5b: {  	[sflag:s26] =	ssyncadd.s32 $0xFFFFC000  }
0x5c: {  	_ =	swait.ge [sflag:s26], $0x2000  }
0x5d: {  	[sflag:s26] =	ssyncset.done $0x0  }
0x5e: {  	s10 =	sadd.s32 $0xFFFFEC00, s5;
	[sflag:s26] =	ssyncadd.s32 $0xFFFFE000  }
0x5f: {  	[hbm4b:s10+s4] =	stream.linear.scatter [tilespmem:s15], [sflag:$0x2], $0xA000, $0x38;
	[tilespmem:$0x14300] =	vst v63  }
0x60: {  	_ =	swait.ge [sflag:s26], $0x4000  }
0x61: {  	[sflag:s26] =	ssyncset.done $0x0  }
0x62: {  	[sflag:s26] =	ssyncadd.s32 $0xFFFFC000  }
0x63: {  	_ =	swait.ge [sflag:s26], $0x4000  }
0x64: {  	[sflag:s26] =	ssyncset.done $0x0  }
0x65: {  	[sflag:s26] =	ssyncadd.s32 $0xFFFFC000  }
0x66: {  	_ =	swait.ge [sflag:s26], $0x2000  }
0x67: {  	s31 =	simm.s32 $0x50;
	s2 =	sadd.s32 $0x280, s12;
	[sflag:s26] =	ssyncset.done $0x0  }
0x68: {  	s0 =	sadd.s32 $0x2800, s5;
	s10 =	smov.u32 s5;
	[sflag:s26] =	ssyncadd.s32 $0xFFFFE000  }
.LBB2_2:
0x69: {  	[hbm4b:s10+s4] =	stream.linear.scatter [tilespmem:s21], [sflag:$0x3], $0xA000, $0x38;
	[tilespmem:$0x14300] =	vst v63  }
0x6a: {  	s6 =	smov.u32 s31;
	s10 =	smov.u32 s0  }
0x6b: {  	p0 =	sne.s32 s31, $0x280;
	s31 =	sadd.s32 $0x50, s31;
	_ =	swait.ge [sflag:s28], $0xA000  }
0x6c: {  	s7 =	sshrl.u32 s2, $0x3;
	[sflag:s28] =	ssyncset.done $0x0  }
0x6d: {  	s7 =	sadd.s32 s3, s7;
	[sflag:s28] =	ssyncadd.s32 $0xFFFF6000  }
0x6e: {  	[tilespmem:s4], [sflag:$0x4] =	stream.linear.gather [hbm4b:s7+s4], $0x140, $0x38;
	[tilespmem:$0x14300] =	vst v63  }
0x6f: {  	_ =	swait.ge [sflag:s13], $0x140  }
0x70: {  	[sflag:s13] =	ssyncset.done $0x0  }
0x71: {  	[sflag:s13] =	ssyncadd.s32 $0xFFFFFEC0  }
0x72: {  	[tilespmem:s15], [sflag:$0x1] =	stream.indirect.gather [hbm4b:s1+s14], $0x80, s4, s14, $0xb8;
	[tilespmem:$0x14300] =	vst v63  }
0x73: {  	_ = 	snop  }
0x74: {  	[tilespmem:s16], [sflag:$0x1] =	stream.indirect.gather [hbm4b:s1+s14], $0x80, s14, s14, $0xb8;
	[tilespmem:$0x14300] =	vst v63  }
0x75: {  	_ = 	snop  }
0x76: {  	[tilespmem:s19], [sflag:$0x1] =	stream.indirect.gather [hbm4b:s1+s17], $0x80, s18, s17, $0xb8;
	[tilespmem:$0x14300] =	vst v63  }
0x77: {  	_ =	swait.ge [sflag:s29], $0xA000  }
0x78: {  	[sflag:s29] =	ssyncset.done $0x0  }
0x79: {  	s6 =	sadd.s32 s6, s11;
	[sflag:s29] =	ssyncadd.s32 $0xFFFF6000  }
0x7a: {  	[tilespmem:s20], [sflag:$0x4] =	stream.linear.gather [hbm4b:s6+s4], $0x140, $0x38;
	[tilespmem:$0x14300] =	vst v63  }
0x7b: {  	_ =	swait.ge [sflag:s13], $0x140  }
0x7c: {  	[sflag:s13] =	ssyncset.done $0x0  }
0x7d: {  	[sflag:s13] =	ssyncadd.s32 $0xFFFFFEC0  }
0x7e: {  	[tilespmem:s21], [sflag:$0x1] =	stream.indirect.gather [hbm4b:s1+s14], $0x80, s20, s14, $0xb8;
	[tilespmem:$0x14300] =	vst v63  }
0x7f: {  	_ = 	snop  }
0x80: {  	[tilespmem:s23], [sflag:$0x1] =	stream.indirect.gather [hbm4b:s1+s14], $0x80, s22, s14, $0xb8;
	[tilespmem:$0x14300] =	vst v63  }
0x81: {  	_ = 	snop  }
0x82: {  	[tilespmem:s25], [sflag:$0x1] =	stream.indirect.gather [hbm4b:s1+s17], $0x80, s24, s17, $0xb8;
	[tilespmem:$0x14300] =	vst v63  }
0x83: {  	_ =	swait.ge [sflag:s26], $0x4000  }
0x84: {  	[sflag:s26] =	ssyncset.done $0x0  }
0x85: {  	[sflag:s26] =	ssyncadd.s32 $0xFFFFC000  }
0x86: {  	_ =	swait.ge [sflag:s26], $0x4000  }
0x87: {  	[sflag:s26] =	ssyncset.done $0x0  }
0x88: {  	[sflag:s26] =	ssyncadd.s32 $0xFFFFC000  }
0x89: {  	_ =	swait.ge [sflag:s26], $0x2000  }
0x8a: {  	[sflag:s26] =	ssyncset.done $0x0  }
0x8b: {  	s6 =	sadd.s32 $0xFFFFEC00, s0;
	[sflag:s26] =	ssyncadd.s32 $0xFFFFE000  }
0x8c: {  	[hbm4b:s6+s4] =	stream.linear.scatter [tilespmem:s15], [sflag:$0x2], $0xA000, $0x38;
	[tilespmem:$0x14300] =	vst v63  }
0x8d: {  	_ =	swait.ge [sflag:s26], $0x4000  }
0x8e: {  	[sflag:s26] =	ssyncset.done $0x0  }
0x8f: {  	[sflag:s26] =	ssyncadd.s32 $0xFFFFC000  }
0x90: {  	_ =	swait.ge [sflag:s26], $0x4000  }
.Ltmp0:
0x91: {  	[sflag:s26] =	ssyncset.done $0x0;
	(pc) =	sbr.rel @p0 .LBB2_2-.Ltmp0, $4  }
0x92: {  	[sflag:s26] =	ssyncadd.s32 $0xFFFFC000  }
0x93: {  	_ =	swait.ge [sflag:s26], $0x2000  }
0x94: {  	[sflag:s26] =	ssyncset.done $0x0  }
0x95: {  	s2 =	sadd.s32 $0x280, s2;
	s0 =	sadd.s32 $0x2800, s0;
	[sflag:s26] =	ssyncadd.s32 $0xFFFFE000  }
0x96: {  	[hbm4b:s10+s4] =	stream.linear.scatter [tilespmem:s21], [sflag:$0x3], $0xA000, $0x38;
	[tilespmem:$0x14300] =	vst v63  }
0x97: {  	_ =	swait.ge [sflag:s28], $0xA000  }
0x98: {  	[sflag:s28] =	ssyncset.done $0x0  }
0x99: {  	[sflag:s28] =	ssyncadd.s32 $0xFFFF6000  }
0x9a: {  	_ =	swait.ge [sflag:s29], $0xA000  }
0x9b: {  	s30 =	sadd.s32 $0x1, s30;
	s0 =	rddreg [dreg:$0x4]  }
0x9c: {  	p0 =	sne.s32 s30, s0  }
.Ltmp1:
0x9d: {  	_ = 	snop;
	(pc) =	sbr.rel @p0 .LBB2_1-.Ltmp1, $3  }
0x9e: {  	_ =	sdelay $0x1  }
0x9f: {  	[sflag:s29] =	ssyncset.done $0x0  }
0xa0: {  	[sflag:s29] =	ssyncadd.s32 $0xFFFF6000  }
0xa1: {  	_ =	sfence.sel $0x180000  }
0xa2: {  	[bflag:$0x0] =	sbarrier.arrive $0xFFFF  }
0xa3: {  	_ =	strace $0x90000047  }
0xa4: {  	s0 =	stileid.u32;
	[bflag:$0x2] =	sbarrier.arrive $0xFFFF  }
0xa5: {  	p0 =	sne.s32 s0, $0x0;
	s0 =	rddreg [dreg:$0x3]  }
0xa6: {  	s0 =	sadd.s32 @!p0 $0x100000, s0  }
0xa7: {  	[sflag:s0] =	ssyncadd.tile.s32 @!p0 $0x1;
	_ =	shalt  }
.Lfunc_end2:
_tile_overlayer_lowered:
.L_overlay_start_2:
0xa8: {  	(tag) =	ssettag $0x2  }
0xa9: {  	s0 =	rddreg [dreg:$0x0];
	s2 =	stileid.u32  }
0xaa: {  	s1 =	rddreg [dreg:$0x1];
	p0 =	sne.s32 s2, $0x0  }
0xab: {  	s3 =	rddreg [dreg:$0x2];
	[bflag:$0x3] =	sbarrier.arrive $0xFFFF;
	s2 =	simm.s32 @!p0 $0x1C04  }
0xac: {  	[timem:s3], [sflag:s2] =	dma.local @!p0 [hbm:s0], s1  }
0xad: {  	s0 =	simm.s32 @!p0 $0x4  }
0xae: {  	_ =	swait.ge @!p0 [sflag:s0], s1  }
0xaf: {  	s1 =	ssub.s32 @!p0 $0x0, s1;
	[sflag:s0] =	ssyncset.done @!p0 $0x0  }
0xb0: {  	[sflag:s0] =	ssyncadd.s32 @!p0 s1  }
0xb1: {  	[bflag:$0x3] =	sbarrier.arrive $0xFFFF  }
0xb2: {  	_ =	shalt  }

// kernel: kernel.15.cloned.1.call-start
scs
__scs_entry_jumppad:
0x0: {  	(pc) =	sbr.rel $0x88, $3  }
0x1: {  	(tag) =	ssettag $0x0;
	lr =	simm.s32 $0x1  }
0x2: {  	[smem:$0x3F90] =	sst lr;
	_ =	strace $0xD0000000  }
0x3: {  	_ = 	snop  }
0x4: {  	_ = 	snop  }
0x5: {  	_ = 	snop  }
0x6: {  	_ = 	snop  }
0x7: {  	_ = 	snop  }
__scs_overlays_trampoline_lowered:
0x8: {  	[smem:$0x3F9F] =	sst s0  }
0x9: {  	[smem:$0x3FA0] =	sst s1  }
0xa: {  	[smem:$0x3FA1] =	sst s2  }
0xb: {  	[smem:$0x3FA2] =	sst s3  }
0xc: {  	[smem:$0x3FA3] =	sst s4  }
0xd: {  	[smem:$0x3FA4] =	sst s5  }
0xe: {  	[smem:$0x3FA5] =	sst s6  }
0xf: {  	[smem:$0x3FA6] =	sst s7  }
0x10: {  	[smem:$0x3FA7] =	sst s8  }
0x11: {  	[smem:$0x3FA8] =	sst s9;
	s0 =	simm.s32 @!p0 $0x0  }
0x12: {  	s1 =	sld [smem:$0x3F8E];
	s0 =	simm.s32 @p0 $0x1  }
0x13: {  	[smem:$0x3FA9] =	sst s0;
	s0 =	simm.s32 @!p1 $0x0  }
0x14: {  	s2 =	sld [smem:$0x3F8D];
	s0 =	simm.s32 @p1 $0x1  }
0x15: {  	[smem:$0x3FAA] =	sst s0;
	s0 =	simm.s32 @!p2 $0x0  }
0x16: {  	s3 =	sld [smem:$0x3FDB];
	s0 =	simm.s32 @p2 $0x1  }
0x17: {  	s4 =	simm.s32 $0x1BF5;
	[smem:$0x3FAC] =	sst s0  }
0x18: {  	s0 =	sld [smem:$0x3F8F];
	_ =	swait.ge [sflag:s4], $0x0  }
0x19: {  	s7 =	sld [smem:$0x3F90]  }
0x1a: {  	s8 =	sadd.s32 $0xFFFFE003, lr  }
0x1b: {  	s9 =	sadd.s32 $0xFFFFFEF7, lr;
	s5 =	simm.s32 $0xFFFFFFFF;
	p2 =	slt.u32 s8, $0xFFFFF086  }
0x1c: {  	p1 =	slt.u32 s9, $0xF7A;
	s5 =	simm.s32 @!p2 $0x0  }
0x1d: {  	s5 =	simm.s32 @p1 $0x1;
	p0 =	seq.s32 s7, s2  }
0x1e: {  	s7 =	smul.u32 @!p0 $0xF7A, s2;
	p2 =	seq.s32 @!p0 s5, $0x0  }
0x1f: {  	s9 =	smul.u32 $0xF7A, s1;
	s8 =	simm.s32 @!p0 $0x1BF5;
	p2 =	por !p2, p0  }
0x20: {  	[sflag:s8] =	ssyncset.s32 @!p0 $0xFFFFF086;
	s6 =	sadd.s32 @!p0 s3, s7;
	s7 =	simm.s32 @!p0 $0x108  }
0x21: {  	s3 =	sadd.s32 s3, s9;
	s6 =	sadd.s32 @!p0 $0x88, s6;
	s7 =	simm.s32 @p2 $0x1082  }
0x22: {  	[simem:s7], [sflag:s8] =	dma.local @!p0 [hbm:s6], $0xF7A  }
0x23: {  	s9 =	sor.u32 $0xD0000000, s2;
	s6 =	simm.s32 $0x108;
	_ =	swait.ge @!p0 [sflag:s8], $0x0  }
0x24: {  	s3 =	sadd.s32 $0x88, s3;
	s6 =	simm.s32 @!p1 $0x1082;
	[sflag:s4] =	ssyncset.s32 $0xFFFFF086  }
0x25: {  	[simem:s6], [sflag:s4] =	dma.local [hbm:s3], $0xF7A  }
0x26: {  	[smem:$0x3F90] =	sst s1;
	(tag) =	ssettag s2;
	_ =	strace s9  }
0x27: {  	s1 =	sld [smem:$0x3FA0]  }
0x28: {  	s2 =	sld [smem:$0x3FA1]  }
0x29: {  	s4 =	sld [smem:$0x3FA3]  }
0x2a: {  	p0 =	seq.s32 s5, $0x0;
	s5 =	sld [smem:$0x3FA4]  }
0x2b: {  	s6 =	sld [smem:$0x3FA5]  }
0x2c: {  	s7 =	sld [smem:$0x3FA6]  }
0x2d: {  	s3 =	simm.s32 $0x108;
	s8 =	sld [smem:$0x3FA7]  }
0x2e: {  	s3 =	simm.s32 @!p0 $0x1082;
	s9 =	sld [smem:$0x3FA8]  }
0x2f: {  	lr =	sadd.s32 s0, s3;
	s0 =	sld [smem:$0x3F9F]  }
0x30: {  	s3 =	sld [smem:$0x3FA2]  }
0x31: {  	[smem:$0x3FAB] =	sst s10  }
0x32: {  	s10 =	sld [smem:$0x3FA9];
	_ =	sdelay $0x3  }
0x33: {  	p0 =	seq.s32 s10, $0x1;
	s10 =	sld [smem:$0x3FAB];
	_ =	sdelay $0x3  }
0x34: {  	[smem:$0x3FAB] =	sst s10  }
0x35: {  	s10 =	sld [smem:$0x3FAA];
	_ =	sdelay $0x3  }
0x36: {  	p1 =	seq.s32 s10, $0x1;
	s10 =	sld [smem:$0x3FAB];
	_ =	sdelay $0x3  }
0x37: {  	[smem:$0x3FAB] =	sst s10  }
0x38: {  	s10 =	sld [smem:$0x3FAC]  }
0x39: {  	_ = 	snop;
	(pc) =	sbr.ind lr, $3  }
0x3a: {  	_ = 	snop  }
0x3b: {  	_ = 	snop  }
0x3c: {  	p2 =	seq.s32 s10, $0x1;
	s10 =	sld [smem:$0x3FAB]  }
0x3d: {  	_ =	shalt  }
0x3e: {  	_ =	shalt  }
0x3f: {  	_ =	shalt  }
0x40: {  	_ =	shalt  }
0x41: {  	_ =	shalt  }
0x42: {  	_ =	shalt  }
0x43: {  	_ =	shalt  }
0x44: {  	_ =	shalt  }
0x45: {  	_ =	shalt  }
0x46: {  	_ =	shalt  }
0x47: {  	_ =	shalt  }
0x48: {  	_ =	shalt  }
0x49: {  	_ =	shalt  }
0x4a: {  	_ =	shalt  }
0x4b: {  	_ =	shalt  }
0x4c: {  	_ =	shalt  }
0x4d: {  	_ =	shalt  }
0x4e: {  	_ =	shalt  }
0x4f: {  	_ =	shalt  }
0x50: {  	_ =	shalt  }
0x51: {  	_ =	shalt  }
0x52: {  	_ =	shalt  }
0x53: {  	_ =	shalt  }
0x54: {  	_ =	shalt  }
0x55: {  	_ =	shalt  }
0x56: {  	_ =	shalt  }
0x57: {  	_ =	shalt  }
0x58: {  	_ =	shalt  }
0x59: {  	_ =	shalt  }
0x5a: {  	_ =	shalt  }
0x5b: {  	_ =	shalt  }
0x5c: {  	_ =	shalt  }
0x5d: {  	_ =	shalt  }
0x5e: {  	_ =	shalt  }
0x5f: {  	_ =	shalt  }
0x60: {  	_ =	shalt  }
0x61: {  	_ =	shalt  }
0x62: {  	_ =	shalt  }
0x63: {  	_ =	shalt  }
0x64: {  	_ =	shalt  }
0x65: {  	_ =	shalt  }
0x66: {  	_ =	shalt  }
0x67: {  	_ =	shalt  }
0x68: {  	_ =	shalt  }
0x69: {  	_ =	shalt  }
0x6a: {  	_ =	shalt  }
0x6b: {  	_ =	shalt  }
0x6c: {  	_ =	shalt  }
0x6d: {  	_ =	shalt  }
0x6e: {  	_ =	shalt  }
0x6f: {  	_ =	shalt  }
0x70: {  	_ =	shalt  }
0x71: {  	_ =	shalt  }
0x72: {  	_ =	shalt  }
0x73: {  	_ =	shalt  }
0x74: {  	_ =	shalt  }
0x75: {  	_ =	shalt  }
0x76: {  	_ =	shalt  }
0x77: {  	_ =	shalt  }
0x78: {  	_ =	shalt  }
0x79: {  	_ =	shalt  }
0x7a: {  	_ =	shalt  }
0x7b: {  	_ =	shalt  }
0x7c: {  	_ =	shalt  }
0x7d: {  	_ =	shalt  }
0x7e: {  	_ =	shalt  }
0x7f: {  	_ =	shalt  }
0x80: {  	_ =	shalt  }
0x81: {  	_ =	shalt  }
0x82: {  	_ =	shalt  }
0x83: {  	_ =	shalt  }
0x84: {  	_ =	shalt  }
0x85: {  	_ =	shalt  }
0x86: {  	_ =	shalt  }
0x87: {  	_ =	shalt  }
.Lfunc_end0:
.L_simem_size_0:
called_computation.2_lowered:
.L_overlay_start_0:
0x88: {  	s2 =	sld [smem:$0x3FD9]  }
0x89: {  	s3 =	sld [smem:$0x3FFE];
	_ =	sdelay $0x1  }
0x8a: {  	s1 =	srdreg.scid  }
0x8b: {  	s0 =	sand.u32 $0x1, s1  }
0x8c: {  	s17 =	sshll.u32 s0, $0xA;
	s2 =	sadd.s32 s3, s2  }
0x8d: {  	s2 =	sadd.s32 s2, s17  }
0x8e: {  	[smem:$0x3FB7] =	sst s2  }
0x8f: {  	_ = 	snop  }
0x90: {  	s18 =	sld [smem:$0x3FC1];
	(tm) =	ssettm $0x1  }
0x91: {  	s19 =	sld [smem:$0x3FFB];
	_ =	sdelay $0x3  }
0x92: {  	_ =	strace s19  }
0x93: {  	s2 =	sld [smem:$0x3FFC];
	_ =	sdelay $0x3  }
0x94: {  	_ =	strace s2  }
0x95: {  	s2 =	sld [smem:$0x3FFD];
	_ =	sdelay $0x3  }
0x96: {  	_ =	strace s2  }
0x97: {  	_ =	strace $0x8FFFFFFF  }
0x98: {  	s20 =	sld [smem:$0x3FDB];
	_ =	sdelay $0x1  }
0x99: {  	s4 =	simm.s32 $_scs_section_size  }
0x9a: {  	s5 =	simm.s32 $_size__tile_overlayer_lowered;
	s6 =	simm.s32 $_tile_overlayer_lowered  }
0x9b: {  	s7 =	simm.s32 $0x1BFF;
	s21 =	sshll.u32 s6, $0x1;
	s4 =	sadd.s32 s4, s20  }
0x9c: {  	s22 =	simm.s32 $0x0;
	s5 =	sshll.u32 s5, $0x1;
	s6 =	sadd.s32 s21, s4  }
0x9d: {  	[timem:s22], [sflag:s7] =	dma.local [hbm:s6], s5  }
0x9e: {  	_ =	swait.ge [sflag:s7], s5  }
0x9f: {  	s5 =	ssub.s32 $0x0, s5;
	[sflag:s7] =	ssyncset.done $0x0  }
0xa0: {  	[sflag:s7] =	ssyncadd.s32 s5;
	_ =	sdelay $0x1  }
0xa1: {  	s23 =	simm.s32 $0x1B8B  }
0xa2: {  	_ =	swait.ge [sflag:s23], $0x1  }
0xa3: {  	[sflag:s23] =	ssyncset.done $0x0  }
0xa4: {  	[sflag:s23] =	ssyncadd.s32 $0xFFFFFFFF  }
0xa5: {  	s5 =	sld [smem:$0x0]  }
0xa6: {  	s6 =	sand.u32 $0xFFFFFFFE, s1  }
0xa7: {  	p0 =	sne.s32 s1, s6  }
0xa8: {  	s6 =	sshll.u32 @p0 s6, $0xE  }
0xa9: {  	s6 =	sadd.s32 @p0 $0x11B8D, s6;
	s7 =	sshll.u32 @p0 s5, $0x11  }
0xaa: {  	s6 =	sor.u32 @p0 s7, s6  }
0xab: {  	[sflag:s6] =	ssyncadd.remote.s32 @p0 $0x1;
	_ =	sdelay $0x1  }
0xac: {  	s6 =	simm.s32 @p0 $0x1B8D  }
0xad: {  	_ =	swait.eq @p0 [sflag:s6], $0x1  }
0xae: {  	[sflag:s6] =	ssyncadd.s32 @p0 $0xFFFFFFFF  }
0xaf: {  	s7 =	sshll.u32 @!p0 s1, $0xE  }
0xb0: {  	s7 =	sor.u32 @!p0 $0x4000, s7;
	s6 =	simm.s32 @!p0 $0x1B8D  }
0xb1: {  	s5 =	sshll.u32 @!p0 s5, $0x11;
	s7 =	sadd.s32 @!p0 $0x11B8D, s7;
	_ =	swait.eq @!p0 [sflag:s6], $0x1  }
0xb2: {  	s5 =	sor.u32 @!p0 s5, s7;
	[sflag:s6] =	ssyncadd.s32 @!p0 $0xFFFFFFFF  }
0xb3: {  	s25 =	simm.s32 $0x1B8E;
	s24 =	sld [smem:$0x3FFE];
	[sflag:s5] =	ssyncadd.remote.s32 @!p0 $0x1  }
0xb4: {  	s26 =	simm.s32 $execute0_lowered;
	[smem:$0x3FD2] =	sst s25  }
0xb5: {  	s6 =	sshll.u32 s26, $0x1;
	_ =	strace $0x80000049;
	[dreg:$0x1] =	wrdreg $0xFFFFFFFF  }
0xb6: {  	s28 =	simm.s32 $_size_execute0_lowered;
	s4 =	sadd.s32 s4, s6;
	[dreg:$0x0] =	wrdreg $0x0  }
0xb7: {  	s6 =	sshll.u32 s28, $0x1;
	[dreg:$0x2] =	wrdreg s4  }
0xb8: {  	[dreg:$0x3] =	wrdreg s6  }
0xb9: {  	[dreg:$0x4] =	wrdreg $0xC0  }
0xba: {  	_ =	task [dreg:s22], $0x5FFFF  }
0xbb: {  	[dreg:$0x1] =	wrdreg $0xFFFFFFFF  }
0xbc: {  	[dreg:$0x0] =	wrdreg $0x60  }
0xbd: {  	[dreg:$0x2] =	wrdreg s18  }
0xbe: {  	[dreg:$0x3] =	wrdreg s24  }
0xbf: {  	[dreg:$0x4] =	wrdreg $0xA  }
0xc0: {  	_ =	task.clear_ibuf [dreg:s22], $0x5FFFF;
	_ =	strace $0x90000049  }
0xc1: {  	s29 =	simm.s32 $0xA;
	_ =	strace $0x8000004B  }
0xc2: {  	_ =	swait.ge [sflag:s29], $0x1  }
0xc3: {  	[sflag:s29] =	ssyncadd.s32 $0xFFFFFFFF  }
0xc4: {  	_ =	strace $0x9000004B  }
0xc5: {  	_ =	sfence  }
0xc6: {  	s30 =	sld [smem:$0x0];
	_ =	sdelay $0x2  }
0xc7: {  	s31 =	sshll.u32 s1, $0xD;
	s1 =	sshrl.u32 s1, $0x2  }
0xc8: {  	s4 =	sand.u32 $0x4000, s31;
	s1 =	sadd.s32 s1, s30  }
0xc9: {  	s0 =	sor.u32 s4, s0;
	s1 =	sshll.u32 s1, $0x11  }
0xca: {  	s0 =	sor.u32 s1, s0  }
0xcb: {  	s0 =	sadd.s32 $0x8F2B, s0  }
0xcc: {  	[sflag:s0] =	ssyncadd.remote.s32 $0x1  }
0xcd: {  	_ =	sfence.sel $0xFFFF  }
0xce: {  	[dreg:$0x0] =	wrdreg $0xFFFFFFFF;
	(pc) =	sbr.abs _section_cstart, $3  }
0xcf: {  	[dreg:$0x1] =	wrdreg $0xFFFFFFFF  }
0xd0: {  	_ =	task.clear_ibuf [dreg:s22], $0x2FFFF;
	_ =	strace $0x9FFFFFFF  }
0xd1: {  	(tm) =	ssettm $0x7FFFFFFF  }
tec
execute0_lowered:
.L_overlay_start_1:
0x0: {  	(tag) =	ssettag $0x1  }
0x1: {  	s1 =	srdreg.scid;
	s0 =	stileid.u32  }
0x2: {  	s17 =	sand.u32 $0x1, s1;
	s29 =	sshll.u32 s0, $0x1  }
0x3: {  	s16 =	sor.u32 s17, s29  }
0x4: {  	s2 =	rddreg [dreg:$0x0];
	s6 =	smul.u32 $0x140, s16  }
0x5: {  	s18 =	rddreg [dreg:$0x1];
	s3 =	simm.s32 $0x0;
	s5 =	simm.s32 $0x4  }
0x6: {  	[smem:$0x7FF] =	sst s3;
	s10 =	sadd.s32 $0x324200, s18;
	s4 =	sshrl.u32 s6, $0x3  }
0x7: {  	s1 =	rddreg [dreg:$0x2];
	_ =	strace $0x8000004A;
	s4 =	sadd.s32 s10, s4  }
0x8: {  	[tilespmem:s3], [sflag:$0x4] =	stream.linear.gather [hbm4b:s4+s3], $0xA0, $0x38;
	[tilespmem:$0xA200] =	vst v63  }
0x9: {  	_ =	swait.ge [sflag:s5], $0xA0  }
0xa: {  	s7 =	simm.s32 $0x200;
	[sflag:s5] =	ssyncset.done $0x0  }
0xb: {  	s19 =	sadd.s32 $0xA0, s6;
	s6 =	simm.s32 $0x80;
	[sflag:s5] =	ssyncadd.s32 $0xFFFFFF60  }
0xc: {  	[tilespmem:s7], [sflag:$0x1] =	stream.indirect.gather [hbm4b:s2+s6], $0x80, s3, s6, $0xb8;
	[tilespmem:$0xA200] =	vst v63  }
0xd: {  	s8 =	simm.s32 $0x20;
	s9 =	simm.s32 $0x4200;
	s11 =	sshrl.u32 s19, $0x3  }
0xe: {  	[tilespmem:s9], [sflag:$0x1] =	stream.indirect.gather [hbm4b:s2+s8], $0x80, s6, s8, $0xb8;
	[tilespmem:$0xA200] =	vst v63  }
0xf: {  	s10 =	sadd.s32 s10, s11;
	s11 =	simm.s32 $0x100  }
0x10: {  	[tilespmem:s11], [sflag:$0x4] =	stream.linear.gather [hbm4b:s10+s3], $0xA0, $0x38;
	[tilespmem:$0xA200] =	vst v63  }
0x11: {  	_ =	swait.ge [sflag:s5], $0xA0  }
0x12: {  	[sflag:s5] =	ssyncset.done $0x0  }
0x13: {  	s12 =	simm.s32 $0x5200;
	[sflag:s5] =	ssyncadd.s32 $0xFFFFFF60  }
0x14: {  	[tilespmem:s12], [sflag:$0x1] =	stream.indirect.gather [hbm4b:s2+s6], $0x80, s11, s6, $0xb8;
	[tilespmem:$0xA200] =	vst v63  }
0x15: {  	s13 =	simm.s32 $0x180;
	s14 =	simm.s32 $0x9200;
	s15 =	simm.s32 $0x1  }
0x16: {  	[tilespmem:s14], [sflag:$0x1] =	stream.indirect.gather [hbm4b:s2+s8], $0x80, s13, s8, $0xb8;
	[tilespmem:$0xA200] =	vst v63  }
0x17: {  	_ =	swait.ge [sflag:s15], $0x4000  }
0x18: {  	[sflag:s15] =	ssyncset.done $0x0  }
0x19: {  	[sflag:s15] =	ssyncadd.s32 $0xFFFFC000  }
0x1a: {  	s16 =	smul.u32 $0x1400, s16;
	_ =	swait.ge [sflag:s15], $0x1000  }
0x1b: {  	s18 =	sadd.s32 $0x324800, s18;
	[sflag:s15] =	ssyncset.done $0x0  }
0x1c: {  	s16 =	sadd.s32 s18, s16;
	[sflag:s15] =	ssyncadd.s32 $0xFFFFF000  }
0x1d: {  	[hbm4b:s16+s3] =	stream.linear.scatter [tilespmem:s7], [sflag:$0x2], $0x5000, $0x38;
	[tilespmem:$0xA200] =	vst v63  }
0x1e: {  	_ =	swait.ge [sflag:s15], $0x4000  }
0x1f: {  	s20 =	ssub.s32 $0x2, s17;
	[sflag:s15] =	ssyncset.done $0x0  }
0x20: {  	s31 =	sshrl.u32 s20, $0x1;
	[sflag:s15] =	ssyncadd.s32 $0xFFFFC000  }
0x21: {  	s30 =	sshll.u32 s19, $0x4;
	s19 =	ssub.s32 s20, s31;
	_ =	swait.ge [sflag:s15], $0x1000  }
0x22: {  	s17 =	sadd.s32 s18, s30;
	s20 =	smax.u32 s19, $0x1;
	[sflag:s15] =	ssyncset.done $0x0  }
0x23: {  	s18 =	simm.s32 $0x2;
	p0 =	sne.s32 s20, $0x1;
	[sflag:s15] =	ssyncadd.s32 $0xFFFFF000  }
0x24: {  	[hbm4b:s17+s3] =	stream.linear.scatter [tilespmem:s12], [sflag:$0x3], $0x5000, $0x38;
	[tilespmem:$0xA200] =	vst v63  }
.Ltmp0:
0x25: {  	_ =	swait.ge [sflag:s18], $0x5000;
	(pc) =	sbr.rel @!p0 .LBB2_2-.Ltmp0, $4  }
0x26: {  	[sflag:s18] =	ssyncset.done $0x0  }
0x27: {  	s19 =	simm.s32 $0x3;
	[sflag:s18] =	ssyncadd.s32 $0xFFFFB000  }
0x28: {  	_ =	swait.ge [sflag:s19], $0x5000  }
0x29: {  	s20 =	sadd.s32 $0xFFFFFFFF, s20;
	[sflag:s19] =	ssyncset.done $0x0  }
.LBB2_1:
0x2a: {  	p0 =	sne.s32 s20, $0x1;
	s20 =	sadd.s32 $0xFFFFFFFF, s20;
	[sflag:s19] =	ssyncadd.s32 $0xFFFFB000  }
0x2b: {  	[tilespmem:s3], [sflag:$0x4] =	stream.linear.gather [hbm4b:s4+s3], $0xA0, $0x38;
	[tilespmem:$0xA200] =	vst v63  }
0x2c: {  	_ =	swait.ge [sflag:s5], $0xA0  }
0x2d: {  	[sflag:s5] =	ssyncset.done $0x0  }
0x2e: {  	[sflag:s5] =	ssyncadd.s32 $0xFFFFFF60  }
0x2f: {  	[tilespmem:s7], [sflag:$0x1] =	stream.indirect.gather [hbm4b:s2+s6], $0x80, s3, s6, $0xb8;
	[tilespmem:$0xA200] =	vst v63  }
0x30: {  	_ = 	snop  }
0x31: {  	[tilespmem:s9], [sflag:$0x1] =	stream.indirect.gather [hbm4b:s2+s8], $0x80, s6, s8, $0xb8;
	[tilespmem:$0xA200] =	vst v63  }
0x32: {  	_ = 	snop  }
0x33: {  	[tilespmem:s11], [sflag:$0x4] =	stream.linear.gather [hbm4b:s10+s3], $0xA0, $0x38;
	[tilespmem:$0xA200] =	vst v63  }
0x34: {  	_ =	swait.ge [sflag:s5], $0xA0  }
0x35: {  	[sflag:s5] =	ssyncset.done $0x0  }
0x36: {  	[sflag:s5] =	ssyncadd.s32 $0xFFFFFF60  }
0x37: {  	[tilespmem:s12], [sflag:$0x1] =	stream.indirect.gather [hbm4b:s2+s6], $0x80, s11, s6, $0xb8;
	[tilespmem:$0xA200] =	vst v63  }
0x38: {  	_ = 	snop  }
0x39: {  	[tilespmem:s14], [sflag:$0x1] =	stream.indirect.gather [hbm4b:s2+s8], $0x80, s13, s8, $0xb8;
	[tilespmem:$0xA200] =	vst v63  }
0x3a: {  	_ =	swait.ge [sflag:s15], $0x4000  }
0x3b: {  	[sflag:s15] =	ssyncset.done $0x0  }
0x3c: {  	[sflag:s15] =	ssyncadd.s32 $0xFFFFC000  }
0x3d: {  	_ =	swait.ge [sflag:s15], $0x1000  }
0x3e: {  	[sflag:s15] =	ssyncset.done $0x0  }
0x3f: {  	[sflag:s15] =	ssyncadd.s32 $0xFFFFF000  }
0x40: {  	[hbm4b:s16+s3] =	stream.linear.scatter [tilespmem:s7], [sflag:$0x2], $0x5000, $0x38;
	[tilespmem:$0xA200] =	vst v63  }
0x41: {  	_ =	swait.ge [sflag:s15], $0x4000  }
0x42: {  	[sflag:s15] =	ssyncset.done $0x0  }
0x43: {  	[sflag:s15] =	ssyncadd.s32 $0xFFFFC000  }
0x44: {  	_ =	swait.ge [sflag:s15], $0x1000  }
0x45: {  	[sflag:s15] =	ssyncset.done $0x0  }
0x46: {  	[sflag:s15] =	ssyncadd.s32 $0xFFFFF000  }
0x47: {  	[hbm4b:s17+s3] =	stream.linear.scatter [tilespmem:s12], [sflag:$0x3], $0x5000, $0x38;
	[tilespmem:$0xA200] =	vst v63  }
.Ltmp1:
0x48: {  	_ =	swait.ge [sflag:s18], $0x5000;
	(pc) =	sbr.rel @p0 .LBB2_1-.Ltmp1, $4  }
0x49: {  	[sflag:s18] =	ssyncset.done $0x0  }
0x4a: {  	[sflag:s18] =	ssyncadd.s32 $0xFFFFB000  }
0x4b: {  	_ =	swait.ge [sflag:s19], $0x5000  }
0x4c: {  	[sflag:s19] =	ssyncset.done $0x0  }
.LBB2_2:
0x4d: {  	[sflag:s19] =	ssyncadd.s32 $0xFFFFB000  }
0x4e: {  	_ =	sfence.sel $0x180000  }
0x4f: {  	[bflag:$0x0] =	sbarrier.arrive $0xFFFF  }
0x50: {  	p0 =	sne.s32 s0, $0x0;
	_ =	strace $0x9000004A  }
0x51: {  	s0 =	sadd.s32 @!p0 $0x100000, s1;
	[bflag:$0x2] =	sbarrier.arrive $0xFFFF  }
0x52: {  	[sflag:s0] =	ssyncadd.tile.s32 @!p0 $0x1;
	_ =	shalt  }
.Lfunc_end2:
_tile_overlayer_lowered:
.L_overlay_start_2:
0x53: {  	(tag) =	ssettag $0x2  }
0x54: {  	s0 =	rddreg [dreg:$0x0];
	s2 =	stileid.u32  }
0x55: {  	s1 =	rddreg [dreg:$0x1];
	p0 =	sne.s32 s2, $0x0  }
0x56: {  	s3 =	rddreg [dreg:$0x2];
	[bflag:$0x3] =	sbarrier.arrive $0xFFFF;
	s2 =	simm.s32 @!p0 $0x1C04  }
0x57: {  	[timem:s3], [sflag:s2] =	dma.local @!p0 [hbm:s0], s1  }
0x58: {  	s0 =	simm.s32 @!p0 $0x4  }
0x59: {  	_ =	swait.ge @!p0 [sflag:s0], s1  }
0x5a: {  	s1 =	ssub.s32 @!p0 $0x0, s1;
	[sflag:s0] =	ssyncset.done @!p0 $0x0  }
0x5b: {  	[sflag:s0] =	ssyncadd.s32 @!p0 s1  }
0x5c: {  	[bflag:$0x3] =	sbarrier.arrive $0xFFFF  }
0x5d: {  	_ =	shalt  }

// kernel: kernel.18.cloned.1.call-start
scs
__scs_entry_jumppad:
0x0: {  	(pc) =	sbr.rel $0x88, $3  }
0x1: {  	(tag) =	ssettag $0x0;
	lr =	simm.s32 $0x1  }
0x2: {  	[smem:$0x3F90] =	sst lr;
	_ =	strace $0xD0000000  }
0x3: {  	_ = 	snop  }
0x4: {  	_ = 	snop  }
0x5: {  	_ = 	snop  }
0x6: {  	_ = 	snop  }
0x7: {  	_ = 	snop  }
__scs_overlays_trampoline_lowered:
0x8: {  	[smem:$0x3F9F] =	sst s0  }
0x9: {  	[smem:$0x3FA0] =	sst s1  }
0xa: {  	[smem:$0x3FA1] =	sst s2  }
0xb: {  	[smem:$0x3FA2] =	sst s3  }
0xc: {  	[smem:$0x3FA3] =	sst s4  }
0xd: {  	[smem:$0x3FA4] =	sst s5  }
0xe: {  	[smem:$0x3FA5] =	sst s6  }
0xf: {  	[smem:$0x3FA6] =	sst s7  }
0x10: {  	[smem:$0x3FA7] =	sst s8  }
0x11: {  	[smem:$0x3FA8] =	sst s9;
	s0 =	simm.s32 @!p0 $0x0  }
0x12: {  	s1 =	sld [smem:$0x3F8E];
	s0 =	simm.s32 @p0 $0x1  }
0x13: {  	[smem:$0x3FA9] =	sst s0;
	s0 =	simm.s32 @!p1 $0x0  }
0x14: {  	s2 =	sld [smem:$0x3F8D];
	s0 =	simm.s32 @p1 $0x1  }
0x15: {  	[smem:$0x3FAA] =	sst s0;
	s0 =	simm.s32 @!p2 $0x0  }
0x16: {  	s3 =	sld [smem:$0x3FDB];
	s0 =	simm.s32 @p2 $0x1  }
0x17: {  	s4 =	simm.s32 $0x1BF5;
	[smem:$0x3FAC] =	sst s0  }
0x18: {  	s0 =	sld [smem:$0x3F8F];
	_ =	swait.ge [sflag:s4], $0x0  }
0x19: {  	s7 =	sld [smem:$0x3F90]  }
0x1a: {  	s8 =	sadd.s32 $0xFFFFE003, lr  }
0x1b: {  	s9 =	sadd.s32 $0xFFFFFEF7, lr;
	s5 =	simm.s32 $0xFFFFFFFF;
	p2 =	slt.u32 s8, $0xFFFFF086  }
0x1c: {  	p1 =	slt.u32 s9, $0xF7A;
	s5 =	simm.s32 @!p2 $0x0  }
0x1d: {  	s5 =	simm.s32 @p1 $0x1;
	p0 =	seq.s32 s7, s2  }
0x1e: {  	s7 =	smul.u32 @!p0 $0xF7A, s2;
	p2 =	seq.s32 @!p0 s5, $0x0  }
0x1f: {  	s9 =	smul.u32 $0xF7A, s1;
	s8 =	simm.s32 @!p0 $0x1BF5;
	p2 =	por !p2, p0  }
0x20: {  	[sflag:s8] =	ssyncset.s32 @!p0 $0xFFFFF086;
	s6 =	sadd.s32 @!p0 s3, s7;
	s7 =	simm.s32 @!p0 $0x108  }
0x21: {  	s3 =	sadd.s32 s3, s9;
	s6 =	sadd.s32 @!p0 $0x88, s6;
	s7 =	simm.s32 @p2 $0x1082  }
0x22: {  	[simem:s7], [sflag:s8] =	dma.local @!p0 [hbm:s6], $0xF7A  }
0x23: {  	s9 =	sor.u32 $0xD0000000, s2;
	s6 =	simm.s32 $0x108;
	_ =	swait.ge @!p0 [sflag:s8], $0x0  }
0x24: {  	s3 =	sadd.s32 $0x88, s3;
	s6 =	simm.s32 @!p1 $0x1082;
	[sflag:s4] =	ssyncset.s32 $0xFFFFF086  }
0x25: {  	[simem:s6], [sflag:s4] =	dma.local [hbm:s3], $0xF7A  }
0x26: {  	[smem:$0x3F90] =	sst s1;
	(tag) =	ssettag s2;
	_ =	strace s9  }
0x27: {  	s1 =	sld [smem:$0x3FA0]  }
0x28: {  	s2 =	sld [smem:$0x3FA1]  }
0x29: {  	s4 =	sld [smem:$0x3FA3]  }
0x2a: {  	p0 =	seq.s32 s5, $0x0;
	s5 =	sld [smem:$0x3FA4]  }
0x2b: {  	s6 =	sld [smem:$0x3FA5]  }
0x2c: {  	s7 =	sld [smem:$0x3FA6]  }
0x2d: {  	s3 =	simm.s32 $0x108;
	s8 =	sld [smem:$0x3FA7]  }
0x2e: {  	s3 =	simm.s32 @!p0 $0x1082;
	s9 =	sld [smem:$0x3FA8]  }
0x2f: {  	lr =	sadd.s32 s0, s3;
	s0 =	sld [smem:$0x3F9F]  }
0x30: {  	s3 =	sld [smem:$0x3FA2]  }
0x31: {  	[smem:$0x3FAB] =	sst s10  }
0x32: {  	s10 =	sld [smem:$0x3FA9];
	_ =	sdelay $0x3  }
0x33: {  	p0 =	seq.s32 s10, $0x1;
	s10 =	sld [smem:$0x3FAB];
	_ =	sdelay $0x3  }
0x34: {  	[smem:$0x3FAB] =	sst s10  }
0x35: {  	s10 =	sld [smem:$0x3FAA];
	_ =	sdelay $0x3  }
0x36: {  	p1 =	seq.s32 s10, $0x1;
	s10 =	sld [smem:$0x3FAB];
	_ =	sdelay $0x3  }
0x37: {  	[smem:$0x3FAB] =	sst s10  }
0x38: {  	s10 =	sld [smem:$0x3FAC]  }
0x39: {  	_ = 	snop;
	(pc) =	sbr.ind lr, $3  }
0x3a: {  	_ = 	snop  }
0x3b: {  	_ = 	snop  }
0x3c: {  	p2 =	seq.s32 s10, $0x1;
	s10 =	sld [smem:$0x3FAB]  }
0x3d: {  	_ =	shalt  }
0x3e: {  	_ =	shalt  }
0x3f: {  	_ =	shalt  }
0x40: {  	_ =	shalt  }
0x41: {  	_ =	shalt  }
0x42: {  	_ =	shalt  }
0x43: {  	_ =	shalt  }
0x44: {  	_ =	shalt  }
0x45: {  	_ =	shalt  }
0x46: {  	_ =	shalt  }
0x47: {  	_ =	shalt  }
0x48: {  	_ =	shalt  }
0x49: {  	_ =	shalt  }
0x4a: {  	_ =	shalt  }
0x4b: {  	_ =	shalt  }
0x4c: {  	_ =	shalt  }
0x4d: {  	_ =	shalt  }
0x4e: {  	_ =	shalt  }
0x4f: {  	_ =	shalt  }
0x50: {  	_ =	shalt  }
0x51: {  	_ =	shalt  }
0x52: {  	_ =	shalt  }
0x53: {  	_ =	shalt  }
0x54: {  	_ =	shalt  }
0x55: {  	_ =	shalt  }
0x56: {  	_ =	shalt  }
0x57: {  	_ =	shalt  }
0x58: {  	_ =	shalt  }
0x59: {  	_ =	shalt  }
0x5a: {  	_ =	shalt  }
0x5b: {  	_ =	shalt  }
0x5c: {  	_ =	shalt  }
0x5d: {  	_ =	shalt  }
0x5e: {  	_ =	shalt  }
0x5f: {  	_ =	shalt  }
0x60: {  	_ =	shalt  }
0x61: {  	_ =	shalt  }
0x62: {  	_ =	shalt  }
0x63: {  	_ =	shalt  }
0x64: {  	_ =	shalt  }
0x65: {  	_ =	shalt  }
0x66: {  	_ =	shalt  }
0x67: {  	_ =	shalt  }
0x68: {  	_ =	shalt  }
0x69: {  	_ =	shalt  }
0x6a: {  	_ =	shalt  }
0x6b: {  	_ =	shalt  }
0x6c: {  	_ =	shalt  }
0x6d: {  	_ =	shalt  }
0x6e: {  	_ =	shalt  }
0x6f: {  	_ =	shalt  }
0x70: {  	_ =	shalt  }
0x71: {  	_ =	shalt  }
0x72: {  	_ =	shalt  }
0x73: {  	_ =	shalt  }
0x74: {  	_ =	shalt  }
0x75: {  	_ =	shalt  }
0x76: {  	_ =	shalt  }
0x77: {  	_ =	shalt  }
0x78: {  	_ =	shalt  }
0x79: {  	_ =	shalt  }
0x7a: {  	_ =	shalt  }
0x7b: {  	_ =	shalt  }
0x7c: {  	_ =	shalt  }
0x7d: {  	_ =	shalt  }
0x7e: {  	_ =	shalt  }
0x7f: {  	_ =	shalt  }
0x80: {  	_ =	shalt  }
0x81: {  	_ =	shalt  }
0x82: {  	_ =	shalt  }
0x83: {  	_ =	shalt  }
0x84: {  	_ =	shalt  }
0x85: {  	_ =	shalt  }
0x86: {  	_ =	shalt  }
0x87: {  	_ =	shalt  }
.Lfunc_end0:
.L_simem_size_0:
called_computation.3_lowered:
.L_overlay_start_0:
0x88: {  	s2 =	sld [smem:$0x3FD9]  }
0x89: {  	s3 =	sld [smem:$0x3FFE];
	_ =	sdelay $0x1  }
0x8a: {  	s1 =	srdreg.scid  }
0x8b: {  	s0 =	sand.u32 $0x1, s1  }
0x8c: {  	s14 =	sshll.u32 s0, $0xA;
	s2 =	sadd.s32 s3, s2  }
0x8d: {  	s2 =	sadd.s32 s2, s14  }
0x8e: {  	[smem:$0x3FB7] =	sst s2  }
0x8f: {  	_ = 	snop  }
0x90: {  	s2 =	sld [smem:$0x3FD0];
	_ =	sdelay $0x2  }
0x91: {  	s15 =	simm.s32 $0xB;
	s4 =	simm.s32 $0x10  }
0x92: {  	[smem:s4], [sflag:s15] =	dma.local [hbm:s2], $0x1  }
0x93: {  	_ =	swait.eq [sflag:s15], $0x1  }
0x94: {  	[sflag:s15] =	ssyncset.done $0x0  }
0x95: {  	[sflag:s15] =	ssyncadd.s32 $0xFFFFFFFF  }
0x96: {  	s16 =	sld [smem:$0x10];
	(tm) =	ssettm $0x1  }
0x97: {  	s17 =	sld [smem:$0x3FFB];
	_ =	sdelay $0x3  }
0x98: {  	_ =	strace s17  }
0x99: {  	s3 =	sld [smem:$0x3FFC];
	_ =	sdelay $0x3  }
0x9a: {  	_ =	strace s3  }
0x9b: {  	s3 =	sld [smem:$0x3FFD];
	_ =	sdelay $0x3  }
0x9c: {  	_ =	strace s3  }
0x9d: {  	_ =	strace $0x8FFFFFFF  }
0x9e: {  	s18 =	sld [smem:$0x3FDB];
	_ =	sdelay $0x1  }
0x9f: {  	s19 =	simm.s32 $_scs_section_size  }
0xa0: {  	s5 =	simm.s32 $_size__tile_overlayer_lowered;
	s6 =	simm.s32 $_tile_overlayer_lowered  }
0xa1: {  	s22 =	simm.s32 $0x1BFF;
	s21 =	sshll.u32 s6, $0x1;
	s3 =	sadd.s32 s19, s18  }
0xa2: {  	s7 =	simm.s32 $0x0;
	s20 =	sshll.u32 s5, $0x1;
	s5 =	sadd.s32 s21, s3  }
0xa3: {  	[timem:s7], [sflag:s22] =	dma.local [hbm:s5], s20  }
0xa4: {  	_ =	swait.ge [sflag:s22], s20  }
0xa5: {  	s4 =	ssub.s32 $0x0, s20;
	[sflag:s22] =	ssyncset.done $0x0  }
0xa6: {  	[sflag:s22] =	ssyncadd.s32 s4;
	_ =	sdelay $0x1  }
0xa7: {  	s23 =	simm.s32 $0x1B8B  }
0xa8: {  	_ =	swait.ge [sflag:s23], $0x1  }
0xa9: {  	[sflag:s23] =	ssyncset.done $0x0  }
0xaa: {  	s25 =	simm.s32 $0x1B8E;
	s24 =	sld [smem:$0x3FFE];
	[sflag:s23] =	ssyncadd.s32 $0xFFFFFFFF  }
0xab: {  	s26 =	simm.s32 $execute0_lowered;
	[smem:$0x3FD2] =	sst s25  }
0xac: {  	s5 =	sshll.u32 s26, $0x1;
	_ =	strace $0x8000004C;
	[dreg:$0x1] =	wrdreg $0xFFFFFFFF  }
0xad: {  	s28 =	simm.s32 $_size_execute0_lowered;
	s3 =	sadd.s32 s3, s5;
	[dreg:$0x0] =	wrdreg $0x0  }
0xae: {  	s5 =	sshll.u32 s28, $0x1;
	[dreg:$0x2] =	wrdreg s3  }
0xaf: {  	[dreg:$0x3] =	wrdreg s5  }
0xb0: {  	[dreg:$0x4] =	wrdreg $0xC0  }
0xb1: {  	_ =	task [dreg:s7], $0x5FFFF  }
0xb2: {  	[dreg:$0x1] =	wrdreg $0xFFFFFFFF  }
0xb3: {  	[dreg:$0x0] =	wrdreg $0x60  }
0xb4: {  	[dreg:$0x2] =	wrdreg s16  }
0xb5: {  	[dreg:$0x3] =	wrdreg s24  }
0xb6: {  	[dreg:$0x4] =	wrdreg $0x9  }
0xb7: {  	_ =	task.clear_ibuf [dreg:s7], $0x5FFFF;
	_ =	strace $0x9000004C  }
0xb8: {  	s29 =	simm.s32 $0x9;
	_ =	strace $0x8000004E  }
0xb9: {  	_ =	swait.ge [sflag:s29], $0x1  }
0xba: {  	[sflag:s29] =	ssyncadd.s32 $0xFFFFFFFF  }
0xbb: {  	_ =	strace $0x9000004E  }
0xbc: {  	_ =	sfence  }
0xbd: {  	s30 =	sld [smem:$0x0];
	_ =	sdelay $0x2  }
0xbe: {  	s31 =	sshll.u32 s1, $0xD;
	s1 =	sshrl.u32 s1, $0x2  }
0xbf: {  	s3 =	sand.u32 $0x4000, s31;
	s1 =	sadd.s32 s1, s30  }
0xc0: {  	s0 =	sor.u32 s3, s0;
	s1 =	sshll.u32 s1, $0x11  }
0xc1: {  	s0 =	sor.u32 s1, s0  }
0xc2: {  	s0 =	sadd.s32 $0x8F2B, s0  }
0xc3: {  	[sflag:s0] =	ssyncadd.remote.s32 $0x1  }
0xc4: {  	_ =	sfence.sel $0xFFFF  }
0xc5: {  	[dreg:$0x0] =	wrdreg $0xFFFFFFFF;
	(pc) =	sbr.abs _section_cstart, $3  }
0xc6: {  	[dreg:$0x1] =	wrdreg $0xFFFFFFFF  }
0xc7: {  	_ =	task.clear_ibuf [dreg:s7], $0x2FFFF;
	_ =	strace $0x9FFFFFFF  }
0xc8: {  	(tm) =	ssettm $0x7FFFFFFF  }
0xc9: {  	_ =	shalt  }
tec
execute0_lowered:
.L_overlay_start_1:
0x0: {  	(tag) =	ssettag $0x1  }
0x1: {  	s2 =	rddreg [dreg:$0x0]  }
0x2: {  	s0 =	rddreg [dreg:$0x1]  }
0x3: {  	s9 =	stileid.u32;
	s1 =	srdreg.scid  }
0x4: {  	s3 =	simm.s32 $0x0;
	s23 =	simm.s32 $0x4400;
	s24 =	simm.s32 $0xE400  }
0x5: {  	s25 =	simm.s32 $0x280;
	s26 =	simm.s32 $0x14480;
	s14 =	simm.s32 $0x14400  }
0x6: {  	s15 =	simm.s32 $0x20;
	s28 =	simm.s32 $0x9400;
	[smem:$0x7FF] =	sst s3  }
0x7: {  	s29 =	simm.s32 $0x13400;
	_ =	strace $0x8000004D;
	[dreg:$0x9] =	wrdreg s23  }
0x8: {  	s30 =	simm.s32 $0x380;
	s31 =	simm.s32 $0x14580;
	[dreg:$0xa] =	wrdreg s24  }
0x9: {  	s1 =	sand.u32 $0x1, s1;
	s6 =	smul.u32 $0x2800, s9;
	[dreg:$0xb] =	wrdreg s25  }
0xa: {  	s4 =	sadd.s32 $0x324800, s0;
	s5 =	sadd.s32 $0x324200, s0;
	[dreg:$0xc] =	wrdreg s26  }
0xb: {  	s8 =	sadd.s32 $0x34C800, s0;
	s16 =	sadd.s32 $0x351800, s0;
	[dreg:$0xd] =	wrdreg s28  }
0xc: {  	s9 =	smul.u32 $0x28000, s9;
	s11 =	sadd.s32 $0x4200, s0;
	[dreg:$0xe] =	wrdreg s29  }
0xd: {  	s7 =	smul.u32 $0x1400, s1;
	s12 =	ssub.s32 $0x2, s1;
	[dreg:$0xf] =	wrdreg s30  }
0xe: {  	s1 =	smul.u32 $0x14000, s1;
	[dreg:$0x10] =	wrdreg s31;
	s23 =	simm.s32 $0x2  }
0xf: {  	s24 =	simm.s32 $0x3;
	s25 =	simm.s32 $0x0;
	s17 =	sshrl.u32 s12, $0x1  }
0x10: {  	s0 =	sadd.s32 s9, s0;
	s6 =	sadd.s32 s7, s6;
	s9 =	ssub.s32 s12, s17  }
0x11: {  	s0 =	sadd.s32 s1, s0;
	s12 =	simm.s32 $0x400;
	s17 =	simm.s32 $0x300  }
0x12: {  	s10 =	sor.u32 $0xA0, s6;
	s19 =	sshrl.u32 s6, $0x3;
	s21 =	smax.u32 s9, $0x1  }
0x13: {  	s9 =	simm.s32 $0x4;
	s20 =	sadd.s32 s19, s11;
	[dreg:$0x11] =	wrdreg s21  }
0x14: {  	s10 =	sshrl.u32 s10, $0x3;
	s7 =	sadd.s32 s19, s16;
	[dreg:$0x6] =	wrdreg s20  }
0x15: {  	s22 =	sadd.s32 s19, s8;
	s19 =	simm.s32 $0xF400;
	[dreg:$0x7] =	wrdreg s7  }
0x16: {  	s21 =	simm.s32 $0x180;
	s13 =	sadd.s32 s10, s11;
	[dreg:$0x8] =	wrdreg s22  }
0x17: {  	s18 =	sadd.s32 s10, s16;
	s10 =	sadd.s32 s10, s8;
	[dreg:$0x3] =	wrdreg s13  }
0x18: {  	s7 =	sadd.s32 $0x9C00, s0;
	s0 =	sadd.s32 $0x357200, s0;
	[dreg:$0x4] =	wrdreg s18  }
0x19: {  	s11 =	simm.s32 $0x80;
	s16 =	simm.s32 $0x100;
	[dreg:$0x5] =	wrdreg s10  }
0x1a: {  	s20 =	simm.s32 $0x14500;
	s22 =	simm.s32 $0x1;
	[dreg:$0x12] =	wrdreg s0  }
0x1b: {  	s10 =	simm.s32 $0x200;
	s13 =	simm.s32 $0xA400;
	s18 =	simm.s32 $0x5400  }
.LBB2_1:
0x1c: {  	p0 =	por $0x1, $0x1  }
0x1d: {  	s0 =	simm.s32 @!p0 $0x2  }
0x1e: {  	_ =	swait.ge @!p0 [sflag:s0], $0x5000  }
0x1f: {  	[sflag:s0] =	ssyncset.done @!p0 $0x0  }
0x20: {  	[sflag:s0] =	ssyncadd.s32 @!p0 $0xFFFFB000  }
0x21: {  	_ =	swait.ge @!p0 [sflag:s0], $0x5000  }
0x22: {  	[sflag:s0] =	ssyncset.done @!p0 $0x0  }
0x23: {  	[sflag:s0] =	ssyncadd.s32 @!p0 $0xFFFFB000  }
0x24: {  	_ =	swait.ge @!p0 [sflag:s0], $0xA0  }
0x25: {  	s1 =	rddreg [dreg:$0x8];
	[sflag:s0] =	ssyncset.done @!p0 $0x0  }
0x26: {  	[sflag:s0] =	ssyncadd.s32 @!p0 $0xFFFFFF60;
	s1 =	sadd.s32 $0x0, s1  }
0x27: {  	[tilespmem:s3], [sflag:$0x4] =	stream.linear.gather [hbm4b:s1+s3], $0xA0, $0x38;
	[tilespmem:$0x14600] =	vst v63  }
0x28: {  	_ =	swait.ge [sflag:s9], $0xA0  }
0x29: {  	s6 =	rddreg [dreg:$0x7];
	[sflag:s9] =	ssyncset.done $0x0  }
0x2a: {  	[sflag:s9] =	ssyncadd.s32 $0xFFFFFF60;
	s0 =	sadd.s32 $0x0, s6  }
0x2b: {  	[tilespmem:s10], [sflag:$0x4] =	stream.linear.gather [hbm4b:s0+s3], $0xA0, $0x38;
	[tilespmem:$0x14600] =	vst v63  }
0x2c: {  	_ =	swait.ge [sflag:s9], $0xA0  }
0x2d: {  	[sflag:s9] =	ssyncset.done $0x0  }
0x2e: {  	[sflag:s9] =	ssyncadd.s32 $0xFFFFFF60  }
0x2f: {  	[tilespmem:s12], [sflag:$0x1] =	stream.indirect.gather [hbm4b:s2+s11], $0x80, s3, s11, $0xb8;
	[tilespmem:$0x14600] =	vst v63  }
0x30: {  	_ = 	snop  }
0x31: {  	[tilespmem:s13], [sflag:$0x1] =	stream.indirect.gather [hbm4b:s4+s11], $0x80, s3, s11, $0xb8;
	[tilespmem:$0x14600] =	vst v63  }
0x32: {  	s8 =	rddreg [dreg:$0xc]  }
0x33: {  	[tilespmem:s14], [sflag:$0x1] =	stream.indirect.gather [hbm4b:s5+s11], $0x1, s10, s11, $0xb8;
	[tilespmem:$0x14600] =	vst v63  }
0x34: {  	s31 =	rddreg [dreg:$0x9]  }
0x35: {  	[tilespmem:s31], [sflag:$0x1] =	stream.indirect.gather [hbm4b:s2+s15], $0x80, s11, s15, $0xb8;
	[tilespmem:$0x14600] =	vst v63  }
0x36: {  	s26 =	rddreg [dreg:$0xa]  }
0x37: {  	[tilespmem:s26], [sflag:$0x1] =	stream.indirect.gather [hbm4b:s4+s15], $0x80, s11, s15, $0xb8;
	[tilespmem:$0x14600] =	vst v63  }
0x38: {  	s6 =	rddreg [dreg:$0xb];
	s26 =	simm.s32 @!p0 $0x3  }
0x39: {  	[tilespmem:s8], [sflag:$0x1] =	stream.indirect.gather [hbm4b:s5+s15], $0x1, s6, s15, $0xb8;
	[tilespmem:$0x14600] =	vst v63  }
0x3a: {  	_ =	swait.ge @!p0 [sflag:s26], $0x5000  }
0x3b: {  	[sflag:s26] =	ssyncset.done @!p0 $0x0  }
0x3c: {  	[sflag:s26] =	ssyncadd.s32 @!p0 $0xFFFFB000  }
0x3d: {  	_ =	swait.ge @!p0 [sflag:s26], $0x5000  }
0x3e: {  	[sflag:s26] =	ssyncset.done @!p0 $0x0  }
0x3f: {  	[sflag:s26] =	ssyncadd.s32 @!p0 $0xFFFFB000  }
0x40: {  	_ =	swait.ge @!p0 [sflag:s26], $0xA0  }
0x41: {  	s8 =	rddreg [dreg:$0x5];
	[sflag:s26] =	ssyncset.done @!p0 $0x0  }
0x42: {  	[sflag:s26] =	ssyncadd.s32 @!p0 $0xFFFFFF60;
	s0 =	sadd.s32 $0x0, s8  }
0x43: {  	[tilespmem:s16], [sflag:$0x4] =	stream.linear.gather [hbm4b:s0+s3], $0xA0, $0x38;
	[tilespmem:$0x14600] =	vst v63  }
0x44: {  	_ =	swait.ge [sflag:s9], $0xA0  }
0x45: {  	s26 =	rddreg [dreg:$0x4];
	[sflag:s9] =	ssyncset.done $0x0  }
0x46: {  	[sflag:s9] =	ssyncadd.s32 $0xFFFFFF60;
	s0 =	sadd.s32 $0x0, s26  }
0x47: {  	[tilespmem:s17], [sflag:$0x4] =	stream.linear.gather [hbm4b:s0+s3], $0xA0, $0x38;
	[tilespmem:$0x14600] =	vst v63  }
0x48: {  	_ =	swait.ge [sflag:s9], $0xA0  }
0x49: {  	[sflag:s9] =	ssyncset.done $0x0  }
0x4a: {  	[sflag:s9] =	ssyncadd.s32 $0xFFFFFF60  }
0x4b: {  	[tilespmem:s18], [sflag:$0x1] =	stream.indirect.gather [hbm4b:s2+s11], $0x80, s16, s11, $0xb8;
	[tilespmem:$0x14600] =	vst v63  }
0x4c: {  	_ = 	snop  }
0x4d: {  	[tilespmem:s19], [sflag:$0x1] =	stream.indirect.gather [hbm4b:s4+s11], $0x80, s16, s11, $0xb8;
	[tilespmem:$0x14600] =	vst v63  }
0x4e: {  	s0 =	rddreg [dreg:$0x10]  }
0x4f: {  	[tilespmem:s20], [sflag:$0x1] =	stream.indirect.gather [hbm4b:s5+s11], $0x1, s17, s11, $0xb8;
	[tilespmem:$0x14600] =	vst v63  }
0x50: {  	s31 =	rddreg [dreg:$0xd]  }
0x51: {  	[tilespmem:s31], [sflag:$0x1] =	stream.indirect.gather [hbm4b:s2+s15], $0x80, s21, s15, $0xb8;
	[tilespmem:$0x14600] =	vst v63  }
0x52: {  	s6 =	rddreg [dreg:$0xe]  }
0x53: {  	[tilespmem:s6], [sflag:$0x1] =	stream.indirect.gather [hbm4b:s4+s15], $0x80, s21, s15, $0xb8;
	[tilespmem:$0x14600] =	vst v63  }
0x54: {  	s8 =	rddreg [dreg:$0xf]  }
0x55: {  	[tilespmem:s0], [sflag:$0x1] =	stream.indirect.gather [hbm4b:s5+s15], $0x1, s8, s15, $0xb8;
	[tilespmem:$0x14600] =	vst v63  }
0x56: {  	_ =	swait.ge [sflag:s22], $0x4000  }
0x57: {  	[sflag:s22] =	ssyncset.done $0x0  }
0x58: {  	[sflag:s22] =	ssyncadd.s32 $0xFFFFC000  }
0x59: {  	_ =	swait.ge [sflag:s22], $0x4000  }
0x5a: {  	[sflag:s22] =	ssyncset.done $0x0  }
0x5b: {  	[sflag:s22] =	ssyncadd.s32 $0xFFFFC000  }
0x5c: {  	_ =	swait.ge [sflag:s22], $0x80  }
0x5d: {  	[sflag:s22] =	ssyncset.done $0x0  }
0x5e: {  	[sflag:s22] =	ssyncadd.s32 $0xFFFFFF80  }
0x5f: {  	_ =	swait.ge [sflag:s22], $0x1000  }
0x60: {  	[sflag:s22] =	ssyncset.done $0x0  }
0x61: {  	[sflag:s22] =	ssyncadd.s32 $0xFFFFF000  }
0x62: {  	_ =	swait.ge [sflag:s22], $0x1000  }
0x63: {  	[sflag:s22] =	ssyncset.done $0x0  }
0x64: {  	[sflag:s22] =	ssyncadd.s32 $0xFFFFF000  }
0x65: {  	_ =	swait.ge [sflag:s22], $0x20  }
0x66: {  	[sflag:s22] =	ssyncset.done $0x0  }
0x67: {  	s26 =	sadd.s32 $0xFFFFF600, s7;
	s6 =	rddreg [dreg:$0x12];
	[sflag:s22] =	ssyncadd.s32 $0xFFFFFFE0  }
0x68: {  	[hbm4b:s26+s3] =	stream.linear.scatter [tilespmem:s12], [sflag:$0x2], $0x5000, $0x38;
	[tilespmem:$0x14600] =	vst v63  }
0x69: {  	s31 =	rddreg [dreg:$0x6];
	s8 =	sadd.s32 $0xFFFFF600, s6  }
0x6a: {  	[hbm4b:s8+s3] =	stream.linear.scatter [tilespmem:s13], [sflag:$0x2], $0x5000, $0x38;
	[tilespmem:$0x14600] =	vst v63  }
0x6b: {  	s26 =	sadd.s32 $0x0, s31  }
0x6c: {  	[hbm4b:s26+s3] =	stream.linear.scatter [tilespmem:s14], [sflag:$0x2], $0xA0, $0x38;
	[tilespmem:$0x14600] =	vst v63  }
0x6d: {  	_ =	swait.ge [sflag:s22], $0x4000  }
0x6e: {  	[sflag:s22] =	ssyncset.done $0x0  }
0x6f: {  	[sflag:s22] =	ssyncadd.s32 $0xFFFFC000  }
0x70: {  	_ =	swait.ge [sflag:s22], $0x4000  }
0x71: {  	[sflag:s22] =	ssyncset.done $0x0  }
0x72: {  	[sflag:s22] =	ssyncadd.s32 $0xFFFFC000  }
0x73: {  	_ =	swait.ge [sflag:s22], $0x80  }
0x74: {  	[sflag:s22] =	ssyncset.done $0x0  }
0x75: {  	[sflag:s22] =	ssyncadd.s32 $0xFFFFFF80  }
0x76: {  	_ =	swait.ge [sflag:s22], $0x1000  }
0x77: {  	[sflag:s22] =	ssyncset.done $0x0  }
0x78: {  	[sflag:s22] =	ssyncadd.s32 $0xFFFFF000  }
0x79: {  	_ =	swait.ge [sflag:s22], $0x1000  }
0x7a: {  	[sflag:s22] =	ssyncset.done $0x0  }
0x7b: {  	[sflag:s22] =	ssyncadd.s32 $0xFFFFF000  }
0x7c: {  	_ =	swait.ge [sflag:s22], $0x20  }
0x7d: {  	s30 =	simm.s32 $0x50;
	p1 =	por $0x0, $0x0;
	[sflag:s22] =	ssyncset.done $0x0  }
0x7e: {  	s29 =	smov.u32 s7;
	s31 =	rddreg [dreg:$0x3];
	[sflag:s22] =	ssyncadd.s32 $0xFFFFFFE0  }
0x7f: {  	[hbm4b:s7+s3] =	stream.linear.scatter [tilespmem:s18], [sflag:$0x3], $0x5000, $0x38;
	[tilespmem:$0x14600] =	vst v63  }
0x80: {  	s28 =	sadd.s32 $0x1400, s6;
	s26 =	simm.s32 $0x28;
	s1 =	sadd.s32 $0x0, s31  }
0x81: {  	[hbm4b:s6+s3] =	stream.linear.scatter [tilespmem:s19], [sflag:$0x3], $0x5000, $0x38;
	[tilespmem:$0x14600] =	vst v63  }
.LBB2_2:
0x82: {  	s6 =	simm.s32 @!p1 $0x2  }
0x83: {  	[hbm4b:s1+s3] =	stream.linear.scatter [tilespmem:s20], [sflag:$0x3], $0xA0, $0x38;
	[tilespmem:$0x14600] =	vst v63  }
0x84: {  	_ =	swait.ge @!p1 [sflag:s6], $0x5000  }
0x85: {  	[sflag:s6] =	ssyncset.done @!p1 $0x0  }
0x86: {  	[sflag:s6] =	ssyncadd.s32 @!p1 $0xFFFFB000  }
0x87: {  	_ =	swait.ge @!p1 [sflag:s6], $0x5000  }
0x88: {  	[sflag:s6] =	ssyncset.done @!p1 $0x0  }
0x89: {  	[sflag:s6] =	ssyncadd.s32 @!p1 $0xFFFFB000  }
0x8a: {  	_ =	swait.ge @!p1 [sflag:s6], $0xA0  }
0x8b: {  	s31 =	smov.u32 s26;
	[sflag:s6] =	ssyncset.done @!p1 $0x0;
	s8 =	rddreg [dreg:$0x8]  }
0x8c: {  	[sflag:s6] =	ssyncadd.s32 @!p1 $0xFFFFFF60;
	s1 =	sadd.s32 s31, s8  }
0x8d: {  	[tilespmem:s3], [sflag:$0x4] =	stream.linear.gather [hbm4b:s1+s3], $0xA0, $0x38;
	[tilespmem:$0x14600] =	vst v63  }
0x8e: {  	_ =	swait.ge [sflag:s9], $0xA0  }
0x8f: {  	s8 =	rddreg [dreg:$0x7];
	[sflag:s9] =	ssyncset.done $0x0  }
0x90: {  	[sflag:s9] =	ssyncadd.s32 $0xFFFFFF60;
	s1 =	sadd.s32 s31, s8  }
0x91: {  	[tilespmem:s10], [sflag:$0x4] =	stream.linear.gather [hbm4b:s1+s3], $0xA0, $0x38;
	[tilespmem:$0x14600] =	vst v63  }
0x92: {  	_ =	swait.ge [sflag:s9], $0xA0  }
0x93: {  	[sflag:s9] =	ssyncset.done $0x0  }
0x94: {  	[sflag:s9] =	ssyncadd.s32 $0xFFFFFF60  }
0x95: {  	[tilespmem:s12], [sflag:$0x1] =	stream.indirect.gather [hbm4b:s2+s11], $0x80, s3, s11, $0xb8;
	[tilespmem:$0x14600] =	vst v63  }
0x96: {  	_ = 	snop  }
0x97: {  	[tilespmem:s13], [sflag:$0x1] =	stream.indirect.gather [hbm4b:s4+s11], $0x80, s3, s11, $0xb8;
	[tilespmem:$0x14600] =	vst v63  }
0x98: {  	s1 =	rddreg [dreg:$0xc]  }
0x99: {  	[tilespmem:s14], [sflag:$0x1] =	stream.indirect.gather [hbm4b:s5+s11], $0x1, s10, s11, $0xb8;
	[tilespmem:$0x14600] =	vst v63  }
0x9a: {  	s6 =	rddreg [dreg:$0x9]  }
0x9b: {  	[tilespmem:s6], [sflag:$0x1] =	stream.indirect.gather [hbm4b:s2+s15], $0x80, s11, s15, $0xb8;
	[tilespmem:$0x14600] =	vst v63  }
0x9c: {  	s8 =	rddreg [dreg:$0xa]  }
0x9d: {  	[tilespmem:s8], [sflag:$0x1] =	stream.indirect.gather [hbm4b:s4+s15], $0x80, s11, s15, $0xb8;
	[tilespmem:$0x14600] =	vst v63  }
0x9e: {  	s6 =	rddreg [dreg:$0xb];
	s8 =	simm.s32 @!p1 $0x3  }
0x9f: {  	[tilespmem:s1], [sflag:$0x1] =	stream.indirect.gather [hbm4b:s5+s15], $0x1, s6, s15, $0xb8;
	[tilespmem:$0x14600] =	vst v63  }
0xa0: {  	_ =	swait.ge @!p1 [sflag:s8], $0x5000  }
0xa1: {  	[sflag:s8] =	ssyncset.done @!p1 $0x0  }
0xa2: {  	[sflag:s8] =	ssyncadd.s32 @!p1 $0xFFFFB000  }
0xa3: {  	_ =	swait.ge @!p1 [sflag:s8], $0x5000  }
0xa4: {  	[sflag:s8] =	ssyncset.done @!p1 $0x0  }
0xa5: {  	[sflag:s8] =	ssyncadd.s32 @!p1 $0xFFFFB000  }
0xa6: {  	_ =	swait.ge @!p1 [sflag:s8], $0xA0  }
0xa7: {  	s6 =	rddreg [dreg:$0x5];
	[sflag:s8] =	ssyncset.done @!p1 $0x0  }
0xa8: {  	[sflag:s8] =	ssyncadd.s32 @!p1 $0xFFFFFF60;
	s1 =	sadd.s32 s31, s6  }
0xa9: {  	[tilespmem:s16], [sflag:$0x4] =	stream.linear.gather [hbm4b:s1+s3], $0xA0, $0x38;
	[tilespmem:$0x14600] =	vst v63  }
0xaa: {  	_ =	swait.ge [sflag:s9], $0xA0  }
0xab: {  	s6 =	rddreg [dreg:$0x4];
	[sflag:s9] =	ssyncset.done $0x0  }
0xac: {  	[sflag:s9] =	ssyncadd.s32 $0xFFFFFF60;
	s1 =	sadd.s32 s31, s6  }
0xad: {  	[tilespmem:s17], [sflag:$0x4] =	stream.linear.gather [hbm4b:s1+s3], $0xA0, $0x38;
	[tilespmem:$0x14600] =	vst v63  }
0xae: {  	_ =	swait.ge [sflag:s9], $0xA0  }
0xaf: {  	[sflag:s9] =	ssyncset.done $0x0  }
0xb0: {  	[sflag:s9] =	ssyncadd.s32 $0xFFFFFF60  }
0xb1: {  	[tilespmem:s18], [sflag:$0x1] =	stream.indirect.gather [hbm4b:s2+s11], $0x80, s16, s11, $0xb8;
	[tilespmem:$0x14600] =	vst v63  }
0xb2: {  	_ = 	snop  }
0xb3: {  	[tilespmem:s19], [sflag:$0x1] =	stream.indirect.gather [hbm4b:s4+s11], $0x80, s16, s11, $0xb8;
	[tilespmem:$0x14600] =	vst v63  }
0xb4: {  	s1 =	rddreg [dreg:$0x10]  }
0xb5: {  	[tilespmem:s20], [sflag:$0x1] =	stream.indirect.gather [hbm4b:s5+s11], $0x1, s17, s11, $0xb8;
	[tilespmem:$0x14600] =	vst v63  }
0xb6: {  	s6 =	rddreg [dreg:$0xd]  }
0xb7: {  	[tilespmem:s6], [sflag:$0x1] =	stream.indirect.gather [hbm4b:s2+s15], $0x80, s21, s15, $0xb8;
	[tilespmem:$0x14600] =	vst v63  }
0xb8: {  	s8 =	rddreg [dreg:$0xe]  }
0xb9: {  	[tilespmem:s8], [sflag:$0x1] =	stream.indirect.gather [hbm4b:s4+s15], $0x80, s21, s15, $0xb8;
	[tilespmem:$0x14600] =	vst v63  }
0xba: {  	s6 =	rddreg [dreg:$0xf]  }
0xbb: {  	[tilespmem:s1], [sflag:$0x1] =	stream.indirect.gather [hbm4b:s5+s15], $0x1, s6, s15, $0xb8;
	[tilespmem:$0x14600] =	vst v63  }
0xbc: {  	_ =	swait.ge [sflag:s22], $0x4000  }
0xbd: {  	[sflag:s22] =	ssyncset.done $0x0  }
0xbe: {  	[sflag:s22] =	ssyncadd.s32 $0xFFFFC000  }
0xbf: {  	_ =	swait.ge [sflag:s22], $0x4000  }
0xc0: {  	[sflag:s22] =	ssyncset.done $0x0  }
0xc1: {  	[sflag:s22] =	ssyncadd.s32 $0xFFFFC000  }
0xc2: {  	_ =	swait.ge [sflag:s22], $0x80  }
0xc3: {  	[sflag:s22] =	ssyncset.done $0x0  }
0xc4: {  	[sflag:s22] =	ssyncadd.s32 $0xFFFFFF80  }
0xc5: {  	_ =	swait.ge [sflag:s22], $0x1000  }
0xc6: {  	[sflag:s22] =	ssyncset.done $0x0  }
0xc7: {  	[sflag:s22] =	ssyncadd.s32 $0xFFFFF000  }
0xc8: {  	_ =	swait.ge [sflag:s22], $0x1000  }
0xc9: {  	[sflag:s22] =	ssyncset.done $0x0  }
0xca: {  	[sflag:s22] =	ssyncadd.s32 $0xFFFFF000  }
0xcb: {  	_ =	swait.ge [sflag:s22], $0x20  }
0xcc: {  	s29 =	sadd.s32 $0x1400, s29;
	[sflag:s22] =	ssyncset.done $0x0  }
0xcd: {  	s8 =	sadd.s32 $0xFFFFF600, s29;
	[sflag:s22] =	ssyncadd.s32 $0xFFFFFFE0  }
0xce: {  	[hbm4b:s8+s3] =	stream.linear.scatter [tilespmem:s12], [sflag:$0x2], $0x5000, $0x38;
	[tilespmem:$0x14600] =	vst v63  }
0xcf: {  	s6 =	rddreg [dreg:$0x6];
	s8 =	sadd.s32 $0xFFFFF600, s28  }
0xd0: {  	[hbm4b:s8+s3] =	stream.linear.scatter [tilespmem:s13], [sflag:$0x2], $0x5000, $0x38;
	[tilespmem:$0x14600] =	vst v63  }
0xd1: {  	s6 =	sadd.s32 s31, s6  }
0xd2: {  	[hbm4b:s6+s3] =	stream.linear.scatter [tilespmem:s14], [sflag:$0x2], $0xA0, $0x38;
	[tilespmem:$0x14600] =	vst v63  }
0xd3: {  	_ =	swait.ge [sflag:s22], $0x4000  }
0xd4: {  	[sflag:s22] =	ssyncset.done $0x0  }
0xd5: {  	[sflag:s22] =	ssyncadd.s32 $0xFFFFC000  }
0xd6: {  	_ =	swait.ge [sflag:s22], $0x4000  }
0xd7: {  	[sflag:s22] =	ssyncset.done $0x0  }
0xd8: {  	[sflag:s22] =	ssyncadd.s32 $0xFFFFC000  }
0xd9: {  	_ =	swait.ge [sflag:s22], $0x80  }
0xda: {  	[sflag:s22] =	ssyncset.done $0x0  }
0xdb: {  	[sflag:s22] =	ssyncadd.s32 $0xFFFFFF80  }
0xdc: {  	_ =	swait.ge [sflag:s22], $0x1000  }
0xdd: {  	[sflag:s22] =	ssyncset.done $0x0  }
0xde: {  	[sflag:s22] =	ssyncadd.s32 $0xFFFFF000  }
0xdf: {  	_ =	swait.ge [sflag:s22], $0x1000  }
0xe0: {  	[sflag:s22] =	ssyncset.done $0x0  }
0xe1: {  	s26 =	smov.u32 s30;
	s30 =	sadd.s32 $0x28, s30;
	[sflag:s22] =	ssyncadd.s32 $0xFFFFF000  }
0xe2: {  	p0 =	sne.s32 s30, $0x280;
	_ =	swait.ge [sflag:s22], $0x20  }
.Ltmp0:
0xe3: {  	[sflag:s22] =	ssyncset.done $0x0;
	(pc) =	sbr.rel @p0 .LBB2_2-.Ltmp0, $4  }
0xe4: {  	s0 =	smov.u32 s28;
	s8 =	rddreg [dreg:$0x3];
	[sflag:s22] =	ssyncadd.s32 $0xFFFFFFE0  }
0xe5: {  	[hbm4b:s29+s3] =	stream.linear.scatter [tilespmem:s18], [sflag:$0x3], $0x5000, $0x38;
	[tilespmem:$0x14600] =	vst v63  }
0xe6: {  	p1 =	seq.s32 s26, $0x0;
	s28 =	sadd.s32 $0x1400, s28;
	s1 =	sadd.s32 s31, s8  }
0xe7: {  	[hbm4b:s0+s3] =	stream.linear.scatter [tilespmem:s19], [sflag:$0x3], $0x5000, $0x38;
	[tilespmem:$0x14600] =	vst v63  }
0xe8: {  	s0 =	simm.s32 @!p1 $0x2  }
0xe9: {  	[hbm4b:s1+s3] =	stream.linear.scatter [tilespmem:s20], [sflag:$0x3], $0xA0, $0x38;
	[tilespmem:$0x14600] =	vst v63  }
0xea: {  	_ =	swait.ge @!p1 [sflag:s0], $0x5000  }
0xeb: {  	[sflag:s0] =	ssyncset.done @!p1 $0x0  }
0xec: {  	[sflag:s0] =	ssyncadd.s32 @!p1 $0xFFFFB000  }
0xed: {  	_ =	swait.ge @!p1 [sflag:s0], $0x5000  }
0xee: {  	[sflag:s0] =	ssyncset.done @!p1 $0x0  }
0xef: {  	[sflag:s0] =	ssyncadd.s32 @!p1 $0xFFFFB000  }
0xf0: {  	_ =	swait.ge @!p1 [sflag:s0], $0xA0  }
0xf1: {  	s31 =	rddreg [dreg:$0x8];
	[sflag:s0] =	ssyncset.done @!p1 $0x0  }
0xf2: {  	[sflag:s0] =	ssyncadd.s32 @!p1 $0xFFFFFF60;
	s1 =	sadd.s32 s26, s31  }
0xf3: {  	[tilespmem:s3], [sflag:$0x4] =	stream.linear.gather [hbm4b:s1+s3], $0xA0, $0x38;
	[tilespmem:$0x14600] =	vst v63  }
0xf4: {  	_ =	swait.ge [sflag:s9], $0xA0  }
0xf5: {  	s6 =	rddreg [dreg:$0x7];
	[sflag:s9] =	ssyncset.done $0x0  }
0xf6: {  	[sflag:s9] =	ssyncadd.s32 $0xFFFFFF60;
	s0 =	sadd.s32 s26, s6  }
0xf7: {  	[tilespmem:s10], [sflag:$0x4] =	stream.linear.gather [hbm4b:s0+s3], $0xA0, $0x38;
	[tilespmem:$0x14600] =	vst v63  }
0xf8: {  	_ =	swait.ge [sflag:s9], $0xA0  }
0xf9: {  	[sflag:s9] =	ssyncset.done $0x0  }
0xfa: {  	[sflag:s9] =	ssyncadd.s32 $0xFFFFFF60  }
0xfb: {  	[tilespmem:s12], [sflag:$0x1] =	stream.indirect.gather [hbm4b:s2+s11], $0x80, s3, s11, $0xb8;
	[tilespmem:$0x14600] =	vst v63  }
0xfc: {  	_ = 	snop  }
0xfd: {  	[tilespmem:s13], [sflag:$0x1] =	stream.indirect.gather [hbm4b:s4+s11], $0x80, s3, s11, $0xb8;
	[tilespmem:$0x14600] =	vst v63  }
0xfe: {  	s8 =	rddreg [dreg:$0xc]  }
0xff: {  	[tilespmem:s14], [sflag:$0x1] =	stream.indirect.gather [hbm4b:s5+s11], $0x1, s10, s11, $0xb8;
	[tilespmem:$0x14600] =	vst v63  }
0x100: {  	s30 =	rddreg [dreg:$0x9]  }
0x101: {  	[tilespmem:s30], [sflag:$0x1] =	stream.indirect.gather [hbm4b:s2+s15], $0x80, s11, s15, $0xb8;
	[tilespmem:$0x14600] =	vst v63  }
0x102: {  	s6 =	rddreg [dreg:$0xa]  }
0x103: {  	[tilespmem:s6], [sflag:$0x1] =	stream.indirect.gather [hbm4b:s4+s15], $0x80, s11, s15, $0xb8;
	[tilespmem:$0x14600] =	vst v63  }
0x104: {  	s31 =	rddreg [dreg:$0xb];
	s6 =	simm.s32 @!p1 $0x3  }
0x105: {  	[tilespmem:s8], [sflag:$0x1] =	stream.indirect.gather [hbm4b:s5+s15], $0x1, s31, s15, $0xb8;
	[tilespmem:$0x14600] =	vst v63  }
0x106: {  	_ =	swait.ge @!p1 [sflag:s6], $0x5000  }
0x107: {  	[sflag:s6] =	ssyncset.done @!p1 $0x0  }
0x108: {  	[sflag:s6] =	ssyncadd.s32 @!p1 $0xFFFFB000  }
0x109: {  	_ =	swait.ge @!p1 [sflag:s6], $0x5000  }
0x10a: {  	[sflag:s6] =	ssyncset.done @!p1 $0x0  }
0x10b: {  	[sflag:s6] =	ssyncadd.s32 @!p1 $0xFFFFB000  }
0x10c: {  	_ =	swait.ge @!p1 [sflag:s6], $0xA0  }
0x10d: {  	s1 =	rddreg [dreg:$0x5];
	[sflag:s6] =	ssyncset.done @!p1 $0x0  }
0x10e: {  	[sflag:s6] =	ssyncadd.s32 @!p1 $0xFFFFFF60;
	s0 =	sadd.s32 s26, s1  }
0x10f: {  	[tilespmem:s16], [sflag:$0x4] =	stream.linear.gather [hbm4b:s0+s3], $0xA0, $0x38;
	[tilespmem:$0x14600] =	vst v63  }
0x110: {  	_ =	swait.ge [sflag:s9], $0xA0  }
0x111: {  	s8 =	rddreg [dreg:$0x4];
	[sflag:s9] =	ssyncset.done $0x0  }
0x112: {  	[sflag:s9] =	ssyncadd.s32 $0xFFFFFF60;
	s0 =	sadd.s32 s26, s8  }
0x113: {  	[tilespmem:s17], [sflag:$0x4] =	stream.linear.gather [hbm4b:s0+s3], $0xA0, $0x38;
	[tilespmem:$0x14600] =	vst v63  }
0x114: {  	_ =	swait.ge [sflag:s9], $0xA0  }
0x115: {  	[sflag:s9] =	ssyncset.done $0x0  }
0x116: {  	[sflag:s9] =	ssyncadd.s32 $0xFFFFFF60  }
0x117: {  	[tilespmem:s18], [sflag:$0x1] =	stream.indirect.gather [hbm4b:s2+s11], $0x80, s16, s11, $0xb8;
	[tilespmem:$0x14600] =	vst v63  }
0x118: {  	_ = 	snop  }
0x119: {  	[tilespmem:s19], [sflag:$0x1] =	stream.indirect.gather [hbm4b:s4+s11], $0x80, s16, s11, $0xb8;
	[tilespmem:$0x14600] =	vst v63  }
0x11a: {  	s0 =	rddreg [dreg:$0x10]  }
0x11b: {  	[tilespmem:s20], [sflag:$0x1] =	stream.indirect.gather [hbm4b:s5+s11], $0x1, s17, s11, $0xb8;
	[tilespmem:$0x14600] =	vst v63  }
0x11c: {  	s30 =	rddreg [dreg:$0xd]  }
0x11d: {  	[tilespmem:s30], [sflag:$0x1] =	stream.indirect.gather [hbm4b:s2+s15], $0x80, s21, s15, $0xb8;
	[tilespmem:$0x14600] =	vst v63  }
0x11e: {  	s31 =	rddreg [dreg:$0xe]  }
0x11f: {  	[tilespmem:s31], [sflag:$0x1] =	stream.indirect.gather [hbm4b:s4+s15], $0x80, s21, s15, $0xb8;
	[tilespmem:$0x14600] =	vst v63  }
0x120: {  	s8 =	rddreg [dreg:$0xf]  }
0x121: {  	[tilespmem:s0], [sflag:$0x1] =	stream.indirect.gather [hbm4b:s5+s15], $0x1, s8, s15, $0xb8;
	[tilespmem:$0x14600] =	vst v63  }
0x122: {  	_ =	swait.ge [sflag:s22], $0x4000  }
0x123: {  	[sflag:s22] =	ssyncset.done $0x0  }
0x124: {  	[sflag:s22] =	ssyncadd.s32 $0xFFFFC000  }
0x125: {  	_ =	swait.ge [sflag:s22], $0x4000  }
0x126: {  	[sflag:s22] =	ssyncset.done $0x0  }
0x127: {  	[sflag:s22] =	ssyncadd.s32 $0xFFFFC000  }
0x128: {  	_ =	swait.ge [sflag:s22], $0x80  }
0x129: {  	[sflag:s22] =	ssyncset.done $0x0  }
0x12a: {  	[sflag:s22] =	ssyncadd.s32 $0xFFFFFF80  }
0x12b: {  	_ =	swait.ge [sflag:s22], $0x1000  }
0x12c: {  	[sflag:s22] =	ssyncset.done $0x0  }
0x12d: {  	[sflag:s22] =	ssyncadd.s32 $0xFFFFF000  }
0x12e: {  	_ =	swait.ge [sflag:s22], $0x1000  }
0x12f: {  	[sflag:s22] =	ssyncset.done $0x0  }
0x130: {  	[sflag:s22] =	ssyncadd.s32 $0xFFFFF000  }
0x131: {  	_ =	swait.ge [sflag:s22], $0x20  }
0x132: {  	s0 =	sadd.s32 $0x1400, s29;
	[sflag:s22] =	ssyncset.done $0x0  }
0x133: {  	s30 =	sadd.s32 $0xFFFFF600, s0;
	[sflag:s22] =	ssyncadd.s32 $0xFFFFFFE0  }
0x134: {  	[hbm4b:s30+s3] =	stream.linear.scatter [tilespmem:s12], [sflag:$0x2], $0x5000, $0x38;
	[tilespmem:$0x14600] =	vst v63  }
0x135: {  	s8 =	sadd.s32 $0xFFFFF600, s28;
	s31 =	rddreg [dreg:$0x6]  }
0x136: {  	[hbm4b:s8+s3] =	stream.linear.scatter [tilespmem:s13], [sflag:$0x2], $0x5000, $0x38;
	[tilespmem:$0x14600] =	vst v63  }
0x137: {  	s29 =	sadd.s32 s26, s31  }
0x138: {  	[hbm4b:s29+s3] =	stream.linear.scatter [tilespmem:s14], [sflag:$0x2], $0xA0, $0x38;
	[tilespmem:$0x14600] =	vst v63  }
0x139: {  	_ =	swait.ge [sflag:s22], $0x4000  }
0x13a: {  	[sflag:s22] =	ssyncset.done $0x0  }
0x13b: {  	[sflag:s22] =	ssyncadd.s32 $0xFFFFC000  }
0x13c: {  	_ =	swait.ge [sflag:s22], $0x4000  }
0x13d: {  	[sflag:s22] =	ssyncset.done $0x0  }
0x13e: {  	[sflag:s22] =	ssyncadd.s32 $0xFFFFC000  }
0x13f: {  	_ =	swait.ge [sflag:s22], $0x80  }
0x140: {  	[sflag:s22] =	ssyncset.done $0x0  }
0x141: {  	[sflag:s22] =	ssyncadd.s32 $0xFFFFFF80  }
0x142: {  	_ =	swait.ge [sflag:s22], $0x1000  }
0x143: {  	[sflag:s22] =	ssyncset.done $0x0  }
0x144: {  	[sflag:s22] =	ssyncadd.s32 $0xFFFFF000  }
0x145: {  	_ =	swait.ge [sflag:s22], $0x1000  }
0x146: {  	[sflag:s22] =	ssyncset.done $0x0  }
0x147: {  	[sflag:s22] =	ssyncadd.s32 $0xFFFFF000  }
0x148: {  	_ =	swait.ge [sflag:s22], $0x20  }
0x149: {  	[sflag:s22] =	ssyncset.done $0x0  }
0x14a: {  	[sflag:s22] =	ssyncadd.s32 $0xFFFFFFE0  }
0x14b: {  	[hbm4b:s0+s3] =	stream.linear.scatter [tilespmem:s18], [sflag:$0x3], $0x5000, $0x38;
	[tilespmem:$0x14600] =	vst v63  }
0x14c: {  	s30 =	rddreg [dreg:$0x3]  }
0x14d: {  	[hbm4b:s28+s3] =	stream.linear.scatter [tilespmem:s19], [sflag:$0x3], $0x5000, $0x38;
	[tilespmem:$0x14600] =	vst v63  }
0x14e: {  	s0 =	sadd.s32 s26, s30  }
0x14f: {  	[hbm4b:s0+s3] =	stream.linear.scatter [tilespmem:s20], [sflag:$0x3], $0xA0, $0x38;
	[tilespmem:$0x14600] =	vst v63  }
0x150: {  	_ =	swait.ge [sflag:s23], $0x5000  }
0x151: {  	[sflag:s23] =	ssyncset.done $0x0  }
0x152: {  	[sflag:s23] =	ssyncadd.s32 $0xFFFFB000  }
0x153: {  	_ =	swait.ge [sflag:s23], $0x5000  }
0x154: {  	[sflag:s23] =	ssyncset.done $0x0  }
0x155: {  	[sflag:s23] =	ssyncadd.s32 $0xFFFFB000  }
0x156: {  	_ =	swait.ge [sflag:s23], $0xA0  }
0x157: {  	[sflag:s23] =	ssyncset.done $0x0  }
0x158: {  	[sflag:s23] =	ssyncadd.s32 $0xFFFFFF60  }
0x159: {  	_ =	swait.ge [sflag:s24], $0x5000  }
0x15a: {  	[sflag:s24] =	ssyncset.done $0x0  }
0x15b: {  	[sflag:s24] =	ssyncadd.s32 $0xFFFFB000  }
0x15c: {  	_ =	swait.ge [sflag:s24], $0x5000  }
0x15d: {  	[sflag:s24] =	ssyncset.done $0x0  }
0x15e: {  	[sflag:s24] =	ssyncadd.s32 $0xFFFFB000  }
0x15f: {  	_ =	swait.ge [sflag:s24], $0xA0  }
0x160: {  	s25 =	sadd.s32 $0x1, s25;
	s31 =	rddreg [dreg:$0x11]  }
0x161: {  	p0 =	sne.s32 s25, s31  }
.Ltmp1:
0x162: {  	_ = 	snop;
	(pc) =	sbr.rel @p0 .LBB2_1-.Ltmp1, $3  }
0x163: {  	_ =	sdelay $0x1  }
0x164: {  	[sflag:s24] =	ssyncset.done $0x0  }
0x165: {  	[sflag:s24] =	ssyncadd.s32 $0xFFFFFF60  }
0x166: {  	_ =	sfence.sel $0x180000  }
0x167: {  	[bflag:$0x0] =	sbarrier.arrive $0xFFFF  }
0x168: {  	_ =	strace $0x9000004D  }
0x169: {  	s0 =	stileid.u32;
	[bflag:$0x2] =	sbarrier.arrive $0xFFFF  }
0x16a: {  	p0 =	sne.s32 s0, $0x0;
	s0 =	rddreg [dreg:$0x2]  }
0x16b: {  	s0 =	sadd.s32 @!p0 $0x100000, s0  }
0x16c: {  	[sflag:s0] =	ssyncadd.tile.s32 @!p0 $0x1;
	_ =	shalt  }
.Lfunc_end2:
_tile_overlayer_lowered:
.L_overlay_start_2:
0x16d: {  	(tag) =	ssettag $0x2  }
0x16e: {  	s0 =	rddreg [dreg:$0x0];
	s2 =	stileid.u32  }
0x16f: {  	s1 =	rddreg [dreg:$0x1];
	p0 =	sne.s32 s2, $0x0  }
0x170: {  	s3 =	rddreg [dreg:$0x2];
	[bflag:$0x3] =	sbarrier.arrive $0xFFFF;
	s2 =	simm.s32 @!p0 $0x1C04  }
0x171: {  	[timem:s3], [sflag:s2] =	dma.local @!p0 [hbm:s0], s1  }
0x172: {  	s0 =	simm.s32 @!p0 $0x4  }
0x173: {  	_ =	swait.ge @!p0 [sflag:s0], s1  }
0x174: {  	s1 =	ssub.s32 @!p0 $0x0, s1;
	[sflag:s0] =	ssyncset.done @!p0 $0x0  }
0x175: {  	[sflag:s0] =	ssyncadd.s32 @!p0 s1  }
0x176: {  	[bflag:$0x3] =	sbarrier.arrive $0xFFFF  }
0x177: {  	_ =	shalt  }

// kernel: kernel.21.cloned.1.call-start
scs
__scs_entry_jumppad:
0x0: {  	(pc) =	sbr.rel $0x88, $3  }
0x1: {  	(tag) =	ssettag $0x0;
	lr =	simm.s32 $0x1  }
0x2: {  	[smem:$0x3F90] =	sst lr;
	_ =	strace $0xD0000000  }
0x3: {  	_ = 	snop  }
0x4: {  	_ = 	snop  }
0x5: {  	_ = 	snop  }
0x6: {  	_ = 	snop  }
0x7: {  	_ = 	snop  }
__scs_overlays_trampoline_lowered:
0x8: {  	[smem:$0x3F9F] =	sst s0  }
0x9: {  	[smem:$0x3FA0] =	sst s1  }
0xa: {  	[smem:$0x3FA1] =	sst s2  }
0xb: {  	[smem:$0x3FA2] =	sst s3  }
0xc: {  	[smem:$0x3FA3] =	sst s4  }
0xd: {  	[smem:$0x3FA4] =	sst s5  }
0xe: {  	[smem:$0x3FA5] =	sst s6  }
0xf: {  	[smem:$0x3FA6] =	sst s7  }
0x10: {  	[smem:$0x3FA7] =	sst s8  }
0x11: {  	[smem:$0x3FA8] =	sst s9;
	s0 =	simm.s32 @!p0 $0x0  }
0x12: {  	s1 =	sld [smem:$0x3F8E];
	s0 =	simm.s32 @p0 $0x1  }
0x13: {  	[smem:$0x3FA9] =	sst s0;
	s0 =	simm.s32 @!p1 $0x0  }
0x14: {  	s2 =	sld [smem:$0x3F8D];
	s0 =	simm.s32 @p1 $0x1  }
0x15: {  	[smem:$0x3FAA] =	sst s0;
	s0 =	simm.s32 @!p2 $0x0  }
0x16: {  	s3 =	sld [smem:$0x3FDB];
	s0 =	simm.s32 @p2 $0x1  }
0x17: {  	s4 =	simm.s32 $0x1BF5;
	[smem:$0x3FAC] =	sst s0  }
0x18: {  	s0 =	sld [smem:$0x3F8F];
	_ =	swait.ge [sflag:s4], $0x0  }
0x19: {  	s7 =	sld [smem:$0x3F90]  }
0x1a: {  	s8 =	sadd.s32 $0xFFFFE003, lr  }
0x1b: {  	s9 =	sadd.s32 $0xFFFFFEF7, lr;
	s5 =	simm.s32 $0xFFFFFFFF;
	p2 =	slt.u32 s8, $0xFFFFF086  }
0x1c: {  	p1 =	slt.u32 s9, $0xF7A;
	s5 =	simm.s32 @!p2 $0x0  }
0x1d: {  	s5 =	simm.s32 @p1 $0x1;
	p0 =	seq.s32 s7, s2  }
0x1e: {  	s7 =	smul.u32 @!p0 $0xF7A, s2;
	p2 =	seq.s32 @!p0 s5, $0x0  }
0x1f: {  	s9 =	smul.u32 $0xF7A, s1;
	s8 =	simm.s32 @!p0 $0x1BF5;
	p2 =	por !p2, p0  }
0x20: {  	[sflag:s8] =	ssyncset.s32 @!p0 $0xFFFFF086;
	s6 =	sadd.s32 @!p0 s3, s7;
	s7 =	simm.s32 @!p0 $0x108  }
0x21: {  	s3 =	sadd.s32 s3, s9;
	s6 =	sadd.s32 @!p0 $0x88, s6;
	s7 =	simm.s32 @p2 $0x1082  }
0x22: {  	[simem:s7], [sflag:s8] =	dma.local @!p0 [hbm:s6], $0xF7A  }
0x23: {  	s9 =	sor.u32 $0xD0000000, s2;
	s6 =	simm.s32 $0x108;
	_ =	swait.ge @!p0 [sflag:s8], $0x0  }
0x24: {  	s3 =	sadd.s32 $0x88, s3;
	s6 =	simm.s32 @!p1 $0x1082;
	[sflag:s4] =	ssyncset.s32 $0xFFFFF086  }
0x25: {  	[simem:s6], [sflag:s4] =	dma.local [hbm:s3], $0xF7A  }
0x26: {  	[smem:$0x3F90] =	sst s1;
	(tag) =	ssettag s2;
	_ =	strace s9  }
0x27: {  	s1 =	sld [smem:$0x3FA0]  }
0x28: {  	s2 =	sld [smem:$0x3FA1]  }
0x29: {  	s4 =	sld [smem:$0x3FA3]  }
0x2a: {  	p0 =	seq.s32 s5, $0x0;
	s5 =	sld [smem:$0x3FA4]  }
0x2b: {  	s6 =	sld [smem:$0x3FA5]  }
0x2c: {  	s7 =	sld [smem:$0x3FA6]  }
0x2d: {  	s3 =	simm.s32 $0x108;
	s8 =	sld [smem:$0x3FA7]  }
0x2e: {  	s3 =	simm.s32 @!p0 $0x1082;
	s9 =	sld [smem:$0x3FA8]  }
0x2f: {  	lr =	sadd.s32 s0, s3;
	s0 =	sld [smem:$0x3F9F]  }
0x30: {  	s3 =	sld [smem:$0x3FA2]  }
0x31: {  	[smem:$0x3FAB] =	sst s10  }
0x32: {  	s10 =	sld [smem:$0x3FA9];
	_ =	sdelay $0x3  }
0x33: {  	p0 =	seq.s32 s10, $0x1;
	s10 =	sld [smem:$0x3FAB];
	_ =	sdelay $0x3  }
0x34: {  	[smem:$0x3FAB] =	sst s10  }
0x35: {  	s10 =	sld [smem:$0x3FAA];
	_ =	sdelay $0x3  }
0x36: {  	p1 =	seq.s32 s10, $0x1;
	s10 =	sld [smem:$0x3FAB];
	_ =	sdelay $0x3  }
0x37: {  	[smem:$0x3FAB] =	sst s10  }
0x38: {  	s10 =	sld [smem:$0x3FAC]  }
0x39: {  	_ = 	snop;
	(pc) =	sbr.ind lr, $3  }
0x3a: {  	_ = 	snop  }
0x3b: {  	_ = 	snop  }
0x3c: {  	p2 =	seq.s32 s10, $0x1;
	s10 =	sld [smem:$0x3FAB]  }
0x3d: {  	_ =	shalt  }
0x3e: {  	_ =	shalt  }
0x3f: {  	_ =	shalt  }
0x40: {  	_ =	shalt  }
0x41: {  	_ =	shalt  }
0x42: {  	_ =	shalt  }
0x43: {  	_ =	shalt  }
0x44: {  	_ =	shalt  }
0x45: {  	_ =	shalt  }
0x46: {  	_ =	shalt  }
0x47: {  	_ =	shalt  }
0x48: {  	_ =	shalt  }
0x49: {  	_ =	shalt  }
0x4a: {  	_ =	shalt  }
0x4b: {  	_ =	shalt  }
0x4c: {  	_ =	shalt  }
0x4d: {  	_ =	shalt  }
0x4e: {  	_ =	shalt  }
0x4f: {  	_ =	shalt  }
0x50: {  	_ =	shalt  }
0x51: {  	_ =	shalt  }
0x52: {  	_ =	shalt  }
0x53: {  	_ =	shalt  }
0x54: {  	_ =	shalt  }
0x55: {  	_ =	shalt  }
0x56: {  	_ =	shalt  }
0x57: {  	_ =	shalt  }
0x58: {  	_ =	shalt  }
0x59: {  	_ =	shalt  }
0x5a: {  	_ =	shalt  }
0x5b: {  	_ =	shalt  }
0x5c: {  	_ =	shalt  }
0x5d: {  	_ =	shalt  }
0x5e: {  	_ =	shalt  }
0x5f: {  	_ =	shalt  }
0x60: {  	_ =	shalt  }
0x61: {  	_ =	shalt  }
0x62: {  	_ =	shalt  }
0x63: {  	_ =	shalt  }
0x64: {  	_ =	shalt  }
0x65: {  	_ =	shalt  }
0x66: {  	_ =	shalt  }
0x67: {  	_ =	shalt  }
0x68: {  	_ =	shalt  }
0x69: {  	_ =	shalt  }
0x6a: {  	_ =	shalt  }
0x6b: {  	_ =	shalt  }
0x6c: {  	_ =	shalt  }
0x6d: {  	_ =	shalt  }
0x6e: {  	_ =	shalt  }
0x6f: {  	_ =	shalt  }
0x70: {  	_ =	shalt  }
0x71: {  	_ =	shalt  }
0x72: {  	_ =	shalt  }
0x73: {  	_ =	shalt  }
0x74: {  	_ =	shalt  }
0x75: {  	_ =	shalt  }
0x76: {  	_ =	shalt  }
0x77: {  	_ =	shalt  }
0x78: {  	_ =	shalt  }
0x79: {  	_ =	shalt  }
0x7a: {  	_ =	shalt  }
0x7b: {  	_ =	shalt  }
0x7c: {  	_ =	shalt  }
0x7d: {  	_ =	shalt  }
0x7e: {  	_ =	shalt  }
0x7f: {  	_ =	shalt  }
0x80: {  	_ =	shalt  }
0x81: {  	_ =	shalt  }
0x82: {  	_ =	shalt  }
0x83: {  	_ =	shalt  }
0x84: {  	_ =	shalt  }
0x85: {  	_ =	shalt  }
0x86: {  	_ =	shalt  }
0x87: {  	_ =	shalt  }
.Lfunc_end0:
.L_simem_size_0:
called_computation.4_lowered:
.L_overlay_start_0:
0x88: {  	s2 =	sld [smem:$0x3FD9]  }
0x89: {  	s3 =	sld [smem:$0x3FFE];
	_ =	sdelay $0x1  }
0x8a: {  	s1 =	srdreg.scid  }
0x8b: {  	s0 =	sand.u32 $0x1, s1  }
0x8c: {  	s16 =	sshll.u32 s0, $0xA;
	s2 =	sadd.s32 s3, s2  }
0x8d: {  	s2 =	sadd.s32 s2, s16  }
0x8e: {  	[smem:$0x3FB7] =	sst s2  }
0x8f: {  	_ = 	snop  }
0x90: {  	(tm) =	ssettm $0x1  }
0x91: {  	s17 =	sld [smem:$0x3FFB];
	_ =	sdelay $0x3  }
0x92: {  	_ =	strace s17  }
0x93: {  	s2 =	sld [smem:$0x3FFC];
	_ =	sdelay $0x3  }
0x94: {  	_ =	strace s2  }
0x95: {  	s2 =	sld [smem:$0x3FFD];
	_ =	sdelay $0x3  }
0x96: {  	_ =	strace s2  }
0x97: {  	_ =	strace $0x8FFFFFFF  }
0x98: {  	s18 =	sld [smem:$0x3FDB];
	_ =	sdelay $0x1  }
0x99: {  	s19 =	simm.s32 $_scs_section_size  }
0x9a: {  	s4 =	simm.s32 $_size__tile_overlayer_lowered;
	s5 =	simm.s32 $_tile_overlayer_lowered  }
0x9b: {  	s22 =	simm.s32 $0x1BFF;
	s21 =	sshll.u32 s5, $0x1;
	s2 =	sadd.s32 s19, s18  }
0x9c: {  	s6 =	simm.s32 $0x0;
	s20 =	sshll.u32 s4, $0x1;
	s4 =	sadd.s32 s21, s2  }
0x9d: {  	[timem:s6], [sflag:s22] =	dma.local [hbm:s4], s20  }
0x9e: {  	_ =	swait.ge [sflag:s22], s20  }
0x9f: {  	s3 =	ssub.s32 $0x0, s20;
	[sflag:s22] =	ssyncset.done $0x0  }
0xa0: {  	[sflag:s22] =	ssyncadd.s32 s3;
	_ =	sdelay $0x1  }
0xa1: {  	s23 =	simm.s32 $0x1B8B  }
0xa2: {  	_ =	swait.ge [sflag:s23], $0x1  }
0xa3: {  	[sflag:s23] =	ssyncset.done $0x0  }
0xa4: {  	s25 =	simm.s32 $0x1B8E;
	s24 =	sld [smem:$0x3FFE];
	[sflag:s23] =	ssyncadd.s32 $0xFFFFFFFF  }
0xa5: {  	s26 =	simm.s32 $execute0_lowered;
	[smem:$0x3FD2] =	sst s25  }
0xa6: {  	s4 =	sshll.u32 s26, $0x1;
	_ =	strace $0x8000004F;
	[dreg:$0x1] =	wrdreg $0xFFFFFFFF  }
0xa7: {  	s28 =	simm.s32 $_size_execute0_lowered;
	s2 =	sadd.s32 s2, s4;
	[dreg:$0x0] =	wrdreg $0x0  }
0xa8: {  	s4 =	sshll.u32 s28, $0x1;
	[dreg:$0x2] =	wrdreg s2  }
0xa9: {  	[dreg:$0x3] =	wrdreg s4  }
0xaa: {  	[dreg:$0x4] =	wrdreg $0xC0  }
0xab: {  	_ =	task [dreg:s6], $0x5FFFF  }
0xac: {  	[dreg:$0x1] =	wrdreg $0xFFFFFFFF  }
0xad: {  	[dreg:$0x0] =	wrdreg $0x60  }
0xae: {  	[dreg:$0x2] =	wrdreg s24  }
0xaf: {  	[dreg:$0x3] =	wrdreg $0x9  }
0xb0: {  	_ =	task.clear_ibuf [dreg:s6], $0x4FFFF;
	_ =	strace $0x9000004F  }
0xb1: {  	s29 =	simm.s32 $0x9;
	_ =	strace $0x80000051  }
0xb2: {  	_ =	swait.ge [sflag:s29], $0x1  }
0xb3: {  	[sflag:s29] =	ssyncadd.s32 $0xFFFFFFFF  }
0xb4: {  	_ =	strace $0x90000051  }
0xb5: {  	_ =	sfence  }
0xb6: {  	s30 =	sld [smem:$0x0];
	_ =	sdelay $0x2  }
0xb7: {  	s31 =	sshll.u32 s1, $0xD;
	s1 =	sshrl.u32 s1, $0x2  }
0xb8: {  	s3 =	sand.u32 $0x4000, s31;
	s1 =	sadd.s32 s1, s30  }
0xb9: {  	s0 =	sor.u32 s3, s0;
	s1 =	sshll.u32 s1, $0x11  }
0xba: {  	s0 =	sor.u32 s1, s0  }
0xbb: {  	s0 =	sadd.s32 $0x8F2B, s0  }
0xbc: {  	[sflag:s0] =	ssyncadd.remote.s32 $0x1  }
0xbd: {  	_ =	sfence.sel $0xFFFF  }
0xbe: {  	[dreg:$0x0] =	wrdreg $0xFFFFFFFF;
	(pc) =	sbr.abs _section_cstart, $3  }
0xbf: {  	[dreg:$0x1] =	wrdreg $0xFFFFFFFF  }
0xc0: {  	_ =	task.clear_ibuf [dreg:s6], $0x2FFFF;
	_ =	strace $0x9FFFFFFF  }
0xc1: {  	(tm) =	ssettm $0x7FFFFFFF  }
tec
execute0_lowered:
.L_overlay_start_1:
0x0: {  	(tag) =	ssettag $0x1  }
0x1: {  	s0 =	rddreg [dreg:$0x0]  }
0x2: {  	s2 =	simm.s32 $0x0;
	s3 =	srdreg.scid;
	s1 =	stileid.u32  }
0x3: {  	s15 =	simm.s32 $0x4300;
	s16 =	simm.s32 $0x40;
	s17 =	simm.s32 $0x100  }
0x4: {  	s18 =	simm.s32 $0x8300;
	s19 =	simm.s32 $0x180;
	s20 =	simm.s32 $0xA300  }
0x5: {  	s21 =	simm.s32 $0x200;
	s22 =	simm.s32 $0xE300;
	s28 =	simm.s32 $0x3  }
0x6: {  	s29 =	simm.s32 $0x0;
	[smem:$0x7FF] =	sst s2;
	s11 =	smul.u32 $0x2800, s1  }
0x7: {  	s8 =	sand.u32 $0x1, s3;
	s23 =	sshll.u32 s1, $0x1;
	s13 =	smul.u32 $0x28000, s1  }
0x8: {  	s3 =	sadd.s32 $0x4200, s0;
	s9 =	sadd.s32 $0x34C800, s0;
	s12 =	smul.u32 $0x1400, s8  }
0x9: {  	s0 =	sadd.s32 $0x54200, s0;
	s4 =	sor.u32 s8, s23;
	s14 =	smul.u32 $0x14000, s8  }
0xa: {  	_ =	strace $0x80000050;
	s5 =	ssub.s32 $0x2, s8;
	s6 =	smul.u32 $0x1400, s4  }
0xb: {  	s23 =	simm.s32 $0x280;
	s7 =	sshrl.u32 s5, $0x1;
	s24 =	smul.u32 $0x14000, s4  }
0xc: {  	s5 =	ssub.s32 s5, s7;
	s11 =	sadd.s32 s12, s11;
	s12 =	simm.s32 $0x4  }
0xd: {  	s10 =	sor.u32 $0x140, s6;
	s25 =	smax.u32 s5, $0x1;
	s26 =	sshrl.u32 s6, $0x3  }
0xe: {  	s7 =	sadd.s32 s0, s24;
	s31 =	sor.u32 $0x3C0, s11;
	s11 =	sor.u32 $0x280, s11  }
0xf: {  	s24 =	simm.s32 $0x12300;
	[dreg:$0x2] =	wrdreg s25;
	s5 =	sadd.s32 s9, s26  }
0x10: {  	s30 =	sshrl.u32 s10, $0x3;
	s10 =	sshll.u32 s10, $0x4;
	s11 =	sshrl.u32 s11, $0x3  }
0x11: {  	s25 =	simm.s32 $0x1;
	s26 =	simm.s32 $0x2;
	s6 =	sadd.s32 s9, s30  }
0x12: {  	s8 =	sadd.s32 s0, s10;
	s0 =	sadd.s32 s13, s0;
	s10 =	sshrl.u32 s31, $0x3  }
0x13: {  	s11 =	sadd.s32 s11, s9;
	s13 =	simm.s32 $0x80;
	s0 =	sadd.s32 s14, s0  }
0x14: {  	s10 =	sadd.s32 s10, s9;
	s14 =	simm.s32 $0x300;
	s0 =	sadd.s32 $0x3C00, s0  }
.LBB2_1:
0x15: {  	[tilespmem:s2], [sflag:$0x4] =	stream.linear.gather [hbm4b:s5+s2], $0x140, $0x38;
	[tilespmem:$0x14300] =	vst v63  }
0x16: {  	_ =	swait.ge [sflag:s12], $0x140  }
0x17: {  	[sflag:s12] =	ssyncset.done $0x0  }
0x18: {  	[sflag:s12] =	ssyncadd.s32 $0xFFFFFEC0  }
0x19: {  	[tilespmem:s14], [sflag:$0x1] =	stream.indirect.gather [hbm4b:s3+s13], $0x80, s2, s13, $0xb8;
	[tilespmem:$0x14300] =	vst v63  }
0x1a: {  	_ = 	snop  }
0x1b: {  	[tilespmem:s15], [sflag:$0x1] =	stream.indirect.gather [hbm4b:s3+s13], $0x80, s13, s13, $0xb8;
	[tilespmem:$0x14300] =	vst v63  }
0x1c: {  	_ = 	snop  }
0x1d: {  	[tilespmem:s18], [sflag:$0x1] =	stream.indirect.gather [hbm4b:s3+s16], $0x80, s17, s16, $0xb8;
	[tilespmem:$0x14300] =	vst v63  }
0x1e: {  	_ = 	snop  }
0x1f: {  	[tilespmem:s19], [sflag:$0x4] =	stream.linear.gather [hbm4b:s6+s2], $0x140, $0x38;
	[tilespmem:$0x14300] =	vst v63  }
0x20: {  	_ =	swait.ge [sflag:s12], $0x140  }
0x21: {  	[sflag:s12] =	ssyncset.done $0x0  }
0x22: {  	[sflag:s12] =	ssyncadd.s32 $0xFFFFFEC0  }
0x23: {  	[tilespmem:s20], [sflag:$0x1] =	stream.indirect.gather [hbm4b:s3+s13], $0x80, s19, s13, $0xb8;
	[tilespmem:$0x14300] =	vst v63  }
0x24: {  	_ = 	snop  }
0x25: {  	[tilespmem:s22], [sflag:$0x1] =	stream.indirect.gather [hbm4b:s3+s13], $0x80, s21, s13, $0xb8;
	[tilespmem:$0x14300] =	vst v63  }
0x26: {  	_ = 	snop  }
0x27: {  	[tilespmem:s24], [sflag:$0x1] =	stream.indirect.gather [hbm4b:s3+s16], $0x80, s23, s16, $0xb8;
	[tilespmem:$0x14300] =	vst v63  }
0x28: {  	_ =	swait.ge [sflag:s25], $0x4000  }
0x29: {  	[sflag:s25] =	ssyncset.done $0x0  }
0x2a: {  	[sflag:s25] =	ssyncadd.s32 $0xFFFFC000  }
0x2b: {  	_ =	swait.ge [sflag:s25], $0x4000  }
0x2c: {  	[sflag:s25] =	ssyncset.done $0x0  }
0x2d: {  	[sflag:s25] =	ssyncadd.s32 $0xFFFFC000  }
0x2e: {  	_ =	swait.ge [sflag:s25], $0x2000  }
0x2f: {  	[sflag:s25] =	ssyncset.done $0x0  }
0x30: {  	[sflag:s25] =	ssyncadd.s32 $0xFFFFE000  }
0x31: {  	[hbm4b:s7+s2] =	stream.linear.scatter [tilespmem:s14], [sflag:$0x2], $0xA000, $0x38;
	[tilespmem:$0x14300] =	vst v63  }
0x32: {  	_ =	swait.ge [sflag:s25], $0x4000  }
0x33: {  	[sflag:s25] =	ssyncset.done $0x0  }
0x34: {  	[sflag:s25] =	ssyncadd.s32 $0xFFFFC000  }
0x35: {  	_ =	swait.ge [sflag:s25], $0x4000  }
0x36: {  	[sflag:s25] =	ssyncset.done $0x0  }
0x37: {  	[sflag:s25] =	ssyncadd.s32 $0xFFFFC000  }
0x38: {  	_ =	swait.ge [sflag:s25], $0x2000  }
0x39: {  	[sflag:s25] =	ssyncset.done $0x0  }
0x3a: {  	[sflag:s25] =	ssyncadd.s32 $0xFFFFE000  }
0x3b: {  	[hbm4b:s8+s2] =	stream.linear.scatter [tilespmem:s20], [sflag:$0x3], $0xA000, $0x38;
	[tilespmem:$0x14300] =	vst v63  }
0x3c: {  	_ =	swait.ge [sflag:s26], $0xA000  }
0x3d: {  	[sflag:s26] =	ssyncset.done $0x0  }
0x3e: {  	s9 =	sadd.s32 $0x0, s11;
	[sflag:s26] =	ssyncadd.s32 $0xFFFF6000  }
0x3f: {  	[tilespmem:s2], [sflag:$0x4] =	stream.linear.gather [hbm4b:s9+s2], $0x140, $0x38;
	[tilespmem:$0x14300] =	vst v63  }
0x40: {  	_ =	swait.ge [sflag:s12], $0x140  }
0x41: {  	[sflag:s12] =	ssyncset.done $0x0  }
0x42: {  	[sflag:s12] =	ssyncadd.s32 $0xFFFFFEC0  }
0x43: {  	[tilespmem:s14], [sflag:$0x1] =	stream.indirect.gather [hbm4b:s3+s13], $0x80, s2, s13, $0xb8;
	[tilespmem:$0x14300] =	vst v63  }
0x44: {  	_ = 	snop  }
0x45: {  	[tilespmem:s15], [sflag:$0x1] =	stream.indirect.gather [hbm4b:s3+s13], $0x80, s13, s13, $0xb8;
	[tilespmem:$0x14300] =	vst v63  }
0x46: {  	_ = 	snop  }
0x47: {  	[tilespmem:s18], [sflag:$0x1] =	stream.indirect.gather [hbm4b:s3+s16], $0x80, s17, s16, $0xb8;
	[tilespmem:$0x14300] =	vst v63  }
0x48: {  	_ =	swait.ge [sflag:s28], $0xA000  }
0x49: {  	[sflag:s28] =	ssyncset.done $0x0  }
0x4a: {  	s1 =	sadd.s32 $0x0, s10;
	[sflag:s28] =	ssyncadd.s32 $0xFFFF6000  }
0x4b: {  	[tilespmem:s19], [sflag:$0x4] =	stream.linear.gather [hbm4b:s1+s2], $0x140, $0x38;
	[tilespmem:$0x14300] =	vst v63  }
0x4c: {  	_ =	swait.ge [sflag:s12], $0x140  }
0x4d: {  	[sflag:s12] =	ssyncset.done $0x0  }
0x4e: {  	[sflag:s12] =	ssyncadd.s32 $0xFFFFFEC0  }
0x4f: {  	[tilespmem:s20], [sflag:$0x1] =	stream.indirect.gather [hbm4b:s3+s13], $0x80, s19, s13, $0xb8;
	[tilespmem:$0x14300] =	vst v63  }
0x50: {  	_ = 	snop  }
0x51: {  	[tilespmem:s22], [sflag:$0x1] =	stream.indirect.gather [hbm4b:s3+s13], $0x80, s21, s13, $0xb8;
	[tilespmem:$0x14300] =	vst v63  }
0x52: {  	_ = 	snop  }
0x53: {  	[tilespmem:s24], [sflag:$0x1] =	stream.indirect.gather [hbm4b:s3+s16], $0x80, s23, s16, $0xb8;
	[tilespmem:$0x14300] =	vst v63  }
0x54: {  	_ =	swait.ge [sflag:s25], $0x4000  }
0x55: {  	[sflag:s25] =	ssyncset.done $0x0  }
0x56: {  	[sflag:s25] =	ssyncadd.s32 $0xFFFFC000  }
0x57: {  	_ =	swait.ge [sflag:s25], $0x4000  }
0x58: {  	[sflag:s25] =	ssyncset.done $0x0  }
0x59: {  	[sflag:s25] =	ssyncadd.s32 $0xFFFFC000  }
0x5a: {  	_ =	swait.ge [sflag:s25], $0x2000  }
0x5b: {  	[sflag:s25] =	ssyncset.done $0x0  }
0x5c: {  	s4 =	sadd.s32 $0xFFFFEC00, s0;
	[sflag:s25] =	ssyncadd.s32 $0xFFFFE000  }
0x5d: {  	[hbm4b:s4+s2] =	stream.linear.scatter [tilespmem:s14], [sflag:$0x2], $0xA000, $0x38;
	[tilespmem:$0x14300] =	vst v63  }
0x5e: {  	_ =	swait.ge [sflag:s25], $0x4000  }
0x5f: {  	[sflag:s25] =	ssyncset.done $0x0  }
0x60: {  	[sflag:s25] =	ssyncadd.s32 $0xFFFFC000  }
0x61: {  	_ =	swait.ge [sflag:s25], $0x4000  }
0x62: {  	[sflag:s25] =	ssyncset.done $0x0  }
0x63: {  	[sflag:s25] =	ssyncadd.s32 $0xFFFFC000  }
0x64: {  	_ =	swait.ge [sflag:s25], $0x2000  }
0x65: {  	s30 =	simm.s32 $0x50;
	[sflag:s25] =	ssyncset.done $0x0  }
0x66: {  	s31 =	sadd.s32 $0x2800, s0;
	s9 =	smov.u32 s0;
	[sflag:s25] =	ssyncadd.s32 $0xFFFFE000  }
.LBB2_2:
0x67: {  	[hbm4b:s9+s2] =	stream.linear.scatter [tilespmem:s20], [sflag:$0x3], $0xA000, $0x38;
	[tilespmem:$0x14300] =	vst v63  }
0x68: {  	s1 =	smov.u32 s30;
	s9 =	smov.u32 s31  }
0x69: {  	p0 =	sne.s32 s30, $0x1E0;
	s30 =	sadd.s32 $0x50, s30;
	_ =	swait.ge [sflag:s26], $0xA000  }
0x6a: {  	[sflag:s26] =	ssyncset.done $0x0  }
0x6b: {  	s4 =	sadd.s32 s1, s11;
	[sflag:s26] =	ssyncadd.s32 $0xFFFF6000  }
0x6c: {  	[tilespmem:s2], [sflag:$0x4] =	stream.linear.gather [hbm4b:s4+s2], $0x140, $0x38;
	[tilespmem:$0x14300] =	vst v63  }
0x6d: {  	_ =	swait.ge [sflag:s12], $0x140  }
0x6e: {  	[sflag:s12] =	ssyncset.done $0x0  }
0x6f: {  	[sflag:s12] =	ssyncadd.s32 $0xFFFFFEC0  }
0x70: {  	[tilespmem:s14], [sflag:$0x1] =	stream.indirect.gather [hbm4b:s3+s13], $0x80, s2, s13, $0xb8;
	[tilespmem:$0x14300] =	vst v63  }
0x71: {  	_ = 	snop  }
0x72: {  	[tilespmem:s15], [sflag:$0x1] =	stream.indirect.gather [hbm4b:s3+s13], $0x80, s13, s13, $0xb8;
	[tilespmem:$0x14300] =	vst v63  }
0x73: {  	_ = 	snop  }
0x74: {  	[tilespmem:s18], [sflag:$0x1] =	stream.indirect.gather [hbm4b:s3+s16], $0x80, s17, s16, $0xb8;
	[tilespmem:$0x14300] =	vst v63  }
0x75: {  	_ =	swait.ge [sflag:s28], $0xA000  }
0x76: {  	[sflag:s28] =	ssyncset.done $0x0  }
0x77: {  	s1 =	sadd.s32 s1, s10;
	[sflag:s28] =	ssyncadd.s32 $0xFFFF6000  }
0x78: {  	[tilespmem:s19], [sflag:$0x4] =	stream.linear.gather [hbm4b:s1+s2], $0x140, $0x38;
	[tilespmem:$0x14300] =	vst v63  }
0x79: {  	_ =	swait.ge [sflag:s12], $0x140  }
0x7a: {  	[sflag:s12] =	ssyncset.done $0x0  }
0x7b: {  	[sflag:s12] =	ssyncadd.s32 $0xFFFFFEC0  }
0x7c: {  	[tilespmem:s20], [sflag:$0x1] =	stream.indirect.gather [hbm4b:s3+s13], $0x80, s19, s13, $0xb8;
	[tilespmem:$0x14300] =	vst v63  }
0x7d: {  	_ = 	snop  }
0x7e: {  	[tilespmem:s22], [sflag:$0x1] =	stream.indirect.gather [hbm4b:s3+s13], $0x80, s21, s13, $0xb8;
	[tilespmem:$0x14300] =	vst v63  }
0x7f: {  	_ = 	snop  }
0x80: {  	[tilespmem:s24], [sflag:$0x1] =	stream.indirect.gather [hbm4b:s3+s16], $0x80, s23, s16, $0xb8;
	[tilespmem:$0x14300] =	vst v63  }
0x81: {  	_ =	swait.ge [sflag:s25], $0x4000  }
0x82: {  	[sflag:s25] =	ssyncset.done $0x0  }
0x83: {  	[sflag:s25] =	ssyncadd.s32 $0xFFFFC000  }
0x84: {  	_ =	swait.ge [sflag:s25], $0x4000  }
0x85: {  	[sflag:s25] =	ssyncset.done $0x0  }
0x86: {  	[sflag:s25] =	ssyncadd.s32 $0xFFFFC000  }
0x87: {  	_ =	swait.ge [sflag:s25], $0x2000  }
0x88: {  	[sflag:s25] =	ssyncset.done $0x0  }
0x89: {  	s1 =	sadd.s32 $0xFFFFEC00, s31;
	[sflag:s25] =	ssyncadd.s32 $0xFFFFE000  }
0x8a: {  	[hbm4b:s1+s2] =	stream.linear.scatter [tilespmem:s14], [sflag:$0x2], $0xA000, $0x38;
	[tilespmem:$0x14300] =	vst v63  }
0x8b: {  	_ =	swait.ge [sflag:s25], $0x4000  }
0x8c: {  	[sflag:s25] =	ssyncset.done $0x0  }
0x8d: {  	[sflag:s25] =	ssyncadd.s32 $0xFFFFC000  }
0x8e: {  	_ =	swait.ge [sflag:s25], $0x4000  }
.Ltmp0:
0x8f: {  	[sflag:s25] =	ssyncset.done $0x0;
	(pc) =	sbr.rel @p0 .LBB2_2-.Ltmp0, $4  }
0x90: {  	[sflag:s25] =	ssyncadd.s32 $0xFFFFC000  }
0x91: {  	_ =	swait.ge [sflag:s25], $0x2000  }
0x92: {  	[sflag:s25] =	ssyncset.done $0x0  }
0x93: {  	s31 =	sadd.s32 $0x2800, s31;
	[sflag:s25] =	ssyncadd.s32 $0xFFFFE000  }
0x94: {  	[hbm4b:s9+s2] =	stream.linear.scatter [tilespmem:s20], [sflag:$0x3], $0xA000, $0x38;
	[tilespmem:$0x14300] =	vst v63  }
0x95: {  	_ =	swait.ge [sflag:s26], $0xA000  }
0x96: {  	[sflag:s26] =	ssyncset.done $0x0  }
0x97: {  	[sflag:s26] =	ssyncadd.s32 $0xFFFF6000  }
0x98: {  	_ =	swait.ge [sflag:s28], $0xA000  }
0x99: {  	s29 =	sadd.s32 $0x1, s29;
	s1 =	rddreg [dreg:$0x2]  }
0x9a: {  	p0 =	sne.s32 s29, s1  }
.Ltmp1:
0x9b: {  	_ = 	snop;
	(pc) =	sbr.rel @p0 .LBB2_1-.Ltmp1, $3  }
0x9c: {  	_ =	sdelay $0x1  }
0x9d: {  	[sflag:s28] =	ssyncset.done $0x0  }
0x9e: {  	[sflag:s28] =	ssyncadd.s32 $0xFFFF6000  }
0x9f: {  	_ =	sfence.sel $0x180000  }
0xa0: {  	[bflag:$0x0] =	sbarrier.arrive $0xFFFF  }
0xa1: {  	_ =	strace $0x90000050  }
0xa2: {  	s0 =	stileid.u32;
	[bflag:$0x2] =	sbarrier.arrive $0xFFFF  }
0xa3: {  	p0 =	sne.s32 s0, $0x0;
	s0 =	rddreg [dreg:$0x1]  }
0xa4: {  	s0 =	sadd.s32 @!p0 $0x100000, s0  }
0xa5: {  	[sflag:s0] =	ssyncadd.tile.s32 @!p0 $0x1;
	_ =	shalt  }
.Lfunc_end2:
_tile_overlayer_lowered:
.L_overlay_start_2:
0xa6: {  	(tag) =	ssettag $0x2  }
0xa7: {  	s0 =	rddreg [dreg:$0x0];
	s2 =	stileid.u32  }
0xa8: {  	s1 =	rddreg [dreg:$0x1];
	p0 =	sne.s32 s2, $0x0  }
0xa9: {  	s3 =	rddreg [dreg:$0x2];
	[bflag:$0x3] =	sbarrier.arrive $0xFFFF;
	s2 =	simm.s32 @!p0 $0x1C04  }
0xaa: {  	[timem:s3], [sflag:s2] =	dma.local @!p0 [hbm:s0], s1  }
0xab: {  	s0 =	simm.s32 @!p0 $0x4  }
0xac: {  	_ =	swait.ge @!p0 [sflag:s0], s1  }
0xad: {  	s1 =	ssub.s32 @!p0 $0x0, s1;
	[sflag:s0] =	ssyncset.done @!p0 $0x0  }
0xae: {  	[sflag:s0] =	ssyncadd.s32 @!p0 s1  }
0xaf: {  	[bflag:$0x3] =	sbarrier.arrive $0xFFFF  }
0xb0: {  	_ =	shalt  }

// kernel: sparse-core-data-format-call.cloned.1.call-start
scs
called_computation_lowered:
.L_overlay_start_0:
0x0: {  	s2 =	sld [smem:$0x3FD9]  }
0x1: {  	s3 =	sld [smem:$0x3FFE];
	_ =	sdelay $0x1  }
0x2: {  	s1 =	srdreg.scid  }
0x3: {  	s0 =	sand.u32 $0x1, s1  }
0x4: {  	s15 =	sshll.u32 s0, $0xA;
	s2 =	sadd.s32 s3, s2  }
0x5: {  	s2 =	sadd.s32 s2, s15  }
0x6: {  	[smem:$0x3FB7] =	sst s2  }
0x7: {  	_ = 	snop  }
0x8: {  	s2 =	sld [smem:$0x3FD0];
	_ =	sdelay $0x2  }
0x9: {  	s16 =	simm.s32 $0xB;
	s4 =	simm.s32 $0x10  }
0xa: {  	[smem:s4], [sflag:s16] =	dma.local [hbm:s2], $0x1  }
0xb: {  	_ =	swait.eq [sflag:s16], $0x1  }
0xc: {  	[sflag:s16] =	ssyncset.done $0x0  }
0xd: {  	[sflag:s16] =	ssyncadd.s32 $0xFFFFFFFF  }
0xe: {  	s17 =	sld [smem:$0x10];
	(tm) =	ssettm $0x1  }
0xf: {  	s18 =	sld [smem:$0x3FFB];
	_ =	sdelay $0x3  }
0x10: {  	_ =	strace s18  }
0x11: {  	s3 =	sld [smem:$0x3FFC];
	_ =	sdelay $0x3  }
0x12: {  	_ =	strace s3  }
0x13: {  	s3 =	sld [smem:$0x3FFD];
	_ =	sdelay $0x3  }
0x14: {  	_ =	strace s3  }
0x15: {  	_ =	strace $0x8FFFFFFF  }
0x16: {  	s19 =	sld [smem:$0x3FDB];
	_ =	sdelay $0x1  }
0x17: {  	s20 =	simm.s32 $_scs_section_size  }
0x18: {  	s5 =	simm.s32 $_size__tile_overlayer_lowered;
	s6 =	simm.s32 $_tile_overlayer_lowered  }
0x19: {  	s23 =	simm.s32 $0x1BFF;
	s22 =	sshll.u32 s6, $0x1;
	s3 =	sadd.s32 s20, s19  }
0x1a: {  	s7 =	simm.s32 $0x0;
	s21 =	sshll.u32 s5, $0x1;
	s5 =	sadd.s32 s22, s3  }
0x1b: {  	[timem:s7], [sflag:s23] =	dma.local [hbm:s5], s21  }
0x1c: {  	_ =	swait.ge [sflag:s23], s21  }
0x1d: {  	s4 =	ssub.s32 $0x0, s21;
	[sflag:s23] =	ssyncset.done $0x0  }
0x1e: {  	[sflag:s23] =	ssyncadd.s32 s4;
	_ =	sdelay $0x1  }
0x1f: {  	s24 =	simm.s32 $0x1B8B  }
0x20: {  	_ =	swait.ge [sflag:s24], $0x1  }
0x21: {  	[sflag:s24] =	ssyncset.done $0x0  }
0x22: {  	s26 =	simm.s32 $0x1B8E;
	s25 =	sld [smem:$0x3FFE];
	[sflag:s24] =	ssyncadd.s32 $0xFFFFFFFF  }
0x23: {  	s27 =	simm.s32 $execute0_lowered;
	[smem:$0x3FD2] =	sst s26  }
0x24: {  	s5 =	sshll.u32 s27, $0x1;
	_ =	strace $0x80000052;
	[dreg:$0x1] =	wrdreg $0xFFFFFFFF  }
0x25: {  	s28 =	simm.s32 $_size_execute0_lowered;
	s3 =	sadd.s32 s3, s5;
	[dreg:$0x0] =	wrdreg $0x0  }
0x26: {  	s5 =	sshll.u32 s28, $0x1;
	[dreg:$0x2] =	wrdreg s3  }
0x27: {  	[dreg:$0x3] =	wrdreg s5  }
0x28: {  	[dreg:$0x4] =	wrdreg $0xC0  }
0x29: {  	_ =	task [dreg:s7], $0x5FFFF  }
0x2a: {  	[dreg:$0x1] =	wrdreg $0xFFFFFFFF  }
0x2b: {  	[dreg:$0x0] =	wrdreg $0x60  }
0x2c: {  	[dreg:$0x2] =	wrdreg s25  }
0x2d: {  	[dreg:$0x3] =	wrdreg s17  }
0x2e: {  	[dreg:$0x4] =	wrdreg $0x9  }
0x2f: {  	_ =	task.clear_ibuf [dreg:s7], $0x5FFFF;
	_ =	strace $0x90000052  }
0x30: {  	s29 =	simm.s32 $0x9;
	_ =	strace $0x80000054  }
0x31: {  	_ =	swait.ge [sflag:s29], $0x1  }
0x32: {  	[sflag:s29] =	ssyncadd.s32 $0xFFFFFFFF  }
0x33: {  	_ =	strace $0x90000054  }
0x34: {  	_ =	sfence  }
0x35: {  	s30 =	sld [smem:$0x0];
	_ =	sdelay $0x2  }
0x36: {  	s31 =	sshll.u32 s1, $0xD;
	s1 =	sshrl.u32 s1, $0x2  }
0x37: {  	s3 =	sand.u32 $0x4000, s31;
	s1 =	sadd.s32 s1, s30  }
0x38: {  	s0 =	sor.u32 s3, s0;
	s1 =	sshll.u32 s1, $0x11  }
0x39: {  	s0 =	sor.u32 s1, s0  }
0x3a: {  	s0 =	sadd.s32 $0x8F2B, s0  }
0x3b: {  	[sflag:s0] =	ssyncadd.remote.s32 $0x1  }
0x3c: {  	_ =	sfence.sel $0xFFFF  }
0x3d: {  	[dreg:$0x0] =	wrdreg $0xFFFFFFFF;
	(pc) =	sbr.abs _section_cstart, $3  }
0x3e: {  	[dreg:$0x1] =	wrdreg $0xFFFFFFFF  }
0x3f: {  	_ =	task.clear_ibuf [dreg:s7], $0x2FFFF;
	_ =	strace $0x9FFFFFFF  }
0x40: {  	(tm) =	ssettm $0x7FFFFFFF  }
0x41: {  	_ =	shalt  }
tec
execute0_lowered:
.L_overlay_start_1:
0x0: {  	(tag) =	ssettag $0x1  }
0x1: {  	s4 =	rddreg [dreg:$0x0]  }
0x2: {  	s0 =	srdreg.scid;
	s2 =	rddreg [dreg:$0x1]  }
0x3: {  	s1 =	stileid.u32;
	s5 =	simm.s32 $0x1;
	s0 =	sshll.u32 s0, $0x4  }
0x4: {  	s7 =	simm.s32 $0x2;
	s12 =	simm.s32 $0x0;
	s3 =	sand.u32 $0x10, s0  }
.Ltmp0:
0x5: {  	s8 =	simm.s32 $0xC3800;
	s3 =	sor.u32 s1, s3;
	(pc) =	sbr.rel .LBB1_1-.Ltmp0, $4  }
0x6: {  	s10 =	simm.s32 $0x0;
	s11 =	simm.s32 $0x0;
	s3 =	sshll.u32 s3, $0x7  }
0x7: {  	s0 =	rddreg [dreg:$0x2];
	_ =	strace $0x80000053;
	s6 =	ssub.s32 $0x18680, s3  }
0x8: {  	s4 =	sadd.s32 $0x1DAC00, s4;
	[sflag:s5] =	ssyncpa.u1 $0x0;
	s6 =	sshrl.u32 s6, $0xC  }
0x9: {  	[sflag:s7] =	ssyncpa.u1 $0x0;
	s9 =	smov.u32 s3;
	s7 =	sadd.s32 $0x2, s6  }
.LBB1_5:
0xa: {  	[tilespmem:s23+$0x0 ss:$0x81] =	vst.msk $0xffff, v4;
	s15 =	sadd.s32 s18, s20  }
0xb: {  	s16 =	sadd.s32 s18, s21;
	[tilespmem:s15+$0x0 ss:$0x81] =	vst.msk $0xffff, v2  }
0xc: {  	s31 =	sadd.s32 s18, s22;
	[tilespmem:s16+$0x0 ss:$0x81] =	vst.msk $0xffff, v1  }
0xd: {  	[tilespmem:s31+$0x0 ss:$0x81] =	vst.msk $0xffff, v3  }
.LBB1_6:
0xe: {  	s15 =	sshll.u32 s10, $0x3  }
0xf: {  	s15 =	sand.u32 $0xFFFFFC00, s15  }
0x10: {  	s17 =	smulhi.u32 $0xA79C7B17, s15;
	_ =	sdelay $0x1  }
0x11: {  	s16 =	sand.u32 $0x7F, s10;
	s17 =	sshrl.u32 s17, $0x10  }
0x12: {  	s15 =	sor.u32 s16, s15;
	s18 =	smul.u32 $0x4EC5, s17  }
0x13: {  	p0 =	sgt.s32 s10, $0x18680;
	s19 =	smov.u32 s10;
	s16 =	smulhi.u32 $0xA79C7B17, s15  }
0x14: {  	s19 =	simm.s32 @!p0 $0x18680;
	s18 =	sshrl.u32 s18, $0x15  }
0x15: {  	s13 =	sadd.s32 s13, s19;
	s16 =	sshrl.u32 s16, $0x10;
	s18 =	smul.u32 $0x68, s18  }
0x16: {  	s30 =	sadd.s32 $0xFFFE7980, s13;
	s16 =	smul.u32 $0x18700, s16  }
0x17: {  	s13 =	ssub.s32 $0x18700, s13;
	p0 =	sgt.s32 s30, $0x7F;
	s29 =	ssub.s32 s17, s18  }
0x18: {  	s13 =	smul.u32 $0x1A0, s13;
	s15 =	ssub.s32 s15, s16;
	s16 =	sand.u32 $0xFFFF, s29  }
0x19: {  	s31 =	sshrl.u32 s15, $0x3;
	s15 =	sand.u32 $0x7, s15;
	s16 =	smul.u32 $0x30E0, s16  }
0x1a: {  	s13 =	sshrl.u32 s13, $0x2;
	s17 =	sadd.s32 s2, s31;
	s15 =	sshll.u32 s15, $0x12  }
0x1b: {  	s13 =	simm.s32 @p0 $0x0;
	s15 =	sor.u32 $0x400, s15;
	s16 =	sadd.s32 s16, s17  }
0x1c: {  	[hbm4b:s16+s15] =	stream.strided.scatter [tilespmem:s14], [sflag:$0x2], s13, s8, s15, $0x20;
	[tilespmem:$0x10100] =	vst v63  }
.LBB1_7:
0x1d: {  	p0 =	slt.u32 s11, $0x2  }
0x1e: {  	p1 =	sgt.s32 @!p0 s12, $0x18680  }
0x1f: {  	s13 =	smov.u32 s12;
	s14 =	sshra.s32 @!p0 s12, $0x1F;
	p1 =	por !p1, p0  }
0x20: {  	s12 =	sand.u32 @!p0 s14, s12;
	s13 =	simm.s32 @p1 $0x18680  }
0x21: {  	s12 =	ssub.s32 @!p0 s13, s12  }
0x22: {  	s13 =	ssub.s32 @!p0 $0x18700, s12  }
0x23: {  	s12 =	sadd.s32 @!p0 $0xFFFE7980, s12;
	s13 =	smul.u32 @!p0 $0x1A0, s13  }
0x24: {  	p1 =	sgt.s32 @!p0 s12, $0x7F  }
0x25: {  	s14 =	sadd.s32 $0x1000, s9;
	p1 =	por !p1, p0;
	s12 =	sshrl.u32 @!p0 s13, $0x2  }
0x26: {  	s12 =	simm.s32 @!p1 $0x0;
	p1 =	sgt.s32 s14, $0x1869F  }
0x27: {  	s14 =	smov.u32 @p1 s3;
	p1 =	sne.s32 s11, s7  }
.Ltmp1:
0x28: {  	_ = 	snop;
	(pc) =	sbr.rel @!p1 .LBB1_8-.Ltmp1, $4  }
0x29: {  	s13 =	simm.s32 @!p0 $0x2  }
0x2a: {  	_ =	swait.ge @!p0 [sflag:s13], s12;
	s15 =	ssub.s32 @!p0 $0x0, s12  }
0x2b: {  	s12 =	smov.u32 s10;
	s11 =	sadd.s32 $0x1, s11;
	[sflag:s13] =	ssyncset.done @!p0 $0x0  }
0x2c: {  	s10 =	smov.u32 s9;
	s9 =	smov.u32 s14;
	[sflag:s13] =	ssyncadd.s32 @!p0 s15  }
.LBB1_1:
0x2d: {  	p0 =	sgt.u32 s11, s6  }
0x2e: {  	s13 =	sand.u32 @!p0 $0x1FFFFFF, s9  }
0x2f: {  	p1 =	sgt.s32 @!p0 s9, $0x18620;
	s14 =	smulhi.u32 @!p0 $0x14F8B59, s13  }
0x30: {  	s15 =	smov.u32 s9;
	s16 =	sshra.s32 @!p0 s9, $0x1F;
	p1 =	por !p1, p0  }
0x31: {  	s16 =	sand.u32 @!p0 s16, s9;
	s15 =	simm.s32 @p1 $0x18620;
	s14 =	sshrl.u32 @!p0 s14, $0x9  }
0x32: {  	s15 =	ssub.s32 @!p0 s15, s16;
	s14 =	smul.u32 @!p0 $0x186A0, s14  }
0x33: {  	s16 =	sxor.u32 @!p0 $0xFFFFFFFF, s11;
	s15 =	sadd.s32 @!p0 $0xFFFE79E0, s15  }
0x34: {  	s16 =	sshll.u32 @!p0 s16, $0xE;
	s13 =	ssub.s32 @!p0 s13, s14;
	s14 =	sshll.u32 @!p0 s15, $0x9  }
0x35: {  	s16 =	sand.u32 @!p0 $0x4000, s16;
	p1 =	sgt.s32 @!p0 s15, $0x7F;
	s14 =	ssub.s32 @!p0 $0x10000, s14  }
0x36: {  	p1 =	por !p1, p0;
	s13 =	sshll.u32 @!p0 s13, $0x4;
	s14 =	sshrl.u32 @!p0 s14, $0x2  }
0x37: {  	s15 =	simm.s32 @!p0 $0x0;
	s13 =	sadd.s32 @!p0 s4, s13;
	s14 =	simm.s32 @!p1 $0x0  }
0x38: {  	[tilespmem:s16], [sflag:$0x1] =	stream.linear.gather @!p0 [hbm4b:s13+s15], s14, $0x38;
	[tilespmem:$0x10100] =	vst v63  }
0x39: {  	p0 =	seq.s32 s11, $0x0  }
0x3a: {  	p1 =	sge.u32 @!p0 s11, s7  }
0x3b: {  	p0 =	por p0, p1  }
.Ltmp2:
0x3c: {  	_ = 	snop;
	(pc) =	sbr.rel @p0 .LBB1_7-.Ltmp2, $1  }
0x3d: {  	_ =	sdelay $0x3  }
0x3e: {  	s13 =	ssub.s32 $0x0, s10  }
0x3f: {  	s14 =	sshra.s32 s10, $0x1F;
	p0 =	sgt.s32 s10, $0x18620;
	s15 =	smov.u32 s10  }
0x40: {  	s13 =	sand.u32 s13, s14;
	s15 =	simm.s32 @!p0 $0x18620  }
0x41: {  	s14 =	sadd.s32 s13, s15  }
0x42: {  	s17 =	sadd.s32 $0x80, s10;
	s14 =	sadd.s32 $0xFFFE79E0, s14  }
0x43: {  	p1 =	slt.s32 s17, $0x186A0;
	s31 =	sshll.u32 s14, $0x9  }
0x44: {  	s17 =	simm.s32 @!p1 $0x186A0;
	s15 =	ssub.s32 $0x10000, s31  }
0x45: {  	p0 =	sgt.s32 s14, $0x7F;
	s14 =	sshrl.u32 s15, $0x2;
	s15 =	ssub.s32 s17, s10  }
0x46: {  	s14 =	simm.s32 @p0 $0x0;
	p0 =	slt.s32 s15, $0x1  }
.Ltmp3:
0x47: {  	_ = 	snop;
	(pc) =	sbr.rel @p0 .LBB1_6-.Ltmp3, $4  }
0x48: {  	s16 =	sand.u32 $0x1, s11  }
0x49: {  	s18 =	smul.u32 $0x4080, s16;
	_ =	swait.ge [sflag:s5], s14  }
0x4a: {  	s14 =	ssub.s32 $0x0, s14;
	[sflag:s5] =	ssyncset.done $0x0  }
0x4b: {  	[sflag:s5] =	ssyncadd.s32 s14;
	s14 =	sor.u32 $0x8000, s18  }
0x4c: {  	s18 =	sshll.u32 s16, $0xE;
	s19 =	simm.s32 $0x0  }
0x4d: {  	s20 =	simm.s32 $0x10;
	s21 =	simm.s32 $0x20;
	s19 =	sand.u32 $0x78, s19  }
0x4e: {  	s20 =	sand.u32 $0x78, s20;
	s31 =	sxor.u32 $0x40, s19;
	s19 =	smul.u32 $0x204, s19  }
0x4f: {  	s23 =	simm.s32 $0x30;
	v0 =	vmov s18;
	s21 =	sand.u32 $0x78, s21;
	s20 =	smul.u32 $0x204, s20  }
0x50: {  	s24 =	simm.s32 $0x50;
	s23 =	sand.u32 $0x78, s23;
	s21 =	smul.u32 $0x204, s21  }
0x51: {  	s25 =	simm.s32 $0x60;
	s24 =	sand.u32 $0x78, s24;
	s23 =	smul.u32 $0x204, s23  }
0x52: {  	s16 =	simm.s32 $0x0;
	s25 =	sand.u32 $0x78, s25;
	s24 =	smul.u32 $0x204, s24  }
0x53: {  	s22 =	sand.u32 $0x3F80, s16;
	s30 =	smul.u32 $0x204, s25  }
0x54: {  	s17 =	simm.s32 $0x1;
	p0 =	sne.s32 s15, $0x1;
	s18 =	smul.u32 $0x204, s31;
	v1 =	vld.idx.msk [tilespmem:v0+s22+$0x40 ss:$0x1], $0xffff  }
0x55: {  	s19 =	sshrl.u32 s19, $0x2;
	s20 =	sshrl.u32 s20, $0x2;
	s21 =	sshrl.u32 s21, $0x2;
	v3 =	vld.idx.msk [tilespmem:v0+s22+$0x0 ss:$0x1], $0xffff  }
0x56: {  	s29 =	sshrl.u32 s23, $0x2;
	s25 =	sshrl.u32 s30, $0x2;
	s26 =	sshrl.u32 s18, $0x2;
	v5 =	vld.idx.msk [tilespmem:v0+s22+$0x10 ss:$0x1], $0xffff  }
.Ltmp4:
0x57: {  	s18 =	sand.u32 $0x7F, s16;
	s26 =	sadd.s32 s26, s14;
	v4 =	vld.idx.msk [tilespmem:v0+s22+$0x20 ss:$0x1], $0xffff;
	(pc) =	sbr.rel @!p0 .LBB1_5-.Ltmp4, $4  }
0x58: {  	s19 =	sadd.s32 s19, s14;
	s27 =	sadd.s32 s20, s14;
	v2 =	vld.idx.msk [tilespmem:v0+s22+$0x30 ss:$0x1], $0xffff;
	s26 =	sadd.s32 s18, s26  }
0x59: {  	s28 =	sadd.s32 s21, s14;
	s21 =	sshrl.u32 s24, $0x2;
	s19 =	sadd.s32 s18, s19;
	[tilespmem:s26+$0x0 ss:$0x81] =	vst.msk $0xffff, v1;
	v1 =	vld.idx.msk [tilespmem:v0+s22+$0x50 ss:$0x1], $0xffff  }
0x5a: {  	s20 =	sadd.s32 s29, s14;
	s31 =	sadd.s32 s18, s27;
	s21 =	sadd.s32 s21, s14;
	[tilespmem:s19+$0x0 ss:$0x81] =	vst.msk $0xffff, v3;
	v3 =	vld.idx.msk [tilespmem:v0+s22+$0x60 ss:$0x1], $0xffff  }
0x5b: {  	s23 =	sadd.s32 s18, s28;
	[tilespmem:s31+$0x0 ss:$0x81] =	vst.msk $0xffff, v5;
	s22 =	sadd.s32 s25, s14;
	s19 =	simm.s32 $0x3008  }
.LBB1_4:
0x5c: {  	s24 =	sadd.s32 $0xFFFFD000, s19  }
0x5d: {  	s25 =	sadd.s32 $0xFFFFD800, s19;
	[tilespmem:s23+$0x0 ss:$0x81] =	vst.msk $0xffff, v4;
	s23 =	smov.u32 s17;
	s17 =	sadd.s32 $0x1, s17  }
0x5e: {  	s16 =	sadd.s32 $0x80, s16;
	s24 =	sshrl.u32 s24, $0x7;
	p0 =	sne.s32 s15, s17  }
0x5f: {  	s27 =	sadd.s32 $0xFFFFE000, s19;
	s26 =	sand.u32 $0x3F80, s16;
	s24 =	sand.u32 $0x78, s24  }
0x60: {  	s28 =	sadd.s32 $0xFFFFE800, s19;
	s30 =	sadd.s32 $0xFFFFF800, s19;
	v5 =	vld.idx.msk [tilespmem:v0+s26+$0x40 ss:$0x1], $0xffff;
	s29 =	sxor.u32 $0x40, s24  }
0x61: {  	s25 =	sshrl.u32 s25, $0x7;
	s27 =	sshrl.u32 s27, $0x7;
	v6 =	vld.idx.msk [tilespmem:v0+s26+$0x0 ss:$0x1], $0xffff;
	s29 =	smul.u32 $0x204, s29  }
0x62: {  	s31 =	sshrl.u32 s19, $0x7;
	s28 =	sshrl.u32 s28, $0x7;
	s30 =	sshrl.u32 s30, $0x7;
	v7 =	vld.idx.msk [tilespmem:v0+s26+$0x10 ss:$0x1], $0xffff  }
0x63: {  	s25 =	sand.u32 $0x78, s25;
	s27 =	sand.u32 $0x78, s27;
	v4 =	vld.idx.msk [tilespmem:v0+s26+$0x20 ss:$0x1], $0xffff;
	s29 =	sshrl.u32 s29, $0x2  }
0x64: {  	s23 =	sand.u32 $0x7F, s23;
	s28 =	sand.u32 $0x78, s28;
	v8 =	vld.idx.msk [tilespmem:v0+s26+$0x30 ss:$0x1], $0xffff;
	s29 =	sadd.s32 s29, s14  }
0x65: {  	s31 =	sand.u32 $0x78, s31;
	s30 =	sand.u32 $0x78, s30;
	s29 =	sadd.s32 s23, s29;
	v9 =	vld.idx.msk [tilespmem:v0+s26+$0x50 ss:$0x1], $0xffff  }
0x66: {  	s20 =	sadd.s32 s18, s20;
	s21 =	sadd.s32 s18, s21;
	s24 =	smul.u32 $0x204, s24;
	[tilespmem:s29+$0x0 ss:$0x81] =	vst.msk $0xffff, v5;
	v5 =	vld.idx.msk [tilespmem:v0+s26+$0x60 ss:$0x1], $0xffff  }
0x67: {  	s25 =	smul.u32 $0x204, s25;
	[tilespmem:s20+$0x0 ss:$0x81] =	vst.msk $0xffff, v2;
	s20 =	sadd.s32 s18, s22  }
0x68: {  	s18 =	smov.u32 s23;
	s22 =	sshrl.u32 s24, $0x2;
	s23 =	smul.u32 $0x204, s27  }
0x69: {  	s24 =	smul.u32 $0x204, s28;
	[tilespmem:s21+$0x0 ss:$0x81] =	vst.msk $0xffff, v1;
	s21 =	sadd.s32 s22, s14  }
0x6a: {  	s22 =	sshrl.u32 s25, $0x2;
	[tilespmem:s20+$0x0 ss:$0x81] =	vst.msk $0xffff, v3;
	s20 =	sshrl.u32 s23, $0x2;
	s23 =	smul.u32 $0x204, s30  }
.Ltmp5:
0x6b: {  	s22 =	sadd.s32 s22, s14;
	(pc) =	sbr.rel @p0 .LBB1_4-.Ltmp5, $4  }
0x6c: {  	v2 =	vmov v8;
	s25 =	sadd.s32 s20, s14;
	s20 =	sshrl.u32 s24, $0x2;
	s24 =	smul.u32 $0x204, s31;
	v1 =	vmov v9  }
0x6d: {  	s21 =	sadd.s32 s18, s21;
	s20 =	sadd.s32 s20, s14;
	s23 =	sshrl.u32 s23, $0x2;
	v3 =	vmov v5  }
0x6e: {  	s22 =	sadd.s32 s18, s22;
	s24 =	sshrl.u32 s24, $0x2;
	[tilespmem:s21+$0x0 ss:$0x81] =	vst.msk $0xffff, v6;
	s21 =	sadd.s32 s23, s14  }
0x6f: {  	s19 =	sadd.s32 $0x8, s19;
	s23 =	sadd.s32 s18, s25;
	[tilespmem:s22+$0x0 ss:$0x81] =	vst.msk $0xffff, v7;
	s22 =	sadd.s32 s24, s14  }
.Ltmp6:
0x70: {  	_ = 	snop;
	(pc) =	sbr.rel .LBB1_5-.Ltmp6, $1  }
0x71: {  	_ =	sdelay $0x3  }
.LBB1_8:
0x72: {  	_ =	sfence.sel $0x180000  }
0x73: {  	s2 =	simm.s32 $0x1;
	[bflag:$0x0] =	sbarrier.arrive $0xFFFF  }
0x74: {  	s31 =	simm.s32 $0x2;
	[sflag:s2] =	ssyncpa.u1 $0x1  }
0x75: {  	[sflag:s31] =	ssyncpa.u1 $0x1  }
0x76: {  	p0 =	sne.s32 s1, $0x0;
	_ =	strace $0x90000053  }
0x77: {  	s0 =	sadd.s32 @!p0 $0x100000, s0;
	[bflag:$0x2] =	sbarrier.arrive $0xFFFF  }
0x78: {  	[sflag:s0] =	ssyncadd.tile.s32 @!p0 $0x1;
	_ =	shalt  }
.Lfunc_end1:
_tile_overlayer_lowered:
.L_overlay_start_2:
0x79: {  	(tag) =	ssettag $0x2  }
0x7a: {  	s0 =	rddreg [dreg:$0x0];
	s2 =	stileid.u32  }
0x7b: {  	s1 =	rddreg [dreg:$0x1];
	p0 =	sne.s32 s2, $0x0  }
0x7c: {  	s3 =	rddreg [dreg:$0x2];
	[bflag:$0x3] =	sbarrier.arrive $0xFFFF;
	s2 =	simm.s32 @!p0 $0x1C01  }
0x7d: {  	[timem:s3], [sflag:s2] =	dma.local @!p0 [hbm:s0], s1  }
0x7e: {  	s0 =	simm.s32 @!p0 $0x1  }
0x7f: {  	_ =	swait.ge @!p0 [sflag:s0], s1  }
0x80: {  	s1 =	ssub.s32 @!p0 $0x0, s1;
	[sflag:s0] =	ssyncset.done @!p0 $0x0  }
0x81: {  	[sflag:s0] =	ssyncadd.s32 @!p0 s1  }
0x82: {  	[bflag:$0x3] =	sbarrier.arrive $0xFFFF  }
0x83: {  	_ =	shalt  }

</sc_bundles>
